<compile_context>
chip_gen: v7x
topology: tpu7x:2x2x1
jax: 0.10.2.dev20260603
libtpu: 0.0.44.dev20260713+nightly
codegen_flags: <defaults>
</compile_context>

<pallas_src>
import functools

import jax
import jax.numpy as jnp
from jax import lax
from jax.experimental import pallas as pl
from jax.experimental.pallas import tpu as pltpu
from jax.experimental.pallas import tpu_sc as plsc

B = 64
Q = 900
C = 91
K = 100
KPAD = 112
NCHUNK = Q // 2
NCPAD = 464
L = 16
WINDOWS = (0, 16, 32, 48, 64, 75)

_NEG_INF = float("-inf")
_BIG = 1 << 30


def _tile_body(logits_hbm, boxes_hbm, ts_hbm,
               scores_hbm, labels_hbm, boxes_out_hbm,
               x_v, cm_v, cm2_v, vals_v, idx_v,
               scores_v, labels_v, brow_v, bout_v, ts_v):
    wid = lax.axis_index("s") * 2 + lax.axis_index("c")
    lanes = lax.iota(jnp.int32, L)
    lane0 = lanes == 0

    pltpu.sync_copy(ts_hbm, ts_v)

    for r2 in range(2):
        row = wid * 2 + r2

        pltpu.sync_copy(logits_hbm.at[row], x_v)
        pltpu.sync_copy(boxes_hbm.at[row], brow_v)

        def chunk_max(c, _):
            m = jnp.full((L,), _NEG_INF, jnp.float32)
            for qq in range(2):
                for ow in WINDOWS:
                    m = jnp.maximum(m, x_v[2 * c + qq, pl.ds(ow, L)])
            cmax = jnp.max(m)
            plsc.store_scatter(cm_v, [jnp.full((L,), c, jnp.int32)],
                               jnp.full((L,), cmax, jnp.float32),
                               mask=lane0)
            return 0

        lax.fori_loop(0, NCHUNK, chunk_max, 0)
        tail = cm_v[pl.ds(NCPAD - L, L)]
        cm_v[pl.ds(NCPAD - L, L)] = jnp.where(
            lanes < NCHUNK - (NCPAD - L), tail, _NEG_INF)
        cm2_v[pl.ds(0, L)] = jnp.full((L,), _NEG_INF, jnp.float32)
        cm2_v[pl.ds(L, L)] = jnp.full((L,), _NEG_INF, jnp.float32)
        for g in range(NCPAD // L):
            gm = jnp.max(cm_v[pl.ds(g * L, L)])
            plsc.store_scatter(cm2_v, [jnp.full((L,), g, jnp.int32)],
                               jnp.full((L,), gm, jnp.float32), mask=lane0)

        def extract(e, _):
            a = cm2_v[pl.ds(0, L)]
            b = cm2_v[pl.ds(L, L)]
            gmax = jnp.max(jnp.maximum(a, b))
            ga = jnp.where(a == gmax, lanes, _BIG)
            gb = jnp.where(b == gmax, L + lanes, _BIG)
            g_star = jnp.min(jnp.minimum(ga, gb))
            cmg = cm_v[pl.ds(g_star * L, L)]
            c_star = jnp.min(jnp.where(cmg == gmax, g_star * L + lanes, _BIG))
            best2 = jnp.full((L,), _BIG, jnp.int32)
            for qq in range(2):
                qrow = 2 * c_star + qq
                for ow in WINDOWS:
                    eq = x_v[qrow, pl.ds(ow, L)] == gmax
                    best2 = jnp.minimum(
                        best2, jnp.where(eq, qrow * 128 + ow + lanes, _BIG))
            p = jnp.min(best2)

            e_splat = jnp.full((L,), e, jnp.int32)
            plsc.store_scatter(vals_v, [e_splat],
                               jnp.full((L,), gmax, jnp.float32), mask=lane0)
            plsc.store_scatter(idx_v, [e_splat],
                               jnp.full((L,), p, jnp.int32), mask=lane0)

            pq = p >> 7
            pc = p & 127
            cb = jnp.minimum(pc - pc % L, WINDOWS[-1])
            v = x_v[pq, pl.ds(cb, L)]
            x_v[pq, pl.ds(cb, L)] = jnp.where(lanes == pc - cb, _NEG_INF, v)
            m2 = jnp.full((L,), _NEG_INF, jnp.float32)
            for qq in range(2):
                for ow in WINDOWS:
                    m2 = jnp.maximum(m2, x_v[2 * c_star + qq, pl.ds(ow, L)])
            plsc.store_scatter(cm_v, [jnp.full((L,), c_star, jnp.int32)],
                               jnp.full((L,), jnp.max(m2), jnp.float32),
                               mask=lane0)
            g2 = c_star >> 4
            ng = jnp.max(cm_v[pl.ds(g2 * L, L)])
            plsc.store_scatter(cm2_v, [jnp.full((L,), g2, jnp.int32)],
                               jnp.full((L,), ng, jnp.float32), mask=lane0)
            return 0

        lax.fori_loop(0, K, extract, 0)

        tbase = (row // 8) * L
        tsv = ts_v[pl.ds(tbase, L)]
        toff = row * 2 - tbase
        hf = jnp.max(jnp.where(lanes == toff, tsv, -1)).astype(jnp.float32)
        wf = jnp.max(jnp.where(lanes == toff + 1, tsv, -1)).astype(jnp.float32)
        for g in range(KPAD // L):
            v = vals_v[pl.ds(g * L, L)]
            scores_v[0, pl.ds(g * L, L)] = 1.0 / (1.0 + jnp.exp(-v))
            fi = idx_v[pl.ds(g * L, L)]
            labels_v[0, pl.ds(g * L, L)] = fi & 127
            q4 = jnp.clip(fi >> 7, 0, Q - 1) * 4
            qr = q4 >> 7
            ql = q4 & 127
            cx = plsc.load_gather(brow_v, [qr, ql])
            cy = plsc.load_gather(brow_v, [qr, ql + 1])
            w = plsc.load_gather(brow_v, [qr, ql + 2])
            h = plsc.load_gather(brow_v, [qr, ql + 3])
            ei4 = (g * L + lanes) * 4
            er = ei4 >> 7
            el = ei4 & 127
            plsc.store_scatter(bout_v, [er, el], (cx - 0.5 * w) * wf)
            plsc.store_scatter(bout_v, [er, el + 1], (cy - 0.5 * h) * hf)
            plsc.store_scatter(bout_v, [er, el + 2], (cx + 0.5 * w) * wf)
            plsc.store_scatter(bout_v, [er, el + 3], (cy + 0.5 * h) * hf)

        pltpu.sync_copy(scores_v, scores_hbm.at[row])
        pltpu.sync_copy(labels_v, labels_hbm.at[row])
        pltpu.sync_copy(bout_v, boxes_out_hbm.at[row])


_mesh = plsc.VectorSubcoreMesh(core_axis_name="c", subcore_axis_name="s")

_sc_call = functools.partial(
    pl.kernel,
    out_type=[
        jax.ShapeDtypeStruct((B, 8, 128), jnp.float32),
        jax.ShapeDtypeStruct((B, 8, 128), jnp.int32),
        jax.ShapeDtypeStruct((B, 8, 128), jnp.float32),
    ],
    mesh=_mesh,
    compiler_params=pltpu.CompilerParams(needs_layout_passes=False,
                                         use_tc_tiling_on_sc=True),
    scratch_types=[
        pltpu.VMEM((Q, C), jnp.float32),
        pltpu.VMEM((NCPAD,), jnp.float32),
        pltpu.VMEM((2 * L,), jnp.float32),
        pltpu.VMEM((KPAD,), jnp.float32),
        pltpu.VMEM((KPAD,), jnp.int32),
        pltpu.VMEM((8, 128), jnp.float32),
        pltpu.VMEM((8, 128), jnp.int32),
        pltpu.VMEM((32, 128), jnp.float32),
        pltpu.VMEM((8, 128), jnp.float32),
        pltpu.VMEM((B * 2,), jnp.int32),
    ],
)(_tile_body)


@jax.jit
def kernel(pred_logits, pred_boxes, target_sizes):
    bx = jnp.pad(pred_boxes.reshape(B, Q * 4), ((0, 0), (0, 4096 - Q * 4)),
                 ).reshape(B, 32, 128)
    scores_p, labels_p, boxes_p = _sc_call(pred_logits, bx,
                                           target_sizes.reshape(B * 2))
    scores = scores_p.reshape(B, 1024)[:, :K]
    labels = labels_p.reshape(B, 1024)[:, :K]
    boxes = boxes_p.reshape(B, 1024)[:, :KPAD * 4].reshape(B, KPAD, 4)[:, :K]
    return scores, labels, boxes

# --- scband reference (transcript-rebuilt; emitter-appended) ---
"""Pipeline reference for scband-post-process-50706383896616 (READ-ONLY COPY).

The authoritative reference and input builder live on the scoring server;
editing this copy changes nothing except your own understanding.
"""

import jax, jax.numpy as jnp
import numpy as np


def box_cxcywh_to_xyxy(b):
    cx, cy, w, h = b[..., 0], b[..., 1], b[..., 2], b[..., 3]
    return jnp.stack([cx - 0.5 * w, cy - 0.5 * h, cx + 0.5 * w, cy + 0.5 * h], axis=-1)


def setup_inputs(seed: int = 0) -> dict:
    key = jax.random.key(seed)
    k1, k2, k3 = jax.random.split(key, 3)
    pred_logits = jax.random.normal(k1, (64, 900, 91), dtype=jnp.float32)
    pred_boxes = jax.random.uniform(k2, (64, 900, 4), dtype=jnp.float32)
    target_sizes = jax.random.randint(k3, (64, 2), 0, 1333, dtype=jnp.int32)
    return {"pred_logits": pred_logits, "pred_boxes": pred_boxes, "target_sizes": target_sizes}


def reference(pred_logits, pred_boxes, target_sizes):
    B, Q, C = pred_logits.shape
    prob = jax.nn.sigmoid(pred_logits)
    topk_values, topk_indexes = jax.lax.top_k(prob.reshape(B, Q * C), 100)
    scores = topk_values
    topk_boxes = topk_indexes // C
    labels = topk_indexes % C
    boxes = box_cxcywh_to_xyxy(pred_boxes)
    idx = jnp.broadcast_to(topk_boxes[:, :, None], (B, 100, 4))
    boxes = jnp.take_along_axis(boxes, idx, axis=1)
    img_h = target_sizes[:, 0]
    img_w = target_sizes[:, 1]
    scale_fct = jnp.stack([img_w, img_h, img_w, img_h], axis=1).astype(jnp.float32)
    boxes = boxes * scale_fct[:, None, :]
    return scores, labels, boxes

if __name__ == "__main__":
    import jax
    _d = setup_inputs()
    print(jax.jit(kernel)(*tuple(_d.values())))

</pallas_src>

<mosaic_0001>
#map = affine_map<(d0, d1) -> (0, 0, 0)>
#map1 = affine_map<(d0, d1) -> (0)>
module attributes {stable_mosaic.version = 14 : i64} {
  func.func @_tile_body(%arg0: i32, %arg1: i32, %arg2: memref<64x900x91xf32, #tpu.memory_space<hbm>>, %arg3: memref<64x32x128xf32, #tpu.memory_space<hbm>>, %arg4: memref<128xi32, #tpu.memory_space<hbm>>, %arg5: memref<64x8x128xf32, #tpu.memory_space<hbm>>, %arg6: memref<64x8x128xi32, #tpu.memory_space<hbm>>, %arg7: memref<64x8x128xf32, #tpu.memory_space<hbm>>, %arg8: memref<900x91xf32, #tpu.memory_space<vmem>>, %arg9: memref<464xf32, #tpu.memory_space<vmem>>, %arg10: memref<32xf32, #tpu.memory_space<vmem>>, %arg11: memref<112xf32, #tpu.memory_space<vmem>>, %arg12: memref<112xi32, #tpu.memory_space<vmem>>, %arg13: memref<8x128xf32, #tpu.memory_space<vmem>>, %arg14: memref<8x128xi32, #tpu.memory_space<vmem>>, %arg15: memref<32x128xf32, #tpu.memory_space<vmem>>, %arg16: memref<8x128xf32, #tpu.memory_space<vmem>>, %arg17: memref<128xi32, #tpu.memory_space<vmem>>) attributes {dimension_semantics = [#tpu.dimension_semantics<core_parallel>, #tpu.dimension_semantics<subcore_parallel>], iteration_bounds = array<i64: 2, 16>, scalar_prefetch = 0 : i64, scratch_operands = 10 : i64, tpu.core_type = #tpu.core_type<sc_vector_subcore>, window_params = [{transform_indices = #map}, {transform_indices = #map}, {transform_indices = #map1}, {transform_indices = #map}, {transform_indices = #map}, {transform_indices = #map}]} {
    %mul3A = arith.constant 2 : i32
    %mul3A_0 = arith.muli %arg1, %mul3A : i32
    %add3A = arith.addi %mul3A_0, %arg0 : i32
    %iota3A = tpu.iota {dimensions = array<i32: 0>} : vector<16xi32>
    %eq3A = arith.constant 0 : i32
    %eq3A_1 = vector.broadcast %eq3A : i32 to vector<16xi32>
    %eq3A_2 = arith.cmpi eq, %iota3A, %eq3A_1 : vector<16xi32>
    "tpu.region"() ({
      %run_scoped3A = tpu.sem_alloc : memref<!tpu.dma_semaphore, #tpu.memory_space<semaphore_mem>>
      tpu.enqueue_dma source(%arg4 : memref<128xi32, #tpu.memory_space<hbm>>) target(%arg17 : memref<128xi32, #tpu.memory_space<vmem>>) target_semaphore(%run_scoped3A : memref<!tpu.dma_semaphore, #tpu.memory_space<semaphore_mem>>)
      tpu.wait_dma2 semaphore(%run_scoped3A : memref<!tpu.dma_semaphore, #tpu.memory_space<semaphore_mem>>) src(%arg4 : memref<128xi32, #tpu.memory_space<hbm>>) dst(%arg17 : memref<128xi32, #tpu.memory_space<vmem>>)
      tpu.yield
    }) : () -> ()
    %mul3A_3 = arith.constant 2 : i32
    %mul3A_4 = arith.muli %add3A, %mul3A_3 : i32
    %add3A_5 = arith.constant 0 : i32
    %add3A_6 = arith.addi %mul3A_4, %add3A_5 : i32
    "tpu.region"() ({
      %run_scoped3A = tpu.sem_alloc : memref<!tpu.dma_semaphore, #tpu.memory_space<semaphore_mem>>
      %dma_start3A = arith.constant 0 : i32
      %dma_start3A_2112 = arith.constant 0 : i32
      %dma_start3A_2113 = tpu.memref_slice %arg2[%add3A_6, %dma_start3A, %dma_start3A_2112] : memref<64x900x91xf32, #tpu.memory_space<hbm>> -> memref<1x900x91xf32, #tpu.memory_space<hbm>>
      %dma_start3A_2114 = tpu.memref_squeeze %dma_start3A_2113 : memref<1x900x91xf32, #tpu.memory_space<hbm>> -> memref<900x91xf32, #tpu.memory_space<hbm>>
      %dma_start3A_2115 = arith.constant 0 : i32
      %dma_start3A_2116 = arith.constant 0 : i32
      %dma_start3A_2117 = tpu.memref_slice %arg2[%add3A_6, %dma_start3A_2115, %dma_start3A_2116] : memref<64x900x91xf32, #tpu.memory_space<hbm>> -> memref<1x900x91xf32, #tpu.memory_space<hbm>>
      %dma_start3A_2118 = tpu.memref_squeeze %dma_start3A_2117 : memref<1x900x91xf32, #tpu.memory_space<hbm>> -> memref<900x91xf32, #tpu.memory_space<hbm>>
      tpu.enqueue_dma source(%dma_start3A_2118 : memref<900x91xf32, #tpu.memory_space<hbm>>) target(%arg8 : memref<900x91xf32, #tpu.memory_space<vmem>>) target_semaphore(%run_scoped3A : memref<!tpu.dma_semaphore, #tpu.memory_space<semaphore_mem>>)
      %dma_wait3A = arith.constant 0 : i32
      %dma_wait3A_2119 = arith.constant 0 : i32
      %dma_wait3A_2120 = tpu.memref_slice %arg2[%add3A_6, %dma_wait3A, %dma_wait3A_2119] : memref<64x900x91xf32, #tpu.memory_space<hbm>> -> memref<1x900x91xf32, #tpu.memory_space<hbm>>
      %dma_wait3A_2121 = tpu.memref_squeeze %dma_wait3A_2120 : memref<1x900x91xf32, #tpu.memory_space<hbm>> -> memref<900x91xf32, #tpu.memory_space<hbm>>
      %dma_wait3A_2122 = arith.constant 0 : i32
      %dma_wait3A_2123 = arith.constant 0 : i32
      %dma_wait3A_2124 = tpu.memref_slice %arg2[%add3A_6, %dma_wait3A_2122, %dma_wait3A_2123] : memref<64x900x91xf32, #tpu.memory_space<hbm>> -> memref<1x900x91xf32, #tpu.memory_space<hbm>>
      %dma_wait3A_2125 = tpu.memref_squeeze %dma_wait3A_2124 : memref<1x900x91xf32, #tpu.memory_space<hbm>> -> memref<900x91xf32, #tpu.memory_space<hbm>>
      tpu.wait_dma2 semaphore(%run_scoped3A : memref<!tpu.dma_semaphore, #tpu.memory_space<semaphore_mem>>) src(%dma_wait3A_2125 : memref<900x91xf32, #tpu.memory_space<hbm>>) dst(%arg8 : memref<900x91xf32, #tpu.memory_space<vmem>>)
      tpu.yield
    }) : () -> ()
    "tpu.region"() ({
      %run_scoped3A = tpu.sem_alloc : memref<!tpu.dma_semaphore, #tpu.memory_space<semaphore_mem>>
      %dma_start3A = arith.constant 0 : i32
      %dma_start3A_2112 = arith.constant 0 : i32
      %dma_start3A_2113 = tpu.memref_slice %arg3[%add3A_6, %dma_start3A, %dma_start3A_2112] : memref<64x32x128xf32, #tpu.memory_space<hbm>> -> memref<1x32x128xf32, #tpu.memory_space<hbm>>
      %dma_start3A_2114 = tpu.memref_squeeze %dma_start3A_2113 : memref<1x32x128xf32, #tpu.memory_space<hbm>> -> memref<32x128xf32, #tpu.memory_space<hbm>>
      %dma_start3A_2115 = arith.constant 0 : i32
      %dma_start3A_2116 = arith.constant 0 : i32
      %dma_start3A_2117 = tpu.memref_slice %arg3[%add3A_6, %dma_start3A_2115, %dma_start3A_2116] : memref<64x32x128xf32, #tpu.memory_space<hbm>> -> memref<1x32x128xf32, #tpu.memory_space<hbm>>
      %dma_start3A_2118 = tpu.memref_squeeze %dma_start3A_2117 : memref<1x32x128xf32, #tpu.memory_space<hbm>> -> memref<32x128xf32, #tpu.memory_space<hbm>>
      tpu.enqueue_dma source(%dma_start3A_2118 : memref<32x128xf32, #tpu.memory_space<hbm>>) target(%arg15 : memref<32x128xf32, #tpu.memory_space<vmem>>) target_semaphore(%run_scoped3A : memref<!tpu.dma_semaphore, #tpu.memory_space<semaphore_mem>>)
      %dma_wait3A = arith.constant 0 : i32
      %dma_wait3A_2119 = arith.constant 0 : i32
      %dma_wait3A_2120 = tpu.memref_slice %arg3[%add3A_6, %dma_wait3A, %dma_wait3A_2119] : memref<64x32x128xf32, #tpu.memory_space<hbm>> -> memref<1x32x128xf32, #tpu.memory_space<hbm>>
      %dma_wait3A_2121 = tpu.memref_squeeze %dma_wait3A_2120 : memref<1x32x128xf32, #tpu.memory_space<hbm>> -> memref<32x128xf32, #tpu.memory_space<hbm>>
      %dma_wait3A_2122 = arith.constant 0 : i32
      %dma_wait3A_2123 = arith.constant 0 : i32
      %dma_wait3A_2124 = tpu.memref_slice %arg3[%add3A_6, %dma_wait3A_2122, %dma_wait3A_2123] : memref<64x32x128xf32, #tpu.memory_space<hbm>> -> memref<1x32x128xf32, #tpu.memory_space<hbm>>
      %dma_wait3A_2125 = tpu.memref_squeeze %dma_wait3A_2124 : memref<1x32x128xf32, #tpu.memory_space<hbm>> -> memref<32x128xf32, #tpu.memory_space<hbm>>
      tpu.wait_dma2 semaphore(%run_scoped3A : memref<!tpu.dma_semaphore, #tpu.memory_space<semaphore_mem>>) src(%dma_wait3A_2125 : memref<32x128xf32, #tpu.memory_space<hbm>>) dst(%arg15 : memref<32x128xf32, #tpu.memory_space<vmem>>)
      tpu.yield
    }) : () -> ()
    %scan3A = arith.constant 0 : i32
    %scan3A_7 = arith.constant 0 : i32
    %scan3A_8 = arith.constant 450 : i32
    %scan3A_9 = arith.addi %scan3A_7, %scan3A_8 : i32
    %scan3A_10 = arith.constant 1 : i32
    %scan3A_11 = scf.for %scan3A_2112 = %scan3A_7 to %scan3A_9 step %scan3A_10 iter_args(%scan3A_2113 = %scan3A) -> (i32)  : i32 {
      %broadcast_in_dim3A_2114 = arith.constant 0xFF800000 : f32
      %broadcast_in_dim3A_2115 = vector.broadcast %broadcast_in_dim3A_2114 : f32 to vector<16xf32>
      %mul3A_2116 = arith.constant 2 : i32
      %mul3A_2117 = arith.muli %mul3A_2116, %scan3A_2112 : i32
      %add3A_2118 = arith.constant 0 : i32
      %add3A_2119 = arith.addi %mul3A_2117, %add3A_2118 : i32
      %get3A_2120 = arith.index_cast %add3A_2119 : i32 to index
      %get3A_2121 = arith.constant 0 : index
      %get3A_2122 = tpu.vector_load %arg8[%get3A_2120, %get3A_2121] {strides = array<i32>} : memref<900x91xf32, #tpu.memory_space<vmem>>, vector<16xf32>,
      %max3A_2123 = arith.maximumf %broadcast_in_dim3A_2115, %get3A_2122 : vector<16xf32>
      %mul3A_2124 = arith.constant 2 : i32
      %mul3A_2125 = arith.muli %mul3A_2124, %scan3A_2112 : i32
      %add3A_2126 = arith.constant 0 : i32
      %add3A_2127 = arith.addi %mul3A_2125, %add3A_2126 : i32
      %get3A_2128 = arith.index_cast %add3A_2127 : i32 to index
      %get3A_2129 = arith.constant 16 : index
      %get3A_2130 = tpu.vector_load %arg8[%get3A_2128, %get3A_2129] {strides = array<i32>} : memref<900x91xf32, #tpu.memory_space<vmem>>, vector<16xf32>,
      %max3A_2131 = arith.maximumf %max3A_2123, %get3A_2130 : vector<16xf32>
      %mul3A_2132 = arith.constant 2 : i32
      %mul3A_2133 = arith.muli %mul3A_2132, %scan3A_2112 : i32
      %add3A_2134 = arith.constant 0 : i32
      %add3A_2135 = arith.addi %mul3A_2133, %add3A_2134 : i32
      %get3A_2136 = arith.index_cast %add3A_2135 : i32 to index
      %get3A_2137 = arith.constant 32 : index
      %get3A_2138 = tpu.vector_load %arg8[%get3A_2136, %get3A_2137] {strides = array<i32>} : memref<900x91xf32, #tpu.memory_space<vmem>>, vector<16xf32>,
      %max3A_2139 = arith.maximumf %max3A_2131, %get3A_2138 : vector<16xf32>
      %mul3A_2140 = arith.constant 2 : i32
      %mul3A_2141 = arith.muli %mul3A_2140, %scan3A_2112 : i32
      %add3A_2142 = arith.constant 0 : i32
      %add3A_2143 = arith.addi %mul3A_2141, %add3A_2142 : i32
      %get3A_2144 = arith.index_cast %add3A_2143 : i32 to index
      %get3A_2145 = arith.constant 48 : index
      %get3A_2146 = tpu.vector_load %arg8[%get3A_2144, %get3A_2145] {strides = array<i32>} : memref<900x91xf32, #tpu.memory_space<vmem>>, vector<16xf32>,
      %max3A_2147 = arith.maximumf %max3A_2139, %get3A_2146 : vector<16xf32>
      %mul3A_2148 = arith.constant 2 : i32
      %mul3A_2149 = arith.muli %mul3A_2148, %scan3A_2112 : i32
      %add3A_2150 = arith.constant 0 : i32
      %add3A_2151 = arith.addi %mul3A_2149, %add3A_2150 : i32
      %get3A_2152 = arith.index_cast %add3A_2151 : i32 to index
      %get3A_2153 = arith.constant 64 : index
      %get3A_2154 = tpu.vector_load %arg8[%get3A_2152, %get3A_2153] {strides = array<i32>} : memref<900x91xf32, #tpu.memory_space<vmem>>, vector<16xf32>,
      %max3A_2155 = arith.maximumf %max3A_2147, %get3A_2154 : vector<16xf32>
      %mul3A_2156 = arith.constant 2 : i32
      %mul3A_2157 = arith.muli %mul3A_2156, %scan3A_2112 : i32
      %add3A_2158 = arith.constant 0 : i32
      %add3A_2159 = arith.addi %mul3A_2157, %add3A_2158 : i32
      %get3A_2160 = arith.index_cast %add3A_2159 : i32 to index
      %get3A_2161 = arith.constant 75 : index
      %get3A_2162 = tpu.vector_load %arg8[%get3A_2160, %get3A_2161] {strides = array<i32>} : memref<900x91xf32, #tpu.memory_space<vmem>>, vector<16xf32>,
      %max3A_2163 = arith.maximumf %max3A_2155, %get3A_2162 : vector<16xf32>
      %mul3A_2164 = arith.constant 2 : i32
      %mul3A_2165 = arith.muli %mul3A_2164, %scan3A_2112 : i32
      %add3A_2166 = arith.constant 1 : i32
      %add3A_2167 = arith.addi %mul3A_2165, %add3A_2166 : i32
      %get3A_2168 = arith.index_cast %add3A_2167 : i32 to index
      %get3A_2169 = arith.constant 0 : index
      %get3A_2170 = tpu.vector_load %arg8[%get3A_2168, %get3A_2169] {strides = array<i32>} : memref<900x91xf32, #tpu.memory_space<vmem>>, vector<16xf32>,
      %max3A_2171 = arith.maximumf %max3A_2163, %get3A_2170 : vector<16xf32>
      %mul3A_2172 = arith.constant 2 : i32
      %mul3A_2173 = arith.muli %mul3A_2172, %scan3A_2112 : i32
      %add3A_2174 = arith.constant 1 : i32
      %add3A_2175 = arith.addi %mul3A_2173, %add3A_2174 : i32
      %get3A_2176 = arith.index_cast %add3A_2175 : i32 to index
      %get3A_2177 = arith.constant 16 : index
      %get3A_2178 = tpu.vector_load %arg8[%get3A_2176, %get3A_2177] {strides = array<i32>} : memref<900x91xf32, #tpu.memory_space<vmem>>, vector<16xf32>,
      %max3A_2179 = arith.maximumf %max3A_2171, %get3A_2178 : vector<16xf32>
      %mul3A_2180 = arith.constant 2 : i32
      %mul3A_2181 = arith.muli %mul3A_2180, %scan3A_2112 : i32
      %add3A_2182 = arith.constant 1 : i32
      %add3A_2183 = arith.addi %mul3A_2181, %add3A_2182 : i32
      %get3A_2184 = arith.index_cast %add3A_2183 : i32 to index
      %get3A_2185 = arith.constant 32 : index
      %get3A_2186 = tpu.vector_load %arg8[%get3A_2184, %get3A_2185] {strides = array<i32>} : memref<900x91xf32, #tpu.memory_space<vmem>>, vector<16xf32>,
      %max3A_2187 = arith.maximumf %max3A_2179, %get3A_2186 : vector<16xf32>
      %mul3A_2188 = arith.constant 2 : i32
      %mul3A_2189 = arith.muli %mul3A_2188, %scan3A_2112 : i32
      %add3A_2190 = arith.constant 1 : i32
      %add3A_2191 = arith.addi %mul3A_2189, %add3A_2190 : i32
      %get3A_2192 = arith.index_cast %add3A_2191 : i32 to index
      %get3A_2193 = arith.constant 48 : index
      %get3A_2194 = tpu.vector_load %arg8[%get3A_2192, %get3A_2193] {strides = array<i32>} : memref<900x91xf32, #tpu.memory_space<vmem>>, vector<16xf32>,
      %max3A_2195 = arith.maximumf %max3A_2187, %get3A_2194 : vector<16xf32>
      %mul3A_2196 = arith.constant 2 : i32
      %mul3A_2197 = arith.muli %mul3A_2196, %scan3A_2112 : i32
      %add3A_2198 = arith.constant 1 : i32
      %add3A_2199 = arith.addi %mul3A_2197, %add3A_2198 : i32
      %get3A_2200 = arith.index_cast %add3A_2199 : i32 to index
      %get3A_2201 = arith.constant 64 : index
      %get3A_2202 = tpu.vector_load %arg8[%get3A_2200, %get3A_2201] {strides = array<i32>} : memref<900x91xf32, #tpu.memory_space<vmem>>, vector<16xf32>,
      %max3A_2203 = arith.maximumf %max3A_2195, %get3A_2202 : vector<16xf32>
      %mul3A_2204 = arith.constant 2 : i32
      %mul3A_2205 = arith.muli %mul3A_2204, %scan3A_2112 : i32
      %add3A_2206 = arith.constant 1 : i32
      %add3A_2207 = arith.addi %mul3A_2205, %add3A_2206 : i32
      %get3A_2208 = arith.index_cast %add3A_2207 : i32 to index
      %get3A_2209 = arith.constant 75 : index
      %get3A_2210 = tpu.vector_load %arg8[%get3A_2208, %get3A_2209] {strides = array<i32>} : memref<900x91xf32, #tpu.memory_space<vmem>>, vector<16xf32>,
      %max3A_2211 = arith.maximumf %max3A_2203, %get3A_2210 : vector<16xf32>
      %reduce_max3A_2212 = arith.constant true
      %reduce_max3A_2213 = vector.broadcast %reduce_max3A_2212 : i1 to vector<16xi1>
      %reduce_max3A_2214 = tpu.scan <max>, %max3A_2211 masked %reduce_max3A_2213 : vector<16xf32>, vector<16xi1> -> vector<16xf32>
      %reduce_max3A_2215 = vector.extract %reduce_max3A_2214[15] : f32 from vector<16xf32>
      %broadcast_in_dim3A_2216 = vector.broadcast %scan3A_2112 : i32 to vector<16xi32>
      %broadcast_in_dim3A_2217 = vector.broadcast %reduce_max3A_2215 : f32 to vector<16xf32>
      tpu.vector_store_idx %arg9[%broadcast_in_dim3A_2216], %broadcast_in_dim3A_2217 masked %eq3A_2 : memref<464xf32, #tpu.memory_space<vmem>>[vector<16xi32>], vector<16xf32>, vector<16xi1>
      %scan3A_2218 = arith.constant 0 : i32
      scf.yield %scan3A_2218 : i32
    }
    %scan3A_12 = arith.constant 450 : i32
    %get3A = arith.constant 448 : index
    %get3A_13 = tpu.vector_load %arg9[%get3A] {strides = array<i32>} : memref<464xf32, #tpu.memory_space<vmem>>, vector<16xf32>,
    %lt3A = arith.constant 2 : i32
    %lt3A_14 = vector.broadcast %lt3A : i32 to vector<16xi32>
    %lt3A_15 = arith.cmpi slt, %iota3A, %lt3A_14 : vector<16xi32>
    %jit3A = arith.constant 0xFF800000 : f32
    %broadcast_in_dim3A = vector.broadcast %jit3A : f32 to vector<16xf32>
    %select_n3A = arith.select %lt3A_15, %get3A_13, %broadcast_in_dim3A : vector<16xi1>, vector<16xf32>
    %swap3A = arith.constant 448 : index
    %swap3A_16 = tpu.vector_load %arg9[%swap3A] {strides = array<i32>} : memref<464xf32, #tpu.memory_space<vmem>>, vector<16xf32>,
    tpu.vector_store %arg9[%swap3A], %select_n3A {strides = array<i32>} : memref<464xf32, #tpu.memory_space<vmem>>, vector<16xf32>,
    %broadcast_in_dim3A_17 = arith.constant 0xFF800000 : f32
    %broadcast_in_dim3A_18 = vector.broadcast %broadcast_in_dim3A_17 : f32 to vector<16xf32>
    %swap3A_19 = arith.constant 0 : index
    %swap3A_20 = tpu.vector_load %arg10[%swap3A_19] {strides = array<i32>} : memref<32xf32, #tpu.memory_space<vmem>>, vector<16xf32>,
    tpu.vector_store %arg10[%swap3A_19], %broadcast_in_dim3A_18 {strides = array<i32>} : memref<32xf32, #tpu.memory_space<vmem>>, vector<16xf32>,
    %broadcast_in_dim3A_21 = arith.constant 0xFF800000 : f32
    %broadcast_in_dim3A_22 = vector.broadcast %broadcast_in_dim3A_21 : f32 to vector<16xf32>
    %swap3A_23 = arith.constant 16 : index
    %swap3A_24 = tpu.vector_load %arg10[%swap3A_23] {strides = array<i32>} : memref<32xf32, #tpu.memory_space<vmem>>, vector<16xf32>,
    tpu.vector_store %arg10[%swap3A_23], %broadcast_in_dim3A_22 {strides = array<i32>} : memref<32xf32, #tpu.memory_space<vmem>>, vector<16xf32>,
    %get3A_25 = arith.constant 0 : index
    %get3A_26 = tpu.vector_load %arg9[%get3A_25] {strides = array<i32>} : memref<464xf32, #tpu.memory_space<vmem>>, vector<16xf32>,
    %reduce_max3A = arith.constant true
    %reduce_max3A_27 = vector.broadcast %reduce_max3A : i1 to vector<16xi1>
    %reduce_max3A_28 = tpu.scan <max>, %get3A_26 masked %reduce_max3A_27 : vector<16xf32>, vector<16xi1> -> vector<16xf32>
    %reduce_max3A_29 = vector.extract %reduce_max3A_28[15] : f32 from vector<16xf32>
    %broadcast_in_dim3A_30 = arith.constant 0 : i32
    %broadcast_in_dim3A_31 = vector.broadcast %broadcast_in_dim3A_30 : i32 to vector<16xi32>
    %broadcast_in_dim3A_32 = vector.broadcast %reduce_max3A_29 : f32 to vector<16xf32>
    tpu.vector_store_idx %arg10[%broadcast_in_dim3A_31], %broadcast_in_dim3A_32 masked %eq3A_2 : memref<32xf32, #tpu.memory_space<vmem>>[vector<16xi32>], vector<16xf32>, vector<16xi1>
    %get3A_33 = arith.constant 16 : index
    %get3A_34 = tpu.vector_load %arg9[%get3A_33] {strides = array<i32>} : memref<464xf32, #tpu.memory_space<vmem>>, vector<16xf32>,
    %reduce_max3A_35 = arith.constant true
    %reduce_max3A_36 = vector.broadcast %reduce_max3A_35 : i1 to vector<16xi1>
    %reduce_max3A_37 = tpu.scan <max>, %get3A_34 masked %reduce_max3A_36 : vector<16xf32>, vector<16xi1> -> vector<16xf32>
    %reduce_max3A_38 = vector.extract %reduce_max3A_37[15] : f32 from vector<16xf32>
    %broadcast_in_dim3A_39 = arith.constant 1 : i32
    %broadcast_in_dim3A_40 = vector.broadcast %broadcast_in_dim3A_39 : i32 to vector<16xi32>
    %broadcast_in_dim3A_41 = vector.broadcast %reduce_max3A_38 : f32 to vector<16xf32>
    tpu.vector_store_idx %arg10[%broadcast_in_dim3A_40], %broadcast_in_dim3A_41 masked %eq3A_2 : memref<32xf32, #tpu.memory_space<vmem>>[vector<16xi32>], vector<16xf32>, vector<16xi1>
    %get3A_42 = arith.constant 32 : index
    %get3A_43 = tpu.vector_load %arg9[%get3A_42] {strides = array<i32>} : memref<464xf32, #tpu.memory_space<vmem>>, vector<16xf32>,
    %reduce_max3A_44 = arith.constant true
    %reduce_max3A_45 = vector.broadcast %reduce_max3A_44 : i1 to vector<16xi1>
    %reduce_max3A_46 = tpu.scan <max>, %get3A_43 masked %reduce_max3A_45 : vector<16xf32>, vector<16xi1> -> vector<16xf32>
    %reduce_max3A_47 = vector.extract %reduce_max3A_46[15] : f32 from vector<16xf32>
    %broadcast_in_dim3A_48 = arith.constant 2 : i32
    %broadcast_in_dim3A_49 = vector.broadcast %broadcast_in_dim3A_48 : i32 to vector<16xi32>
    %broadcast_in_dim3A_50 = vector.broadcast %reduce_max3A_47 : f32 to vector<16xf32>
    tpu.vector_store_idx %arg10[%broadcast_in_dim3A_49], %broadcast_in_dim3A_50 masked %eq3A_2 : memref<32xf32, #tpu.memory_space<vmem>>[vector<16xi32>], vector<16xf32>, vector<16xi1>
    %get3A_51 = arith.constant 48 : index
    %get3A_52 = tpu.vector_load %arg9[%get3A_51] {strides = array<i32>} : memref<464xf32, #tpu.memory_space<vmem>>, vector<16xf32>,
    %reduce_max3A_53 = arith.constant true
    %reduce_max3A_54 = vector.broadcast %reduce_max3A_53 : i1 to vector<16xi1>
    %reduce_max3A_55 = tpu.scan <max>, %get3A_52 masked %reduce_max3A_54 : vector<16xf32>, vector<16xi1> -> vector<16xf32>
    %reduce_max3A_56 = vector.extract %reduce_max3A_55[15] : f32 from vector<16xf32>
    %broadcast_in_dim3A_57 = arith.constant 3 : i32
    %broadcast_in_dim3A_58 = vector.broadcast %broadcast_in_dim3A_57 : i32 to vector<16xi32>
    %broadcast_in_dim3A_59 = vector.broadcast %reduce_max3A_56 : f32 to vector<16xf32>
    tpu.vector_store_idx %arg10[%broadcast_in_dim3A_58], %broadcast_in_dim3A_59 masked %eq3A_2 : memref<32xf32, #tpu.memory_space<vmem>>[vector<16xi32>], vector<16xf32>, vector<16xi1>
    %get3A_60 = arith.constant 64 : index
    %get3A_61 = tpu.vector_load %arg9[%get3A_60] {strides = array<i32>} : memref<464xf32, #tpu.memory_space<vmem>>, vector<16xf32>,
    %reduce_max3A_62 = arith.constant true
    %reduce_max3A_63 = vector.broadcast %reduce_max3A_62 : i1 to vector<16xi1>
    %reduce_max3A_64 = tpu.scan <max>, %get3A_61 masked %reduce_max3A_63 : vector<16xf32>, vector<16xi1> -> vector<16xf32>
    %reduce_max3A_65 = vector.extract %reduce_max3A_64[15] : f32 from vector<16xf32>
    %broadcast_in_dim3A_66 = arith.constant 4 : i32
    %broadcast_in_dim3A_67 = vector.broadcast %broadcast_in_dim3A_66 : i32 to vector<16xi32>
    %broadcast_in_dim3A_68 = vector.broadcast %reduce_max3A_65 : f32 to vector<16xf32>
    tpu.vector_store_idx %arg10[%broadcast_in_dim3A_67], %broadcast_in_dim3A_68 masked %eq3A_2 : memref<32xf32, #tpu.memory_space<vmem>>[vector<16xi32>], vector<16xf32>, vector<16xi1>
    %get3A_69 = arith.constant 80 : index
    %get3A_70 = tpu.vector_load %arg9[%get3A_69] {strides = array<i32>} : memref<464xf32, #tpu.memory_space<vmem>>, vector<16xf32>,
    %reduce_max3A_71 = arith.constant true
    %reduce_max3A_72 = vector.broadcast %reduce_max3A_71 : i1 to vector<16xi1>
    %reduce_max3A_73 = tpu.scan <max>, %get3A_70 masked %reduce_max3A_72 : vector<16xf32>, vector<16xi1> -> vector<16xf32>
    %reduce_max3A_74 = vector.extract %reduce_max3A_73[15] : f32 from vector<16xf32>
    %broadcast_in_dim3A_75 = arith.constant 5 : i32
    %broadcast_in_dim3A_76 = vector.broadcast %broadcast_in_dim3A_75 : i32 to vector<16xi32>
    %broadcast_in_dim3A_77 = vector.broadcast %reduce_max3A_74 : f32 to vector<16xf32>
    tpu.vector_store_idx %arg10[%broadcast_in_dim3A_76], %broadcast_in_dim3A_77 masked %eq3A_2 : memref<32xf32, #tpu.memory_space<vmem>>[vector<16xi32>], vector<16xf32>, vector<16xi1>
    %get3A_78 = arith.constant 96 : index
    %get3A_79 = tpu.vector_load %arg9[%get3A_78] {strides = array<i32>} : memref<464xf32, #tpu.memory_space<vmem>>, vector<16xf32>,
    %reduce_max3A_80 = arith.constant true
    %reduce_max3A_81 = vector.broadcast %reduce_max3A_80 : i1 to vector<16xi1>
    %reduce_max3A_82 = tpu.scan <max>, %get3A_79 masked %reduce_max3A_81 : vector<16xf32>, vector<16xi1> -> vector<16xf32>
    %reduce_max3A_83 = vector.extract %reduce_max3A_82[15] : f32 from vector<16xf32>
    %broadcast_in_dim3A_84 = arith.constant 6 : i32
    %broadcast_in_dim3A_85 = vector.broadcast %broadcast_in_dim3A_84 : i32 to vector<16xi32>
    %broadcast_in_dim3A_86 = vector.broadcast %reduce_max3A_83 : f32 to vector<16xf32>
    tpu.vector_store_idx %arg10[%broadcast_in_dim3A_85], %broadcast_in_dim3A_86 masked %eq3A_2 : memref<32xf32, #tpu.memory_space<vmem>>[vector<16xi32>], vector<16xf32>, vector<16xi1>
    %get3A_87 = arith.constant 112 : index
    %get3A_88 = tpu.vector_load %arg9[%get3A_87] {strides = array<i32>} : memref<464xf32, #tpu.memory_space<vmem>>, vector<16xf32>,
    %reduce_max3A_89 = arith.constant true
    %reduce_max3A_90 = vector.broadcast %reduce_max3A_89 : i1 to vector<16xi1>
    %reduce_max3A_91 = tpu.scan <max>, %get3A_88 masked %reduce_max3A_90 : vector<16xf32>, vector<16xi1> -> vector<16xf32>
    %reduce_max3A_92 = vector.extract %reduce_max3A_91[15] : f32 from vector<16xf32>
    %broadcast_in_dim3A_93 = arith.constant 7 : i32
    %broadcast_in_dim3A_94 = vector.broadcast %broadcast_in_dim3A_93 : i32 to vector<16xi32>
    %broadcast_in_dim3A_95 = vector.broadcast %reduce_max3A_92 : f32 to vector<16xf32>
    tpu.vector_store_idx %arg10[%broadcast_in_dim3A_94], %broadcast_in_dim3A_95 masked %eq3A_2 : memref<32xf32, #tpu.memory_space<vmem>>[vector<16xi32>], vector<16xf32>, vector<16xi1>
    %get3A_96 = arith.constant 128 : index
    %get3A_97 = tpu.vector_load %arg9[%get3A_96] {strides = array<i32>} : memref<464xf32, #tpu.memory_space<vmem>>, vector<16xf32>,
    %reduce_max3A_98 = arith.constant true
    %reduce_max3A_99 = vector.broadcast %reduce_max3A_98 : i1 to vector<16xi1>
    %reduce_max3A_100 = tpu.scan <max>, %get3A_97 masked %reduce_max3A_99 : vector<16xf32>, vector<16xi1> -> vector<16xf32>
    %reduce_max3A_101 = vector.extract %reduce_max3A_100[15] : f32 from vector<16xf32>
    %broadcast_in_dim3A_102 = arith.constant 8 : i32
    %broadcast_in_dim3A_103 = vector.broadcast %broadcast_in_dim3A_102 : i32 to vector<16xi32>
    %broadcast_in_dim3A_104 = vector.broadcast %reduce_max3A_101 : f32 to vector<16xf32>
    tpu.vector_store_idx %arg10[%broadcast_in_dim3A_103], %broadcast_in_dim3A_104 masked %eq3A_2 : memref<32xf32, #tpu.memory_space<vmem>>[vector<16xi32>], vector<16xf32>, vector<16xi1>
    %get3A_105 = arith.constant 144 : index
    %get3A_106 = tpu.vector_load %arg9[%get3A_105] {strides = array<i32>} : memref<464xf32, #tpu.memory_space<vmem>>, vector<16xf32>,
    %reduce_max3A_107 = arith.constant true
    %reduce_max3A_108 = vector.broadcast %reduce_max3A_107 : i1 to vector<16xi1>
    %reduce_max3A_109 = tpu.scan <max>, %get3A_106 masked %reduce_max3A_108 : vector<16xf32>, vector<16xi1> -> vector<16xf32>
    %reduce_max3A_110 = vector.extract %reduce_max3A_109[15] : f32 from vector<16xf32>
    %broadcast_in_dim3A_111 = arith.constant 9 : i32
    %broadcast_in_dim3A_112 = vector.broadcast %broadcast_in_dim3A_111 : i32 to vector<16xi32>
    %broadcast_in_dim3A_113 = vector.broadcast %reduce_max3A_110 : f32 to vector<16xf32>
    tpu.vector_store_idx %arg10[%broadcast_in_dim3A_112], %broadcast_in_dim3A_113 masked %eq3A_2 : memref<32xf32, #tpu.memory_space<vmem>>[vector<16xi32>], vector<16xf32>, vector<16xi1>
    %get3A_114 = arith.constant 160 : index
    %get3A_115 = tpu.vector_load %arg9[%get3A_114] {strides = array<i32>} : memref<464xf32, #tpu.memory_space<vmem>>, vector<16xf32>,
    %reduce_max3A_116 = arith.constant true
    %reduce_max3A_117 = vector.broadcast %reduce_max3A_116 : i1 to vector<16xi1>
    %reduce_max3A_118 = tpu.scan <max>, %get3A_115 masked %reduce_max3A_117 : vector<16xf32>, vector<16xi1> -> vector<16xf32>
    %reduce_max3A_119 = vector.extract %reduce_max3A_118[15] : f32 from vector<16xf32>
    %broadcast_in_dim3A_120 = arith.constant 10 : i32
    %broadcast_in_dim3A_121 = vector.broadcast %broadcast_in_dim3A_120 : i32 to vector<16xi32>
    %broadcast_in_dim3A_122 = vector.broadcast %reduce_max3A_119 : f32 to vector<16xf32>
    tpu.vector_store_idx %arg10[%broadcast_in_dim3A_121], %broadcast_in_dim3A_122 masked %eq3A_2 : memref<32xf32, #tpu.memory_space<vmem>>[vector<16xi32>], vector<16xf32>, vector<16xi1>
    %get3A_123 = arith.constant 176 : index
    %get3A_124 = tpu.vector_load %arg9[%get3A_123] {strides = array<i32>} : memref<464xf32, #tpu.memory_space<vmem>>, vector<16xf32>,
    %reduce_max3A_125 = arith.constant true
    %reduce_max3A_126 = vector.broadcast %reduce_max3A_125 : i1 to vector<16xi1>
    %reduce_max3A_127 = tpu.scan <max>, %get3A_124 masked %reduce_max3A_126 : vector<16xf32>, vector<16xi1> -> vector<16xf32>
    %reduce_max3A_128 = vector.extract %reduce_max3A_127[15] : f32 from vector<16xf32>
    %broadcast_in_dim3A_129 = arith.constant 11 : i32
    %broadcast_in_dim3A_130 = vector.broadcast %broadcast_in_dim3A_129 : i32 to vector<16xi32>
    %broadcast_in_dim3A_131 = vector.broadcast %reduce_max3A_128 : f32 to vector<16xf32>
    tpu.vector_store_idx %arg10[%broadcast_in_dim3A_130], %broadcast_in_dim3A_131 masked %eq3A_2 : memref<32xf32, #tpu.memory_space<vmem>>[vector<16xi32>], vector<16xf32>, vector<16xi1>
    %get3A_132 = arith.constant 192 : index
    %get3A_133 = tpu.vector_load %arg9[%get3A_132] {strides = array<i32>} : memref<464xf32, #tpu.memory_space<vmem>>, vector<16xf32>,
    %reduce_max3A_134 = arith.constant true
    %reduce_max3A_135 = vector.broadcast %reduce_max3A_134 : i1 to vector<16xi1>
    %reduce_max3A_136 = tpu.scan <max>, %get3A_133 masked %reduce_max3A_135 : vector<16xf32>, vector<16xi1> -> vector<16xf32>
    %reduce_max3A_137 = vector.extract %reduce_max3A_136[15] : f32 from vector<16xf32>
    %broadcast_in_dim3A_138 = arith.constant 12 : i32
    %broadcast_in_dim3A_139 = vector.broadcast %broadcast_in_dim3A_138 : i32 to vector<16xi32>
    %broadcast_in_dim3A_140 = vector.broadcast %reduce_max3A_137 : f32 to vector<16xf32>
    tpu.vector_store_idx %arg10[%broadcast_in_dim3A_139], %broadcast_in_dim3A_140 masked %eq3A_2 : memref<32xf32, #tpu.memory_space<vmem>>[vector<16xi32>], vector<16xf32>, vector<16xi1>
    %get3A_141 = arith.constant 208 : index
    %get3A_142 = tpu.vector_load %arg9[%get3A_141] {strides = array<i32>} : memref<464xf32, #tpu.memory_space<vmem>>, vector<16xf32>,
    %reduce_max3A_143 = arith.constant true
    %reduce_max3A_144 = vector.broadcast %reduce_max3A_143 : i1 to vector<16xi1>
    %reduce_max3A_145 = tpu.scan <max>, %get3A_142 masked %reduce_max3A_144 : vector<16xf32>, vector<16xi1> -> vector<16xf32>
    %reduce_max3A_146 = vector.extract %reduce_max3A_145[15] : f32 from vector<16xf32>
    %broadcast_in_dim3A_147 = arith.constant 13 : i32
    %broadcast_in_dim3A_148 = vector.broadcast %broadcast_in_dim3A_147 : i32 to vector<16xi32>
    %broadcast_in_dim3A_149 = vector.broadcast %reduce_max3A_146 : f32 to vector<16xf32>
    tpu.vector_store_idx %arg10[%broadcast_in_dim3A_148], %broadcast_in_dim3A_149 masked %eq3A_2 : memref<32xf32, #tpu.memory_space<vmem>>[vector<16xi32>], vector<16xf32>, vector<16xi1>
    %get3A_150 = arith.constant 224 : index
    %get3A_151 = tpu.vector_load %arg9[%get3A_150] {strides = array<i32>} : memref<464xf32, #tpu.memory_space<vmem>>, vector<16xf32>,
    %reduce_max3A_152 = arith.constant true
    %reduce_max3A_153 = vector.broadcast %reduce_max3A_152 : i1 to vector<16xi1>
    %reduce_max3A_154 = tpu.scan <max>, %get3A_151 masked %reduce_max3A_153 : vector<16xf32>, vector<16xi1> -> vector<16xf32>
    %reduce_max3A_155 = vector.extract %reduce_max3A_154[15] : f32 from vector<16xf32>
    %broadcast_in_dim3A_156 = arith.constant 14 : i32
    %broadcast_in_dim3A_157 = vector.broadcast %broadcast_in_dim3A_156 : i32 to vector<16xi32>
    %broadcast_in_dim3A_158 = vector.broadcast %reduce_max3A_155 : f32 to vector<16xf32>
    tpu.vector_store_idx %arg10[%broadcast_in_dim3A_157], %broadcast_in_dim3A_158 masked %eq3A_2 : memref<32xf32, #tpu.memory_space<vmem>>[vector<16xi32>], vector<16xf32>, vector<16xi1>
    %get3A_159 = arith.constant 240 : index
    %get3A_160 = tpu.vector_load %arg9[%get3A_159] {strides = array<i32>} : memref<464xf32, #tpu.memory_space<vmem>>, vector<16xf32>,
    %reduce_max3A_161 = arith.constant true
    %reduce_max3A_162 = vector.broadcast %reduce_max3A_161 : i1 to vector<16xi1>
    %reduce_max3A_163 = tpu.scan <max>, %get3A_160 masked %reduce_max3A_162 : vector<16xf32>, vector<16xi1> -> vector<16xf32>
    %reduce_max3A_164 = vector.extract %reduce_max3A_163[15] : f32 from vector<16xf32>
    %broadcast_in_dim3A_165 = arith.constant 15 : i32
    %broadcast_in_dim3A_166 = vector.broadcast %broadcast_in_dim3A_165 : i32 to vector<16xi32>
    %broadcast_in_dim3A_167 = vector.broadcast %reduce_max3A_164 : f32 to vector<16xf32>
    tpu.vector_store_idx %arg10[%broadcast_in_dim3A_166], %broadcast_in_dim3A_167 masked %eq3A_2 : memref<32xf32, #tpu.memory_space<vmem>>[vector<16xi32>], vector<16xf32>, vector<16xi1>
    %get3A_168 = arith.constant 256 : index
    %get3A_169 = tpu.vector_load %arg9[%get3A_168] {strides = array<i32>} : memref<464xf32, #tpu.memory_space<vmem>>, vector<16xf32>,
    %reduce_max3A_170 = arith.constant true
    %reduce_max3A_171 = vector.broadcast %reduce_max3A_170 : i1 to vector<16xi1>
    %reduce_max3A_172 = tpu.scan <max>, %get3A_169 masked %reduce_max3A_171 : vector<16xf32>, vector<16xi1> -> vector<16xf32>
    %reduce_max3A_173 = vector.extract %reduce_max3A_172[15] : f32 from vector<16xf32>
    %broadcast_in_dim3A_174 = arith.constant 16 : i32
    %broadcast_in_dim3A_175 = vector.broadcast %broadcast_in_dim3A_174 : i32 to vector<16xi32>
    %broadcast_in_dim3A_176 = vector.broadcast %reduce_max3A_173 : f32 to vector<16xf32>
    tpu.vector_store_idx %arg10[%broadcast_in_dim3A_175], %broadcast_in_dim3A_176 masked %eq3A_2 : memref<32xf32, #tpu.memory_space<vmem>>[vector<16xi32>], vector<16xf32>, vector<16xi1>
    %get3A_177 = arith.constant 272 : index
    %get3A_178 = tpu.vector_load %arg9[%get3A_177] {strides = array<i32>} : memref<464xf32, #tpu.memory_space<vmem>>, vector<16xf32>,
    %reduce_max3A_179 = arith.constant true
    %reduce_max3A_180 = vector.broadcast %reduce_max3A_179 : i1 to vector<16xi1>
    %reduce_max3A_181 = tpu.scan <max>, %get3A_178 masked %reduce_max3A_180 : vector<16xf32>, vector<16xi1> -> vector<16xf32>
    %reduce_max3A_182 = vector.extract %reduce_max3A_181[15] : f32 from vector<16xf32>
    %broadcast_in_dim3A_183 = arith.constant 17 : i32
    %broadcast_in_dim3A_184 = vector.broadcast %broadcast_in_dim3A_183 : i32 to vector<16xi32>
    %broadcast_in_dim3A_185 = vector.broadcast %reduce_max3A_182 : f32 to vector<16xf32>
    tpu.vector_store_idx %arg10[%broadcast_in_dim3A_184], %broadcast_in_dim3A_185 masked %eq3A_2 : memref<32xf32, #tpu.memory_space<vmem>>[vector<16xi32>], vector<16xf32>, vector<16xi1>
    %get3A_186 = arith.constant 288 : index
    %get3A_187 = tpu.vector_load %arg9[%get3A_186] {strides = array<i32>} : memref<464xf32, #tpu.memory_space<vmem>>, vector<16xf32>,
    %reduce_max3A_188 = arith.constant true
    %reduce_max3A_189 = vector.broadcast %reduce_max3A_188 : i1 to vector<16xi1>
    %reduce_max3A_190 = tpu.scan <max>, %get3A_187 masked %reduce_max3A_189 : vector<16xf32>, vector<16xi1> -> vector<16xf32>
    %reduce_max3A_191 = vector.extract %reduce_max3A_190[15] : f32 from vector<16xf32>
    %broadcast_in_dim3A_192 = arith.constant 18 : i32
    %broadcast_in_dim3A_193 = vector.broadcast %broadcast_in_dim3A_192 : i32 to vector<16xi32>
    %broadcast_in_dim3A_194 = vector.broadcast %reduce_max3A_191 : f32 to vector<16xf32>
    tpu.vector_store_idx %arg10[%broadcast_in_dim3A_193], %broadcast_in_dim3A_194 masked %eq3A_2 : memref<32xf32, #tpu.memory_space<vmem>>[vector<16xi32>], vector<16xf32>, vector<16xi1>
    %get3A_195 = arith.constant 304 : index
    %get3A_196 = tpu.vector_load %arg9[%get3A_195] {strides = array<i32>} : memref<464xf32, #tpu.memory_space<vmem>>, vector<16xf32>,
    %reduce_max3A_197 = arith.constant true
    %reduce_max3A_198 = vector.broadcast %reduce_max3A_197 : i1 to vector<16xi1>
    %reduce_max3A_199 = tpu.scan <max>, %get3A_196 masked %reduce_max3A_198 : vector<16xf32>, vector<16xi1> -> vector<16xf32>
    %reduce_max3A_200 = vector.extract %reduce_max3A_199[15] : f32 from vector<16xf32>
    %broadcast_in_dim3A_201 = arith.constant 19 : i32
    %broadcast_in_dim3A_202 = vector.broadcast %broadcast_in_dim3A_201 : i32 to vector<16xi32>
    %broadcast_in_dim3A_203 = vector.broadcast %reduce_max3A_200 : f32 to vector<16xf32>
    tpu.vector_store_idx %arg10[%broadcast_in_dim3A_202], %broadcast_in_dim3A_203 masked %eq3A_2 : memref<32xf32, #tpu.memory_space<vmem>>[vector<16xi32>], vector<16xf32>, vector<16xi1>
    %get3A_204 = arith.constant 320 : index
    %get3A_205 = tpu.vector_load %arg9[%get3A_204] {strides = array<i32>} : memref<464xf32, #tpu.memory_space<vmem>>, vector<16xf32>,
    %reduce_max3A_206 = arith.constant true
    %reduce_max3A_207 = vector.broadcast %reduce_max3A_206 : i1 to vector<16xi1>
    %reduce_max3A_208 = tpu.scan <max>, %get3A_205 masked %reduce_max3A_207 : vector<16xf32>, vector<16xi1> -> vector<16xf32>
    %reduce_max3A_209 = vector.extract %reduce_max3A_208[15] : f32 from vector<16xf32>
    %broadcast_in_dim3A_210 = arith.constant 20 : i32
    %broadcast_in_dim3A_211 = vector.broadcast %broadcast_in_dim3A_210 : i32 to vector<16xi32>
    %broadcast_in_dim3A_212 = vector.broadcast %reduce_max3A_209 : f32 to vector<16xf32>
    tpu.vector_store_idx %arg10[%broadcast_in_dim3A_211], %broadcast_in_dim3A_212 masked %eq3A_2 : memref<32xf32, #tpu.memory_space<vmem>>[vector<16xi32>], vector<16xf32>, vector<16xi1>
    %get3A_213 = arith.constant 336 : index
    %get3A_214 = tpu.vector_load %arg9[%get3A_213] {strides = array<i32>} : memref<464xf32, #tpu.memory_space<vmem>>, vector<16xf32>,
    %reduce_max3A_215 = arith.constant true
    %reduce_max3A_216 = vector.broadcast %reduce_max3A_215 : i1 to vector<16xi1>
    %reduce_max3A_217 = tpu.scan <max>, %get3A_214 masked %reduce_max3A_216 : vector<16xf32>, vector<16xi1> -> vector<16xf32>
    %reduce_max3A_218 = vector.extract %reduce_max3A_217[15] : f32 from vector<16xf32>
    %broadcast_in_dim3A_219 = arith.constant 21 : i32
    %broadcast_in_dim3A_220 = vector.broadcast %broadcast_in_dim3A_219 : i32 to vector<16xi32>
    %broadcast_in_dim3A_221 = vector.broadcast %reduce_max3A_218 : f32 to vector<16xf32>
    tpu.vector_store_idx %arg10[%broadcast_in_dim3A_220], %broadcast_in_dim3A_221 masked %eq3A_2 : memref<32xf32, #tpu.memory_space<vmem>>[vector<16xi32>], vector<16xf32>, vector<16xi1>
    %get3A_222 = arith.constant 352 : index
    %get3A_223 = tpu.vector_load %arg9[%get3A_222] {strides = array<i32>} : memref<464xf32, #tpu.memory_space<vmem>>, vector<16xf32>,
    %reduce_max3A_224 = arith.constant true
    %reduce_max3A_225 = vector.broadcast %reduce_max3A_224 : i1 to vector<16xi1>
    %reduce_max3A_226 = tpu.scan <max>, %get3A_223 masked %reduce_max3A_225 : vector<16xf32>, vector<16xi1> -> vector<16xf32>
    %reduce_max3A_227 = vector.extract %reduce_max3A_226[15] : f32 from vector<16xf32>
    %broadcast_in_dim3A_228 = arith.constant 22 : i32
    %broadcast_in_dim3A_229 = vector.broadcast %broadcast_in_dim3A_228 : i32 to vector<16xi32>
    %broadcast_in_dim3A_230 = vector.broadcast %reduce_max3A_227 : f32 to vector<16xf32>
    tpu.vector_store_idx %arg10[%broadcast_in_dim3A_229], %broadcast_in_dim3A_230 masked %eq3A_2 : memref<32xf32, #tpu.memory_space<vmem>>[vector<16xi32>], vector<16xf32>, vector<16xi1>
    %get3A_231 = arith.constant 368 : index
    %get3A_232 = tpu.vector_load %arg9[%get3A_231] {strides = array<i32>} : memref<464xf32, #tpu.memory_space<vmem>>, vector<16xf32>,
    %reduce_max3A_233 = arith.constant true
    %reduce_max3A_234 = vector.broadcast %reduce_max3A_233 : i1 to vector<16xi1>
    %reduce_max3A_235 = tpu.scan <max>, %get3A_232 masked %reduce_max3A_234 : vector<16xf32>, vector<16xi1> -> vector<16xf32>
    %reduce_max3A_236 = vector.extract %reduce_max3A_235[15] : f32 from vector<16xf32>
    %broadcast_in_dim3A_237 = arith.constant 23 : i32
    %broadcast_in_dim3A_238 = vector.broadcast %broadcast_in_dim3A_237 : i32 to vector<16xi32>
    %broadcast_in_dim3A_239 = vector.broadcast %reduce_max3A_236 : f32 to vector<16xf32>
    tpu.vector_store_idx %arg10[%broadcast_in_dim3A_238], %broadcast_in_dim3A_239 masked %eq3A_2 : memref<32xf32, #tpu.memory_space<vmem>>[vector<16xi32>], vector<16xf32>, vector<16xi1>
    %get3A_240 = arith.constant 384 : index
    %get3A_241 = tpu.vector_load %arg9[%get3A_240] {strides = array<i32>} : memref<464xf32, #tpu.memory_space<vmem>>, vector<16xf32>,
    %reduce_max3A_242 = arith.constant true
    %reduce_max3A_243 = vector.broadcast %reduce_max3A_242 : i1 to vector<16xi1>
    %reduce_max3A_244 = tpu.scan <max>, %get3A_241 masked %reduce_max3A_243 : vector<16xf32>, vector<16xi1> -> vector<16xf32>
    %reduce_max3A_245 = vector.extract %reduce_max3A_244[15] : f32 from vector<16xf32>
    %broadcast_in_dim3A_246 = arith.constant 24 : i32
    %broadcast_in_dim3A_247 = vector.broadcast %broadcast_in_dim3A_246 : i32 to vector<16xi32>
    %broadcast_in_dim3A_248 = vector.broadcast %reduce_max3A_245 : f32 to vector<16xf32>
    tpu.vector_store_idx %arg10[%broadcast_in_dim3A_247], %broadcast_in_dim3A_248 masked %eq3A_2 : memref<32xf32, #tpu.memory_space<vmem>>[vector<16xi32>], vector<16xf32>, vector<16xi1>
    %get3A_249 = arith.constant 400 : index
    %get3A_250 = tpu.vector_load %arg9[%get3A_249] {strides = array<i32>} : memref<464xf32, #tpu.memory_space<vmem>>, vector<16xf32>,
    %reduce_max3A_251 = arith.constant true
    %reduce_max3A_252 = vector.broadcast %reduce_max3A_251 : i1 to vector<16xi1>
    %reduce_max3A_253 = tpu.scan <max>, %get3A_250 masked %reduce_max3A_252 : vector<16xf32>, vector<16xi1> -> vector<16xf32>
    %reduce_max3A_254 = vector.extract %reduce_max3A_253[15] : f32 from vector<16xf32>
    %broadcast_in_dim3A_255 = arith.constant 25 : i32
    %broadcast_in_dim3A_256 = vector.broadcast %broadcast_in_dim3A_255 : i32 to vector<16xi32>
    %broadcast_in_dim3A_257 = vector.broadcast %reduce_max3A_254 : f32 to vector<16xf32>
    tpu.vector_store_idx %arg10[%broadcast_in_dim3A_256], %broadcast_in_dim3A_257 masked %eq3A_2 : memref<32xf32, #tpu.memory_space<vmem>>[vector<16xi32>], vector<16xf32>, vector<16xi1>
    %get3A_258 = arith.constant 416 : index
    %get3A_259 = tpu.vector_load %arg9[%get3A_258] {strides = array<i32>} : memref<464xf32, #tpu.memory_space<vmem>>, vector<16xf32>,
    %reduce_max3A_260 = arith.constant true
    %reduce_max3A_261 = vector.broadcast %reduce_max3A_260 : i1 to vector<16xi1>
    %reduce_max3A_262 = tpu.scan <max>, %get3A_259 masked %reduce_max3A_261 : vector<16xf32>, vector<16xi1> -> vector<16xf32>
    %reduce_max3A_263 = vector.extract %reduce_max3A_262[15] : f32 from vector<16xf32>
    %broadcast_in_dim3A_264 = arith.constant 26 : i32
    %broadcast_in_dim3A_265 = vector.broadcast %broadcast_in_dim3A_264 : i32 to vector<16xi32>
    %broadcast_in_dim3A_266 = vector.broadcast %reduce_max3A_263 : f32 to vector<16xf32>
    tpu.vector_store_idx %arg10[%broadcast_in_dim3A_265], %broadcast_in_dim3A_266 masked %eq3A_2 : memref<32xf32, #tpu.memory_space<vmem>>[vector<16xi32>], vector<16xf32>, vector<16xi1>
    %get3A_267 = arith.constant 432 : index
    %get3A_268 = tpu.vector_load %arg9[%get3A_267] {strides = array<i32>} : memref<464xf32, #tpu.memory_space<vmem>>, vector<16xf32>,
    %reduce_max3A_269 = arith.constant true
    %reduce_max3A_270 = vector.broadcast %reduce_max3A_269 : i1 to vector<16xi1>
    %reduce_max3A_271 = tpu.scan <max>, %get3A_268 masked %reduce_max3A_270 : vector<16xf32>, vector<16xi1> -> vector<16xf32>
    %reduce_max3A_272 = vector.extract %reduce_max3A_271[15] : f32 from vector<16xf32>
    %broadcast_in_dim3A_273 = arith.constant 27 : i32
    %broadcast_in_dim3A_274 = vector.broadcast %broadcast_in_dim3A_273 : i32 to vector<16xi32>
    %broadcast_in_dim3A_275 = vector.broadcast %reduce_max3A_272 : f32 to vector<16xf32>
    tpu.vector_store_idx %arg10[%broadcast_in_dim3A_274], %broadcast_in_dim3A_275 masked %eq3A_2 : memref<32xf32, #tpu.memory_space<vmem>>[vector<16xi32>], vector<16xf32>, vector<16xi1>
    %get3A_276 = arith.constant 448 : index
    %get3A_277 = tpu.vector_load %arg9[%get3A_276] {strides = array<i32>} : memref<464xf32, #tpu.memory_space<vmem>>, vector<16xf32>,
    %reduce_max3A_278 = arith.constant true
    %reduce_max3A_279 = vector.broadcast %reduce_max3A_278 : i1 to vector<16xi1>
    %reduce_max3A_280 = tpu.scan <max>, %get3A_277 masked %reduce_max3A_279 : vector<16xf32>, vector<16xi1> -> vector<16xf32>
    %reduce_max3A_281 = vector.extract %reduce_max3A_280[15] : f32 from vector<16xf32>
    %broadcast_in_dim3A_282 = arith.constant 28 : i32
    %broadcast_in_dim3A_283 = vector.broadcast %broadcast_in_dim3A_282 : i32 to vector<16xi32>
    %broadcast_in_dim3A_284 = vector.broadcast %reduce_max3A_281 : f32 to vector<16xf32>
    tpu.vector_store_idx %arg10[%broadcast_in_dim3A_283], %broadcast_in_dim3A_284 masked %eq3A_2 : memref<32xf32, #tpu.memory_space<vmem>>[vector<16xi32>], vector<16xf32>, vector<16xi1>
    %scan3A_285 = arith.constant 0 : i32
    %scan3A_286 = arith.constant 0 : i32
    %scan3A_287 = arith.constant 100 : i32
    %scan3A_288 = arith.addi %scan3A_286, %scan3A_287 : i32
    %scan3A_289 = arith.constant 1 : i32
    %scan3A_290 = scf.for %scan3A_2112 = %scan3A_286 to %scan3A_288 step %scan3A_289 iter_args(%scan3A_2113 = %scan3A_285) -> (i32)  : i32 {
      %get3A_2114 = arith.constant 0 : index
      %get3A_2115 = tpu.vector_load %arg10[%get3A_2114] {strides = array<i32>} : memref<32xf32, #tpu.memory_space<vmem>>, vector<16xf32>,
      %get3A_2116 = arith.constant 16 : index
      %get3A_2117 = tpu.vector_load %arg10[%get3A_2116] {strides = array<i32>} : memref<32xf32, #tpu.memory_space<vmem>>, vector<16xf32>,
      %max3A_2118 = arith.maximumf %get3A_2115, %get3A_2117 : vector<16xf32>
      %reduce_max3A_2119 = arith.constant true
      %reduce_max3A_2120 = vector.broadcast %reduce_max3A_2119 : i1 to vector<16xi1>
      %reduce_max3A_2121 = tpu.scan <max>, %max3A_2118 masked %reduce_max3A_2120 : vector<16xf32>, vector<16xi1> -> vector<16xf32>
      %reduce_max3A_2122 = vector.extract %reduce_max3A_2121[15] : f32 from vector<16xf32>
      %eq3A_2123 = vector.broadcast %reduce_max3A_2122 : f32 to vector<16xf32>
      %eq3A_2124 = arith.cmpf oeq, %get3A_2115, %eq3A_2123 : vector<16xf32>
      %jit3A_2125 = arith.constant 1073741824 : i32
      %broadcast_in_dim3A_2126 = vector.broadcast %jit3A_2125 : i32 to vector<16xi32>
      %select_n3A_2127 = arith.select %eq3A_2124, %iota3A, %broadcast_in_dim3A_2126 : vector<16xi1>, vector<16xi32>
      %eq3A_2128 = vector.broadcast %reduce_max3A_2122 : f32 to vector<16xf32>
      %eq3A_2129 = arith.cmpf oeq, %get3A_2117, %eq3A_2128 : vector<16xf32>
      %add3A_2130 = arith.constant 16 : i32
      %add3A_2131 = vector.broadcast %add3A_2130 : i32 to vector<16xi32>
      %add3A_2132 = arith.addi %add3A_2131, %iota3A : vector<16xi32>
      %jit3A_2133 = arith.constant 1073741824 : i32
      %broadcast_in_dim3A_2134 = vector.broadcast %jit3A_2133 : i32 to vector<16xi32>
      %select_n3A_2135 = arith.select %eq3A_2129, %add3A_2132, %broadcast_in_dim3A_2134 : vector<16xi1>, vector<16xi32>
      %min3A_2136 = arith.minsi %select_n3A_2127, %select_n3A_2135 : vector<16xi32>
      %reduce_min3A = arith.constant true
      %reduce_min3A_2137 = vector.broadcast %reduce_min3A : i1 to vector<16xi1>
      %reduce_min3A_2138 = arith.constant -2147483648 : i32
      %reduce_min3A_2139 = vector.broadcast %reduce_min3A_2138 : i32 to vector<16xi32>
      %reduce_min3A_2140 = arith.xori %min3A_2136, %reduce_min3A_2139 : vector<16xi32>
      %reduce_min3A_2141 = tpu.scan <min>, %reduce_min3A_2140 masked %reduce_min3A_2137 : vector<16xi32>, vector<16xi1> -> vector<16xi32>
      %reduce_min3A_2142 = arith.xori %reduce_min3A_2141, %reduce_min3A_2139 : vector<16xi32>
      %reduce_min3A_2143 = vector.extract %reduce_min3A_2142[15] : i32 from vector<16xi32>
      %mul3A_2144 = arith.constant 16 : i32
      %mul3A_2145 = arith.muli %reduce_min3A_2143, %mul3A_2144 : i32
      %get3A_2146 = arith.index_cast %mul3A_2145 : i32 to index
      %get3A_2147 = tpu.vector_load %arg9[%get3A_2146] {strides = array<i32>} : memref<464xf32, #tpu.memory_space<vmem>>, vector<16xf32>,
      %eq3A_2148 = vector.broadcast %reduce_max3A_2122 : f32 to vector<16xf32>
      %eq3A_2149 = arith.cmpf oeq, %get3A_2147, %eq3A_2148 : vector<16xf32>
      %mul3A_2150 = arith.constant 16 : i32
      %mul3A_2151 = arith.muli %reduce_min3A_2143, %mul3A_2150 : i32
      %add3A_2152 = vector.broadcast %mul3A_2151 : i32 to vector<16xi32>
      %add3A_2153 = arith.addi %add3A_2152, %iota3A : vector<16xi32>
      %jit3A_2154 = arith.constant 1073741824 : i32
      %broadcast_in_dim3A_2155 = vector.broadcast %jit3A_2154 : i32 to vector<16xi32>
      %select_n3A_2156 = arith.select %eq3A_2149, %add3A_2153, %broadcast_in_dim3A_2155 : vector<16xi1>, vector<16xi32>
      %reduce_min3A_2157 = arith.constant true
      %reduce_min3A_2158 = vector.broadcast %reduce_min3A_2157 : i1 to vector<16xi1>
      %reduce_min3A_2159 = arith.constant -2147483648 : i32
      %reduce_min3A_2160 = vector.broadcast %reduce_min3A_2159 : i32 to vector<16xi32>
      %reduce_min3A_2161 = arith.xori %select_n3A_2156, %reduce_min3A_2160 : vector<16xi32>
      %reduce_min3A_2162 = tpu.scan <min>, %reduce_min3A_2161 masked %reduce_min3A_2158 : vector<16xi32>, vector<16xi1> -> vector<16xi32>
      %reduce_min3A_2163 = arith.xori %reduce_min3A_2162, %reduce_min3A_2160 : vector<16xi32>
      %reduce_min3A_2164 = vector.extract %reduce_min3A_2163[15] : i32 from vector<16xi32>
      %broadcast_in_dim3A_2165 = arith.constant 1073741824 : i32
      %broadcast_in_dim3A_2166 = vector.broadcast %broadcast_in_dim3A_2165 : i32 to vector<16xi32>
      %mul3A_2167 = arith.constant 2 : i32
      %mul3A_2168 = arith.muli %mul3A_2167, %reduce_min3A_2164 : i32
      %add3A_2169 = arith.constant 0 : i32
      %add3A_2170 = arith.addi %mul3A_2168, %add3A_2169 : i32
      %get3A_2171 = arith.index_cast %add3A_2170 : i32 to index
      %get3A_2172 = arith.constant 0 : index
      %get3A_2173 = tpu.vector_load %arg8[%get3A_2171, %get3A_2172] {strides = array<i32>} : memref<900x91xf32, #tpu.memory_space<vmem>>, vector<16xf32>,
      %eq3A_2174 = vector.broadcast %reduce_max3A_2122 : f32 to vector<16xf32>
      %eq3A_2175 = arith.cmpf oeq, %get3A_2173, %eq3A_2174 : vector<16xf32>
      %mul3A_2176 = arith.constant 128 : i32
      %mul3A_2177 = arith.muli %add3A_2170, %mul3A_2176 : i32
      %add3A_2178 = arith.constant 0 : i32
      %add3A_2179 = arith.addi %mul3A_2177, %add3A_2178 : i32
      %add3A_2180 = vector.broadcast %add3A_2179 : i32 to vector<16xi32>
      %add3A_2181 = arith.addi %add3A_2180, %iota3A : vector<16xi32>
      %jit3A_2182 = arith.constant 1073741824 : i32
      %broadcast_in_dim3A_2183 = vector.broadcast %jit3A_2182 : i32 to vector<16xi32>
      %select_n3A_2184 = arith.select %eq3A_2175, %add3A_2181, %broadcast_in_dim3A_2183 : vector<16xi1>, vector<16xi32>
      %min3A_2185 = arith.minsi %broadcast_in_dim3A_2166, %select_n3A_2184 : vector<16xi32>
      %get3A_2186 = arith.index_cast %add3A_2170 : i32 to index
      %get3A_2187 = arith.constant 16 : index
      %get3A_2188 = tpu.vector_load %arg8[%get3A_2186, %get3A_2187] {strides = array<i32>} : memref<900x91xf32, #tpu.memory_space<vmem>>, vector<16xf32>,
      %eq3A_2189 = vector.broadcast %reduce_max3A_2122 : f32 to vector<16xf32>
      %eq3A_2190 = arith.cmpf oeq, %get3A_2188, %eq3A_2189 : vector<16xf32>
      %mul3A_2191 = arith.constant 128 : i32
      %mul3A_2192 = arith.muli %add3A_2170, %mul3A_2191 : i32
      %add3A_2193 = arith.constant 16 : i32
      %add3A_2194 = arith.addi %mul3A_2192, %add3A_2193 : i32
      %add3A_2195 = vector.broadcast %add3A_2194 : i32 to vector<16xi32>
      %add3A_2196 = arith.addi %add3A_2195, %iota3A : vector<16xi32>
      %jit3A_2197 = arith.constant 1073741824 : i32
      %broadcast_in_dim3A_2198 = vector.broadcast %jit3A_2197 : i32 to vector<16xi32>
      %select_n3A_2199 = arith.select %eq3A_2190, %add3A_2196, %broadcast_in_dim3A_2198 : vector<16xi1>, vector<16xi32>
      %min3A_2200 = arith.minsi %min3A_2185, %select_n3A_2199 : vector<16xi32>
      %get3A_2201 = arith.index_cast %add3A_2170 : i32 to index
      %get3A_2202 = arith.constant 32 : index
      %get3A_2203 = tpu.vector_load %arg8[%get3A_2201, %get3A_2202] {strides = array<i32>} : memref<900x91xf32, #tpu.memory_space<vmem>>, vector<16xf32>,
      %eq3A_2204 = vector.broadcast %reduce_max3A_2122 : f32 to vector<16xf32>
      %eq3A_2205 = arith.cmpf oeq, %get3A_2203, %eq3A_2204 : vector<16xf32>
      %mul3A_2206 = arith.constant 128 : i32
      %mul3A_2207 = arith.muli %add3A_2170, %mul3A_2206 : i32
      %add3A_2208 = arith.constant 32 : i32
      %add3A_2209 = arith.addi %mul3A_2207, %add3A_2208 : i32
      %add3A_2210 = vector.broadcast %add3A_2209 : i32 to vector<16xi32>
      %add3A_2211 = arith.addi %add3A_2210, %iota3A : vector<16xi32>
      %jit3A_2212 = arith.constant 1073741824 : i32
      %broadcast_in_dim3A_2213 = vector.broadcast %jit3A_2212 : i32 to vector<16xi32>
      %select_n3A_2214 = arith.select %eq3A_2205, %add3A_2211, %broadcast_in_dim3A_2213 : vector<16xi1>, vector<16xi32>
      %min3A_2215 = arith.minsi %min3A_2200, %select_n3A_2214 : vector<16xi32>
      %get3A_2216 = arith.index_cast %add3A_2170 : i32 to index
      %get3A_2217 = arith.constant 48 : index
      %get3A_2218 = tpu.vector_load %arg8[%get3A_2216, %get3A_2217] {strides = array<i32>} : memref<900x91xf32, #tpu.memory_space<vmem>>, vector<16xf32>,
      %eq3A_2219 = vector.broadcast %reduce_max3A_2122 : f32 to vector<16xf32>
      %eq3A_2220 = arith.cmpf oeq, %get3A_2218, %eq3A_2219 : vector<16xf32>
      %mul3A_2221 = arith.constant 128 : i32
      %mul3A_2222 = arith.muli %add3A_2170, %mul3A_2221 : i32
      %add3A_2223 = arith.constant 48 : i32
      %add3A_2224 = arith.addi %mul3A_2222, %add3A_2223 : i32
      %add3A_2225 = vector.broadcast %add3A_2224 : i32 to vector<16xi32>
      %add3A_2226 = arith.addi %add3A_2225, %iota3A : vector<16xi32>
      %jit3A_2227 = arith.constant 1073741824 : i32
      %broadcast_in_dim3A_2228 = vector.broadcast %jit3A_2227 : i32 to vector<16xi32>
      %select_n3A_2229 = arith.select %eq3A_2220, %add3A_2226, %broadcast_in_dim3A_2228 : vector<16xi1>, vector<16xi32>
      %min3A_2230 = arith.minsi %min3A_2215, %select_n3A_2229 : vector<16xi32>
      %get3A_2231 = arith.index_cast %add3A_2170 : i32 to index
      %get3A_2232 = arith.constant 64 : index
      %get3A_2233 = tpu.vector_load %arg8[%get3A_2231, %get3A_2232] {strides = array<i32>} : memref<900x91xf32, #tpu.memory_space<vmem>>, vector<16xf32>,
      %eq3A_2234 = vector.broadcast %reduce_max3A_2122 : f32 to vector<16xf32>
      %eq3A_2235 = arith.cmpf oeq, %get3A_2233, %eq3A_2234 : vector<16xf32>
      %mul3A_2236 = arith.constant 128 : i32
      %mul3A_2237 = arith.muli %add3A_2170, %mul3A_2236 : i32
      %add3A_2238 = arith.constant 64 : i32
      %add3A_2239 = arith.addi %mul3A_2237, %add3A_2238 : i32
      %add3A_2240 = vector.broadcast %add3A_2239 : i32 to vector<16xi32>
      %add3A_2241 = arith.addi %add3A_2240, %iota3A : vector<16xi32>
      %jit3A_2242 = arith.constant 1073741824 : i32
      %broadcast_in_dim3A_2243 = vector.broadcast %jit3A_2242 : i32 to vector<16xi32>
      %select_n3A_2244 = arith.select %eq3A_2235, %add3A_2241, %broadcast_in_dim3A_2243 : vector<16xi1>, vector<16xi32>
      %min3A_2245 = arith.minsi %min3A_2230, %select_n3A_2244 : vector<16xi32>
      %get3A_2246 = arith.index_cast %add3A_2170 : i32 to index
      %get3A_2247 = arith.constant 75 : index
      %get3A_2248 = tpu.vector_load %arg8[%get3A_2246, %get3A_2247] {strides = array<i32>} : memref<900x91xf32, #tpu.memory_space<vmem>>, vector<16xf32>,
      %eq3A_2249 = vector.broadcast %reduce_max3A_2122 : f32 to vector<16xf32>
      %eq3A_2250 = arith.cmpf oeq, %get3A_2248, %eq3A_2249 : vector<16xf32>
      %mul3A_2251 = arith.constant 128 : i32
      %mul3A_2252 = arith.muli %add3A_2170, %mul3A_2251 : i32
      %add3A_2253 = arith.constant 75 : i32
      %add3A_2254 = arith.addi %mul3A_2252, %add3A_2253 : i32
      %add3A_2255 = vector.broadcast %add3A_2254 : i32 to vector<16xi32>
      %add3A_2256 = arith.addi %add3A_2255, %iota3A : vector<16xi32>
      %jit3A_2257 = arith.constant 1073741824 : i32
      %broadcast_in_dim3A_2258 = vector.broadcast %jit3A_2257 : i32 to vector<16xi32>
      %select_n3A_2259 = arith.select %eq3A_2250, %add3A_2256, %broadcast_in_dim3A_2258 : vector<16xi1>, vector<16xi32>
      %min3A_2260 = arith.minsi %min3A_2245, %select_n3A_2259 : vector<16xi32>
      %mul3A_2261 = arith.constant 2 : i32
      %mul3A_2262 = arith.muli %mul3A_2261, %reduce_min3A_2164 : i32
      %add3A_2263 = arith.constant 1 : i32
      %add3A_2264 = arith.addi %mul3A_2262, %add3A_2263 : i32
      %get3A_2265 = arith.index_cast %add3A_2264 : i32 to index
      %get3A_2266 = arith.constant 0 : index
      %get3A_2267 = tpu.vector_load %arg8[%get3A_2265, %get3A_2266] {strides = array<i32>} : memref<900x91xf32, #tpu.memory_space<vmem>>, vector<16xf32>,
      %eq3A_2268 = vector.broadcast %reduce_max3A_2122 : f32 to vector<16xf32>
      %eq3A_2269 = arith.cmpf oeq, %get3A_2267, %eq3A_2268 : vector<16xf32>
      %mul3A_2270 = arith.constant 128 : i32
      %mul3A_2271 = arith.muli %add3A_2264, %mul3A_2270 : i32
      %add3A_2272 = arith.constant 0 : i32
      %add3A_2273 = arith.addi %mul3A_2271, %add3A_2272 : i32
      %add3A_2274 = vector.broadcast %add3A_2273 : i32 to vector<16xi32>
      %add3A_2275 = arith.addi %add3A_2274, %iota3A : vector<16xi32>
      %jit3A_2276 = arith.constant 1073741824 : i32
      %broadcast_in_dim3A_2277 = vector.broadcast %jit3A_2276 : i32 to vector<16xi32>
      %select_n3A_2278 = arith.select %eq3A_2269, %add3A_2275, %broadcast_in_dim3A_2277 : vector<16xi1>, vector<16xi32>
      %min3A_2279 = arith.minsi %min3A_2260, %select_n3A_2278 : vector<16xi32>
      %get3A_2280 = arith.index_cast %add3A_2264 : i32 to index
      %get3A_2281 = arith.constant 16 : index
      %get3A_2282 = tpu.vector_load %arg8[%get3A_2280, %get3A_2281] {strides = array<i32>} : memref<900x91xf32, #tpu.memory_space<vmem>>, vector<16xf32>,
      %eq3A_2283 = vector.broadcast %reduce_max3A_2122 : f32 to vector<16xf32>
      %eq3A_2284 = arith.cmpf oeq, %get3A_2282, %eq3A_2283 : vector<16xf32>
      %mul3A_2285 = arith.constant 128 : i32
      %mul3A_2286 = arith.muli %add3A_2264, %mul3A_2285 : i32
      %add3A_2287 = arith.constant 16 : i32
      %add3A_2288 = arith.addi %mul3A_2286, %add3A_2287 : i32
      %add3A_2289 = vector.broadcast %add3A_2288 : i32 to vector<16xi32>
      %add3A_2290 = arith.addi %add3A_2289, %iota3A : vector<16xi32>
      %jit3A_2291 = arith.constant 1073741824 : i32
      %broadcast_in_dim3A_2292 = vector.broadcast %jit3A_2291 : i32 to vector<16xi32>
      %select_n3A_2293 = arith.select %eq3A_2284, %add3A_2290, %broadcast_in_dim3A_2292 : vector<16xi1>, vector<16xi32>
      %min3A_2294 = arith.minsi %min3A_2279, %select_n3A_2293 : vector<16xi32>
      %get3A_2295 = arith.index_cast %add3A_2264 : i32 to index
      %get3A_2296 = arith.constant 32 : index
      %get3A_2297 = tpu.vector_load %arg8[%get3A_2295, %get3A_2296] {strides = array<i32>} : memref<900x91xf32, #tpu.memory_space<vmem>>, vector<16xf32>,
      %eq3A_2298 = vector.broadcast %reduce_max3A_2122 : f32 to vector<16xf32>
      %eq3A_2299 = arith.cmpf oeq, %get3A_2297, %eq3A_2298 : vector<16xf32>
      %mul3A_2300 = arith.constant 128 : i32
      %mul3A_2301 = arith.muli %add3A_2264, %mul3A_2300 : i32
      %add3A_2302 = arith.constant 32 : i32
      %add3A_2303 = arith.addi %mul3A_2301, %add3A_2302 : i32
      %add3A_2304 = vector.broadcast %add3A_2303 : i32 to vector<16xi32>
      %add3A_2305 = arith.addi %add3A_2304, %iota3A : vector<16xi32>
      %jit3A_2306 = arith.constant 1073741824 : i32
      %broadcast_in_dim3A_2307 = vector.broadcast %jit3A_2306 : i32 to vector<16xi32>
      %select_n3A_2308 = arith.select %eq3A_2299, %add3A_2305, %broadcast_in_dim3A_2307 : vector<16xi1>, vector<16xi32>
      %min3A_2309 = arith.minsi %min3A_2294, %select_n3A_2308 : vector<16xi32>
      %get3A_2310 = arith.index_cast %add3A_2264 : i32 to index
      %get3A_2311 = arith.constant 48 : index
      %get3A_2312 = tpu.vector_load %arg8[%get3A_2310, %get3A_2311] {strides = array<i32>} : memref<900x91xf32, #tpu.memory_space<vmem>>, vector<16xf32>,
      %eq3A_2313 = vector.broadcast %reduce_max3A_2122 : f32 to vector<16xf32>
      %eq3A_2314 = arith.cmpf oeq, %get3A_2312, %eq3A_2313 : vector<16xf32>
      %mul3A_2315 = arith.constant 128 : i32
      %mul3A_2316 = arith.muli %add3A_2264, %mul3A_2315 : i32
      %add3A_2317 = arith.constant 48 : i32
      %add3A_2318 = arith.addi %mul3A_2316, %add3A_2317 : i32
      %add3A_2319 = vector.broadcast %add3A_2318 : i32 to vector<16xi32>
      %add3A_2320 = arith.addi %add3A_2319, %iota3A : vector<16xi32>
      %jit3A_2321 = arith.constant 1073741824 : i32
      %broadcast_in_dim3A_2322 = vector.broadcast %jit3A_2321 : i32 to vector<16xi32>
      %select_n3A_2323 = arith.select %eq3A_2314, %add3A_2320, %broadcast_in_dim3A_2322 : vector<16xi1>, vector<16xi32>
      %min3A_2324 = arith.minsi %min3A_2309, %select_n3A_2323 : vector<16xi32>
      %get3A_2325 = arith.index_cast %add3A_2264 : i32 to index
      %get3A_2326 = arith.constant 64 : index
      %get3A_2327 = tpu.vector_load %arg8[%get3A_2325, %get3A_2326] {strides = array<i32>} : memref<900x91xf32, #tpu.memory_space<vmem>>, vector<16xf32>,
      %eq3A_2328 = vector.broadcast %reduce_max3A_2122 : f32 to vector<16xf32>
      %eq3A_2329 = arith.cmpf oeq, %get3A_2327, %eq3A_2328 : vector<16xf32>
      %mul3A_2330 = arith.constant 128 : i32
      %mul3A_2331 = arith.muli %add3A_2264, %mul3A_2330 : i32
      %add3A_2332 = arith.constant 64 : i32
      %add3A_2333 = arith.addi %mul3A_2331, %add3A_2332 : i32
      %add3A_2334 = vector.broadcast %add3A_2333 : i32 to vector<16xi32>
      %add3A_2335 = arith.addi %add3A_2334, %iota3A : vector<16xi32>
      %jit3A_2336 = arith.constant 1073741824 : i32
      %broadcast_in_dim3A_2337 = vector.broadcast %jit3A_2336 : i32 to vector<16xi32>
      %select_n3A_2338 = arith.select %eq3A_2329, %add3A_2335, %broadcast_in_dim3A_2337 : vector<16xi1>, vector<16xi32>
      %min3A_2339 = arith.minsi %min3A_2324, %select_n3A_2338 : vector<16xi32>
      %get3A_2340 = arith.index_cast %add3A_2264 : i32 to index
      %get3A_2341 = arith.constant 75 : index
      %get3A_2342 = tpu.vector_load %arg8[%get3A_2340, %get3A_2341] {strides = array<i32>} : memref<900x91xf32, #tpu.memory_space<vmem>>, vector<16xf32>,
      %eq3A_2343 = vector.broadcast %reduce_max3A_2122 : f32 to vector<16xf32>
      %eq3A_2344 = arith.cmpf oeq, %get3A_2342, %eq3A_2343 : vector<16xf32>
      %mul3A_2345 = arith.constant 128 : i32
      %mul3A_2346 = arith.muli %add3A_2264, %mul3A_2345 : i32
      %add3A_2347 = arith.constant 75 : i32
      %add3A_2348 = arith.addi %mul3A_2346, %add3A_2347 : i32
      %add3A_2349 = vector.broadcast %add3A_2348 : i32 to vector<16xi32>
      %add3A_2350 = arith.addi %add3A_2349, %iota3A : vector<16xi32>
      %jit3A_2351 = arith.constant 1073741824 : i32
      %broadcast_in_dim3A_2352 = vector.broadcast %jit3A_2351 : i32 to vector<16xi32>
      %select_n3A_2353 = arith.select %eq3A_2344, %add3A_2350, %broadcast_in_dim3A_2352 : vector<16xi1>, vector<16xi32>
      %min3A_2354 = arith.minsi %min3A_2339, %select_n3A_2353 : vector<16xi32>
      %reduce_min3A_2355 = arith.constant true
      %reduce_min3A_2356 = vector.broadcast %reduce_min3A_2355 : i1 to vector<16xi1>
      %reduce_min3A_2357 = arith.constant -2147483648 : i32
      %reduce_min3A_2358 = vector.broadcast %reduce_min3A_2357 : i32 to vector<16xi32>
      %reduce_min3A_2359 = arith.xori %min3A_2354, %reduce_min3A_2358 : vector<16xi32>
      %reduce_min3A_2360 = tpu.scan <min>, %reduce_min3A_2359 masked %reduce_min3A_2356 : vector<16xi32>, vector<16xi1> -> vector<16xi32>
      %reduce_min3A_2361 = arith.xori %reduce_min3A_2360, %reduce_min3A_2358 : vector<16xi32>
      %reduce_min3A_2362 = vector.extract %reduce_min3A_2361[15] : i32 from vector<16xi32>
      %broadcast_in_dim3A_2363 = vector.broadcast %scan3A_2112 : i32 to vector<16xi32>
      %broadcast_in_dim3A_2364 = vector.broadcast %reduce_max3A_2122 : f32 to vector<16xf32>
      tpu.vector_store_idx %arg11[%broadcast_in_dim3A_2363], %broadcast_in_dim3A_2364 masked %eq3A_2 : memref<112xf32, #tpu.memory_space<vmem>>[vector<16xi32>], vector<16xf32>, vector<16xi1>
      %broadcast_in_dim3A_2365 = vector.broadcast %reduce_min3A_2362 : i32 to vector<16xi32>
      tpu.vector_store_idx %arg12[%broadcast_in_dim3A_2363], %broadcast_in_dim3A_2365 masked %eq3A_2 : memref<112xi32, #tpu.memory_space<vmem>>[vector<16xi32>], vector<16xi32>, vector<16xi1>
      %shift_right_arithmetic3A_2366 = arith.constant 7 : i32
      %shift_right_arithmetic3A_2367 = arith.shrsi %reduce_min3A_2362, %shift_right_arithmetic3A_2366 : i32
      %and3A_2368 = arith.constant 127 : i32
      %and3A_2369 = arith.andi %reduce_min3A_2362, %and3A_2368 : i32
      %jit3A_2370 = arith.constant 16 : i32
      %eq3A_2371 = arith.constant 0 : i32
      %eq3A_2372 = arith.cmpi eq, %jit3A_2370, %eq3A_2371 : i32
      %jit3A_2373 = arith.constant 1 : i32
      %select_n3A_2374 = arith.select %eq3A_2372, %jit3A_2373, %jit3A_2370 : i32
      %rem3A_2375 = arith.remsi %and3A_2369, %select_n3A_2374 : i32
      %ne3A_2376 = arith.constant 0 : i32
      %ne3A_2377 = arith.cmpi ne, %rem3A_2375, %ne3A_2376 : i32
      %lt3A_2378 = arith.constant 0 : i32
      %lt3A_2379 = arith.cmpi slt, %rem3A_2375, %lt3A_2378 : i32
      %lt3A_2380 = arith.constant 0 : i32
      %lt3A_2381 = arith.cmpi slt, %select_n3A_2374, %lt3A_2380 : i32
      %ne3A_2382 = arith.xori %lt3A_2379, %lt3A_2381 : i1
      %and3A_2383 = arith.andi %ne3A_2382, %ne3A_2377 : i1
      %add3A_2384 = arith.addi %rem3A_2375, %select_n3A_2374 : i32
      %select_n3A_2385 = arith.select %and3A_2383, %add3A_2384, %rem3A_2375 : i32
      %sub3A_2386 = arith.subi %and3A_2369, %select_n3A_2385 : i32
      %min3A_2387 = arith.constant 75 : i32
      %min3A_2388 = arith.minsi %sub3A_2386, %min3A_2387 : i32
      %get3A_2389 = arith.index_cast %shift_right_arithmetic3A_2367 : i32 to index
      %get3A_2390 = arith.index_cast %min3A_2388 : i32 to index
      %get3A_2391 = tpu.vector_load %arg8[%get3A_2389, %get3A_2390] {strides = array<i32>} : memref<900x91xf32, #tpu.memory_space<vmem>>, vector<16xf32>,
      %sub3A_2392 = arith.subi %and3A_2369, %min3A_2388 : i32
      %eq3A_2393 = vector.broadcast %sub3A_2392 : i32 to vector<16xi32>
      %eq3A_2394 = arith.cmpi eq, %iota3A, %eq3A_2393 : vector<16xi32>
      %jit3A_2395 = arith.constant 0xFF800000 : f32
      %broadcast_in_dim3A_2396 = vector.broadcast %jit3A_2395 : f32 to vector<16xf32>
      %select_n3A_2397 = arith.select %eq3A_2394, %broadcast_in_dim3A_2396, %get3A_2391 : vector<16xi1>, vector<16xf32>
      %swap3A_2398 = arith.index_cast %shift_right_arithmetic3A_2367 : i32 to index
      %swap3A_2399 = arith.index_cast %min3A_2388 : i32 to index
      %swap3A_2400 = tpu.vector_load %arg8[%swap3A_2398, %swap3A_2399] {strides = array<i32>} : memref<900x91xf32, #tpu.memory_space<vmem>>, vector<16xf32>,
      tpu.vector_store %arg8[%swap3A_2398, %swap3A_2399], %select_n3A_2397 {strides = array<i32>} : memref<900x91xf32, #tpu.memory_space<vmem>>, vector<16xf32>,
      %broadcast_in_dim3A_2401 = arith.constant 0xFF800000 : f32
      %broadcast_in_dim3A_2402 = vector.broadcast %broadcast_in_dim3A_2401 : f32 to vector<16xf32>
      %mul3A_2403 = arith.constant 2 : i32
      %mul3A_2404 = arith.muli %mul3A_2403, %reduce_min3A_2164 : i32
      %add3A_2405 = arith.constant 0 : i32
      %add3A_2406 = arith.addi %mul3A_2404, %add3A_2405 : i32
      %get3A_2407 = arith.index_cast %add3A_2406 : i32 to index
      %get3A_2408 = arith.constant 0 : index
      %get3A_2409 = tpu.vector_load %arg8[%get3A_2407, %get3A_2408] {strides = array<i32>} : memref<900x91xf32, #tpu.memory_space<vmem>>, vector<16xf32>,
      %max3A_2410 = arith.maximumf %broadcast_in_dim3A_2402, %get3A_2409 : vector<16xf32>
      %mul3A_2411 = arith.constant 2 : i32
      %mul3A_2412 = arith.muli %mul3A_2411, %reduce_min3A_2164 : i32
      %add3A_2413 = arith.constant 0 : i32
      %add3A_2414 = arith.addi %mul3A_2412, %add3A_2413 : i32
      %get3A_2415 = arith.index_cast %add3A_2414 : i32 to index
      %get3A_2416 = arith.constant 16 : index
      %get3A_2417 = tpu.vector_load %arg8[%get3A_2415, %get3A_2416] {strides = array<i32>} : memref<900x91xf32, #tpu.memory_space<vmem>>, vector<16xf32>,
      %max3A_2418 = arith.maximumf %max3A_2410, %get3A_2417 : vector<16xf32>
      %mul3A_2419 = arith.constant 2 : i32
      %mul3A_2420 = arith.muli %mul3A_2419, %reduce_min3A_2164 : i32
      %add3A_2421 = arith.constant 0 : i32
      %add3A_2422 = arith.addi %mul3A_2420, %add3A_2421 : i32
      %get3A_2423 = arith.index_cast %add3A_2422 : i32 to index
      %get3A_2424 = arith.constant 32 : index
      %get3A_2425 = tpu.vector_load %arg8[%get3A_2423, %get3A_2424] {strides = array<i32>} : memref<900x91xf32, #tpu.memory_space<vmem>>, vector<16xf32>,
      %max3A_2426 = arith.maximumf %max3A_2418, %get3A_2425 : vector<16xf32>
      %mul3A_2427 = arith.constant 2 : i32
      %mul3A_2428 = arith.muli %mul3A_2427, %reduce_min3A_2164 : i32
      %add3A_2429 = arith.constant 0 : i32
      %add3A_2430 = arith.addi %mul3A_2428, %add3A_2429 : i32
      %get3A_2431 = arith.index_cast %add3A_2430 : i32 to index
      %get3A_2432 = arith.constant 48 : index
      %get3A_2433 = tpu.vector_load %arg8[%get3A_2431, %get3A_2432] {strides = array<i32>} : memref<900x91xf32, #tpu.memory_space<vmem>>, vector<16xf32>,
      %max3A_2434 = arith.maximumf %max3A_2426, %get3A_2433 : vector<16xf32>
      %mul3A_2435 = arith.constant 2 : i32
      %mul3A_2436 = arith.muli %mul3A_2435, %reduce_min3A_2164 : i32
      %add3A_2437 = arith.constant 0 : i32
      %add3A_2438 = arith.addi %mul3A_2436, %add3A_2437 : i32
      %get3A_2439 = arith.index_cast %add3A_2438 : i32 to index
      %get3A_2440 = arith.constant 64 : index
      %get3A_2441 = tpu.vector_load %arg8[%get3A_2439, %get3A_2440] {strides = array<i32>} : memref<900x91xf32, #tpu.memory_space<vmem>>, vector<16xf32>,
      %max3A_2442 = arith.maximumf %max3A_2434, %get3A_2441 : vector<16xf32>
      %mul3A_2443 = arith.constant 2 : i32
      %mul3A_2444 = arith.muli %mul3A_2443, %reduce_min3A_2164 : i32
      %add3A_2445 = arith.constant 0 : i32
      %add3A_2446 = arith.addi %mul3A_2444, %add3A_2445 : i32
      %get3A_2447 = arith.index_cast %add3A_2446 : i32 to index
      %get3A_2448 = arith.constant 75 : index
      %get3A_2449 = tpu.vector_load %arg8[%get3A_2447, %get3A_2448] {strides = array<i32>} : memref<900x91xf32, #tpu.memory_space<vmem>>, vector<16xf32>,
      %max3A_2450 = arith.maximumf %max3A_2442, %get3A_2449 : vector<16xf32>
      %mul3A_2451 = arith.constant 2 : i32
      %mul3A_2452 = arith.muli %mul3A_2451, %reduce_min3A_2164 : i32
      %add3A_2453 = arith.constant 1 : i32
      %add3A_2454 = arith.addi %mul3A_2452, %add3A_2453 : i32
      %get3A_2455 = arith.index_cast %add3A_2454 : i32 to index
      %get3A_2456 = arith.constant 0 : index
      %get3A_2457 = tpu.vector_load %arg8[%get3A_2455, %get3A_2456] {strides = array<i32>} : memref<900x91xf32, #tpu.memory_space<vmem>>, vector<16xf32>,
      %max3A_2458 = arith.maximumf %max3A_2450, %get3A_2457 : vector<16xf32>
      %mul3A_2459 = arith.constant 2 : i32
      %mul3A_2460 = arith.muli %mul3A_2459, %reduce_min3A_2164 : i32
      %add3A_2461 = arith.constant 1 : i32
      %add3A_2462 = arith.addi %mul3A_2460, %add3A_2461 : i32
      %get3A_2463 = arith.index_cast %add3A_2462 : i32 to index
      %get3A_2464 = arith.constant 16 : index
      %get3A_2465 = tpu.vector_load %arg8[%get3A_2463, %get3A_2464] {strides = array<i32>} : memref<900x91xf32, #tpu.memory_space<vmem>>, vector<16xf32>,
      %max3A_2466 = arith.maximumf %max3A_2458, %get3A_2465 : vector<16xf32>
      %mul3A_2467 = arith.constant 2 : i32
      %mul3A_2468 = arith.muli %mul3A_2467, %reduce_min3A_2164 : i32
      %add3A_2469 = arith.constant 1 : i32
      %add3A_2470 = arith.addi %mul3A_2468, %add3A_2469 : i32
      %get3A_2471 = arith.index_cast %add3A_2470 : i32 to index
      %get3A_2472 = arith.constant 32 : index
      %get3A_2473 = tpu.vector_load %arg8[%get3A_2471, %get3A_2472] {strides = array<i32>} : memref<900x91xf32, #tpu.memory_space<vmem>>, vector<16xf32>,
      %max3A_2474 = arith.maximumf %max3A_2466, %get3A_2473 : vector<16xf32>
      %mul3A_2475 = arith.constant 2 : i32
      %mul3A_2476 = arith.muli %mul3A_2475, %reduce_min3A_2164 : i32
      %add3A_2477 = arith.constant 1 : i32
      %add3A_2478 = arith.addi %mul3A_2476, %add3A_2477 : i32
      %get3A_2479 = arith.index_cast %add3A_2478 : i32 to index
      %get3A_2480 = arith.constant 48 : index
      %get3A_2481 = tpu.vector_load %arg8[%get3A_2479, %get3A_2480] {strides = array<i32>} : memref<900x91xf32, #tpu.memory_space<vmem>>, vector<16xf32>,
      %max3A_2482 = arith.maximumf %max3A_2474, %get3A_2481 : vector<16xf32>
      %mul3A_2483 = arith.constant 2 : i32
      %mul3A_2484 = arith.muli %mul3A_2483, %reduce_min3A_2164 : i32
      %add3A_2485 = arith.constant 1 : i32
      %add3A_2486 = arith.addi %mul3A_2484, %add3A_2485 : i32
      %get3A_2487 = arith.index_cast %add3A_2486 : i32 to index
      %get3A_2488 = arith.constant 64 : index
      %get3A_2489 = tpu.vector_load %arg8[%get3A_2487, %get3A_2488] {strides = array<i32>} : memref<900x91xf32, #tpu.memory_space<vmem>>, vector<16xf32>,
      %max3A_2490 = arith.maximumf %max3A_2482, %get3A_2489 : vector<16xf32>
      %mul3A_2491 = arith.constant 2 : i32
      %mul3A_2492 = arith.muli %mul3A_2491, %reduce_min3A_2164 : i32
      %add3A_2493 = arith.constant 1 : i32
      %add3A_2494 = arith.addi %mul3A_2492, %add3A_2493 : i32
      %get3A_2495 = arith.index_cast %add3A_2494 : i32 to index
      %get3A_2496 = arith.constant 75 : index
      %get3A_2497 = tpu.vector_load %arg8[%get3A_2495, %get3A_2496] {strides = array<i32>} : memref<900x91xf32, #tpu.memory_space<vmem>>, vector<16xf32>,
      %max3A_2498 = arith.maximumf %max3A_2490, %get3A_2497 : vector<16xf32>
      %broadcast_in_dim3A_2499 = vector.broadcast %reduce_min3A_2164 : i32 to vector<16xi32>
      %reduce_max3A_2500 = arith.constant true
      %reduce_max3A_2501 = vector.broadcast %reduce_max3A_2500 : i1 to vector<16xi1>
      %reduce_max3A_2502 = tpu.scan <max>, %max3A_2498 masked %reduce_max3A_2501 : vector<16xf32>, vector<16xi1> -> vector<16xf32>
      %reduce_max3A_2503 = vector.extract %reduce_max3A_2502[15] : f32 from vector<16xf32>
      %broadcast_in_dim3A_2504 = vector.broadcast %reduce_max3A_2503 : f32 to vector<16xf32>
      tpu.vector_store_idx %arg9[%broadcast_in_dim3A_2499], %broadcast_in_dim3A_2504 masked %eq3A_2 : memref<464xf32, #tpu.memory_space<vmem>>[vector<16xi32>], vector<16xf32>, vector<16xi1>
      %shift_right_arithmetic3A_2505 = arith.constant 4 : i32
      %shift_right_arithmetic3A_2506 = arith.shrsi %reduce_min3A_2164, %shift_right_arithmetic3A_2505 : i32
      %mul3A_2507 = arith.constant 16 : i32
      %mul3A_2508 = arith.muli %shift_right_arithmetic3A_2506, %mul3A_2507 : i32
      %get3A_2509 = arith.index_cast %mul3A_2508 : i32 to index
      %get3A_2510 = tpu.vector_load %arg9[%get3A_2509] {strides = array<i32>} : memref<464xf32, #tpu.memory_space<vmem>>, vector<16xf32>,
      %reduce_max3A_2511 = arith.constant true
      %reduce_max3A_2512 = vector.broadcast %reduce_max3A_2511 : i1 to vector<16xi1>
      %reduce_max3A_2513 = tpu.scan <max>, %get3A_2510 masked %reduce_max3A_2512 : vector<16xf32>, vector<16xi1> -> vector<16xf32>
      %reduce_max3A_2514 = vector.extract %reduce_max3A_2513[15] : f32 from vector<16xf32>
      %broadcast_in_dim3A_2515 = vector.broadcast %shift_right_arithmetic3A_2506 : i32 to vector<16xi32>
      %broadcast_in_dim3A_2516 = vector.broadcast %reduce_max3A_2514 : f32 to vector<16xf32>
      tpu.vector_store_idx %arg10[%broadcast_in_dim3A_2515], %broadcast_in_dim3A_2516 masked %eq3A_2 : memref<32xf32, #tpu.memory_space<vmem>>[vector<16xi32>], vector<16xf32>, vector<16xi1>
      %scan3A_2517 = arith.constant 0 : i32
      scf.yield %scan3A_2517 : i32
    }
    %scan3A_291 = arith.constant 100 : i32
    %jit3A_292 = arith.constant 8 : i32
    %div3A = arith.divsi %add3A_6, %jit3A_292 : i32
    %sign3A = arith.constant 0 : i32
    %sign3A_293 = arith.cmpi sgt, %add3A_6, %sign3A : i32
    %sign3A_294 = arith.extui %sign3A_293 : i1 to i32
    %sign3A_295 = arith.constant 0 : i32
    %sign3A_296 = arith.cmpi slt, %add3A_6, %sign3A_295 : i32
    %sign3A_297 = arith.extui %sign3A_296 : i1 to i32
    %sign3A_298 = arith.subi %sign3A_294, %sign3A_297 : i32
    %sign3A_299 = arith.constant 0 : i32
    %sign3A_300 = arith.cmpi sgt, %jit3A_292, %sign3A_299 : i32
    %sign3A_301 = arith.extui %sign3A_300 : i1 to i32
    %sign3A_302 = arith.constant 0 : i32
    %sign3A_303 = arith.cmpi slt, %jit3A_292, %sign3A_302 : i32
    %sign3A_304 = arith.extui %sign3A_303 : i1 to i32
    %sign3A_305 = arith.subi %sign3A_301, %sign3A_304 : i32
    %ne3A = arith.cmpi ne, %sign3A_298, %sign3A_305 : i32
    %rem3A = arith.remsi %add3A_6, %jit3A_292 : i32
    %ne3A_306 = arith.constant 0 : i32
    %ne3A_307 = arith.cmpi ne, %rem3A, %ne3A_306 : i32
    %and3A = arith.andi %ne3A, %ne3A_307 : i1
    %sub3A = arith.constant 1 : i32
    %sub3A_308 = arith.subi %div3A, %sub3A : i32
    %select_n3A_309 = arith.select %and3A, %sub3A_308, %div3A : i32
    %mul3A_310 = arith.constant 16 : i32
    %mul3A_311 = arith.muli %select_n3A_309, %mul3A_310 : i32
    %get3A_312 = arith.index_cast %mul3A_311 : i32 to index
    %get3A_313 = tpu.vector_load %arg17[%get3A_312] {strides = array<i32>} : memref<128xi32, #tpu.memory_space<vmem>>, vector<16xi32>,
    %mul3A_314 = arith.constant 2 : i32
    %mul3A_315 = arith.muli %add3A_6, %mul3A_314 : i32
    %sub3A_316 = arith.subi %mul3A_315, %mul3A_311 : i32
    %eq3A_317 = vector.broadcast %sub3A_316 : i32 to vector<16xi32>
    %eq3A_318 = arith.cmpi eq, %iota3A, %eq3A_317 : vector<16xi32>
    %jit3A_319 = arith.constant -1 : i32
    %broadcast_in_dim3A_320 = vector.broadcast %jit3A_319 : i32 to vector<16xi32>
    %select_n3A_321 = arith.select %eq3A_318, %get3A_313, %broadcast_in_dim3A_320 : vector<16xi1>, vector<16xi32>
    %reduce_max3A_322 = arith.constant true
    %reduce_max3A_323 = vector.broadcast %reduce_max3A_322 : i1 to vector<16xi1>
    %reduce_max3A_324 = arith.constant -2147483648 : i32
    %reduce_max3A_325 = vector.broadcast %reduce_max3A_324 : i32 to vector<16xi32>
    %reduce_max3A_326 = arith.xori %select_n3A_321, %reduce_max3A_325 : vector<16xi32>
    %reduce_max3A_327 = tpu.scan <max>, %reduce_max3A_326 masked %reduce_max3A_323 : vector<16xi32>, vector<16xi1> -> vector<16xi32>
    %reduce_max3A_328 = arith.xori %reduce_max3A_327, %reduce_max3A_325 : vector<16xi32>
    %reduce_max3A_329 = vector.extract %reduce_max3A_328[15] : i32 from vector<16xi32>
    %convert_element_type3A = arith.sitofp %reduce_max3A_329 : i32 to f32
    %add3A_330 = arith.constant 1 : i32
    %add3A_331 = arith.addi %sub3A_316, %add3A_330 : i32
    %eq3A_332 = vector.broadcast %add3A_331 : i32 to vector<16xi32>
    %eq3A_333 = arith.cmpi eq, %iota3A, %eq3A_332 : vector<16xi32>
    %jit3A_334 = arith.constant -1 : i32
    %broadcast_in_dim3A_335 = vector.broadcast %jit3A_334 : i32 to vector<16xi32>
    %select_n3A_336 = arith.select %eq3A_333, %get3A_313, %broadcast_in_dim3A_335 : vector<16xi1>, vector<16xi32>
    %reduce_max3A_337 = arith.constant true
    %reduce_max3A_338 = vector.broadcast %reduce_max3A_337 : i1 to vector<16xi1>
    %reduce_max3A_339 = arith.constant -2147483648 : i32
    %reduce_max3A_340 = vector.broadcast %reduce_max3A_339 : i32 to vector<16xi32>
    %reduce_max3A_341 = arith.xori %select_n3A_336, %reduce_max3A_340 : vector<16xi32>
    %reduce_max3A_342 = tpu.scan <max>, %reduce_max3A_341 masked %reduce_max3A_338 : vector<16xi32>, vector<16xi1> -> vector<16xi32>
    %reduce_max3A_343 = arith.xori %reduce_max3A_342, %reduce_max3A_340 : vector<16xi32>
    %reduce_max3A_344 = vector.extract %reduce_max3A_343[15] : i32 from vector<16xi32>
    %convert_element_type3A_345 = arith.sitofp %reduce_max3A_344 : i32 to f32
    %get3A_346 = arith.constant 0 : index
    %get3A_347 = tpu.vector_load %arg11[%get3A_346] {strides = array<i32>} : memref<112xf32, #tpu.memory_space<vmem>>, vector<16xf32>,
    %neg3A = arith.constant 0.000000e+00 : f32
    %neg3A_348 = vector.broadcast %neg3A : f32 to vector<16xf32>
    %neg3A_349 = arith.subf %neg3A_348, %get3A_347 : vector<16xf32>
    %exp3A = math.exp %neg3A_349 : vector<16xf32>
    %add3A_350 = arith.constant 1.000000e+00 : f32
    %add3A_351 = vector.broadcast %add3A_350 : f32 to vector<16xf32>
    %add3A_352 = arith.addf %add3A_351, %exp3A : vector<16xf32>
    %div3A_353 = arith.constant 1.000000e+00 : f32
    %div3A_354 = vector.broadcast %div3A_353 : f32 to vector<16xf32>
    %div3A_355 = arith.divf %div3A_354, %add3A_352 : vector<16xf32>
    %swap3A_356 = arith.constant 0 : i32
    %swap3A_357 = arith.index_cast %swap3A_356 : i32 to index
    %swap3A_358 = arith.constant 0 : index
    %swap3A_359 = tpu.vector_load %arg13[%swap3A_357, %swap3A_358] {strides = array<i32>} : memref<8x128xf32, #tpu.memory_space<vmem>>, vector<16xf32>,
    tpu.vector_store %arg13[%swap3A_357, %swap3A_358], %div3A_355 {strides = array<i32>} : memref<8x128xf32, #tpu.memory_space<vmem>>, vector<16xf32>,
    %get3A_360 = arith.constant 0 : index
    %get3A_361 = tpu.vector_load %arg12[%get3A_360] {strides = array<i32>} : memref<112xi32, #tpu.memory_space<vmem>>, vector<16xi32>,
    %and3A_362 = arith.constant 127 : i32
    %and3A_363 = vector.broadcast %and3A_362 : i32 to vector<16xi32>
    %and3A_364 = arith.andi %get3A_361, %and3A_363 : vector<16xi32>
    %swap3A_365 = arith.constant 0 : i32
    %swap3A_366 = arith.index_cast %swap3A_365 : i32 to index
    %swap3A_367 = arith.constant 0 : index
    %swap3A_368 = tpu.vector_load %arg14[%swap3A_366, %swap3A_367] {strides = array<i32>} : memref<8x128xi32, #tpu.memory_space<vmem>>, vector<16xi32>,
    tpu.vector_store %arg14[%swap3A_366, %swap3A_367], %and3A_364 {strides = array<i32>} : memref<8x128xi32, #tpu.memory_space<vmem>>, vector<16xi32>,
    %shift_right_arithmetic3A = arith.constant 7 : i32
    %shift_right_arithmetic3A_369 = vector.broadcast %shift_right_arithmetic3A : i32 to vector<16xi32>
    %shift_right_arithmetic3A_370 = arith.shrsi %get3A_361, %shift_right_arithmetic3A_369 : vector<16xi32>
    %jit3A_371 = arith.constant 0 : i32
    %jit3A_372 = arith.constant 899 : i32
    %max3A = vector.broadcast %jit3A_371 : i32 to vector<16xi32>
    %max3A_373 = arith.maxsi %max3A, %shift_right_arithmetic3A_370 : vector<16xi32>
    %min3A = vector.broadcast %jit3A_372 : i32 to vector<16xi32>
    %min3A_374 = arith.minsi %min3A, %max3A_373 : vector<16xi32>
    %mul3A_375 = arith.constant 4 : i32
    %mul3A_376 = vector.broadcast %mul3A_375 : i32 to vector<16xi32>
    %mul3A_377 = arith.muli %min3A_374, %mul3A_376 : vector<16xi32>
    %shift_right_arithmetic3A_378 = arith.constant 7 : i32
    %shift_right_arithmetic3A_379 = vector.broadcast %shift_right_arithmetic3A_378 : i32 to vector<16xi32>
    %shift_right_arithmetic3A_380 = arith.shrsi %mul3A_377, %shift_right_arithmetic3A_379 : vector<16xi32>
    %and3A_381 = arith.constant 127 : i32
    %and3A_382 = vector.broadcast %and3A_381 : i32 to vector<16xi32>
    %and3A_383 = arith.andi %mul3A_377, %and3A_382 : vector<16xi32>
    %gather3A = tpu.vector_load_idx %arg15[%shift_right_arithmetic3A_380, %and3A_383] : memref<32x128xf32, #tpu.memory_space<vmem>>[vector<16xi32>, vector<16xi32>], vector<16xf32>,
    %add3A_384 = arith.constant 1 : i32
    %add3A_385 = vector.broadcast %add3A_384 : i32 to vector<16xi32>
    %add3A_386 = arith.addi %and3A_383, %add3A_385 : vector<16xi32>
    %gather3A_387 = tpu.vector_load_idx %arg15[%shift_right_arithmetic3A_380, %add3A_386] : memref<32x128xf32, #tpu.memory_space<vmem>>[vector<16xi32>, vector<16xi32>], vector<16xf32>,
    %add3A_388 = arith.constant 2 : i32
    %add3A_389 = vector.broadcast %add3A_388 : i32 to vector<16xi32>
    %add3A_390 = arith.addi %and3A_383, %add3A_389 : vector<16xi32>
    %gather3A_391 = tpu.vector_load_idx %arg15[%shift_right_arithmetic3A_380, %add3A_390] : memref<32x128xf32, #tpu.memory_space<vmem>>[vector<16xi32>, vector<16xi32>], vector<16xf32>,
    %add3A_392 = arith.constant 3 : i32
    %add3A_393 = vector.broadcast %add3A_392 : i32 to vector<16xi32>
    %add3A_394 = arith.addi %and3A_383, %add3A_393 : vector<16xi32>
    %gather3A_395 = tpu.vector_load_idx %arg15[%shift_right_arithmetic3A_380, %add3A_394] : memref<32x128xf32, #tpu.memory_space<vmem>>[vector<16xi32>, vector<16xi32>], vector<16xf32>,
    %add3A_396 = arith.constant 0 : i32
    %add3A_397 = vector.broadcast %add3A_396 : i32 to vector<16xi32>
    %add3A_398 = arith.addi %add3A_397, %iota3A : vector<16xi32>
    %mul3A_399 = arith.constant 4 : i32
    %mul3A_400 = vector.broadcast %mul3A_399 : i32 to vector<16xi32>
    %mul3A_401 = arith.muli %add3A_398, %mul3A_400 : vector<16xi32>
    %shift_right_arithmetic3A_402 = arith.constant 7 : i32
    %shift_right_arithmetic3A_403 = vector.broadcast %shift_right_arithmetic3A_402 : i32 to vector<16xi32>
    %shift_right_arithmetic3A_404 = arith.shrsi %mul3A_401, %shift_right_arithmetic3A_403 : vector<16xi32>
    %and3A_405 = arith.constant 127 : i32
    %and3A_406 = vector.broadcast %and3A_405 : i32 to vector<16xi32>
    %and3A_407 = arith.andi %mul3A_401, %and3A_406 : vector<16xi32>
    %mul3A_408 = arith.constant 5.000000e-01 : f32
    %mul3A_409 = vector.broadcast %mul3A_408 : f32 to vector<16xf32>
    %mul3A_410 = arith.mulf %mul3A_409, %gather3A_391 : vector<16xf32>
    %sub3A_411 = arith.subf %gather3A, %mul3A_410 : vector<16xf32>
    %mul3A_412 = vector.broadcast %convert_element_type3A_345 : f32 to vector<16xf32>
    %mul3A_413 = arith.mulf %sub3A_411, %mul3A_412 : vector<16xf32>
    tpu.vector_store_idx %arg16[%shift_right_arithmetic3A_404, %and3A_407], %mul3A_413 : memref<8x128xf32, #tpu.memory_space<vmem>>[vector<16xi32>, vector<16xi32>], vector<16xf32>,
    %add3A_414 = arith.constant 1 : i32
    %add3A_415 = vector.broadcast %add3A_414 : i32 to vector<16xi32>
    %add3A_416 = arith.addi %and3A_407, %add3A_415 : vector<16xi32>
    %mul3A_417 = arith.constant 5.000000e-01 : f32
    %mul3A_418 = vector.broadcast %mul3A_417 : f32 to vector<16xf32>
    %mul3A_419 = arith.mulf %mul3A_418, %gather3A_395 : vector<16xf32>
    %sub3A_420 = arith.subf %gather3A_387, %mul3A_419 : vector<16xf32>
    %mul3A_421 = vector.broadcast %convert_element_type3A : f32 to vector<16xf32>
    %mul3A_422 = arith.mulf %sub3A_420, %mul3A_421 : vector<16xf32>
    tpu.vector_store_idx %arg16[%shift_right_arithmetic3A_404, %add3A_416], %mul3A_422 : memref<8x128xf32, #tpu.memory_space<vmem>>[vector<16xi32>, vector<16xi32>], vector<16xf32>,
    %add3A_423 = arith.constant 2 : i32
    %add3A_424 = vector.broadcast %add3A_423 : i32 to vector<16xi32>
    %add3A_425 = arith.addi %and3A_407, %add3A_424 : vector<16xi32>
    %mul3A_426 = arith.constant 5.000000e-01 : f32
    %mul3A_427 = vector.broadcast %mul3A_426 : f32 to vector<16xf32>
    %mul3A_428 = arith.mulf %mul3A_427, %gather3A_391 : vector<16xf32>
    %add3A_429 = arith.addf %gather3A, %mul3A_428 : vector<16xf32>
    %mul3A_430 = vector.broadcast %convert_element_type3A_345 : f32 to vector<16xf32>
    %mul3A_431 = arith.mulf %add3A_429, %mul3A_430 : vector<16xf32>
    tpu.vector_store_idx %arg16[%shift_right_arithmetic3A_404, %add3A_425], %mul3A_431 : memref<8x128xf32, #tpu.memory_space<vmem>>[vector<16xi32>, vector<16xi32>], vector<16xf32>,
    %add3A_432 = arith.constant 3 : i32
    %add3A_433 = vector.broadcast %add3A_432 : i32 to vector<16xi32>
    %add3A_434 = arith.addi %and3A_407, %add3A_433 : vector<16xi32>
    %mul3A_435 = arith.constant 5.000000e-01 : f32
    %mul3A_436 = vector.broadcast %mul3A_435 : f32 to vector<16xf32>
    %mul3A_437 = arith.mulf %mul3A_436, %gather3A_395 : vector<16xf32>
    %add3A_438 = arith.addf %gather3A_387, %mul3A_437 : vector<16xf32>
    %mul3A_439 = vector.broadcast %convert_element_type3A : f32 to vector<16xf32>
    %mul3A_440 = arith.mulf %add3A_438, %mul3A_439 : vector<16xf32>
    tpu.vector_store_idx %arg16[%shift_right_arithmetic3A_404, %add3A_434], %mul3A_440 : memref<8x128xf32, #tpu.memory_space<vmem>>[vector<16xi32>, vector<16xi32>], vector<16xf32>,
    %get3A_441 = arith.constant 16 : index
    %get3A_442 = tpu.vector_load %arg11[%get3A_441] {strides = array<i32>} : memref<112xf32, #tpu.memory_space<vmem>>, vector<16xf32>,
    %neg3A_443 = arith.constant 0.000000e+00 : f32
    %neg3A_444 = vector.broadcast %neg3A_443 : f32 to vector<16xf32>
    %neg3A_445 = arith.subf %neg3A_444, %get3A_442 : vector<16xf32>
    %exp3A_446 = math.exp %neg3A_445 : vector<16xf32>
    %add3A_447 = arith.constant 1.000000e+00 : f32
    %add3A_448 = vector.broadcast %add3A_447 : f32 to vector<16xf32>
    %add3A_449 = arith.addf %add3A_448, %exp3A_446 : vector<16xf32>
    %div3A_450 = arith.constant 1.000000e+00 : f32
    %div3A_451 = vector.broadcast %div3A_450 : f32 to vector<16xf32>
    %div3A_452 = arith.divf %div3A_451, %add3A_449 : vector<16xf32>
    %swap3A_453 = arith.constant 0 : i32
    %swap3A_454 = arith.index_cast %swap3A_453 : i32 to index
    %swap3A_455 = arith.constant 16 : index
    %swap3A_456 = tpu.vector_load %arg13[%swap3A_454, %swap3A_455] {strides = array<i32>} : memref<8x128xf32, #tpu.memory_space<vmem>>, vector<16xf32>,
    tpu.vector_store %arg13[%swap3A_454, %swap3A_455], %div3A_452 {strides = array<i32>} : memref<8x128xf32, #tpu.memory_space<vmem>>, vector<16xf32>,
    %get3A_457 = arith.constant 16 : index
    %get3A_458 = tpu.vector_load %arg12[%get3A_457] {strides = array<i32>} : memref<112xi32, #tpu.memory_space<vmem>>, vector<16xi32>,
    %and3A_459 = arith.constant 127 : i32
    %and3A_460 = vector.broadcast %and3A_459 : i32 to vector<16xi32>
    %and3A_461 = arith.andi %get3A_458, %and3A_460 : vector<16xi32>
    %swap3A_462 = arith.constant 0 : i32
    %swap3A_463 = arith.index_cast %swap3A_462 : i32 to index
    %swap3A_464 = arith.constant 16 : index
    %swap3A_465 = tpu.vector_load %arg14[%swap3A_463, %swap3A_464] {strides = array<i32>} : memref<8x128xi32, #tpu.memory_space<vmem>>, vector<16xi32>,
    tpu.vector_store %arg14[%swap3A_463, %swap3A_464], %and3A_461 {strides = array<i32>} : memref<8x128xi32, #tpu.memory_space<vmem>>, vector<16xi32>,
    %shift_right_arithmetic3A_466 = arith.constant 7 : i32
    %shift_right_arithmetic3A_467 = vector.broadcast %shift_right_arithmetic3A_466 : i32 to vector<16xi32>
    %shift_right_arithmetic3A_468 = arith.shrsi %get3A_458, %shift_right_arithmetic3A_467 : vector<16xi32>
    %jit3A_469 = arith.constant 0 : i32
    %jit3A_470 = arith.constant 899 : i32
    %max3A_471 = vector.broadcast %jit3A_469 : i32 to vector<16xi32>
    %max3A_472 = arith.maxsi %max3A_471, %shift_right_arithmetic3A_468 : vector<16xi32>
    %min3A_473 = vector.broadcast %jit3A_470 : i32 to vector<16xi32>
    %min3A_474 = arith.minsi %min3A_473, %max3A_472 : vector<16xi32>
    %mul3A_475 = arith.constant 4 : i32
    %mul3A_476 = vector.broadcast %mul3A_475 : i32 to vector<16xi32>
    %mul3A_477 = arith.muli %min3A_474, %mul3A_476 : vector<16xi32>
    %shift_right_arithmetic3A_478 = arith.constant 7 : i32
    %shift_right_arithmetic3A_479 = vector.broadcast %shift_right_arithmetic3A_478 : i32 to vector<16xi32>
    %shift_right_arithmetic3A_480 = arith.shrsi %mul3A_477, %shift_right_arithmetic3A_479 : vector<16xi32>
    %and3A_481 = arith.constant 127 : i32
    %and3A_482 = vector.broadcast %and3A_481 : i32 to vector<16xi32>
    %and3A_483 = arith.andi %mul3A_477, %and3A_482 : vector<16xi32>
    %gather3A_484 = tpu.vector_load_idx %arg15[%shift_right_arithmetic3A_480, %and3A_483] : memref<32x128xf32, #tpu.memory_space<vmem>>[vector<16xi32>, vector<16xi32>], vector<16xf32>,
    %add3A_485 = arith.constant 1 : i32
    %add3A_486 = vector.broadcast %add3A_485 : i32 to vector<16xi32>
    %add3A_487 = arith.addi %and3A_483, %add3A_486 : vector<16xi32>
    %gather3A_488 = tpu.vector_load_idx %arg15[%shift_right_arithmetic3A_480, %add3A_487] : memref<32x128xf32, #tpu.memory_space<vmem>>[vector<16xi32>, vector<16xi32>], vector<16xf32>,
    %add3A_489 = arith.constant 2 : i32
    %add3A_490 = vector.broadcast %add3A_489 : i32 to vector<16xi32>
    %add3A_491 = arith.addi %and3A_483, %add3A_490 : vector<16xi32>
    %gather3A_492 = tpu.vector_load_idx %arg15[%shift_right_arithmetic3A_480, %add3A_491] : memref<32x128xf32, #tpu.memory_space<vmem>>[vector<16xi32>, vector<16xi32>], vector<16xf32>,
    %add3A_493 = arith.constant 3 : i32
    %add3A_494 = vector.broadcast %add3A_493 : i32 to vector<16xi32>
    %add3A_495 = arith.addi %and3A_483, %add3A_494 : vector<16xi32>
    %gather3A_496 = tpu.vector_load_idx %arg15[%shift_right_arithmetic3A_480, %add3A_495] : memref<32x128xf32, #tpu.memory_space<vmem>>[vector<16xi32>, vector<16xi32>], vector<16xf32>,
    %add3A_497 = arith.constant 16 : i32
    %add3A_498 = vector.broadcast %add3A_497 : i32 to vector<16xi32>
    %add3A_499 = arith.addi %add3A_498, %iota3A : vector<16xi32>
    %mul3A_500 = arith.constant 4 : i32
    %mul3A_501 = vector.broadcast %mul3A_500 : i32 to vector<16xi32>
    %mul3A_502 = arith.muli %add3A_499, %mul3A_501 : vector<16xi32>
    %shift_right_arithmetic3A_503 = arith.constant 7 : i32
    %shift_right_arithmetic3A_504 = vector.broadcast %shift_right_arithmetic3A_503 : i32 to vector<16xi32>
    %shift_right_arithmetic3A_505 = arith.shrsi %mul3A_502, %shift_right_arithmetic3A_504 : vector<16xi32>
    %and3A_506 = arith.constant 127 : i32
    %and3A_507 = vector.broadcast %and3A_506 : i32 to vector<16xi32>
    %and3A_508 = arith.andi %mul3A_502, %and3A_507 : vector<16xi32>
    %mul3A_509 = arith.constant 5.000000e-01 : f32
    %mul3A_510 = vector.broadcast %mul3A_509 : f32 to vector<16xf32>
    %mul3A_511 = arith.mulf %mul3A_510, %gather3A_492 : vector<16xf32>
    %sub3A_512 = arith.subf %gather3A_484, %mul3A_511 : vector<16xf32>
    %mul3A_513 = vector.broadcast %convert_element_type3A_345 : f32 to vector<16xf32>
    %mul3A_514 = arith.mulf %sub3A_512, %mul3A_513 : vector<16xf32>
    tpu.vector_store_idx %arg16[%shift_right_arithmetic3A_505, %and3A_508], %mul3A_514 : memref<8x128xf32, #tpu.memory_space<vmem>>[vector<16xi32>, vector<16xi32>], vector<16xf32>,
    %add3A_515 = arith.constant 1 : i32
    %add3A_516 = vector.broadcast %add3A_515 : i32 to vector<16xi32>
    %add3A_517 = arith.addi %and3A_508, %add3A_516 : vector<16xi32>
    %mul3A_518 = arith.constant 5.000000e-01 : f32
    %mul3A_519 = vector.broadcast %mul3A_518 : f32 to vector<16xf32>
    %mul3A_520 = arith.mulf %mul3A_519, %gather3A_496 : vector<16xf32>
    %sub3A_521 = arith.subf %gather3A_488, %mul3A_520 : vector<16xf32>
    %mul3A_522 = vector.broadcast %convert_element_type3A : f32 to vector<16xf32>
    %mul3A_523 = arith.mulf %sub3A_521, %mul3A_522 : vector<16xf32>
    tpu.vector_store_idx %arg16[%shift_right_arithmetic3A_505, %add3A_517], %mul3A_523 : memref<8x128xf32, #tpu.memory_space<vmem>>[vector<16xi32>, vector<16xi32>], vector<16xf32>,
    %add3A_524 = arith.constant 2 : i32
    %add3A_525 = vector.broadcast %add3A_524 : i32 to vector<16xi32>
    %add3A_526 = arith.addi %and3A_508, %add3A_525 : vector<16xi32>
    %mul3A_527 = arith.constant 5.000000e-01 : f32
    %mul3A_528 = vector.broadcast %mul3A_527 : f32 to vector<16xf32>
    %mul3A_529 = arith.mulf %mul3A_528, %gather3A_492 : vector<16xf32>
    %add3A_530 = arith.addf %gather3A_484, %mul3A_529 : vector<16xf32>
    %mul3A_531 = vector.broadcast %convert_element_type3A_345 : f32 to vector<16xf32>
    %mul3A_532 = arith.mulf %add3A_530, %mul3A_531 : vector<16xf32>
    tpu.vector_store_idx %arg16[%shift_right_arithmetic3A_505, %add3A_526], %mul3A_532 : memref<8x128xf32, #tpu.memory_space<vmem>>[vector<16xi32>, vector<16xi32>], vector<16xf32>,
    %add3A_533 = arith.constant 3 : i32
    %add3A_534 = vector.broadcast %add3A_533 : i32 to vector<16xi32>
    %add3A_535 = arith.addi %and3A_508, %add3A_534 : vector<16xi32>
    %mul3A_536 = arith.constant 5.000000e-01 : f32
    %mul3A_537 = vector.broadcast %mul3A_536 : f32 to vector<16xf32>
    %mul3A_538 = arith.mulf %mul3A_537, %gather3A_496 : vector<16xf32>
    %add3A_539 = arith.addf %gather3A_488, %mul3A_538 : vector<16xf32>
    %mul3A_540 = vector.broadcast %convert_element_type3A : f32 to vector<16xf32>
    %mul3A_541 = arith.mulf %add3A_539, %mul3A_540 : vector<16xf32>
    tpu.vector_store_idx %arg16[%shift_right_arithmetic3A_505, %add3A_535], %mul3A_541 : memref<8x128xf32, #tpu.memory_space<vmem>>[vector<16xi32>, vector<16xi32>], vector<16xf32>,
    %get3A_542 = arith.constant 32 : index
    %get3A_543 = tpu.vector_load %arg11[%get3A_542] {strides = array<i32>} : memref<112xf32, #tpu.memory_space<vmem>>, vector<16xf32>,
    %neg3A_544 = arith.constant 0.000000e+00 : f32
    %neg3A_545 = vector.broadcast %neg3A_544 : f32 to vector<16xf32>
    %neg3A_546 = arith.subf %neg3A_545, %get3A_543 : vector<16xf32>
    %exp3A_547 = math.exp %neg3A_546 : vector<16xf32>
    %add3A_548 = arith.constant 1.000000e+00 : f32
    %add3A_549 = vector.broadcast %add3A_548 : f32 to vector<16xf32>
    %add3A_550 = arith.addf %add3A_549, %exp3A_547 : vector<16xf32>
    %div3A_551 = arith.constant 1.000000e+00 : f32
    %div3A_552 = vector.broadcast %div3A_551 : f32 to vector<16xf32>
    %div3A_553 = arith.divf %div3A_552, %add3A_550 : vector<16xf32>
    %swap3A_554 = arith.constant 0 : i32
    %swap3A_555 = arith.index_cast %swap3A_554 : i32 to index
    %swap3A_556 = arith.constant 32 : index
    %swap3A_557 = tpu.vector_load %arg13[%swap3A_555, %swap3A_556] {strides = array<i32>} : memref<8x128xf32, #tpu.memory_space<vmem>>, vector<16xf32>,
    tpu.vector_store %arg13[%swap3A_555, %swap3A_556], %div3A_553 {strides = array<i32>} : memref<8x128xf32, #tpu.memory_space<vmem>>, vector<16xf32>,
    %get3A_558 = arith.constant 32 : index
    %get3A_559 = tpu.vector_load %arg12[%get3A_558] {strides = array<i32>} : memref<112xi32, #tpu.memory_space<vmem>>, vector<16xi32>,
    %and3A_560 = arith.constant 127 : i32
    %and3A_561 = vector.broadcast %and3A_560 : i32 to vector<16xi32>
    %and3A_562 = arith.andi %get3A_559, %and3A_561 : vector<16xi32>
    %swap3A_563 = arith.constant 0 : i32
    %swap3A_564 = arith.index_cast %swap3A_563 : i32 to index
    %swap3A_565 = arith.constant 32 : index
    %swap3A_566 = tpu.vector_load %arg14[%swap3A_564, %swap3A_565] {strides = array<i32>} : memref<8x128xi32, #tpu.memory_space<vmem>>, vector<16xi32>,
    tpu.vector_store %arg14[%swap3A_564, %swap3A_565], %and3A_562 {strides = array<i32>} : memref<8x128xi32, #tpu.memory_space<vmem>>, vector<16xi32>,
    %shift_right_arithmetic3A_567 = arith.constant 7 : i32
    %shift_right_arithmetic3A_568 = vector.broadcast %shift_right_arithmetic3A_567 : i32 to vector<16xi32>
    %shift_right_arithmetic3A_569 = arith.shrsi %get3A_559, %shift_right_arithmetic3A_568 : vector<16xi32>
    %jit3A_570 = arith.constant 0 : i32
    %jit3A_571 = arith.constant 899 : i32
    %max3A_572 = vector.broadcast %jit3A_570 : i32 to vector<16xi32>
    %max3A_573 = arith.maxsi %max3A_572, %shift_right_arithmetic3A_569 : vector<16xi32>
    %min3A_574 = vector.broadcast %jit3A_571 : i32 to vector<16xi32>
    %min3A_575 = arith.minsi %min3A_574, %max3A_573 : vector<16xi32>
    %mul3A_576 = arith.constant 4 : i32
    %mul3A_577 = vector.broadcast %mul3A_576 : i32 to vector<16xi32>
    %mul3A_578 = arith.muli %min3A_575, %mul3A_577 : vector<16xi32>
    %shift_right_arithmetic3A_579 = arith.constant 7 : i32
    %shift_right_arithmetic3A_580 = vector.broadcast %shift_right_arithmetic3A_579 : i32 to vector<16xi32>
    %shift_right_arithmetic3A_581 = arith.shrsi %mul3A_578, %shift_right_arithmetic3A_580 : vector<16xi32>
    %and3A_582 = arith.constant 127 : i32
    %and3A_583 = vector.broadcast %and3A_582 : i32 to vector<16xi32>
    %and3A_584 = arith.andi %mul3A_578, %and3A_583 : vector<16xi32>
    %gather3A_585 = tpu.vector_load_idx %arg15[%shift_right_arithmetic3A_581, %and3A_584] : memref<32x128xf32, #tpu.memory_space<vmem>>[vector<16xi32>, vector<16xi32>], vector<16xf32>,
    %add3A_586 = arith.constant 1 : i32
    %add3A_587 = vector.broadcast %add3A_586 : i32 to vector<16xi32>
    %add3A_588 = arith.addi %and3A_584, %add3A_587 : vector<16xi32>
    %gather3A_589 = tpu.vector_load_idx %arg15[%shift_right_arithmetic3A_581, %add3A_588] : memref<32x128xf32, #tpu.memory_space<vmem>>[vector<16xi32>, vector<16xi32>], vector<16xf32>,
    %add3A_590 = arith.constant 2 : i32
    %add3A_591 = vector.broadcast %add3A_590 : i32 to vector<16xi32>
    %add3A_592 = arith.addi %and3A_584, %add3A_591 : vector<16xi32>
    %gather3A_593 = tpu.vector_load_idx %arg15[%shift_right_arithmetic3A_581, %add3A_592] : memref<32x128xf32, #tpu.memory_space<vmem>>[vector<16xi32>, vector<16xi32>], vector<16xf32>,
    %add3A_594 = arith.constant 3 : i32
    %add3A_595 = vector.broadcast %add3A_594 : i32 to vector<16xi32>
    %add3A_596 = arith.addi %and3A_584, %add3A_595 : vector<16xi32>
    %gather3A_597 = tpu.vector_load_idx %arg15[%shift_right_arithmetic3A_581, %add3A_596] : memref<32x128xf32, #tpu.memory_space<vmem>>[vector<16xi32>, vector<16xi32>], vector<16xf32>,
    %add3A_598 = arith.constant 32 : i32
    %add3A_599 = vector.broadcast %add3A_598 : i32 to vector<16xi32>
    %add3A_600 = arith.addi %add3A_599, %iota3A : vector<16xi32>
    %mul3A_601 = arith.constant 4 : i32
    %mul3A_602 = vector.broadcast %mul3A_601 : i32 to vector<16xi32>
    %mul3A_603 = arith.muli %add3A_600, %mul3A_602 : vector<16xi32>
    %shift_right_arithmetic3A_604 = arith.constant 7 : i32
    %shift_right_arithmetic3A_605 = vector.broadcast %shift_right_arithmetic3A_604 : i32 to vector<16xi32>
    %shift_right_arithmetic3A_606 = arith.shrsi %mul3A_603, %shift_right_arithmetic3A_605 : vector<16xi32>
    %and3A_607 = arith.constant 127 : i32
    %and3A_608 = vector.broadcast %and3A_607 : i32 to vector<16xi32>
    %and3A_609 = arith.andi %mul3A_603, %and3A_608 : vector<16xi32>
    %mul3A_610 = arith.constant 5.000000e-01 : f32
    %mul3A_611 = vector.broadcast %mul3A_610 : f32 to vector<16xf32>
    %mul3A_612 = arith.mulf %mul3A_611, %gather3A_593 : vector<16xf32>
    %sub3A_613 = arith.subf %gather3A_585, %mul3A_612 : vector<16xf32>
    %mul3A_614 = vector.broadcast %convert_element_type3A_345 : f32 to vector<16xf32>
    %mul3A_615 = arith.mulf %sub3A_613, %mul3A_614 : vector<16xf32>
    tpu.vector_store_idx %arg16[%shift_right_arithmetic3A_606, %and3A_609], %mul3A_615 : memref<8x128xf32, #tpu.memory_space<vmem>>[vector<16xi32>, vector<16xi32>], vector<16xf32>,
    %add3A_616 = arith.constant 1 : i32
    %add3A_617 = vector.broadcast %add3A_616 : i32 to vector<16xi32>
    %add3A_618 = arith.addi %and3A_609, %add3A_617 : vector<16xi32>
    %mul3A_619 = arith.constant 5.000000e-01 : f32
    %mul3A_620 = vector.broadcast %mul3A_619 : f32 to vector<16xf32>
    %mul3A_621 = arith.mulf %mul3A_620, %gather3A_597 : vector<16xf32>
    %sub3A_622 = arith.subf %gather3A_589, %mul3A_621 : vector<16xf32>
    %mul3A_623 = vector.broadcast %convert_element_type3A : f32 to vector<16xf32>
    %mul3A_624 = arith.mulf %sub3A_622, %mul3A_623 : vector<16xf32>
    tpu.vector_store_idx %arg16[%shift_right_arithmetic3A_606, %add3A_618], %mul3A_624 : memref<8x128xf32, #tpu.memory_space<vmem>>[vector<16xi32>, vector<16xi32>], vector<16xf32>,
    %add3A_625 = arith.constant 2 : i32
    %add3A_626 = vector.broadcast %add3A_625 : i32 to vector<16xi32>
    %add3A_627 = arith.addi %and3A_609, %add3A_626 : vector<16xi32>
    %mul3A_628 = arith.constant 5.000000e-01 : f32
    %mul3A_629 = vector.broadcast %mul3A_628 : f32 to vector<16xf32>
    %mul3A_630 = arith.mulf %mul3A_629, %gather3A_593 : vector<16xf32>
    %add3A_631 = arith.addf %gather3A_585, %mul3A_630 : vector<16xf32>
    %mul3A_632 = vector.broadcast %convert_element_type3A_345 : f32 to vector<16xf32>
    %mul3A_633 = arith.mulf %add3A_631, %mul3A_632 : vector<16xf32>
    tpu.vector_store_idx %arg16[%shift_right_arithmetic3A_606, %add3A_627], %mul3A_633 : memref<8x128xf32, #tpu.memory_space<vmem>>[vector<16xi32>, vector<16xi32>], vector<16xf32>,
    %add3A_634 = arith.constant 3 : i32
    %add3A_635 = vector.broadcast %add3A_634 : i32 to vector<16xi32>
    %add3A_636 = arith.addi %and3A_609, %add3A_635 : vector<16xi32>
    %mul3A_637 = arith.constant 5.000000e-01 : f32
    %mul3A_638 = vector.broadcast %mul3A_637 : f32 to vector<16xf32>
    %mul3A_639 = arith.mulf %mul3A_638, %gather3A_597 : vector<16xf32>
    %add3A_640 = arith.addf %gather3A_589, %mul3A_639 : vector<16xf32>
    %mul3A_641 = vector.broadcast %convert_element_type3A : f32 to vector<16xf32>
    %mul3A_642 = arith.mulf %add3A_640, %mul3A_641 : vector<16xf32>
    tpu.vector_store_idx %arg16[%shift_right_arithmetic3A_606, %add3A_636], %mul3A_642 : memref<8x128xf32, #tpu.memory_space<vmem>>[vector<16xi32>, vector<16xi32>], vector<16xf32>,
    %get3A_643 = arith.constant 48 : index
    %get3A_644 = tpu.vector_load %arg11[%get3A_643] {strides = array<i32>} : memref<112xf32, #tpu.memory_space<vmem>>, vector<16xf32>,
    %neg3A_645 = arith.constant 0.000000e+00 : f32
    %neg3A_646 = vector.broadcast %neg3A_645 : f32 to vector<16xf32>
    %neg3A_647 = arith.subf %neg3A_646, %get3A_644 : vector<16xf32>
    %exp3A_648 = math.exp %neg3A_647 : vector<16xf32>
    %add3A_649 = arith.constant 1.000000e+00 : f32
    %add3A_650 = vector.broadcast %add3A_649 : f32 to vector<16xf32>
    %add3A_651 = arith.addf %add3A_650, %exp3A_648 : vector<16xf32>
    %div3A_652 = arith.constant 1.000000e+00 : f32
    %div3A_653 = vector.broadcast %div3A_652 : f32 to vector<16xf32>
    %div3A_654 = arith.divf %div3A_653, %add3A_651 : vector<16xf32>
    %swap3A_655 = arith.constant 0 : i32
    %swap3A_656 = arith.index_cast %swap3A_655 : i32 to index
    %swap3A_657 = arith.constant 48 : index
    %swap3A_658 = tpu.vector_load %arg13[%swap3A_656, %swap3A_657] {strides = array<i32>} : memref<8x128xf32, #tpu.memory_space<vmem>>, vector<16xf32>,
    tpu.vector_store %arg13[%swap3A_656, %swap3A_657], %div3A_654 {strides = array<i32>} : memref<8x128xf32, #tpu.memory_space<vmem>>, vector<16xf32>,
    %get3A_659 = arith.constant 48 : index
    %get3A_660 = tpu.vector_load %arg12[%get3A_659] {strides = array<i32>} : memref<112xi32, #tpu.memory_space<vmem>>, vector<16xi32>,
    %and3A_661 = arith.constant 127 : i32
    %and3A_662 = vector.broadcast %and3A_661 : i32 to vector<16xi32>
    %and3A_663 = arith.andi %get3A_660, %and3A_662 : vector<16xi32>
    %swap3A_664 = arith.constant 0 : i32
    %swap3A_665 = arith.index_cast %swap3A_664 : i32 to index
    %swap3A_666 = arith.constant 48 : index
    %swap3A_667 = tpu.vector_load %arg14[%swap3A_665, %swap3A_666] {strides = array<i32>} : memref<8x128xi32, #tpu.memory_space<vmem>>, vector<16xi32>,
    tpu.vector_store %arg14[%swap3A_665, %swap3A_666], %and3A_663 {strides = array<i32>} : memref<8x128xi32, #tpu.memory_space<vmem>>, vector<16xi32>,
    %shift_right_arithmetic3A_668 = arith.constant 7 : i32
    %shift_right_arithmetic3A_669 = vector.broadcast %shift_right_arithmetic3A_668 : i32 to vector<16xi32>
    %shift_right_arithmetic3A_670 = arith.shrsi %get3A_660, %shift_right_arithmetic3A_669 : vector<16xi32>
    %jit3A_671 = arith.constant 0 : i32
    %jit3A_672 = arith.constant 899 : i32
    %max3A_673 = vector.broadcast %jit3A_671 : i32 to vector<16xi32>
    %max3A_674 = arith.maxsi %max3A_673, %shift_right_arithmetic3A_670 : vector<16xi32>
    %min3A_675 = vector.broadcast %jit3A_672 : i32 to vector<16xi32>
    %min3A_676 = arith.minsi %min3A_675, %max3A_674 : vector<16xi32>
    %mul3A_677 = arith.constant 4 : i32
    %mul3A_678 = vector.broadcast %mul3A_677 : i32 to vector<16xi32>
    %mul3A_679 = arith.muli %min3A_676, %mul3A_678 : vector<16xi32>
    %shift_right_arithmetic3A_680 = arith.constant 7 : i32
    %shift_right_arithmetic3A_681 = vector.broadcast %shift_right_arithmetic3A_680 : i32 to vector<16xi32>
    %shift_right_arithmetic3A_682 = arith.shrsi %mul3A_679, %shift_right_arithmetic3A_681 : vector<16xi32>
    %and3A_683 = arith.constant 127 : i32
    %and3A_684 = vector.broadcast %and3A_683 : i32 to vector<16xi32>
    %and3A_685 = arith.andi %mul3A_679, %and3A_684 : vector<16xi32>
    %gather3A_686 = tpu.vector_load_idx %arg15[%shift_right_arithmetic3A_682, %and3A_685] : memref<32x128xf32, #tpu.memory_space<vmem>>[vector<16xi32>, vector<16xi32>], vector<16xf32>,
    %add3A_687 = arith.constant 1 : i32
    %add3A_688 = vector.broadcast %add3A_687 : i32 to vector<16xi32>
    %add3A_689 = arith.addi %and3A_685, %add3A_688 : vector<16xi32>
    %gather3A_690 = tpu.vector_load_idx %arg15[%shift_right_arithmetic3A_682, %add3A_689] : memref<32x128xf32, #tpu.memory_space<vmem>>[vector<16xi32>, vector<16xi32>], vector<16xf32>,
    %add3A_691 = arith.constant 2 : i32
    %add3A_692 = vector.broadcast %add3A_691 : i32 to vector<16xi32>
    %add3A_693 = arith.addi %and3A_685, %add3A_692 : vector<16xi32>
    %gather3A_694 = tpu.vector_load_idx %arg15[%shift_right_arithmetic3A_682, %add3A_693] : memref<32x128xf32, #tpu.memory_space<vmem>>[vector<16xi32>, vector<16xi32>], vector<16xf32>,
    %add3A_695 = arith.constant 3 : i32
    %add3A_696 = vector.broadcast %add3A_695 : i32 to vector<16xi32>
    %add3A_697 = arith.addi %and3A_685, %add3A_696 : vector<16xi32>
    %gather3A_698 = tpu.vector_load_idx %arg15[%shift_right_arithmetic3A_682, %add3A_697] : memref<32x128xf32, #tpu.memory_space<vmem>>[vector<16xi32>, vector<16xi32>], vector<16xf32>,
    %add3A_699 = arith.constant 48 : i32
    %add3A_700 = vector.broadcast %add3A_699 : i32 to vector<16xi32>
    %add3A_701 = arith.addi %add3A_700, %iota3A : vector<16xi32>
    %mul3A_702 = arith.constant 4 : i32
    %mul3A_703 = vector.broadcast %mul3A_702 : i32 to vector<16xi32>
    %mul3A_704 = arith.muli %add3A_701, %mul3A_703 : vector<16xi32>
    %shift_right_arithmetic3A_705 = arith.constant 7 : i32
    %shift_right_arithmetic3A_706 = vector.broadcast %shift_right_arithmetic3A_705 : i32 to vector<16xi32>
    %shift_right_arithmetic3A_707 = arith.shrsi %mul3A_704, %shift_right_arithmetic3A_706 : vector<16xi32>
    %and3A_708 = arith.constant 127 : i32
    %and3A_709 = vector.broadcast %and3A_708 : i32 to vector<16xi32>
    %and3A_710 = arith.andi %mul3A_704, %and3A_709 : vector<16xi32>
    %mul3A_711 = arith.constant 5.000000e-01 : f32
    %mul3A_712 = vector.broadcast %mul3A_711 : f32 to vector<16xf32>
    %mul3A_713 = arith.mulf %mul3A_712, %gather3A_694 : vector<16xf32>
    %sub3A_714 = arith.subf %gather3A_686, %mul3A_713 : vector<16xf32>
    %mul3A_715 = vector.broadcast %convert_element_type3A_345 : f32 to vector<16xf32>
    %mul3A_716 = arith.mulf %sub3A_714, %mul3A_715 : vector<16xf32>
    tpu.vector_store_idx %arg16[%shift_right_arithmetic3A_707, %and3A_710], %mul3A_716 : memref<8x128xf32, #tpu.memory_space<vmem>>[vector<16xi32>, vector<16xi32>], vector<16xf32>,
    %add3A_717 = arith.constant 1 : i32
    %add3A_718 = vector.broadcast %add3A_717 : i32 to vector<16xi32>
    %add3A_719 = arith.addi %and3A_710, %add3A_718 : vector<16xi32>
    %mul3A_720 = arith.constant 5.000000e-01 : f32
    %mul3A_721 = vector.broadcast %mul3A_720 : f32 to vector<16xf32>
    %mul3A_722 = arith.mulf %mul3A_721, %gather3A_698 : vector<16xf32>
    %sub3A_723 = arith.subf %gather3A_690, %mul3A_722 : vector<16xf32>
    %mul3A_724 = vector.broadcast %convert_element_type3A : f32 to vector<16xf32>
    %mul3A_725 = arith.mulf %sub3A_723, %mul3A_724 : vector<16xf32>
    tpu.vector_store_idx %arg16[%shift_right_arithmetic3A_707, %add3A_719], %mul3A_725 : memref<8x128xf32, #tpu.memory_space<vmem>>[vector<16xi32>, vector<16xi32>], vector<16xf32>,
    %add3A_726 = arith.constant 2 : i32
    %add3A_727 = vector.broadcast %add3A_726 : i32 to vector<16xi32>
    %add3A_728 = arith.addi %and3A_710, %add3A_727 : vector<16xi32>
    %mul3A_729 = arith.constant 5.000000e-01 : f32
    %mul3A_730 = vector.broadcast %mul3A_729 : f32 to vector<16xf32>
    %mul3A_731 = arith.mulf %mul3A_730, %gather3A_694 : vector<16xf32>
    %add3A_732 = arith.addf %gather3A_686, %mul3A_731 : vector<16xf32>
    %mul3A_733 = vector.broadcast %convert_element_type3A_345 : f32 to vector<16xf32>
    %mul3A_734 = arith.mulf %add3A_732, %mul3A_733 : vector<16xf32>
    tpu.vector_store_idx %arg16[%shift_right_arithmetic3A_707, %add3A_728], %mul3A_734 : memref<8x128xf32, #tpu.memory_space<vmem>>[vector<16xi32>, vector<16xi32>], vector<16xf32>,
    %add3A_735 = arith.constant 3 : i32
    %add3A_736 = vector.broadcast %add3A_735 : i32 to vector<16xi32>
    %add3A_737 = arith.addi %and3A_710, %add3A_736 : vector<16xi32>
    %mul3A_738 = arith.constant 5.000000e-01 : f32
    %mul3A_739 = vector.broadcast %mul3A_738 : f32 to vector<16xf32>
    %mul3A_740 = arith.mulf %mul3A_739, %gather3A_698 : vector<16xf32>
    %add3A_741 = arith.addf %gather3A_690, %mul3A_740 : vector<16xf32>
    %mul3A_742 = vector.broadcast %convert_element_type3A : f32 to vector<16xf32>
    %mul3A_743 = arith.mulf %add3A_741, %mul3A_742 : vector<16xf32>
    tpu.vector_store_idx %arg16[%shift_right_arithmetic3A_707, %add3A_737], %mul3A_743 : memref<8x128xf32, #tpu.memory_space<vmem>>[vector<16xi32>, vector<16xi32>], vector<16xf32>,
    %get3A_744 = arith.constant 64 : index
    %get3A_745 = tpu.vector_load %arg11[%get3A_744] {strides = array<i32>} : memref<112xf32, #tpu.memory_space<vmem>>, vector<16xf32>,
    %neg3A_746 = arith.constant 0.000000e+00 : f32
    %neg3A_747 = vector.broadcast %neg3A_746 : f32 to vector<16xf32>
    %neg3A_748 = arith.subf %neg3A_747, %get3A_745 : vector<16xf32>
    %exp3A_749 = math.exp %neg3A_748 : vector<16xf32>
    %add3A_750 = arith.constant 1.000000e+00 : f32
    %add3A_751 = vector.broadcast %add3A_750 : f32 to vector<16xf32>
    %add3A_752 = arith.addf %add3A_751, %exp3A_749 : vector<16xf32>
    %div3A_753 = arith.constant 1.000000e+00 : f32
    %div3A_754 = vector.broadcast %div3A_753 : f32 to vector<16xf32>
    %div3A_755 = arith.divf %div3A_754, %add3A_752 : vector<16xf32>
    %swap3A_756 = arith.constant 0 : i32
    %swap3A_757 = arith.index_cast %swap3A_756 : i32 to index
    %swap3A_758 = arith.constant 64 : index
    %swap3A_759 = tpu.vector_load %arg13[%swap3A_757, %swap3A_758] {strides = array<i32>} : memref<8x128xf32, #tpu.memory_space<vmem>>, vector<16xf32>,
    tpu.vector_store %arg13[%swap3A_757, %swap3A_758], %div3A_755 {strides = array<i32>} : memref<8x128xf32, #tpu.memory_space<vmem>>, vector<16xf32>,
    %get3A_760 = arith.constant 64 : index
    %get3A_761 = tpu.vector_load %arg12[%get3A_760] {strides = array<i32>} : memref<112xi32, #tpu.memory_space<vmem>>, vector<16xi32>,
    %and3A_762 = arith.constant 127 : i32
    %and3A_763 = vector.broadcast %and3A_762 : i32 to vector<16xi32>
    %and3A_764 = arith.andi %get3A_761, %and3A_763 : vector<16xi32>
    %swap3A_765 = arith.constant 0 : i32
    %swap3A_766 = arith.index_cast %swap3A_765 : i32 to index
    %swap3A_767 = arith.constant 64 : index
    %swap3A_768 = tpu.vector_load %arg14[%swap3A_766, %swap3A_767] {strides = array<i32>} : memref<8x128xi32, #tpu.memory_space<vmem>>, vector<16xi32>,
    tpu.vector_store %arg14[%swap3A_766, %swap3A_767], %and3A_764 {strides = array<i32>} : memref<8x128xi32, #tpu.memory_space<vmem>>, vector<16xi32>,
    %shift_right_arithmetic3A_769 = arith.constant 7 : i32
    %shift_right_arithmetic3A_770 = vector.broadcast %shift_right_arithmetic3A_769 : i32 to vector<16xi32>
    %shift_right_arithmetic3A_771 = arith.shrsi %get3A_761, %shift_right_arithmetic3A_770 : vector<16xi32>
    %jit3A_772 = arith.constant 0 : i32
    %jit3A_773 = arith.constant 899 : i32
    %max3A_774 = vector.broadcast %jit3A_772 : i32 to vector<16xi32>
    %max3A_775 = arith.maxsi %max3A_774, %shift_right_arithmetic3A_771 : vector<16xi32>
    %min3A_776 = vector.broadcast %jit3A_773 : i32 to vector<16xi32>
    %min3A_777 = arith.minsi %min3A_776, %max3A_775 : vector<16xi32>
    %mul3A_778 = arith.constant 4 : i32
    %mul3A_779 = vector.broadcast %mul3A_778 : i32 to vector<16xi32>
    %mul3A_780 = arith.muli %min3A_777, %mul3A_779 : vector<16xi32>
    %shift_right_arithmetic3A_781 = arith.constant 7 : i32
    %shift_right_arithmetic3A_782 = vector.broadcast %shift_right_arithmetic3A_781 : i32 to vector<16xi32>
    %shift_right_arithmetic3A_783 = arith.shrsi %mul3A_780, %shift_right_arithmetic3A_782 : vector<16xi32>
    %and3A_784 = arith.constant 127 : i32
    %and3A_785 = vector.broadcast %and3A_784 : i32 to vector<16xi32>
    %and3A_786 = arith.andi %mul3A_780, %and3A_785 : vector<16xi32>
    %gather3A_787 = tpu.vector_load_idx %arg15[%shift_right_arithmetic3A_783, %and3A_786] : memref<32x128xf32, #tpu.memory_space<vmem>>[vector<16xi32>, vector<16xi32>], vector<16xf32>,
    %add3A_788 = arith.constant 1 : i32
    %add3A_789 = vector.broadcast %add3A_788 : i32 to vector<16xi32>
    %add3A_790 = arith.addi %and3A_786, %add3A_789 : vector<16xi32>
    %gather3A_791 = tpu.vector_load_idx %arg15[%shift_right_arithmetic3A_783, %add3A_790] : memref<32x128xf32, #tpu.memory_space<vmem>>[vector<16xi32>, vector<16xi32>], vector<16xf32>,
    %add3A_792 = arith.constant 2 : i32
    %add3A_793 = vector.broadcast %add3A_792 : i32 to vector<16xi32>
    %add3A_794 = arith.addi %and3A_786, %add3A_793 : vector<16xi32>
    %gather3A_795 = tpu.vector_load_idx %arg15[%shift_right_arithmetic3A_783, %add3A_794] : memref<32x128xf32, #tpu.memory_space<vmem>>[vector<16xi32>, vector<16xi32>], vector<16xf32>,
    %add3A_796 = arith.constant 3 : i32
    %add3A_797 = vector.broadcast %add3A_796 : i32 to vector<16xi32>
    %add3A_798 = arith.addi %and3A_786, %add3A_797 : vector<16xi32>
    %gather3A_799 = tpu.vector_load_idx %arg15[%shift_right_arithmetic3A_783, %add3A_798] : memref<32x128xf32, #tpu.memory_space<vmem>>[vector<16xi32>, vector<16xi32>], vector<16xf32>,
    %add3A_800 = arith.constant 64 : i32
    %add3A_801 = vector.broadcast %add3A_800 : i32 to vector<16xi32>
    %add3A_802 = arith.addi %add3A_801, %iota3A : vector<16xi32>
    %mul3A_803 = arith.constant 4 : i32
    %mul3A_804 = vector.broadcast %mul3A_803 : i32 to vector<16xi32>
    %mul3A_805 = arith.muli %add3A_802, %mul3A_804 : vector<16xi32>
    %shift_right_arithmetic3A_806 = arith.constant 7 : i32
    %shift_right_arithmetic3A_807 = vector.broadcast %shift_right_arithmetic3A_806 : i32 to vector<16xi32>
    %shift_right_arithmetic3A_808 = arith.shrsi %mul3A_805, %shift_right_arithmetic3A_807 : vector<16xi32>
    %and3A_809 = arith.constant 127 : i32
    %and3A_810 = vector.broadcast %and3A_809 : i32 to vector<16xi32>
    %and3A_811 = arith.andi %mul3A_805, %and3A_810 : vector<16xi32>
    %mul3A_812 = arith.constant 5.000000e-01 : f32
    %mul3A_813 = vector.broadcast %mul3A_812 : f32 to vector<16xf32>
    %mul3A_814 = arith.mulf %mul3A_813, %gather3A_795 : vector<16xf32>
    %sub3A_815 = arith.subf %gather3A_787, %mul3A_814 : vector<16xf32>
    %mul3A_816 = vector.broadcast %convert_element_type3A_345 : f32 to vector<16xf32>
    %mul3A_817 = arith.mulf %sub3A_815, %mul3A_816 : vector<16xf32>
    tpu.vector_store_idx %arg16[%shift_right_arithmetic3A_808, %and3A_811], %mul3A_817 : memref<8x128xf32, #tpu.memory_space<vmem>>[vector<16xi32>, vector<16xi32>], vector<16xf32>,
    %add3A_818 = arith.constant 1 : i32
    %add3A_819 = vector.broadcast %add3A_818 : i32 to vector<16xi32>
    %add3A_820 = arith.addi %and3A_811, %add3A_819 : vector<16xi32>
    %mul3A_821 = arith.constant 5.000000e-01 : f32
    %mul3A_822 = vector.broadcast %mul3A_821 : f32 to vector<16xf32>
    %mul3A_823 = arith.mulf %mul3A_822, %gather3A_799 : vector<16xf32>
    %sub3A_824 = arith.subf %gather3A_791, %mul3A_823 : vector<16xf32>
    %mul3A_825 = vector.broadcast %convert_element_type3A : f32 to vector<16xf32>
    %mul3A_826 = arith.mulf %sub3A_824, %mul3A_825 : vector<16xf32>
    tpu.vector_store_idx %arg16[%shift_right_arithmetic3A_808, %add3A_820], %mul3A_826 : memref<8x128xf32, #tpu.memory_space<vmem>>[vector<16xi32>, vector<16xi32>], vector<16xf32>,
    %add3A_827 = arith.constant 2 : i32
    %add3A_828 = vector.broadcast %add3A_827 : i32 to vector<16xi32>
    %add3A_829 = arith.addi %and3A_811, %add3A_828 : vector<16xi32>
    %mul3A_830 = arith.constant 5.000000e-01 : f32
    %mul3A_831 = vector.broadcast %mul3A_830 : f32 to vector<16xf32>
    %mul3A_832 = arith.mulf %mul3A_831, %gather3A_795 : vector<16xf32>
    %add3A_833 = arith.addf %gather3A_787, %mul3A_832 : vector<16xf32>
    %mul3A_834 = vector.broadcast %convert_element_type3A_345 : f32 to vector<16xf32>
    %mul3A_835 = arith.mulf %add3A_833, %mul3A_834 : vector<16xf32>
    tpu.vector_store_idx %arg16[%shift_right_arithmetic3A_808, %add3A_829], %mul3A_835 : memref<8x128xf32, #tpu.memory_space<vmem>>[vector<16xi32>, vector<16xi32>], vector<16xf32>,
    %add3A_836 = arith.constant 3 : i32
    %add3A_837 = vector.broadcast %add3A_836 : i32 to vector<16xi32>
    %add3A_838 = arith.addi %and3A_811, %add3A_837 : vector<16xi32>
    %mul3A_839 = arith.constant 5.000000e-01 : f32
    %mul3A_840 = vector.broadcast %mul3A_839 : f32 to vector<16xf32>
    %mul3A_841 = arith.mulf %mul3A_840, %gather3A_799 : vector<16xf32>
    %add3A_842 = arith.addf %gather3A_791, %mul3A_841 : vector<16xf32>
    %mul3A_843 = vector.broadcast %convert_element_type3A : f32 to vector<16xf32>
    %mul3A_844 = arith.mulf %add3A_842, %mul3A_843 : vector<16xf32>
    tpu.vector_store_idx %arg16[%shift_right_arithmetic3A_808, %add3A_838], %mul3A_844 : memref<8x128xf32, #tpu.memory_space<vmem>>[vector<16xi32>, vector<16xi32>], vector<16xf32>,
    %get3A_845 = arith.constant 80 : index
    %get3A_846 = tpu.vector_load %arg11[%get3A_845] {strides = array<i32>} : memref<112xf32, #tpu.memory_space<vmem>>, vector<16xf32>,
    %neg3A_847 = arith.constant 0.000000e+00 : f32
    %neg3A_848 = vector.broadcast %neg3A_847 : f32 to vector<16xf32>
    %neg3A_849 = arith.subf %neg3A_848, %get3A_846 : vector<16xf32>
    %exp3A_850 = math.exp %neg3A_849 : vector<16xf32>
    %add3A_851 = arith.constant 1.000000e+00 : f32
    %add3A_852 = vector.broadcast %add3A_851 : f32 to vector<16xf32>
    %add3A_853 = arith.addf %add3A_852, %exp3A_850 : vector<16xf32>
    %div3A_854 = arith.constant 1.000000e+00 : f32
    %div3A_855 = vector.broadcast %div3A_854 : f32 to vector<16xf32>
    %div3A_856 = arith.divf %div3A_855, %add3A_853 : vector<16xf32>
    %swap3A_857 = arith.constant 0 : i32
    %swap3A_858 = arith.index_cast %swap3A_857 : i32 to index
    %swap3A_859 = arith.constant 80 : index
    %swap3A_860 = tpu.vector_load %arg13[%swap3A_858, %swap3A_859] {strides = array<i32>} : memref<8x128xf32, #tpu.memory_space<vmem>>, vector<16xf32>,
    tpu.vector_store %arg13[%swap3A_858, %swap3A_859], %div3A_856 {strides = array<i32>} : memref<8x128xf32, #tpu.memory_space<vmem>>, vector<16xf32>,
    %get3A_861 = arith.constant 80 : index
    %get3A_862 = tpu.vector_load %arg12[%get3A_861] {strides = array<i32>} : memref<112xi32, #tpu.memory_space<vmem>>, vector<16xi32>,
    %and3A_863 = arith.constant 127 : i32
    %and3A_864 = vector.broadcast %and3A_863 : i32 to vector<16xi32>
    %and3A_865 = arith.andi %get3A_862, %and3A_864 : vector<16xi32>
    %swap3A_866 = arith.constant 0 : i32
    %swap3A_867 = arith.index_cast %swap3A_866 : i32 to index
    %swap3A_868 = arith.constant 80 : index
    %swap3A_869 = tpu.vector_load %arg14[%swap3A_867, %swap3A_868] {strides = array<i32>} : memref<8x128xi32, #tpu.memory_space<vmem>>, vector<16xi32>,
    tpu.vector_store %arg14[%swap3A_867, %swap3A_868], %and3A_865 {strides = array<i32>} : memref<8x128xi32, #tpu.memory_space<vmem>>, vector<16xi32>,
    %shift_right_arithmetic3A_870 = arith.constant 7 : i32
    %shift_right_arithmetic3A_871 = vector.broadcast %shift_right_arithmetic3A_870 : i32 to vector<16xi32>
    %shift_right_arithmetic3A_872 = arith.shrsi %get3A_862, %shift_right_arithmetic3A_871 : vector<16xi32>
    %jit3A_873 = arith.constant 0 : i32
    %jit3A_874 = arith.constant 899 : i32
    %max3A_875 = vector.broadcast %jit3A_873 : i32 to vector<16xi32>
    %max3A_876 = arith.maxsi %max3A_875, %shift_right_arithmetic3A_872 : vector<16xi32>
    %min3A_877 = vector.broadcast %jit3A_874 : i32 to vector<16xi32>
    %min3A_878 = arith.minsi %min3A_877, %max3A_876 : vector<16xi32>
    %mul3A_879 = arith.constant 4 : i32
    %mul3A_880 = vector.broadcast %mul3A_879 : i32 to vector<16xi32>
    %mul3A_881 = arith.muli %min3A_878, %mul3A_880 : vector<16xi32>
    %shift_right_arithmetic3A_882 = arith.constant 7 : i32
    %shift_right_arithmetic3A_883 = vector.broadcast %shift_right_arithmetic3A_882 : i32 to vector<16xi32>
    %shift_right_arithmetic3A_884 = arith.shrsi %mul3A_881, %shift_right_arithmetic3A_883 : vector<16xi32>
    %and3A_885 = arith.constant 127 : i32
    %and3A_886 = vector.broadcast %and3A_885 : i32 to vector<16xi32>
    %and3A_887 = arith.andi %mul3A_881, %and3A_886 : vector<16xi32>
    %gather3A_888 = tpu.vector_load_idx %arg15[%shift_right_arithmetic3A_884, %and3A_887] : memref<32x128xf32, #tpu.memory_space<vmem>>[vector<16xi32>, vector<16xi32>], vector<16xf32>,
    %add3A_889 = arith.constant 1 : i32
    %add3A_890 = vector.broadcast %add3A_889 : i32 to vector<16xi32>
    %add3A_891 = arith.addi %and3A_887, %add3A_890 : vector<16xi32>
    %gather3A_892 = tpu.vector_load_idx %arg15[%shift_right_arithmetic3A_884, %add3A_891] : memref<32x128xf32, #tpu.memory_space<vmem>>[vector<16xi32>, vector<16xi32>], vector<16xf32>,
    %add3A_893 = arith.constant 2 : i32
    %add3A_894 = vector.broadcast %add3A_893 : i32 to vector<16xi32>
    %add3A_895 = arith.addi %and3A_887, %add3A_894 : vector<16xi32>
    %gather3A_896 = tpu.vector_load_idx %arg15[%shift_right_arithmetic3A_884, %add3A_895] : memref<32x128xf32, #tpu.memory_space<vmem>>[vector<16xi32>, vector<16xi32>], vector<16xf32>,
    %add3A_897 = arith.constant 3 : i32
    %add3A_898 = vector.broadcast %add3A_897 : i32 to vector<16xi32>
    %add3A_899 = arith.addi %and3A_887, %add3A_898 : vector<16xi32>
    %gather3A_900 = tpu.vector_load_idx %arg15[%shift_right_arithmetic3A_884, %add3A_899] : memref<32x128xf32, #tpu.memory_space<vmem>>[vector<16xi32>, vector<16xi32>], vector<16xf32>,
    %add3A_901 = arith.constant 80 : i32
    %add3A_902 = vector.broadcast %add3A_901 : i32 to vector<16xi32>
    %add3A_903 = arith.addi %add3A_902, %iota3A : vector<16xi32>
    %mul3A_904 = arith.constant 4 : i32
    %mul3A_905 = vector.broadcast %mul3A_904 : i32 to vector<16xi32>
    %mul3A_906 = arith.muli %add3A_903, %mul3A_905 : vector<16xi32>
    %shift_right_arithmetic3A_907 = arith.constant 7 : i32
    %shift_right_arithmetic3A_908 = vector.broadcast %shift_right_arithmetic3A_907 : i32 to vector<16xi32>
    %shift_right_arithmetic3A_909 = arith.shrsi %mul3A_906, %shift_right_arithmetic3A_908 : vector<16xi32>
    %and3A_910 = arith.constant 127 : i32
    %and3A_911 = vector.broadcast %and3A_910 : i32 to vector<16xi32>
    %and3A_912 = arith.andi %mul3A_906, %and3A_911 : vector<16xi32>
    %mul3A_913 = arith.constant 5.000000e-01 : f32
    %mul3A_914 = vector.broadcast %mul3A_913 : f32 to vector<16xf32>
    %mul3A_915 = arith.mulf %mul3A_914, %gather3A_896 : vector<16xf32>
    %sub3A_916 = arith.subf %gather3A_888, %mul3A_915 : vector<16xf32>
    %mul3A_917 = vector.broadcast %convert_element_type3A_345 : f32 to vector<16xf32>
    %mul3A_918 = arith.mulf %sub3A_916, %mul3A_917 : vector<16xf32>
    tpu.vector_store_idx %arg16[%shift_right_arithmetic3A_909, %and3A_912], %mul3A_918 : memref<8x128xf32, #tpu.memory_space<vmem>>[vector<16xi32>, vector<16xi32>], vector<16xf32>,
    %add3A_919 = arith.constant 1 : i32
    %add3A_920 = vector.broadcast %add3A_919 : i32 to vector<16xi32>
    %add3A_921 = arith.addi %and3A_912, %add3A_920 : vector<16xi32>
    %mul3A_922 = arith.constant 5.000000e-01 : f32
    %mul3A_923 = vector.broadcast %mul3A_922 : f32 to vector<16xf32>
    %mul3A_924 = arith.mulf %mul3A_923, %gather3A_900 : vector<16xf32>
    %sub3A_925 = arith.subf %gather3A_892, %mul3A_924 : vector<16xf32>
    %mul3A_926 = vector.broadcast %convert_element_type3A : f32 to vector<16xf32>
    %mul3A_927 = arith.mulf %sub3A_925, %mul3A_926 : vector<16xf32>
    tpu.vector_store_idx %arg16[%shift_right_arithmetic3A_909, %add3A_921], %mul3A_927 : memref<8x128xf32, #tpu.memory_space<vmem>>[vector<16xi32>, vector<16xi32>], vector<16xf32>,
    %add3A_928 = arith.constant 2 : i32
    %add3A_929 = vector.broadcast %add3A_928 : i32 to vector<16xi32>
    %add3A_930 = arith.addi %and3A_912, %add3A_929 : vector<16xi32>
    %mul3A_931 = arith.constant 5.000000e-01 : f32
    %mul3A_932 = vector.broadcast %mul3A_931 : f32 to vector<16xf32>
    %mul3A_933 = arith.mulf %mul3A_932, %gather3A_896 : vector<16xf32>
    %add3A_934 = arith.addf %gather3A_888, %mul3A_933 : vector<16xf32>
    %mul3A_935 = vector.broadcast %convert_element_type3A_345 : f32 to vector<16xf32>
    %mul3A_936 = arith.mulf %add3A_934, %mul3A_935 : vector<16xf32>
    tpu.vector_store_idx %arg16[%shift_right_arithmetic3A_909, %add3A_930], %mul3A_936 : memref<8x128xf32, #tpu.memory_space<vmem>>[vector<16xi32>, vector<16xi32>], vector<16xf32>,
    %add3A_937 = arith.constant 3 : i32
    %add3A_938 = vector.broadcast %add3A_937 : i32 to vector<16xi32>
    %add3A_939 = arith.addi %and3A_912, %add3A_938 : vector<16xi32>
    %mul3A_940 = arith.constant 5.000000e-01 : f32
    %mul3A_941 = vector.broadcast %mul3A_940 : f32 to vector<16xf32>
    %mul3A_942 = arith.mulf %mul3A_941, %gather3A_900 : vector<16xf32>
    %add3A_943 = arith.addf %gather3A_892, %mul3A_942 : vector<16xf32>
    %mul3A_944 = vector.broadcast %convert_element_type3A : f32 to vector<16xf32>
    %mul3A_945 = arith.mulf %add3A_943, %mul3A_944 : vector<16xf32>
    tpu.vector_store_idx %arg16[%shift_right_arithmetic3A_909, %add3A_939], %mul3A_945 : memref<8x128xf32, #tpu.memory_space<vmem>>[vector<16xi32>, vector<16xi32>], vector<16xf32>,
    %get3A_946 = arith.constant 96 : index
    %get3A_947 = tpu.vector_load %arg11[%get3A_946] {strides = array<i32>} : memref<112xf32, #tpu.memory_space<vmem>>, vector<16xf32>,
    %neg3A_948 = arith.constant 0.000000e+00 : f32
    %neg3A_949 = vector.broadcast %neg3A_948 : f32 to vector<16xf32>
    %neg3A_950 = arith.subf %neg3A_949, %get3A_947 : vector<16xf32>
    %exp3A_951 = math.exp %neg3A_950 : vector<16xf32>
    %add3A_952 = arith.constant 1.000000e+00 : f32
    %add3A_953 = vector.broadcast %add3A_952 : f32 to vector<16xf32>
    %add3A_954 = arith.addf %add3A_953, %exp3A_951 : vector<16xf32>
    %div3A_955 = arith.constant 1.000000e+00 : f32
    %div3A_956 = vector.broadcast %div3A_955 : f32 to vector<16xf32>
    %div3A_957 = arith.divf %div3A_956, %add3A_954 : vector<16xf32>
    %swap3A_958 = arith.constant 0 : i32
    %swap3A_959 = arith.index_cast %swap3A_958 : i32 to index
    %swap3A_960 = arith.constant 96 : index
    %swap3A_961 = tpu.vector_load %arg13[%swap3A_959, %swap3A_960] {strides = array<i32>} : memref<8x128xf32, #tpu.memory_space<vmem>>, vector<16xf32>,
    tpu.vector_store %arg13[%swap3A_959, %swap3A_960], %div3A_957 {strides = array<i32>} : memref<8x128xf32, #tpu.memory_space<vmem>>, vector<16xf32>,
    %get3A_962 = arith.constant 96 : index
    %get3A_963 = tpu.vector_load %arg12[%get3A_962] {strides = array<i32>} : memref<112xi32, #tpu.memory_space<vmem>>, vector<16xi32>,
    %and3A_964 = arith.constant 127 : i32
    %and3A_965 = vector.broadcast %and3A_964 : i32 to vector<16xi32>
    %and3A_966 = arith.andi %get3A_963, %and3A_965 : vector<16xi32>
    %swap3A_967 = arith.constant 0 : i32
    %swap3A_968 = arith.index_cast %swap3A_967 : i32 to index
    %swap3A_969 = arith.constant 96 : index
    %swap3A_970 = tpu.vector_load %arg14[%swap3A_968, %swap3A_969] {strides = array<i32>} : memref<8x128xi32, #tpu.memory_space<vmem>>, vector<16xi32>,
    tpu.vector_store %arg14[%swap3A_968, %swap3A_969], %and3A_966 {strides = array<i32>} : memref<8x128xi32, #tpu.memory_space<vmem>>, vector<16xi32>,
    %shift_right_arithmetic3A_971 = arith.constant 7 : i32
    %shift_right_arithmetic3A_972 = vector.broadcast %shift_right_arithmetic3A_971 : i32 to vector<16xi32>
    %shift_right_arithmetic3A_973 = arith.shrsi %get3A_963, %shift_right_arithmetic3A_972 : vector<16xi32>
    %jit3A_974 = arith.constant 0 : i32
    %jit3A_975 = arith.constant 899 : i32
    %max3A_976 = vector.broadcast %jit3A_974 : i32 to vector<16xi32>
    %max3A_977 = arith.maxsi %max3A_976, %shift_right_arithmetic3A_973 : vector<16xi32>
    %min3A_978 = vector.broadcast %jit3A_975 : i32 to vector<16xi32>
    %min3A_979 = arith.minsi %min3A_978, %max3A_977 : vector<16xi32>
    %mul3A_980 = arith.constant 4 : i32
    %mul3A_981 = vector.broadcast %mul3A_980 : i32 to vector<16xi32>
    %mul3A_982 = arith.muli %min3A_979, %mul3A_981 : vector<16xi32>
    %shift_right_arithmetic3A_983 = arith.constant 7 : i32
    %shift_right_arithmetic3A_984 = vector.broadcast %shift_right_arithmetic3A_983 : i32 to vector<16xi32>
    %shift_right_arithmetic3A_985 = arith.shrsi %mul3A_982, %shift_right_arithmetic3A_984 : vector<16xi32>
    %and3A_986 = arith.constant 127 : i32
    %and3A_987 = vector.broadcast %and3A_986 : i32 to vector<16xi32>
    %and3A_988 = arith.andi %mul3A_982, %and3A_987 : vector<16xi32>
    %gather3A_989 = tpu.vector_load_idx %arg15[%shift_right_arithmetic3A_985, %and3A_988] : memref<32x128xf32, #tpu.memory_space<vmem>>[vector<16xi32>, vector<16xi32>], vector<16xf32>,
    %add3A_990 = arith.constant 1 : i32
    %add3A_991 = vector.broadcast %add3A_990 : i32 to vector<16xi32>
    %add3A_992 = arith.addi %and3A_988, %add3A_991 : vector<16xi32>
    %gather3A_993 = tpu.vector_load_idx %arg15[%shift_right_arithmetic3A_985, %add3A_992] : memref<32x128xf32, #tpu.memory_space<vmem>>[vector<16xi32>, vector<16xi32>], vector<16xf32>,
    %add3A_994 = arith.constant 2 : i32
    %add3A_995 = vector.broadcast %add3A_994 : i32 to vector<16xi32>
    %add3A_996 = arith.addi %and3A_988, %add3A_995 : vector<16xi32>
    %gather3A_997 = tpu.vector_load_idx %arg15[%shift_right_arithmetic3A_985, %add3A_996] : memref<32x128xf32, #tpu.memory_space<vmem>>[vector<16xi32>, vector<16xi32>], vector<16xf32>,
    %add3A_998 = arith.constant 3 : i32
    %add3A_999 = vector.broadcast %add3A_998 : i32 to vector<16xi32>
    %add3A_1000 = arith.addi %and3A_988, %add3A_999 : vector<16xi32>
    %gather3A_1001 = tpu.vector_load_idx %arg15[%shift_right_arithmetic3A_985, %add3A_1000] : memref<32x128xf32, #tpu.memory_space<vmem>>[vector<16xi32>, vector<16xi32>], vector<16xf32>,
    %add3A_1002 = arith.constant 96 : i32
    %add3A_1003 = vector.broadcast %add3A_1002 : i32 to vector<16xi32>
    %add3A_1004 = arith.addi %add3A_1003, %iota3A : vector<16xi32>
    %mul3A_1005 = arith.constant 4 : i32
    %mul3A_1006 = vector.broadcast %mul3A_1005 : i32 to vector<16xi32>
    %mul3A_1007 = arith.muli %add3A_1004, %mul3A_1006 : vector<16xi32>
    %shift_right_arithmetic3A_1008 = arith.constant 7 : i32
    %shift_right_arithmetic3A_1009 = vector.broadcast %shift_right_arithmetic3A_1008 : i32 to vector<16xi32>
    %shift_right_arithmetic3A_1010 = arith.shrsi %mul3A_1007, %shift_right_arithmetic3A_1009 : vector<16xi32>
    %and3A_1011 = arith.constant 127 : i32
    %and3A_1012 = vector.broadcast %and3A_1011 : i32 to vector<16xi32>
    %and3A_1013 = arith.andi %mul3A_1007, %and3A_1012 : vector<16xi32>
    %mul3A_1014 = arith.constant 5.000000e-01 : f32
    %mul3A_1015 = vector.broadcast %mul3A_1014 : f32 to vector<16xf32>
    %mul3A_1016 = arith.mulf %mul3A_1015, %gather3A_997 : vector<16xf32>
    %sub3A_1017 = arith.subf %gather3A_989, %mul3A_1016 : vector<16xf32>
    %mul3A_1018 = vector.broadcast %convert_element_type3A_345 : f32 to vector<16xf32>
    %mul3A_1019 = arith.mulf %sub3A_1017, %mul3A_1018 : vector<16xf32>
    tpu.vector_store_idx %arg16[%shift_right_arithmetic3A_1010, %and3A_1013], %mul3A_1019 : memref<8x128xf32, #tpu.memory_space<vmem>>[vector<16xi32>, vector<16xi32>], vector<16xf32>,
    %add3A_1020 = arith.constant 1 : i32
    %add3A_1021 = vector.broadcast %add3A_1020 : i32 to vector<16xi32>
    %add3A_1022 = arith.addi %and3A_1013, %add3A_1021 : vector<16xi32>
    %mul3A_1023 = arith.constant 5.000000e-01 : f32
    %mul3A_1024 = vector.broadcast %mul3A_1023 : f32 to vector<16xf32>
    %mul3A_1025 = arith.mulf %mul3A_1024, %gather3A_1001 : vector<16xf32>
    %sub3A_1026 = arith.subf %gather3A_993, %mul3A_1025 : vector<16xf32>
    %mul3A_1027 = vector.broadcast %convert_element_type3A : f32 to vector<16xf32>
    %mul3A_1028 = arith.mulf %sub3A_1026, %mul3A_1027 : vector<16xf32>
    tpu.vector_store_idx %arg16[%shift_right_arithmetic3A_1010, %add3A_1022], %mul3A_1028 : memref<8x128xf32, #tpu.memory_space<vmem>>[vector<16xi32>, vector<16xi32>], vector<16xf32>,
    %add3A_1029 = arith.constant 2 : i32
    %add3A_1030 = vector.broadcast %add3A_1029 : i32 to vector<16xi32>
    %add3A_1031 = arith.addi %and3A_1013, %add3A_1030 : vector<16xi32>
    %mul3A_1032 = arith.constant 5.000000e-01 : f32
    %mul3A_1033 = vector.broadcast %mul3A_1032 : f32 to vector<16xf32>
    %mul3A_1034 = arith.mulf %mul3A_1033, %gather3A_997 : vector<16xf32>
    %add3A_1035 = arith.addf %gather3A_989, %mul3A_1034 : vector<16xf32>
    %mul3A_1036 = vector.broadcast %convert_element_type3A_345 : f32 to vector<16xf32>
    %mul3A_1037 = arith.mulf %add3A_1035, %mul3A_1036 : vector<16xf32>
    tpu.vector_store_idx %arg16[%shift_right_arithmetic3A_1010, %add3A_1031], %mul3A_1037 : memref<8x128xf32, #tpu.memory_space<vmem>>[vector<16xi32>, vector<16xi32>], vector<16xf32>,
    %add3A_1038 = arith.constant 3 : i32
    %add3A_1039 = vector.broadcast %add3A_1038 : i32 to vector<16xi32>
    %add3A_1040 = arith.addi %and3A_1013, %add3A_1039 : vector<16xi32>
    %mul3A_1041 = arith.constant 5.000000e-01 : f32
    %mul3A_1042 = vector.broadcast %mul3A_1041 : f32 to vector<16xf32>
    %mul3A_1043 = arith.mulf %mul3A_1042, %gather3A_1001 : vector<16xf32>
    %add3A_1044 = arith.addf %gather3A_993, %mul3A_1043 : vector<16xf32>
    %mul3A_1045 = vector.broadcast %convert_element_type3A : f32 to vector<16xf32>
    %mul3A_1046 = arith.mulf %add3A_1044, %mul3A_1045 : vector<16xf32>
    tpu.vector_store_idx %arg16[%shift_right_arithmetic3A_1010, %add3A_1040], %mul3A_1046 : memref<8x128xf32, #tpu.memory_space<vmem>>[vector<16xi32>, vector<16xi32>], vector<16xf32>,
    "tpu.region"() ({
      %run_scoped3A = tpu.sem_alloc : memref<!tpu.dma_semaphore, #tpu.memory_space<semaphore_mem>>
      %dma_start3A = arith.constant 0 : i32
      %dma_start3A_2112 = arith.constant 0 : i32
      %dma_start3A_2113 = tpu.memref_slice %arg5[%add3A_6, %dma_start3A, %dma_start3A_2112] : memref<64x8x128xf32, #tpu.memory_space<hbm>> -> memref<1x8x128xf32, #tpu.memory_space<hbm>>
      %dma_start3A_2114 = tpu.memref_squeeze %dma_start3A_2113 : memref<1x8x128xf32, #tpu.memory_space<hbm>> -> memref<8x128xf32, #tpu.memory_space<hbm>>
      %dma_start3A_2115 = arith.constant 0 : i32
      %dma_start3A_2116 = arith.constant 0 : i32
      %dma_start3A_2117 = tpu.memref_slice %arg5[%add3A_6, %dma_start3A_2115, %dma_start3A_2116] : memref<64x8x128xf32, #tpu.memory_space<hbm>> -> memref<1x8x128xf32, #tpu.memory_space<hbm>>
      %dma_start3A_2118 = tpu.memref_squeeze %dma_start3A_2117 : memref<1x8x128xf32, #tpu.memory_space<hbm>> -> memref<8x128xf32, #tpu.memory_space<hbm>>
      tpu.enqueue_dma source(%arg13 : memref<8x128xf32, #tpu.memory_space<vmem>>) target(%dma_start3A_2118 : memref<8x128xf32, #tpu.memory_space<hbm>>) target_semaphore(%run_scoped3A : memref<!tpu.dma_semaphore, #tpu.memory_space<semaphore_mem>>)
      %dma_wait3A = arith.constant 0 : i32
      %dma_wait3A_2119 = arith.constant 0 : i32
      %dma_wait3A_2120 = tpu.memref_slice %arg5[%add3A_6, %dma_wait3A, %dma_wait3A_2119] : memref<64x8x128xf32, #tpu.memory_space<hbm>> -> memref<1x8x128xf32, #tpu.memory_space<hbm>>
      %dma_wait3A_2121 = tpu.memref_squeeze %dma_wait3A_2120 : memref<1x8x128xf32, #tpu.memory_space<hbm>> -> memref<8x128xf32, #tpu.memory_space<hbm>>
      %dma_wait3A_2122 = arith.constant 0 : i32
      %dma_wait3A_2123 = arith.constant 0 : i32
      %dma_wait3A_2124 = tpu.memref_slice %arg5[%add3A_6, %dma_wait3A_2122, %dma_wait3A_2123] : memref<64x8x128xf32, #tpu.memory_space<hbm>> -> memref<1x8x128xf32, #tpu.memory_space<hbm>>
      %dma_wait3A_2125 = tpu.memref_squeeze %dma_wait3A_2124 : memref<1x8x128xf32, #tpu.memory_space<hbm>> -> memref<8x128xf32, #tpu.memory_space<hbm>>
      tpu.wait_dma2 semaphore(%run_scoped3A : memref<!tpu.dma_semaphore, #tpu.memory_space<semaphore_mem>>) src(%arg13 : memref<8x128xf32, #tpu.memory_space<vmem>>) dst(%dma_wait3A_2125 : memref<8x128xf32, #tpu.memory_space<hbm>>)
      tpu.yield
    }) : () -> ()
    "tpu.region"() ({
      %run_scoped3A = tpu.sem_alloc : memref<!tpu.dma_semaphore, #tpu.memory_space<semaphore_mem>>
      %dma_start3A = arith.constant 0 : i32
      %dma_start3A_2112 = arith.constant 0 : i32
      %dma_start3A_2113 = tpu.memref_slice %arg6[%add3A_6, %dma_start3A, %dma_start3A_2112] : memref<64x8x128xi32, #tpu.memory_space<hbm>> -> memref<1x8x128xi32, #tpu.memory_space<hbm>>
      %dma_start3A_2114 = tpu.memref_squeeze %dma_start3A_2113 : memref<1x8x128xi32, #tpu.memory_space<hbm>> -> memref<8x128xi32, #tpu.memory_space<hbm>>
      %dma_start3A_2115 = arith.constant 0 : i32
      %dma_start3A_2116 = arith.constant 0 : i32
      %dma_start3A_2117 = tpu.memref_slice %arg6[%add3A_6, %dma_start3A_2115, %dma_start3A_2116] : memref<64x8x128xi32, #tpu.memory_space<hbm>> -> memref<1x8x128xi32, #tpu.memory_space<hbm>>
      %dma_start3A_2118 = tpu.memref_squeeze %dma_start3A_2117 : memref<1x8x128xi32, #tpu.memory_space<hbm>> -> memref<8x128xi32, #tpu.memory_space<hbm>>
      tpu.enqueue_dma source(%arg14 : memref<8x128xi32, #tpu.memory_space<vmem>>) target(%dma_start3A_2118 : memref<8x128xi32, #tpu.memory_space<hbm>>) target_semaphore(%run_scoped3A : memref<!tpu.dma_semaphore, #tpu.memory_space<semaphore_mem>>)
      %dma_wait3A = arith.constant 0 : i32
      %dma_wait3A_2119 = arith.constant 0 : i32
      %dma_wait3A_2120 = tpu.memref_slice %arg6[%add3A_6, %dma_wait3A, %dma_wait3A_2119] : memref<64x8x128xi32, #tpu.memory_space<hbm>> -> memref<1x8x128xi32, #tpu.memory_space<hbm>>
      %dma_wait3A_2121 = tpu.memref_squeeze %dma_wait3A_2120 : memref<1x8x128xi32, #tpu.memory_space<hbm>> -> memref<8x128xi32, #tpu.memory_space<hbm>>
      %dma_wait3A_2122 = arith.constant 0 : i32
      %dma_wait3A_2123 = arith.constant 0 : i32
      %dma_wait3A_2124 = tpu.memref_slice %arg6[%add3A_6, %dma_wait3A_2122, %dma_wait3A_2123] : memref<64x8x128xi32, #tpu.memory_space<hbm>> -> memref<1x8x128xi32, #tpu.memory_space<hbm>>
      %dma_wait3A_2125 = tpu.memref_squeeze %dma_wait3A_2124 : memref<1x8x128xi32, #tpu.memory_space<hbm>> -> memref<8x128xi32, #tpu.memory_space<hbm>>
      tpu.wait_dma2 semaphore(%run_scoped3A : memref<!tpu.dma_semaphore, #tpu.memory_space<semaphore_mem>>) src(%arg14 : memref<8x128xi32, #tpu.memory_space<vmem>>) dst(%dma_wait3A_2125 : memref<8x128xi32, #tpu.memory_space<hbm>>)
      tpu.yield
    }) : () -> ()
    "tpu.region"() ({
      %run_scoped3A = tpu.sem_alloc : memref<!tpu.dma_semaphore, #tpu.memory_space<semaphore_mem>>
      %dma_start3A = arith.constant 0 : i32
      %dma_start3A_2112 = arith.constant 0 : i32
      %dma_start3A_2113 = tpu.memref_slice %arg7[%add3A_6, %dma_start3A, %dma_start3A_2112] : memref<64x8x128xf32, #tpu.memory_space<hbm>> -> memref<1x8x128xf32, #tpu.memory_space<hbm>>
      %dma_start3A_2114 = tpu.memref_squeeze %dma_start3A_2113 : memref<1x8x128xf32, #tpu.memory_space<hbm>> -> memref<8x128xf32, #tpu.memory_space<hbm>>
      %dma_start3A_2115 = arith.constant 0 : i32
      %dma_start3A_2116 = arith.constant 0 : i32
      %dma_start3A_2117 = tpu.memref_slice %arg7[%add3A_6, %dma_start3A_2115, %dma_start3A_2116] : memref<64x8x128xf32, #tpu.memory_space<hbm>> -> memref<1x8x128xf32, #tpu.memory_space<hbm>>
      %dma_start3A_2118 = tpu.memref_squeeze %dma_start3A_2117 : memref<1x8x128xf32, #tpu.memory_space<hbm>> -> memref<8x128xf32, #tpu.memory_space<hbm>>
      tpu.enqueue_dma source(%arg16 : memref<8x128xf32, #tpu.memory_space<vmem>>) target(%dma_start3A_2118 : memref<8x128xf32, #tpu.memory_space<hbm>>) target_semaphore(%run_scoped3A : memref<!tpu.dma_semaphore, #tpu.memory_space<semaphore_mem>>)
      %dma_wait3A = arith.constant 0 : i32
      %dma_wait3A_2119 = arith.constant 0 : i32
      %dma_wait3A_2120 = tpu.memref_slice %arg7[%add3A_6, %dma_wait3A, %dma_wait3A_2119] : memref<64x8x128xf32, #tpu.memory_space<hbm>> -> memref<1x8x128xf32, #tpu.memory_space<hbm>>
      %dma_wait3A_2121 = tpu.memref_squeeze %dma_wait3A_2120 : memref<1x8x128xf32, #tpu.memory_space<hbm>> -> memref<8x128xf32, #tpu.memory_space<hbm>>
      %dma_wait3A_2122 = arith.constant 0 : i32
      %dma_wait3A_2123 = arith.constant 0 : i32
      %dma_wait3A_2124 = tpu.memref_slice %arg7[%add3A_6, %dma_wait3A_2122, %dma_wait3A_2123] : memref<64x8x128xf32, #tpu.memory_space<hbm>> -> memref<1x8x128xf32, #tpu.memory_space<hbm>>
      %dma_wait3A_2125 = tpu.memref_squeeze %dma_wait3A_2124 : memref<1x8x128xf32, #tpu.memory_space<hbm>> -> memref<8x128xf32, #tpu.memory_space<hbm>>
      tpu.wait_dma2 semaphore(%run_scoped3A : memref<!tpu.dma_semaphore, #tpu.memory_space<semaphore_mem>>) src(%arg16 : memref<8x128xf32, #tpu.memory_space<vmem>>) dst(%dma_wait3A_2125 : memref<8x128xf32, #tpu.memory_space<hbm>>)
      tpu.yield
    }) : () -> ()
    %mul3A_1047 = arith.constant 2 : i32
    %mul3A_1048 = arith.muli %add3A, %mul3A_1047 : i32
    %add3A_1049 = arith.constant 1 : i32
    %add3A_1050 = arith.addi %mul3A_1048, %add3A_1049 : i32
    "tpu.region"() ({
      %run_scoped3A = tpu.sem_alloc : memref<!tpu.dma_semaphore, #tpu.memory_space<semaphore_mem>>
      %dma_start3A = arith.constant 0 : i32
      %dma_start3A_2112 = arith.constant 0 : i32
      %dma_start3A_2113 = tpu.memref_slice %arg2[%add3A_1050, %dma_start3A, %dma_start3A_2112] : memref<64x900x91xf32, #tpu.memory_space<hbm>> -> memref<1x900x91xf32, #tpu.memory_space<hbm>>
      %dma_start3A_2114 = tpu.memref_squeeze %dma_start3A_2113 : memref<1x900x91xf32, #tpu.memory_space<hbm>> -> memref<900x91xf32, #tpu.memory_space<hbm>>
      %dma_start3A_2115 = arith.constant 0 : i32
      %dma_start3A_2116 = arith.constant 0 : i32
      %dma_start3A_2117 = tpu.memref_slice %arg2[%add3A_1050, %dma_start3A_2115, %dma_start3A_2116] : memref<64x900x91xf32, #tpu.memory_space<hbm>> -> memref<1x900x91xf32, #tpu.memory_space<hbm>>
      %dma_start3A_2118 = tpu.memref_squeeze %dma_start3A_2117 : memref<1x900x91xf32, #tpu.memory_space<hbm>> -> memref<900x91xf32, #tpu.memory_space<hbm>>
      tpu.enqueue_dma source(%dma_start3A_2118 : memref<900x91xf32, #tpu.memory_space<hbm>>) target(%arg8 : memref<900x91xf32, #tpu.memory_space<vmem>>) target_semaphore(%run_scoped3A : memref<!tpu.dma_semaphore, #tpu.memory_space<semaphore_mem>>)
      %dma_wait3A = arith.constant 0 : i32
      %dma_wait3A_2119 = arith.constant 0 : i32
      %dma_wait3A_2120 = tpu.memref_slice %arg2[%add3A_1050, %dma_wait3A, %dma_wait3A_2119] : memref<64x900x91xf32, #tpu.memory_space<hbm>> -> memref<1x900x91xf32, #tpu.memory_space<hbm>>
      %dma_wait3A_2121 = tpu.memref_squeeze %dma_wait3A_2120 : memref<1x900x91xf32, #tpu.memory_space<hbm>> -> memref<900x91xf32, #tpu.memory_space<hbm>>
      %dma_wait3A_2122 = arith.constant 0 : i32
      %dma_wait3A_2123 = arith.constant 0 : i32
      %dma_wait3A_2124 = tpu.memref_slice %arg2[%add3A_1050, %dma_wait3A_2122, %dma_wait3A_2123] : memref<64x900x91xf32, #tpu.memory_space<hbm>> -> memref<1x900x91xf32, #tpu.memory_space<hbm>>
      %dma_wait3A_2125 = tpu.memref_squeeze %dma_wait3A_2124 : memref<1x900x91xf32, #tpu.memory_space<hbm>> -> memref<900x91xf32, #tpu.memory_space<hbm>>
      tpu.wait_dma2 semaphore(%run_scoped3A : memref<!tpu.dma_semaphore, #tpu.memory_space<semaphore_mem>>) src(%dma_wait3A_2125 : memref<900x91xf32, #tpu.memory_space<hbm>>) dst(%arg8 : memref<900x91xf32, #tpu.memory_space<vmem>>)
      tpu.yield
    }) : () -> ()
    "tpu.region"() ({
      %run_scoped3A = tpu.sem_alloc : memref<!tpu.dma_semaphore, #tpu.memory_space<semaphore_mem>>
      %dma_start3A = arith.constant 0 : i32
      %dma_start3A_2112 = arith.constant 0 : i32
      %dma_start3A_2113 = tpu.memref_slice %arg3[%add3A_1050, %dma_start3A, %dma_start3A_2112] : memref<64x32x128xf32, #tpu.memory_space<hbm>> -> memref<1x32x128xf32, #tpu.memory_space<hbm>>
      %dma_start3A_2114 = tpu.memref_squeeze %dma_start3A_2113 : memref<1x32x128xf32, #tpu.memory_space<hbm>> -> memref<32x128xf32, #tpu.memory_space<hbm>>
      %dma_start3A_2115 = arith.constant 0 : i32
      %dma_start3A_2116 = arith.constant 0 : i32
      %dma_start3A_2117 = tpu.memref_slice %arg3[%add3A_1050, %dma_start3A_2115, %dma_start3A_2116] : memref<64x32x128xf32, #tpu.memory_space<hbm>> -> memref<1x32x128xf32, #tpu.memory_space<hbm>>
      %dma_start3A_2118 = tpu.memref_squeeze %dma_start3A_2117 : memref<1x32x128xf32, #tpu.memory_space<hbm>> -> memref<32x128xf32, #tpu.memory_space<hbm>>
      tpu.enqueue_dma source(%dma_start3A_2118 : memref<32x128xf32, #tpu.memory_space<hbm>>) target(%arg15 : memref<32x128xf32, #tpu.memory_space<vmem>>) target_semaphore(%run_scoped3A : memref<!tpu.dma_semaphore, #tpu.memory_space<semaphore_mem>>)
      %dma_wait3A = arith.constant 0 : i32
      %dma_wait3A_2119 = arith.constant 0 : i32
      %dma_wait3A_2120 = tpu.memref_slice %arg3[%add3A_1050, %dma_wait3A, %dma_wait3A_2119] : memref<64x32x128xf32, #tpu.memory_space<hbm>> -> memref<1x32x128xf32, #tpu.memory_space<hbm>>
      %dma_wait3A_2121 = tpu.memref_squeeze %dma_wait3A_2120 : memref<1x32x128xf32, #tpu.memory_space<hbm>> -> memref<32x128xf32, #tpu.memory_space<hbm>>
      %dma_wait3A_2122 = arith.constant 0 : i32
      %dma_wait3A_2123 = arith.constant 0 : i32
      %dma_wait3A_2124 = tpu.memref_slice %arg3[%add3A_1050, %dma_wait3A_2122, %dma_wait3A_2123] : memref<64x32x128xf32, #tpu.memory_space<hbm>> -> memref<1x32x128xf32, #tpu.memory_space<hbm>>
      %dma_wait3A_2125 = tpu.memref_squeeze %dma_wait3A_2124 : memref<1x32x128xf32, #tpu.memory_space<hbm>> -> memref<32x128xf32, #tpu.memory_space<hbm>>
      tpu.wait_dma2 semaphore(%run_scoped3A : memref<!tpu.dma_semaphore, #tpu.memory_space<semaphore_mem>>) src(%dma_wait3A_2125 : memref<32x128xf32, #tpu.memory_space<hbm>>) dst(%arg15 : memref<32x128xf32, #tpu.memory_space<vmem>>)
      tpu.yield
    }) : () -> ()
    %scan3A_1051 = arith.constant 0 : i32
    %scan3A_1052 = arith.constant 0 : i32
    %scan3A_1053 = arith.constant 450 : i32
    %scan3A_1054 = arith.addi %scan3A_1052, %scan3A_1053 : i32
    %scan3A_1055 = arith.constant 1 : i32
    %scan3A_1056 = scf.for %scan3A_2112 = %scan3A_1052 to %scan3A_1054 step %scan3A_1055 iter_args(%scan3A_2113 = %scan3A_1051) -> (i32)  : i32 {
      %broadcast_in_dim3A_2114 = arith.constant 0xFF800000 : f32
      %broadcast_in_dim3A_2115 = vector.broadcast %broadcast_in_dim3A_2114 : f32 to vector<16xf32>
      %mul3A_2116 = arith.constant 2 : i32
      %mul3A_2117 = arith.muli %mul3A_2116, %scan3A_2112 : i32
      %add3A_2118 = arith.constant 0 : i32
      %add3A_2119 = arith.addi %mul3A_2117, %add3A_2118 : i32
      %get3A_2120 = arith.index_cast %add3A_2119 : i32 to index
      %get3A_2121 = arith.constant 0 : index
      %get3A_2122 = tpu.vector_load %arg8[%get3A_2120, %get3A_2121] {strides = array<i32>} : memref<900x91xf32, #tpu.memory_space<vmem>>, vector<16xf32>,
      %max3A_2123 = arith.maximumf %broadcast_in_dim3A_2115, %get3A_2122 : vector<16xf32>
      %mul3A_2124 = arith.constant 2 : i32
      %mul3A_2125 = arith.muli %mul3A_2124, %scan3A_2112 : i32
      %add3A_2126 = arith.constant 0 : i32
      %add3A_2127 = arith.addi %mul3A_2125, %add3A_2126 : i32
      %get3A_2128 = arith.index_cast %add3A_2127 : i32 to index
      %get3A_2129 = arith.constant 16 : index
      %get3A_2130 = tpu.vector_load %arg8[%get3A_2128, %get3A_2129] {strides = array<i32>} : memref<900x91xf32, #tpu.memory_space<vmem>>, vector<16xf32>,
      %max3A_2131 = arith.maximumf %max3A_2123, %get3A_2130 : vector<16xf32>
      %mul3A_2132 = arith.constant 2 : i32
      %mul3A_2133 = arith.muli %mul3A_2132, %scan3A_2112 : i32
      %add3A_2134 = arith.constant 0 : i32
      %add3A_2135 = arith.addi %mul3A_2133, %add3A_2134 : i32
      %get3A_2136 = arith.index_cast %add3A_2135 : i32 to index
      %get3A_2137 = arith.constant 32 : index
      %get3A_2138 = tpu.vector_load %arg8[%get3A_2136, %get3A_2137] {strides = array<i32>} : memref<900x91xf32, #tpu.memory_space<vmem>>, vector<16xf32>,
      %max3A_2139 = arith.maximumf %max3A_2131, %get3A_2138 : vector<16xf32>
      %mul3A_2140 = arith.constant 2 : i32
      %mul3A_2141 = arith.muli %mul3A_2140, %scan3A_2112 : i32
      %add3A_2142 = arith.constant 0 : i32
      %add3A_2143 = arith.addi %mul3A_2141, %add3A_2142 : i32
      %get3A_2144 = arith.index_cast %add3A_2143 : i32 to index
      %get3A_2145 = arith.constant 48 : index
      %get3A_2146 = tpu.vector_load %arg8[%get3A_2144, %get3A_2145] {strides = array<i32>} : memref<900x91xf32, #tpu.memory_space<vmem>>, vector<16xf32>,
      %max3A_2147 = arith.maximumf %max3A_2139, %get3A_2146 : vector<16xf32>
      %mul3A_2148 = arith.constant 2 : i32
      %mul3A_2149 = arith.muli %mul3A_2148, %scan3A_2112 : i32
      %add3A_2150 = arith.constant 0 : i32
      %add3A_2151 = arith.addi %mul3A_2149, %add3A_2150 : i32
      %get3A_2152 = arith.index_cast %add3A_2151 : i32 to index
      %get3A_2153 = arith.constant 64 : index
      %get3A_2154 = tpu.vector_load %arg8[%get3A_2152, %get3A_2153] {strides = array<i32>} : memref<900x91xf32, #tpu.memory_space<vmem>>, vector<16xf32>,
      %max3A_2155 = arith.maximumf %max3A_2147, %get3A_2154 : vector<16xf32>
      %mul3A_2156 = arith.constant 2 : i32
      %mul3A_2157 = arith.muli %mul3A_2156, %scan3A_2112 : i32
      %add3A_2158 = arith.constant 0 : i32
      %add3A_2159 = arith.addi %mul3A_2157, %add3A_2158 : i32
      %get3A_2160 = arith.index_cast %add3A_2159 : i32 to index
      %get3A_2161 = arith.constant 75 : index
      %get3A_2162 = tpu.vector_load %arg8[%get3A_2160, %get3A_2161] {strides = array<i32>} : memref<900x91xf32, #tpu.memory_space<vmem>>, vector<16xf32>,
      %max3A_2163 = arith.maximumf %max3A_2155, %get3A_2162 : vector<16xf32>
      %mul3A_2164 = arith.constant 2 : i32
      %mul3A_2165 = arith.muli %mul3A_2164, %scan3A_2112 : i32
      %add3A_2166 = arith.constant 1 : i32
      %add3A_2167 = arith.addi %mul3A_2165, %add3A_2166 : i32
      %get3A_2168 = arith.index_cast %add3A_2167 : i32 to index
      %get3A_2169 = arith.constant 0 : index
      %get3A_2170 = tpu.vector_load %arg8[%get3A_2168, %get3A_2169] {strides = array<i32>} : memref<900x91xf32, #tpu.memory_space<vmem>>, vector<16xf32>,
      %max3A_2171 = arith.maximumf %max3A_2163, %get3A_2170 : vector<16xf32>
      %mul3A_2172 = arith.constant 2 : i32
      %mul3A_2173 = arith.muli %mul3A_2172, %scan3A_2112 : i32
      %add3A_2174 = arith.constant 1 : i32
      %add3A_2175 = arith.addi %mul3A_2173, %add3A_2174 : i32
      %get3A_2176 = arith.index_cast %add3A_2175 : i32 to index
      %get3A_2177 = arith.constant 16 : index
      %get3A_2178 = tpu.vector_load %arg8[%get3A_2176, %get3A_2177] {strides = array<i32>} : memref<900x91xf32, #tpu.memory_space<vmem>>, vector<16xf32>,
      %max3A_2179 = arith.maximumf %max3A_2171, %get3A_2178 : vector<16xf32>
      %mul3A_2180 = arith.constant 2 : i32
      %mul3A_2181 = arith.muli %mul3A_2180, %scan3A_2112 : i32
      %add3A_2182 = arith.constant 1 : i32
      %add3A_2183 = arith.addi %mul3A_2181, %add3A_2182 : i32
      %get3A_2184 = arith.index_cast %add3A_2183 : i32 to index
      %get3A_2185 = arith.constant 32 : index
      %get3A_2186 = tpu.vector_load %arg8[%get3A_2184, %get3A_2185] {strides = array<i32>} : memref<900x91xf32, #tpu.memory_space<vmem>>, vector<16xf32>,
      %max3A_2187 = arith.maximumf %max3A_2179, %get3A_2186 : vector<16xf32>
      %mul3A_2188 = arith.constant 2 : i32
      %mul3A_2189 = arith.muli %mul3A_2188, %scan3A_2112 : i32
      %add3A_2190 = arith.constant 1 : i32
      %add3A_2191 = arith.addi %mul3A_2189, %add3A_2190 : i32
      %get3A_2192 = arith.index_cast %add3A_2191 : i32 to index
      %get3A_2193 = arith.constant 48 : index
      %get3A_2194 = tpu.vector_load %arg8[%get3A_2192, %get3A_2193] {strides = array<i32>} : memref<900x91xf32, #tpu.memory_space<vmem>>, vector<16xf32>,
      %max3A_2195 = arith.maximumf %max3A_2187, %get3A_2194 : vector<16xf32>
      %mul3A_2196 = arith.constant 2 : i32
      %mul3A_2197 = arith.muli %mul3A_2196, %scan3A_2112 : i32
      %add3A_2198 = arith.constant 1 : i32
      %add3A_2199 = arith.addi %mul3A_2197, %add3A_2198 : i32
      %get3A_2200 = arith.index_cast %add3A_2199 : i32 to index
      %get3A_2201 = arith.constant 64 : index
      %get3A_2202 = tpu.vector_load %arg8[%get3A_2200, %get3A_2201] {strides = array<i32>} : memref<900x91xf32, #tpu.memory_space<vmem>>, vector<16xf32>,
      %max3A_2203 = arith.maximumf %max3A_2195, %get3A_2202 : vector<16xf32>
      %mul3A_2204 = arith.constant 2 : i32
      %mul3A_2205 = arith.muli %mul3A_2204, %scan3A_2112 : i32
      %add3A_2206 = arith.constant 1 : i32
      %add3A_2207 = arith.addi %mul3A_2205, %add3A_2206 : i32
      %get3A_2208 = arith.index_cast %add3A_2207 : i32 to index
      %get3A_2209 = arith.constant 75 : index
      %get3A_2210 = tpu.vector_load %arg8[%get3A_2208, %get3A_2209] {strides = array<i32>} : memref<900x91xf32, #tpu.memory_space<vmem>>, vector<16xf32>,
      %max3A_2211 = arith.maximumf %max3A_2203, %get3A_2210 : vector<16xf32>
      %reduce_max3A_2212 = arith.constant true
      %reduce_max3A_2213 = vector.broadcast %reduce_max3A_2212 : i1 to vector<16xi1>
      %reduce_max3A_2214 = tpu.scan <max>, %max3A_2211 masked %reduce_max3A_2213 : vector<16xf32>, vector<16xi1> -> vector<16xf32>
      %reduce_max3A_2215 = vector.extract %reduce_max3A_2214[15] : f32 from vector<16xf32>
      %broadcast_in_dim3A_2216 = vector.broadcast %scan3A_2112 : i32 to vector<16xi32>
      %broadcast_in_dim3A_2217 = vector.broadcast %reduce_max3A_2215 : f32 to vector<16xf32>
      tpu.vector_store_idx %arg9[%broadcast_in_dim3A_2216], %broadcast_in_dim3A_2217 masked %eq3A_2 : memref<464xf32, #tpu.memory_space<vmem>>[vector<16xi32>], vector<16xf32>, vector<16xi1>
      %scan3A_2218 = arith.constant 0 : i32
      scf.yield %scan3A_2218 : i32
    }
    %scan3A_1057 = arith.constant 450 : i32
    %get3A_1058 = arith.constant 448 : index
    %get3A_1059 = tpu.vector_load %arg9[%get3A_1058] {strides = array<i32>} : memref<464xf32, #tpu.memory_space<vmem>>, vector<16xf32>,
    %lt3A_1060 = arith.constant 2 : i32
    %lt3A_1061 = vector.broadcast %lt3A_1060 : i32 to vector<16xi32>
    %lt3A_1062 = arith.cmpi slt, %iota3A, %lt3A_1061 : vector<16xi32>
    %jit3A_1063 = arith.constant 0xFF800000 : f32
    %broadcast_in_dim3A_1064 = vector.broadcast %jit3A_1063 : f32 to vector<16xf32>
    %select_n3A_1065 = arith.select %lt3A_1062, %get3A_1059, %broadcast_in_dim3A_1064 : vector<16xi1>, vector<16xf32>
    %swap3A_1066 = arith.constant 448 : index
    %swap3A_1067 = tpu.vector_load %arg9[%swap3A_1066] {strides = array<i32>} : memref<464xf32, #tpu.memory_space<vmem>>, vector<16xf32>,
    tpu.vector_store %arg9[%swap3A_1066], %select_n3A_1065 {strides = array<i32>} : memref<464xf32, #tpu.memory_space<vmem>>, vector<16xf32>,
    %broadcast_in_dim3A_1068 = arith.constant 0xFF800000 : f32
    %broadcast_in_dim3A_1069 = vector.broadcast %broadcast_in_dim3A_1068 : f32 to vector<16xf32>
    %swap3A_1070 = arith.constant 0 : index
    %swap3A_1071 = tpu.vector_load %arg10[%swap3A_1070] {strides = array<i32>} : memref<32xf32, #tpu.memory_space<vmem>>, vector<16xf32>,
    tpu.vector_store %arg10[%swap3A_1070], %broadcast_in_dim3A_1069 {strides = array<i32>} : memref<32xf32, #tpu.memory_space<vmem>>, vector<16xf32>,
    %broadcast_in_dim3A_1072 = arith.constant 0xFF800000 : f32
    %broadcast_in_dim3A_1073 = vector.broadcast %broadcast_in_dim3A_1072 : f32 to vector<16xf32>
    %swap3A_1074 = arith.constant 16 : index
    %swap3A_1075 = tpu.vector_load %arg10[%swap3A_1074] {strides = array<i32>} : memref<32xf32, #tpu.memory_space<vmem>>, vector<16xf32>,
    tpu.vector_store %arg10[%swap3A_1074], %broadcast_in_dim3A_1073 {strides = array<i32>} : memref<32xf32, #tpu.memory_space<vmem>>, vector<16xf32>,
    %get3A_1076 = arith.constant 0 : index
    %get3A_1077 = tpu.vector_load %arg9[%get3A_1076] {strides = array<i32>} : memref<464xf32, #tpu.memory_space<vmem>>, vector<16xf32>,
    %reduce_max3A_1078 = arith.constant true
    %reduce_max3A_1079 = vector.broadcast %reduce_max3A_1078 : i1 to vector<16xi1>
    %reduce_max3A_1080 = tpu.scan <max>, %get3A_1077 masked %reduce_max3A_1079 : vector<16xf32>, vector<16xi1> -> vector<16xf32>
    %reduce_max3A_1081 = vector.extract %reduce_max3A_1080[15] : f32 from vector<16xf32>
    %broadcast_in_dim3A_1082 = arith.constant 0 : i32
    %broadcast_in_dim3A_1083 = vector.broadcast %broadcast_in_dim3A_1082 : i32 to vector<16xi32>
    %broadcast_in_dim3A_1084 = vector.broadcast %reduce_max3A_1081 : f32 to vector<16xf32>
    tpu.vector_store_idx %arg10[%broadcast_in_dim3A_1083], %broadcast_in_dim3A_1084 masked %eq3A_2 : memref<32xf32, #tpu.memory_space<vmem>>[vector<16xi32>], vector<16xf32>, vector<16xi1>
    %get3A_1085 = arith.constant 16 : index
    %get3A_1086 = tpu.vector_load %arg9[%get3A_1085] {strides = array<i32>} : memref<464xf32, #tpu.memory_space<vmem>>, vector<16xf32>,
    %reduce_max3A_1087 = arith.constant true
    %reduce_max3A_1088 = vector.broadcast %reduce_max3A_1087 : i1 to vector<16xi1>
    %reduce_max3A_1089 = tpu.scan <max>, %get3A_1086 masked %reduce_max3A_1088 : vector<16xf32>, vector<16xi1> -> vector<16xf32>
    %reduce_max3A_1090 = vector.extract %reduce_max3A_1089[15] : f32 from vector<16xf32>
    %broadcast_in_dim3A_1091 = arith.constant 1 : i32
    %broadcast_in_dim3A_1092 = vector.broadcast %broadcast_in_dim3A_1091 : i32 to vector<16xi32>
    %broadcast_in_dim3A_1093 = vector.broadcast %reduce_max3A_1090 : f32 to vector<16xf32>
    tpu.vector_store_idx %arg10[%broadcast_in_dim3A_1092], %broadcast_in_dim3A_1093 masked %eq3A_2 : memref<32xf32, #tpu.memory_space<vmem>>[vector<16xi32>], vector<16xf32>, vector<16xi1>
    %get3A_1094 = arith.constant 32 : index
    %get3A_1095 = tpu.vector_load %arg9[%get3A_1094] {strides = array<i32>} : memref<464xf32, #tpu.memory_space<vmem>>, vector<16xf32>,
    %reduce_max3A_1096 = arith.constant true
    %reduce_max3A_1097 = vector.broadcast %reduce_max3A_1096 : i1 to vector<16xi1>
    %reduce_max3A_1098 = tpu.scan <max>, %get3A_1095 masked %reduce_max3A_1097 : vector<16xf32>, vector<16xi1> -> vector<16xf32>
    %reduce_max3A_1099 = vector.extract %reduce_max3A_1098[15] : f32 from vector<16xf32>
    %broadcast_in_dim3A_1100 = arith.constant 2 : i32
    %broadcast_in_dim3A_1101 = vector.broadcast %broadcast_in_dim3A_1100 : i32 to vector<16xi32>
    %broadcast_in_dim3A_1102 = vector.broadcast %reduce_max3A_1099 : f32 to vector<16xf32>
    tpu.vector_store_idx %arg10[%broadcast_in_dim3A_1101], %broadcast_in_dim3A_1102 masked %eq3A_2 : memref<32xf32, #tpu.memory_space<vmem>>[vector<16xi32>], vector<16xf32>, vector<16xi1>
    %get3A_1103 = arith.constant 48 : index
    %get3A_1104 = tpu.vector_load %arg9[%get3A_1103] {strides = array<i32>} : memref<464xf32, #tpu.memory_space<vmem>>, vector<16xf32>,
    %reduce_max3A_1105 = arith.constant true
    %reduce_max3A_1106 = vector.broadcast %reduce_max3A_1105 : i1 to vector<16xi1>
    %reduce_max3A_1107 = tpu.scan <max>, %get3A_1104 masked %reduce_max3A_1106 : vector<16xf32>, vector<16xi1> -> vector<16xf32>
    %reduce_max3A_1108 = vector.extract %reduce_max3A_1107[15] : f32 from vector<16xf32>
    %broadcast_in_dim3A_1109 = arith.constant 3 : i32
    %broadcast_in_dim3A_1110 = vector.broadcast %broadcast_in_dim3A_1109 : i32 to vector<16xi32>
    %broadcast_in_dim3A_1111 = vector.broadcast %reduce_max3A_1108 : f32 to vector<16xf32>
    tpu.vector_store_idx %arg10[%broadcast_in_dim3A_1110], %broadcast_in_dim3A_1111 masked %eq3A_2 : memref<32xf32, #tpu.memory_space<vmem>>[vector<16xi32>], vector<16xf32>, vector<16xi1>
    %get3A_1112 = arith.constant 64 : index
    %get3A_1113 = tpu.vector_load %arg9[%get3A_1112] {strides = array<i32>} : memref<464xf32, #tpu.memory_space<vmem>>, vector<16xf32>,
    %reduce_max3A_1114 = arith.constant true
    %reduce_max3A_1115 = vector.broadcast %reduce_max3A_1114 : i1 to vector<16xi1>
    %reduce_max3A_1116 = tpu.scan <max>, %get3A_1113 masked %reduce_max3A_1115 : vector<16xf32>, vector<16xi1> -> vector<16xf32>
    %reduce_max3A_1117 = vector.extract %reduce_max3A_1116[15] : f32 from vector<16xf32>
    %broadcast_in_dim3A_1118 = arith.constant 4 : i32
    %broadcast_in_dim3A_1119 = vector.broadcast %broadcast_in_dim3A_1118 : i32 to vector<16xi32>
    %broadcast_in_dim3A_1120 = vector.broadcast %reduce_max3A_1117 : f32 to vector<16xf32>
    tpu.vector_store_idx %arg10[%broadcast_in_dim3A_1119], %broadcast_in_dim3A_1120 masked %eq3A_2 : memref<32xf32, #tpu.memory_space<vmem>>[vector<16xi32>], vector<16xf32>, vector<16xi1>
    %get3A_1121 = arith.constant 80 : index
    %get3A_1122 = tpu.vector_load %arg9[%get3A_1121] {strides = array<i32>} : memref<464xf32, #tpu.memory_space<vmem>>, vector<16xf32>,
    %reduce_max3A_1123 = arith.constant true
    %reduce_max3A_1124 = vector.broadcast %reduce_max3A_1123 : i1 to vector<16xi1>
    %reduce_max3A_1125 = tpu.scan <max>, %get3A_1122 masked %reduce_max3A_1124 : vector<16xf32>, vector<16xi1> -> vector<16xf32>
    %reduce_max3A_1126 = vector.extract %reduce_max3A_1125[15] : f32 from vector<16xf32>
    %broadcast_in_dim3A_1127 = arith.constant 5 : i32
    %broadcast_in_dim3A_1128 = vector.broadcast %broadcast_in_dim3A_1127 : i32 to vector<16xi32>
    %broadcast_in_dim3A_1129 = vector.broadcast %reduce_max3A_1126 : f32 to vector<16xf32>
    tpu.vector_store_idx %arg10[%broadcast_in_dim3A_1128], %broadcast_in_dim3A_1129 masked %eq3A_2 : memref<32xf32, #tpu.memory_space<vmem>>[vector<16xi32>], vector<16xf32>, vector<16xi1>
    %get3A_1130 = arith.constant 96 : index
    %get3A_1131 = tpu.vector_load %arg9[%get3A_1130] {strides = array<i32>} : memref<464xf32, #tpu.memory_space<vmem>>, vector<16xf32>,
    %reduce_max3A_1132 = arith.constant true
    %reduce_max3A_1133 = vector.broadcast %reduce_max3A_1132 : i1 to vector<16xi1>
    %reduce_max3A_1134 = tpu.scan <max>, %get3A_1131 masked %reduce_max3A_1133 : vector<16xf32>, vector<16xi1> -> vector<16xf32>
    %reduce_max3A_1135 = vector.extract %reduce_max3A_1134[15] : f32 from vector<16xf32>
    %broadcast_in_dim3A_1136 = arith.constant 6 : i32
    %broadcast_in_dim3A_1137 = vector.broadcast %broadcast_in_dim3A_1136 : i32 to vector<16xi32>
    %broadcast_in_dim3A_1138 = vector.broadcast %reduce_max3A_1135 : f32 to vector<16xf32>
    tpu.vector_store_idx %arg10[%broadcast_in_dim3A_1137], %broadcast_in_dim3A_1138 masked %eq3A_2 : memref<32xf32, #tpu.memory_space<vmem>>[vector<16xi32>], vector<16xf32>, vector<16xi1>
    %get3A_1139 = arith.constant 112 : index
    %get3A_1140 = tpu.vector_load %arg9[%get3A_1139] {strides = array<i32>} : memref<464xf32, #tpu.memory_space<vmem>>, vector<16xf32>,
    %reduce_max3A_1141 = arith.constant true
    %reduce_max3A_1142 = vector.broadcast %reduce_max3A_1141 : i1 to vector<16xi1>
    %reduce_max3A_1143 = tpu.scan <max>, %get3A_1140 masked %reduce_max3A_1142 : vector<16xf32>, vector<16xi1> -> vector<16xf32>
    %reduce_max3A_1144 = vector.extract %reduce_max3A_1143[15] : f32 from vector<16xf32>
    %broadcast_in_dim3A_1145 = arith.constant 7 : i32
    %broadcast_in_dim3A_1146 = vector.broadcast %broadcast_in_dim3A_1145 : i32 to vector<16xi32>
    %broadcast_in_dim3A_1147 = vector.broadcast %reduce_max3A_1144 : f32 to vector<16xf32>
    tpu.vector_store_idx %arg10[%broadcast_in_dim3A_1146], %broadcast_in_dim3A_1147 masked %eq3A_2 : memref<32xf32, #tpu.memory_space<vmem>>[vector<16xi32>], vector<16xf32>, vector<16xi1>
    %get3A_1148 = arith.constant 128 : index
    %get3A_1149 = tpu.vector_load %arg9[%get3A_1148] {strides = array<i32>} : memref<464xf32, #tpu.memory_space<vmem>>, vector<16xf32>,
    %reduce_max3A_1150 = arith.constant true
    %reduce_max3A_1151 = vector.broadcast %reduce_max3A_1150 : i1 to vector<16xi1>
    %reduce_max3A_1152 = tpu.scan <max>, %get3A_1149 masked %reduce_max3A_1151 : vector<16xf32>, vector<16xi1> -> vector<16xf32>
    %reduce_max3A_1153 = vector.extract %reduce_max3A_1152[15] : f32 from vector<16xf32>
    %broadcast_in_dim3A_1154 = arith.constant 8 : i32
    %broadcast_in_dim3A_1155 = vector.broadcast %broadcast_in_dim3A_1154 : i32 to vector<16xi32>
    %broadcast_in_dim3A_1156 = vector.broadcast %reduce_max3A_1153 : f32 to vector<16xf32>
    tpu.vector_store_idx %arg10[%broadcast_in_dim3A_1155], %broadcast_in_dim3A_1156 masked %eq3A_2 : memref<32xf32, #tpu.memory_space<vmem>>[vector<16xi32>], vector<16xf32>, vector<16xi1>
    %get3A_1157 = arith.constant 144 : index
    %get3A_1158 = tpu.vector_load %arg9[%get3A_1157] {strides = array<i32>} : memref<464xf32, #tpu.memory_space<vmem>>, vector<16xf32>,
    %reduce_max3A_1159 = arith.constant true
    %reduce_max3A_1160 = vector.broadcast %reduce_max3A_1159 : i1 to vector<16xi1>
    %reduce_max3A_1161 = tpu.scan <max>, %get3A_1158 masked %reduce_max3A_1160 : vector<16xf32>, vector<16xi1> -> vector<16xf32>
    %reduce_max3A_1162 = vector.extract %reduce_max3A_1161[15] : f32 from vector<16xf32>
    %broadcast_in_dim3A_1163 = arith.constant 9 : i32
    %broadcast_in_dim3A_1164 = vector.broadcast %broadcast_in_dim3A_1163 : i32 to vector<16xi32>
    %broadcast_in_dim3A_1165 = vector.broadcast %reduce_max3A_1162 : f32 to vector<16xf32>
    tpu.vector_store_idx %arg10[%broadcast_in_dim3A_1164], %broadcast_in_dim3A_1165 masked %eq3A_2 : memref<32xf32, #tpu.memory_space<vmem>>[vector<16xi32>], vector<16xf32>, vector<16xi1>
    %get3A_1166 = arith.constant 160 : index
    %get3A_1167 = tpu.vector_load %arg9[%get3A_1166] {strides = array<i32>} : memref<464xf32, #tpu.memory_space<vmem>>, vector<16xf32>,
    %reduce_max3A_1168 = arith.constant true
    %reduce_max3A_1169 = vector.broadcast %reduce_max3A_1168 : i1 to vector<16xi1>
    %reduce_max3A_1170 = tpu.scan <max>, %get3A_1167 masked %reduce_max3A_1169 : vector<16xf32>, vector<16xi1> -> vector<16xf32>
    %reduce_max3A_1171 = vector.extract %reduce_max3A_1170[15] : f32 from vector<16xf32>
    %broadcast_in_dim3A_1172 = arith.constant 10 : i32
    %broadcast_in_dim3A_1173 = vector.broadcast %broadcast_in_dim3A_1172 : i32 to vector<16xi32>
    %broadcast_in_dim3A_1174 = vector.broadcast %reduce_max3A_1171 : f32 to vector<16xf32>
    tpu.vector_store_idx %arg10[%broadcast_in_dim3A_1173], %broadcast_in_dim3A_1174 masked %eq3A_2 : memref<32xf32, #tpu.memory_space<vmem>>[vector<16xi32>], vector<16xf32>, vector<16xi1>
    %get3A_1175 = arith.constant 176 : index
    %get3A_1176 = tpu.vector_load %arg9[%get3A_1175] {strides = array<i32>} : memref<464xf32, #tpu.memory_space<vmem>>, vector<16xf32>,
    %reduce_max3A_1177 = arith.constant true
    %reduce_max3A_1178 = vector.broadcast %reduce_max3A_1177 : i1 to vector<16xi1>
    %reduce_max3A_1179 = tpu.scan <max>, %get3A_1176 masked %reduce_max3A_1178 : vector<16xf32>, vector<16xi1> -> vector<16xf32>
    %reduce_max3A_1180 = vector.extract %reduce_max3A_1179[15] : f32 from vector<16xf32>
    %broadcast_in_dim3A_1181 = arith.constant 11 : i32
    %broadcast_in_dim3A_1182 = vector.broadcast %broadcast_in_dim3A_1181 : i32 to vector<16xi32>
    %broadcast_in_dim3A_1183 = vector.broadcast %reduce_max3A_1180 : f32 to vector<16xf32>
    tpu.vector_store_idx %arg10[%broadcast_in_dim3A_1182], %broadcast_in_dim3A_1183 masked %eq3A_2 : memref<32xf32, #tpu.memory_space<vmem>>[vector<16xi32>], vector<16xf32>, vector<16xi1>
    %get3A_1184 = arith.constant 192 : index
    %get3A_1185 = tpu.vector_load %arg9[%get3A_1184] {strides = array<i32>} : memref<464xf32, #tpu.memory_space<vmem>>, vector<16xf32>,
    %reduce_max3A_1186 = arith.constant true
    %reduce_max3A_1187 = vector.broadcast %reduce_max3A_1186 : i1 to vector<16xi1>
    %reduce_max3A_1188 = tpu.scan <max>, %get3A_1185 masked %reduce_max3A_1187 : vector<16xf32>, vector<16xi1> -> vector<16xf32>
    %reduce_max3A_1189 = vector.extract %reduce_max3A_1188[15] : f32 from vector<16xf32>
    %broadcast_in_dim3A_1190 = arith.constant 12 : i32
    %broadcast_in_dim3A_1191 = vector.broadcast %broadcast_in_dim3A_1190 : i32 to vector<16xi32>
    %broadcast_in_dim3A_1192 = vector.broadcast %reduce_max3A_1189 : f32 to vector<16xf32>
    tpu.vector_store_idx %arg10[%broadcast_in_dim3A_1191], %broadcast_in_dim3A_1192 masked %eq3A_2 : memref<32xf32, #tpu.memory_space<vmem>>[vector<16xi32>], vector<16xf32>, vector<16xi1>
    %get3A_1193 = arith.constant 208 : index
    %get3A_1194 = tpu.vector_load %arg9[%get3A_1193] {strides = array<i32>} : memref<464xf32, #tpu.memory_space<vmem>>, vector<16xf32>,
    %reduce_max3A_1195 = arith.constant true
    %reduce_max3A_1196 = vector.broadcast %reduce_max3A_1195 : i1 to vector<16xi1>
    %reduce_max3A_1197 = tpu.scan <max>, %get3A_1194 masked %reduce_max3A_1196 : vector<16xf32>, vector<16xi1> -> vector<16xf32>
    %reduce_max3A_1198 = vector.extract %reduce_max3A_1197[15] : f32 from vector<16xf32>
    %broadcast_in_dim3A_1199 = arith.constant 13 : i32
    %broadcast_in_dim3A_1200 = vector.broadcast %broadcast_in_dim3A_1199 : i32 to vector<16xi32>
    %broadcast_in_dim3A_1201 = vector.broadcast %reduce_max3A_1198 : f32 to vector<16xf32>
    tpu.vector_store_idx %arg10[%broadcast_in_dim3A_1200], %broadcast_in_dim3A_1201 masked %eq3A_2 : memref<32xf32, #tpu.memory_space<vmem>>[vector<16xi32>], vector<16xf32>, vector<16xi1>
    %get3A_1202 = arith.constant 224 : index
    %get3A_1203 = tpu.vector_load %arg9[%get3A_1202] {strides = array<i32>} : memref<464xf32, #tpu.memory_space<vmem>>, vector<16xf32>,
    %reduce_max3A_1204 = arith.constant true
    %reduce_max3A_1205 = vector.broadcast %reduce_max3A_1204 : i1 to vector<16xi1>
    %reduce_max3A_1206 = tpu.scan <max>, %get3A_1203 masked %reduce_max3A_1205 : vector<16xf32>, vector<16xi1> -> vector<16xf32>
    %reduce_max3A_1207 = vector.extract %reduce_max3A_1206[15] : f32 from vector<16xf32>
    %broadcast_in_dim3A_1208 = arith.constant 14 : i32
    %broadcast_in_dim3A_1209 = vector.broadcast %broadcast_in_dim3A_1208 : i32 to vector<16xi32>
    %broadcast_in_dim3A_1210 = vector.broadcast %reduce_max3A_1207 : f32 to vector<16xf32>
    tpu.vector_store_idx %arg10[%broadcast_in_dim3A_1209], %broadcast_in_dim3A_1210 masked %eq3A_2 : memref<32xf32, #tpu.memory_space<vmem>>[vector<16xi32>], vector<16xf32>, vector<16xi1>
    %get3A_1211 = arith.constant 240 : index
    %get3A_1212 = tpu.vector_load %arg9[%get3A_1211] {strides = array<i32>} : memref<464xf32, #tpu.memory_space<vmem>>, vector<16xf32>,
    %reduce_max3A_1213 = arith.constant true
    %reduce_max3A_1214 = vector.broadcast %reduce_max3A_1213 : i1 to vector<16xi1>
    %reduce_max3A_1215 = tpu.scan <max>, %get3A_1212 masked %reduce_max3A_1214 : vector<16xf32>, vector<16xi1> -> vector<16xf32>
    %reduce_max3A_1216 = vector.extract %reduce_max3A_1215[15] : f32 from vector<16xf32>
    %broadcast_in_dim3A_1217 = arith.constant 15 : i32
    %broadcast_in_dim3A_1218 = vector.broadcast %broadcast_in_dim3A_1217 : i32 to vector<16xi32>
    %broadcast_in_dim3A_1219 = vector.broadcast %reduce_max3A_1216 : f32 to vector<16xf32>
    tpu.vector_store_idx %arg10[%broadcast_in_dim3A_1218], %broadcast_in_dim3A_1219 masked %eq3A_2 : memref<32xf32, #tpu.memory_space<vmem>>[vector<16xi32>], vector<16xf32>, vector<16xi1>
    %get3A_1220 = arith.constant 256 : index
    %get3A_1221 = tpu.vector_load %arg9[%get3A_1220] {strides = array<i32>} : memref<464xf32, #tpu.memory_space<vmem>>, vector<16xf32>,
    %reduce_max3A_1222 = arith.constant true
    %reduce_max3A_1223 = vector.broadcast %reduce_max3A_1222 : i1 to vector<16xi1>
    %reduce_max3A_1224 = tpu.scan <max>, %get3A_1221 masked %reduce_max3A_1223 : vector<16xf32>, vector<16xi1> -> vector<16xf32>
    %reduce_max3A_1225 = vector.extract %reduce_max3A_1224[15] : f32 from vector<16xf32>
    %broadcast_in_dim3A_1226 = arith.constant 16 : i32
    %broadcast_in_dim3A_1227 = vector.broadcast %broadcast_in_dim3A_1226 : i32 to vector<16xi32>
    %broadcast_in_dim3A_1228 = vector.broadcast %reduce_max3A_1225 : f32 to vector<16xf32>
    tpu.vector_store_idx %arg10[%broadcast_in_dim3A_1227], %broadcast_in_dim3A_1228 masked %eq3A_2 : memref<32xf32, #tpu.memory_space<vmem>>[vector<16xi32>], vector<16xf32>, vector<16xi1>
    %get3A_1229 = arith.constant 272 : index
    %get3A_1230 = tpu.vector_load %arg9[%get3A_1229] {strides = array<i32>} : memref<464xf32, #tpu.memory_space<vmem>>, vector<16xf32>,
    %reduce_max3A_1231 = arith.constant true
    %reduce_max3A_1232 = vector.broadcast %reduce_max3A_1231 : i1 to vector<16xi1>
    %reduce_max3A_1233 = tpu.scan <max>, %get3A_1230 masked %reduce_max3A_1232 : vector<16xf32>, vector<16xi1> -> vector<16xf32>
    %reduce_max3A_1234 = vector.extract %reduce_max3A_1233[15] : f32 from vector<16xf32>
    %broadcast_in_dim3A_1235 = arith.constant 17 : i32
    %broadcast_in_dim3A_1236 = vector.broadcast %broadcast_in_dim3A_1235 : i32 to vector<16xi32>
    %broadcast_in_dim3A_1237 = vector.broadcast %reduce_max3A_1234 : f32 to vector<16xf32>
    tpu.vector_store_idx %arg10[%broadcast_in_dim3A_1236], %broadcast_in_dim3A_1237 masked %eq3A_2 : memref<32xf32, #tpu.memory_space<vmem>>[vector<16xi32>], vector<16xf32>, vector<16xi1>
    %get3A_1238 = arith.constant 288 : index
    %get3A_1239 = tpu.vector_load %arg9[%get3A_1238] {strides = array<i32>} : memref<464xf32, #tpu.memory_space<vmem>>, vector<16xf32>,
    %reduce_max3A_1240 = arith.constant true
    %reduce_max3A_1241 = vector.broadcast %reduce_max3A_1240 : i1 to vector<16xi1>
    %reduce_max3A_1242 = tpu.scan <max>, %get3A_1239 masked %reduce_max3A_1241 : vector<16xf32>, vector<16xi1> -> vector<16xf32>
    %reduce_max3A_1243 = vector.extract %reduce_max3A_1242[15] : f32 from vector<16xf32>
    %broadcast_in_dim3A_1244 = arith.constant 18 : i32
    %broadcast_in_dim3A_1245 = vector.broadcast %broadcast_in_dim3A_1244 : i32 to vector<16xi32>
    %broadcast_in_dim3A_1246 = vector.broadcast %reduce_max3A_1243 : f32 to vector<16xf32>
    tpu.vector_store_idx %arg10[%broadcast_in_dim3A_1245], %broadcast_in_dim3A_1246 masked %eq3A_2 : memref<32xf32, #tpu.memory_space<vmem>>[vector<16xi32>], vector<16xf32>, vector<16xi1>
    %get3A_1247 = arith.constant 304 : index
    %get3A_1248 = tpu.vector_load %arg9[%get3A_1247] {strides = array<i32>} : memref<464xf32, #tpu.memory_space<vmem>>, vector<16xf32>,
    %reduce_max3A_1249 = arith.constant true
    %reduce_max3A_1250 = vector.broadcast %reduce_max3A_1249 : i1 to vector<16xi1>
    %reduce_max3A_1251 = tpu.scan <max>, %get3A_1248 masked %reduce_max3A_1250 : vector<16xf32>, vector<16xi1> -> vector<16xf32>
    %reduce_max3A_1252 = vector.extract %reduce_max3A_1251[15] : f32 from vector<16xf32>
    %broadcast_in_dim3A_1253 = arith.constant 19 : i32
    %broadcast_in_dim3A_1254 = vector.broadcast %broadcast_in_dim3A_1253 : i32 to vector<16xi32>
    %broadcast_in_dim3A_1255 = vector.broadcast %reduce_max3A_1252 : f32 to vector<16xf32>
    tpu.vector_store_idx %arg10[%broadcast_in_dim3A_1254], %broadcast_in_dim3A_1255 masked %eq3A_2 : memref<32xf32, #tpu.memory_space<vmem>>[vector<16xi32>], vector<16xf32>, vector<16xi1>
    %get3A_1256 = arith.constant 320 : index
    %get3A_1257 = tpu.vector_load %arg9[%get3A_1256] {strides = array<i32>} : memref<464xf32, #tpu.memory_space<vmem>>, vector<16xf32>,
    %reduce_max3A_1258 = arith.constant true
    %reduce_max3A_1259 = vector.broadcast %reduce_max3A_1258 : i1 to vector<16xi1>
    %reduce_max3A_1260 = tpu.scan <max>, %get3A_1257 masked %reduce_max3A_1259 : vector<16xf32>, vector<16xi1> -> vector<16xf32>
    %reduce_max3A_1261 = vector.extract %reduce_max3A_1260[15] : f32 from vector<16xf32>
    %broadcast_in_dim3A_1262 = arith.constant 20 : i32
    %broadcast_in_dim3A_1263 = vector.broadcast %broadcast_in_dim3A_1262 : i32 to vector<16xi32>
    %broadcast_in_dim3A_1264 = vector.broadcast %reduce_max3A_1261 : f32 to vector<16xf32>
    tpu.vector_store_idx %arg10[%broadcast_in_dim3A_1263], %broadcast_in_dim3A_1264 masked %eq3A_2 : memref<32xf32, #tpu.memory_space<vmem>>[vector<16xi32>], vector<16xf32>, vector<16xi1>
    %get3A_1265 = arith.constant 336 : index
    %get3A_1266 = tpu.vector_load %arg9[%get3A_1265] {strides = array<i32>} : memref<464xf32, #tpu.memory_space<vmem>>, vector<16xf32>,
    %reduce_max3A_1267 = arith.constant true
    %reduce_max3A_1268 = vector.broadcast %reduce_max3A_1267 : i1 to vector<16xi1>
    %reduce_max3A_1269 = tpu.scan <max>, %get3A_1266 masked %reduce_max3A_1268 : vector<16xf32>, vector<16xi1> -> vector<16xf32>
    %reduce_max3A_1270 = vector.extract %reduce_max3A_1269[15] : f32 from vector<16xf32>
    %broadcast_in_dim3A_1271 = arith.constant 21 : i32
    %broadcast_in_dim3A_1272 = vector.broadcast %broadcast_in_dim3A_1271 : i32 to vector<16xi32>
    %broadcast_in_dim3A_1273 = vector.broadcast %reduce_max3A_1270 : f32 to vector<16xf32>
    tpu.vector_store_idx %arg10[%broadcast_in_dim3A_1272], %broadcast_in_dim3A_1273 masked %eq3A_2 : memref<32xf32, #tpu.memory_space<vmem>>[vector<16xi32>], vector<16xf32>, vector<16xi1>
    %get3A_1274 = arith.constant 352 : index
    %get3A_1275 = tpu.vector_load %arg9[%get3A_1274] {strides = array<i32>} : memref<464xf32, #tpu.memory_space<vmem>>, vector<16xf32>,
    %reduce_max3A_1276 = arith.constant true
    %reduce_max3A_1277 = vector.broadcast %reduce_max3A_1276 : i1 to vector<16xi1>
    %reduce_max3A_1278 = tpu.scan <max>, %get3A_1275 masked %reduce_max3A_1277 : vector<16xf32>, vector<16xi1> -> vector<16xf32>
    %reduce_max3A_1279 = vector.extract %reduce_max3A_1278[15] : f32 from vector<16xf32>
    %broadcast_in_dim3A_1280 = arith.constant 22 : i32
    %broadcast_in_dim3A_1281 = vector.broadcast %broadcast_in_dim3A_1280 : i32 to vector<16xi32>
    %broadcast_in_dim3A_1282 = vector.broadcast %reduce_max3A_1279 : f32 to vector<16xf32>
    tpu.vector_store_idx %arg10[%broadcast_in_dim3A_1281], %broadcast_in_dim3A_1282 masked %eq3A_2 : memref<32xf32, #tpu.memory_space<vmem>>[vector<16xi32>], vector<16xf32>, vector<16xi1>
    %get3A_1283 = arith.constant 368 : index
    %get3A_1284 = tpu.vector_load %arg9[%get3A_1283] {strides = array<i32>} : memref<464xf32, #tpu.memory_space<vmem>>, vector<16xf32>,
    %reduce_max3A_1285 = arith.constant true
    %reduce_max3A_1286 = vector.broadcast %reduce_max3A_1285 : i1 to vector<16xi1>
    %reduce_max3A_1287 = tpu.scan <max>, %get3A_1284 masked %reduce_max3A_1286 : vector<16xf32>, vector<16xi1> -> vector<16xf32>
    %reduce_max3A_1288 = vector.extract %reduce_max3A_1287[15] : f32 from vector<16xf32>
    %broadcast_in_dim3A_1289 = arith.constant 23 : i32
    %broadcast_in_dim3A_1290 = vector.broadcast %broadcast_in_dim3A_1289 : i32 to vector<16xi32>
    %broadcast_in_dim3A_1291 = vector.broadcast %reduce_max3A_1288 : f32 to vector<16xf32>
    tpu.vector_store_idx %arg10[%broadcast_in_dim3A_1290], %broadcast_in_dim3A_1291 masked %eq3A_2 : memref<32xf32, #tpu.memory_space<vmem>>[vector<16xi32>], vector<16xf32>, vector<16xi1>
    %get3A_1292 = arith.constant 384 : index
    %get3A_1293 = tpu.vector_load %arg9[%get3A_1292] {strides = array<i32>} : memref<464xf32, #tpu.memory_space<vmem>>, vector<16xf32>,
    %reduce_max3A_1294 = arith.constant true
    %reduce_max3A_1295 = vector.broadcast %reduce_max3A_1294 : i1 to vector<16xi1>
    %reduce_max3A_1296 = tpu.scan <max>, %get3A_1293 masked %reduce_max3A_1295 : vector<16xf32>, vector<16xi1> -> vector<16xf32>
    %reduce_max3A_1297 = vector.extract %reduce_max3A_1296[15] : f32 from vector<16xf32>
    %broadcast_in_dim3A_1298 = arith.constant 24 : i32
    %broadcast_in_dim3A_1299 = vector.broadcast %broadcast_in_dim3A_1298 : i32 to vector<16xi32>
    %broadcast_in_dim3A_1300 = vector.broadcast %reduce_max3A_1297 : f32 to vector<16xf32>
    tpu.vector_store_idx %arg10[%broadcast_in_dim3A_1299], %broadcast_in_dim3A_1300 masked %eq3A_2 : memref<32xf32, #tpu.memory_space<vmem>>[vector<16xi32>], vector<16xf32>, vector<16xi1>
    %get3A_1301 = arith.constant 400 : index
    %get3A_1302 = tpu.vector_load %arg9[%get3A_1301] {strides = array<i32>} : memref<464xf32, #tpu.memory_space<vmem>>, vector<16xf32>,
    %reduce_max3A_1303 = arith.constant true
    %reduce_max3A_1304 = vector.broadcast %reduce_max3A_1303 : i1 to vector<16xi1>
    %reduce_max3A_1305 = tpu.scan <max>, %get3A_1302 masked %reduce_max3A_1304 : vector<16xf32>, vector<16xi1> -> vector<16xf32>
    %reduce_max3A_1306 = vector.extract %reduce_max3A_1305[15] : f32 from vector<16xf32>
    %broadcast_in_dim3A_1307 = arith.constant 25 : i32
    %broadcast_in_dim3A_1308 = vector.broadcast %broadcast_in_dim3A_1307 : i32 to vector<16xi32>
    %broadcast_in_dim3A_1309 = vector.broadcast %reduce_max3A_1306 : f32 to vector<16xf32>
    tpu.vector_store_idx %arg10[%broadcast_in_dim3A_1308], %broadcast_in_dim3A_1309 masked %eq3A_2 : memref<32xf32, #tpu.memory_space<vmem>>[vector<16xi32>], vector<16xf32>, vector<16xi1>
    %get3A_1310 = arith.constant 416 : index
    %get3A_1311 = tpu.vector_load %arg9[%get3A_1310] {strides = array<i32>} : memref<464xf32, #tpu.memory_space<vmem>>, vector<16xf32>,
    %reduce_max3A_1312 = arith.constant true
    %reduce_max3A_1313 = vector.broadcast %reduce_max3A_1312 : i1 to vector<16xi1>
    %reduce_max3A_1314 = tpu.scan <max>, %get3A_1311 masked %reduce_max3A_1313 : vector<16xf32>, vector<16xi1> -> vector<16xf32>
    %reduce_max3A_1315 = vector.extract %reduce_max3A_1314[15] : f32 from vector<16xf32>
    %broadcast_in_dim3A_1316 = arith.constant 26 : i32
    %broadcast_in_dim3A_1317 = vector.broadcast %broadcast_in_dim3A_1316 : i32 to vector<16xi32>
    %broadcast_in_dim3A_1318 = vector.broadcast %reduce_max3A_1315 : f32 to vector<16xf32>
    tpu.vector_store_idx %arg10[%broadcast_in_dim3A_1317], %broadcast_in_dim3A_1318 masked %eq3A_2 : memref<32xf32, #tpu.memory_space<vmem>>[vector<16xi32>], vector<16xf32>, vector<16xi1>
    %get3A_1319 = arith.constant 432 : index
    %get3A_1320 = tpu.vector_load %arg9[%get3A_1319] {strides = array<i32>} : memref<464xf32, #tpu.memory_space<vmem>>, vector<16xf32>,
    %reduce_max3A_1321 = arith.constant true
    %reduce_max3A_1322 = vector.broadcast %reduce_max3A_1321 : i1 to vector<16xi1>
    %reduce_max3A_1323 = tpu.scan <max>, %get3A_1320 masked %reduce_max3A_1322 : vector<16xf32>, vector<16xi1> -> vector<16xf32>
    %reduce_max3A_1324 = vector.extract %reduce_max3A_1323[15] : f32 from vector<16xf32>
    %broadcast_in_dim3A_1325 = arith.constant 27 : i32
    %broadcast_in_dim3A_1326 = vector.broadcast %broadcast_in_dim3A_1325 : i32 to vector<16xi32>
    %broadcast_in_dim3A_1327 = vector.broadcast %reduce_max3A_1324 : f32 to vector<16xf32>
    tpu.vector_store_idx %arg10[%broadcast_in_dim3A_1326], %broadcast_in_dim3A_1327 masked %eq3A_2 : memref<32xf32, #tpu.memory_space<vmem>>[vector<16xi32>], vector<16xf32>, vector<16xi1>
    %get3A_1328 = arith.constant 448 : index
    %get3A_1329 = tpu.vector_load %arg9[%get3A_1328] {strides = array<i32>} : memref<464xf32, #tpu.memory_space<vmem>>, vector<16xf32>,
    %reduce_max3A_1330 = arith.constant true
    %reduce_max3A_1331 = vector.broadcast %reduce_max3A_1330 : i1 to vector<16xi1>
    %reduce_max3A_1332 = tpu.scan <max>, %get3A_1329 masked %reduce_max3A_1331 : vector<16xf32>, vector<16xi1> -> vector<16xf32>
    %reduce_max3A_1333 = vector.extract %reduce_max3A_1332[15] : f32 from vector<16xf32>
    %broadcast_in_dim3A_1334 = arith.constant 28 : i32
    %broadcast_in_dim3A_1335 = vector.broadcast %broadcast_in_dim3A_1334 : i32 to vector<16xi32>
    %broadcast_in_dim3A_1336 = vector.broadcast %reduce_max3A_1333 : f32 to vector<16xf32>
    tpu.vector_store_idx %arg10[%broadcast_in_dim3A_1335], %broadcast_in_dim3A_1336 masked %eq3A_2 : memref<32xf32, #tpu.memory_space<vmem>>[vector<16xi32>], vector<16xf32>, vector<16xi1>
    %scan3A_1337 = arith.constant 0 : i32
    %scan3A_1338 = arith.constant 0 : i32
    %scan3A_1339 = arith.constant 100 : i32
    %scan3A_1340 = arith.addi %scan3A_1338, %scan3A_1339 : i32
    %scan3A_1341 = arith.constant 1 : i32
    %scan3A_1342 = scf.for %scan3A_2112 = %scan3A_1338 to %scan3A_1340 step %scan3A_1341 iter_args(%scan3A_2113 = %scan3A_1337) -> (i32)  : i32 {
      %get3A_2114 = arith.constant 0 : index
      %get3A_2115 = tpu.vector_load %arg10[%get3A_2114] {strides = array<i32>} : memref<32xf32, #tpu.memory_space<vmem>>, vector<16xf32>,
      %get3A_2116 = arith.constant 16 : index
      %get3A_2117 = tpu.vector_load %arg10[%get3A_2116] {strides = array<i32>} : memref<32xf32, #tpu.memory_space<vmem>>, vector<16xf32>,
      %max3A_2118 = arith.maximumf %get3A_2115, %get3A_2117 : vector<16xf32>
      %reduce_max3A_2119 = arith.constant true
      %reduce_max3A_2120 = vector.broadcast %reduce_max3A_2119 : i1 to vector<16xi1>
      %reduce_max3A_2121 = tpu.scan <max>, %max3A_2118 masked %reduce_max3A_2120 : vector<16xf32>, vector<16xi1> -> vector<16xf32>
      %reduce_max3A_2122 = vector.extract %reduce_max3A_2121[15] : f32 from vector<16xf32>
      %eq3A_2123 = vector.broadcast %reduce_max3A_2122 : f32 to vector<16xf32>
      %eq3A_2124 = arith.cmpf oeq, %get3A_2115, %eq3A_2123 : vector<16xf32>
      %jit3A_2125 = arith.constant 1073741824 : i32
      %broadcast_in_dim3A_2126 = vector.broadcast %jit3A_2125 : i32 to vector<16xi32>
      %select_n3A_2127 = arith.select %eq3A_2124, %iota3A, %broadcast_in_dim3A_2126 : vector<16xi1>, vector<16xi32>
      %eq3A_2128 = vector.broadcast %reduce_max3A_2122 : f32 to vector<16xf32>
      %eq3A_2129 = arith.cmpf oeq, %get3A_2117, %eq3A_2128 : vector<16xf32>
      %add3A_2130 = arith.constant 16 : i32
      %add3A_2131 = vector.broadcast %add3A_2130 : i32 to vector<16xi32>
      %add3A_2132 = arith.addi %add3A_2131, %iota3A : vector<16xi32>
      %jit3A_2133 = arith.constant 1073741824 : i32
      %broadcast_in_dim3A_2134 = vector.broadcast %jit3A_2133 : i32 to vector<16xi32>
      %select_n3A_2135 = arith.select %eq3A_2129, %add3A_2132, %broadcast_in_dim3A_2134 : vector<16xi1>, vector<16xi32>
      %min3A_2136 = arith.minsi %select_n3A_2127, %select_n3A_2135 : vector<16xi32>
      %reduce_min3A = arith.constant true
      %reduce_min3A_2137 = vector.broadcast %reduce_min3A : i1 to vector<16xi1>
      %reduce_min3A_2138 = arith.constant -2147483648 : i32
      %reduce_min3A_2139 = vector.broadcast %reduce_min3A_2138 : i32 to vector<16xi32>
      %reduce_min3A_2140 = arith.xori %min3A_2136, %reduce_min3A_2139 : vector<16xi32>
      %reduce_min3A_2141 = tpu.scan <min>, %reduce_min3A_2140 masked %reduce_min3A_2137 : vector<16xi32>, vector<16xi1> -> vector<16xi32>
      %reduce_min3A_2142 = arith.xori %reduce_min3A_2141, %reduce_min3A_2139 : vector<16xi32>
      %reduce_min3A_2143 = vector.extract %reduce_min3A_2142[15] : i32 from vector<16xi32>
      %mul3A_2144 = arith.constant 16 : i32
      %mul3A_2145 = arith.muli %reduce_min3A_2143, %mul3A_2144 : i32
      %get3A_2146 = arith.index_cast %mul3A_2145 : i32 to index
      %get3A_2147 = tpu.vector_load %arg9[%get3A_2146] {strides = array<i32>} : memref<464xf32, #tpu.memory_space<vmem>>, vector<16xf32>,
      %eq3A_2148 = vector.broadcast %reduce_max3A_2122 : f32 to vector<16xf32>
      %eq3A_2149 = arith.cmpf oeq, %get3A_2147, %eq3A_2148 : vector<16xf32>
      %mul3A_2150 = arith.constant 16 : i32
      %mul3A_2151 = arith.muli %reduce_min3A_2143, %mul3A_2150 : i32
      %add3A_2152 = vector.broadcast %mul3A_2151 : i32 to vector<16xi32>
      %add3A_2153 = arith.addi %add3A_2152, %iota3A : vector<16xi32>
      %jit3A_2154 = arith.constant 1073741824 : i32
      %broadcast_in_dim3A_2155 = vector.broadcast %jit3A_2154 : i32 to vector<16xi32>
      %select_n3A_2156 = arith.select %eq3A_2149, %add3A_2153, %broadcast_in_dim3A_2155 : vector<16xi1>, vector<16xi32>
      %reduce_min3A_2157 = arith.constant true
      %reduce_min3A_2158 = vector.broadcast %reduce_min3A_2157 : i1 to vector<16xi1>
      %reduce_min3A_2159 = arith.constant -2147483648 : i32
      %reduce_min3A_2160 = vector.broadcast %reduce_min3A_2159 : i32 to vector<16xi32>
      %reduce_min3A_2161 = arith.xori %select_n3A_2156, %reduce_min3A_2160 : vector<16xi32>
      %reduce_min3A_2162 = tpu.scan <min>, %reduce_min3A_2161 masked %reduce_min3A_2158 : vector<16xi32>, vector<16xi1> -> vector<16xi32>
      %reduce_min3A_2163 = arith.xori %reduce_min3A_2162, %reduce_min3A_2160 : vector<16xi32>
      %reduce_min3A_2164 = vector.extract %reduce_min3A_2163[15] : i32 from vector<16xi32>
      %broadcast_in_dim3A_2165 = arith.constant 1073741824 : i32
      %broadcast_in_dim3A_2166 = vector.broadcast %broadcast_in_dim3A_2165 : i32 to vector<16xi32>
      %mul3A_2167 = arith.constant 2 : i32
      %mul3A_2168 = arith.muli %mul3A_2167, %reduce_min3A_2164 : i32
      %add3A_2169 = arith.constant 0 : i32
      %add3A_2170 = arith.addi %mul3A_2168, %add3A_2169 : i32
      %get3A_2171 = arith.index_cast %add3A_2170 : i32 to index
      %get3A_2172 = arith.constant 0 : index
      %get3A_2173 = tpu.vector_load %arg8[%get3A_2171, %get3A_2172] {strides = array<i32>} : memref<900x91xf32, #tpu.memory_space<vmem>>, vector<16xf32>,
      %eq3A_2174 = vector.broadcast %reduce_max3A_2122 : f32 to vector<16xf32>
      %eq3A_2175 = arith.cmpf oeq, %get3A_2173, %eq3A_2174 : vector<16xf32>
      %mul3A_2176 = arith.constant 128 : i32
      %mul3A_2177 = arith.muli %add3A_2170, %mul3A_2176 : i32
      %add3A_2178 = arith.constant 0 : i32
      %add3A_2179 = arith.addi %mul3A_2177, %add3A_2178 : i32
      %add3A_2180 = vector.broadcast %add3A_2179 : i32 to vector<16xi32>
      %add3A_2181 = arith.addi %add3A_2180, %iota3A : vector<16xi32>
      %jit3A_2182 = arith.constant 1073741824 : i32
      %broadcast_in_dim3A_2183 = vector.broadcast %jit3A_2182 : i32 to vector<16xi32>
      %select_n3A_2184 = arith.select %eq3A_2175, %add3A_2181, %broadcast_in_dim3A_2183 : vector<16xi1>, vector<16xi32>
      %min3A_2185 = arith.minsi %broadcast_in_dim3A_2166, %select_n3A_2184 : vector<16xi32>
      %get3A_2186 = arith.index_cast %add3A_2170 : i32 to index
      %get3A_2187 = arith.constant 16 : index
      %get3A_2188 = tpu.vector_load %arg8[%get3A_2186, %get3A_2187] {strides = array<i32>} : memref<900x91xf32, #tpu.memory_space<vmem>>, vector<16xf32>,
      %eq3A_2189 = vector.broadcast %reduce_max3A_2122 : f32 to vector<16xf32>
      %eq3A_2190 = arith.cmpf oeq, %get3A_2188, %eq3A_2189 : vector<16xf32>
      %mul3A_2191 = arith.constant 128 : i32
      %mul3A_2192 = arith.muli %add3A_2170, %mul3A_2191 : i32
      %add3A_2193 = arith.constant 16 : i32
      %add3A_2194 = arith.addi %mul3A_2192, %add3A_2193 : i32
      %add3A_2195 = vector.broadcast %add3A_2194 : i32 to vector<16xi32>
      %add3A_2196 = arith.addi %add3A_2195, %iota3A : vector<16xi32>
      %jit3A_2197 = arith.constant 1073741824 : i32
      %broadcast_in_dim3A_2198 = vector.broadcast %jit3A_2197 : i32 to vector<16xi32>
      %select_n3A_2199 = arith.select %eq3A_2190, %add3A_2196, %broadcast_in_dim3A_2198 : vector<16xi1>, vector<16xi32>
      %min3A_2200 = arith.minsi %min3A_2185, %select_n3A_2199 : vector<16xi32>
      %get3A_2201 = arith.index_cast %add3A_2170 : i32 to index
      %get3A_2202 = arith.constant 32 : index
      %get3A_2203 = tpu.vector_load %arg8[%get3A_2201, %get3A_2202] {strides = array<i32>} : memref<900x91xf32, #tpu.memory_space<vmem>>, vector<16xf32>,
      %eq3A_2204 = vector.broadcast %reduce_max3A_2122 : f32 to vector<16xf32>
      %eq3A_2205 = arith.cmpf oeq, %get3A_2203, %eq3A_2204 : vector<16xf32>
      %mul3A_2206 = arith.constant 128 : i32
      %mul3A_2207 = arith.muli %add3A_2170, %mul3A_2206 : i32
      %add3A_2208 = arith.constant 32 : i32
      %add3A_2209 = arith.addi %mul3A_2207, %add3A_2208 : i32
      %add3A_2210 = vector.broadcast %add3A_2209 : i32 to vector<16xi32>
      %add3A_2211 = arith.addi %add3A_2210, %iota3A : vector<16xi32>
      %jit3A_2212 = arith.constant 1073741824 : i32
      %broadcast_in_dim3A_2213 = vector.broadcast %jit3A_2212 : i32 to vector<16xi32>
      %select_n3A_2214 = arith.select %eq3A_2205, %add3A_2211, %broadcast_in_dim3A_2213 : vector<16xi1>, vector<16xi32>
      %min3A_2215 = arith.minsi %min3A_2200, %select_n3A_2214 : vector<16xi32>
      %get3A_2216 = arith.index_cast %add3A_2170 : i32 to index
      %get3A_2217 = arith.constant 48 : index
      %get3A_2218 = tpu.vector_load %arg8[%get3A_2216, %get3A_2217] {strides = array<i32>} : memref<900x91xf32, #tpu.memory_space<vmem>>, vector<16xf32>,
      %eq3A_2219 = vector.broadcast %reduce_max3A_2122 : f32 to vector<16xf32>
      %eq3A_2220 = arith.cmpf oeq, %get3A_2218, %eq3A_2219 : vector<16xf32>
      %mul3A_2221 = arith.constant 128 : i32
      %mul3A_2222 = arith.muli %add3A_2170, %mul3A_2221 : i32
      %add3A_2223 = arith.constant 48 : i32
      %add3A_2224 = arith.addi %mul3A_2222, %add3A_2223 : i32
      %add3A_2225 = vector.broadcast %add3A_2224 : i32 to vector<16xi32>
      %add3A_2226 = arith.addi %add3A_2225, %iota3A : vector<16xi32>
      %jit3A_2227 = arith.constant 1073741824 : i32
      %broadcast_in_dim3A_2228 = vector.broadcast %jit3A_2227 : i32 to vector<16xi32>
      %select_n3A_2229 = arith.select %eq3A_2220, %add3A_2226, %broadcast_in_dim3A_2228 : vector<16xi1>, vector<16xi32>
      %min3A_2230 = arith.minsi %min3A_2215, %select_n3A_2229 : vector<16xi32>
      %get3A_2231 = arith.index_cast %add3A_2170 : i32 to index
      %get3A_2232 = arith.constant 64 : index
      %get3A_2233 = tpu.vector_load %arg8[%get3A_2231, %get3A_2232] {strides = array<i32>} : memref<900x91xf32, #tpu.memory_space<vmem>>, vector<16xf32>,
      %eq3A_2234 = vector.broadcast %reduce_max3A_2122 : f32 to vector<16xf32>
      %eq3A_2235 = arith.cmpf oeq, %get3A_2233, %eq3A_2234 : vector<16xf32>
      %mul3A_2236 = arith.constant 128 : i32
      %mul3A_2237 = arith.muli %add3A_2170, %mul3A_2236 : i32
      %add3A_2238 = arith.constant 64 : i32
      %add3A_2239 = arith.addi %mul3A_2237, %add3A_2238 : i32
      %add3A_2240 = vector.broadcast %add3A_2239 : i32 to vector<16xi32>
      %add3A_2241 = arith.addi %add3A_2240, %iota3A : vector<16xi32>
      %jit3A_2242 = arith.constant 1073741824 : i32
      %broadcast_in_dim3A_2243 = vector.broadcast %jit3A_2242 : i32 to vector<16xi32>
      %select_n3A_2244 = arith.select %eq3A_2235, %add3A_2241, %broadcast_in_dim3A_2243 : vector<16xi1>, vector<16xi32>
      %min3A_2245 = arith.minsi %min3A_2230, %select_n3A_2244 : vector<16xi32>
      %get3A_2246 = arith.index_cast %add3A_2170 : i32 to index
      %get3A_2247 = arith.constant 75 : index
      %get3A_2248 = tpu.vector_load %arg8[%get3A_2246, %get3A_2247] {strides = array<i32>} : memref<900x91xf32, #tpu.memory_space<vmem>>, vector<16xf32>,
      %eq3A_2249 = vector.broadcast %reduce_max3A_2122 : f32 to vector<16xf32>
      %eq3A_2250 = arith.cmpf oeq, %get3A_2248, %eq3A_2249 : vector<16xf32>
      %mul3A_2251 = arith.constant 128 : i32
      %mul3A_2252 = arith.muli %add3A_2170, %mul3A_2251 : i32
      %add3A_2253 = arith.constant 75 : i32
      %add3A_2254 = arith.addi %mul3A_2252, %add3A_2253 : i32
      %add3A_2255 = vector.broadcast %add3A_2254 : i32 to vector<16xi32>
      %add3A_2256 = arith.addi %add3A_2255, %iota3A : vector<16xi32>
      %jit3A_2257 = arith.constant 1073741824 : i32
      %broadcast_in_dim3A_2258 = vector.broadcast %jit3A_2257 : i32 to vector<16xi32>
      %select_n3A_2259 = arith.select %eq3A_2250, %add3A_2256, %broadcast_in_dim3A_2258 : vector<16xi1>, vector<16xi32>
      %min3A_2260 = arith.minsi %min3A_2245, %select_n3A_2259 : vector<16xi32>
      %mul3A_2261 = arith.constant 2 : i32
      %mul3A_2262 = arith.muli %mul3A_2261, %reduce_min3A_2164 : i32
      %add3A_2263 = arith.constant 1 : i32
      %add3A_2264 = arith.addi %mul3A_2262, %add3A_2263 : i32
      %get3A_2265 = arith.index_cast %add3A_2264 : i32 to index
      %get3A_2266 = arith.constant 0 : index
      %get3A_2267 = tpu.vector_load %arg8[%get3A_2265, %get3A_2266] {strides = array<i32>} : memref<900x91xf32, #tpu.memory_space<vmem>>, vector<16xf32>,
      %eq3A_2268 = vector.broadcast %reduce_max3A_2122 : f32 to vector<16xf32>
      %eq3A_2269 = arith.cmpf oeq, %get3A_2267, %eq3A_2268 : vector<16xf32>
      %mul3A_2270 = arith.constant 128 : i32
      %mul3A_2271 = arith.muli %add3A_2264, %mul3A_2270 : i32
      %add3A_2272 = arith.constant 0 : i32
      %add3A_2273 = arith.addi %mul3A_2271, %add3A_2272 : i32
      %add3A_2274 = vector.broadcast %add3A_2273 : i32 to vector<16xi32>
      %add3A_2275 = arith.addi %add3A_2274, %iota3A : vector<16xi32>
      %jit3A_2276 = arith.constant 1073741824 : i32
      %broadcast_in_dim3A_2277 = vector.broadcast %jit3A_2276 : i32 to vector<16xi32>
      %select_n3A_2278 = arith.select %eq3A_2269, %add3A_2275, %broadcast_in_dim3A_2277 : vector<16xi1>, vector<16xi32>
      %min3A_2279 = arith.minsi %min3A_2260, %select_n3A_2278 : vector<16xi32>
      %get3A_2280 = arith.index_cast %add3A_2264 : i32 to index
      %get3A_2281 = arith.constant 16 : index
      %get3A_2282 = tpu.vector_load %arg8[%get3A_2280, %get3A_2281] {strides = array<i32>} : memref<900x91xf32, #tpu.memory_space<vmem>>, vector<16xf32>,
      %eq3A_2283 = vector.broadcast %reduce_max3A_2122 : f32 to vector<16xf32>
      %eq3A_2284 = arith.cmpf oeq, %get3A_2282, %eq3A_2283 : vector<16xf32>
      %mul3A_2285 = arith.constant 128 : i32
      %mul3A_2286 = arith.muli %add3A_2264, %mul3A_2285 : i32
      %add3A_2287 = arith.constant 16 : i32
      %add3A_2288 = arith.addi %mul3A_2286, %add3A_2287 : i32
      %add3A_2289 = vector.broadcast %add3A_2288 : i32 to vector<16xi32>
      %add3A_2290 = arith.addi %add3A_2289, %iota3A : vector<16xi32>
      %jit3A_2291 = arith.constant 1073741824 : i32
      %broadcast_in_dim3A_2292 = vector.broadcast %jit3A_2291 : i32 to vector<16xi32>
      %select_n3A_2293 = arith.select %eq3A_2284, %add3A_2290, %broadcast_in_dim3A_2292 : vector<16xi1>, vector<16xi32>
      %min3A_2294 = arith.minsi %min3A_2279, %select_n3A_2293 : vector<16xi32>
      %get3A_2295 = arith.index_cast %add3A_2264 : i32 to index
      %get3A_2296 = arith.constant 32 : index
      %get3A_2297 = tpu.vector_load %arg8[%get3A_2295, %get3A_2296] {strides = array<i32>} : memref<900x91xf32, #tpu.memory_space<vmem>>, vector<16xf32>,
      %eq3A_2298 = vector.broadcast %reduce_max3A_2122 : f32 to vector<16xf32>
      %eq3A_2299 = arith.cmpf oeq, %get3A_2297, %eq3A_2298 : vector<16xf32>
      %mul3A_2300 = arith.constant 128 : i32
      %mul3A_2301 = arith.muli %add3A_2264, %mul3A_2300 : i32
      %add3A_2302 = arith.constant 32 : i32
      %add3A_2303 = arith.addi %mul3A_2301, %add3A_2302 : i32
      %add3A_2304 = vector.broadcast %add3A_2303 : i32 to vector<16xi32>
      %add3A_2305 = arith.addi %add3A_2304, %iota3A : vector<16xi32>
      %jit3A_2306 = arith.constant 1073741824 : i32
      %broadcast_in_dim3A_2307 = vector.broadcast %jit3A_2306 : i32 to vector<16xi32>
      %select_n3A_2308 = arith.select %eq3A_2299, %add3A_2305, %broadcast_in_dim3A_2307 : vector<16xi1>, vector<16xi32>
      %min3A_2309 = arith.minsi %min3A_2294, %select_n3A_2308 : vector<16xi32>
      %get3A_2310 = arith.index_cast %add3A_2264 : i32 to index
      %get3A_2311 = arith.constant 48 : index
      %get3A_2312 = tpu.vector_load %arg8[%get3A_2310, %get3A_2311] {strides = array<i32>} : memref<900x91xf32, #tpu.memory_space<vmem>>, vector<16xf32>,
      %eq3A_2313 = vector.broadcast %reduce_max3A_2122 : f32 to vector<16xf32>
      %eq3A_2314 = arith.cmpf oeq, %get3A_2312, %eq3A_2313 : vector<16xf32>
      %mul3A_2315 = arith.constant 128 : i32
      %mul3A_2316 = arith.muli %add3A_2264, %mul3A_2315 : i32
      %add3A_2317 = arith.constant 48 : i32
      %add3A_2318 = arith.addi %mul3A_2316, %add3A_2317 : i32
      %add3A_2319 = vector.broadcast %add3A_2318 : i32 to vector<16xi32>
      %add3A_2320 = arith.addi %add3A_2319, %iota3A : vector<16xi32>
      %jit3A_2321 = arith.constant 1073741824 : i32
      %broadcast_in_dim3A_2322 = vector.broadcast %jit3A_2321 : i32 to vector<16xi32>
      %select_n3A_2323 = arith.select %eq3A_2314, %add3A_2320, %broadcast_in_dim3A_2322 : vector<16xi1>, vector<16xi32>
      %min3A_2324 = arith.minsi %min3A_2309, %select_n3A_2323 : vector<16xi32>
      %get3A_2325 = arith.index_cast %add3A_2264 : i32 to index
      %get3A_2326 = arith.constant 64 : index
      %get3A_2327 = tpu.vector_load %arg8[%get3A_2325, %get3A_2326] {strides = array<i32>} : memref<900x91xf32, #tpu.memory_space<vmem>>, vector<16xf32>,
      %eq3A_2328 = vector.broadcast %reduce_max3A_2122 : f32 to vector<16xf32>
      %eq3A_2329 = arith.cmpf oeq, %get3A_2327, %eq3A_2328 : vector<16xf32>
      %mul3A_2330 = arith.constant 128 : i32
      %mul3A_2331 = arith.muli %add3A_2264, %mul3A_2330 : i32
      %add3A_2332 = arith.constant 64 : i32
      %add3A_2333 = arith.addi %mul3A_2331, %add3A_2332 : i32
      %add3A_2334 = vector.broadcast %add3A_2333 : i32 to vector<16xi32>
      %add3A_2335 = arith.addi %add3A_2334, %iota3A : vector<16xi32>
      %jit3A_2336 = arith.constant 1073741824 : i32
      %broadcast_in_dim3A_2337 = vector.broadcast %jit3A_2336 : i32 to vector<16xi32>
      %select_n3A_2338 = arith.select %eq3A_2329, %add3A_2335, %broadcast_in_dim3A_2337 : vector<16xi1>, vector<16xi32>
      %min3A_2339 = arith.minsi %min3A_2324, %select_n3A_2338 : vector<16xi32>
      %get3A_2340 = arith.index_cast %add3A_2264 : i32 to index
      %get3A_2341 = arith.constant 75 : index
      %get3A_2342 = tpu.vector_load %arg8[%get3A_2340, %get3A_2341] {strides = array<i32>} : memref<900x91xf32, #tpu.memory_space<vmem>>, vector<16xf32>,
      %eq3A_2343 = vector.broadcast %reduce_max3A_2122 : f32 to vector<16xf32>
      %eq3A_2344 = arith.cmpf oeq, %get3A_2342, %eq3A_2343 : vector<16xf32>
      %mul3A_2345 = arith.constant 128 : i32
      %mul3A_2346 = arith.muli %add3A_2264, %mul3A_2345 : i32
      %add3A_2347 = arith.constant 75 : i32
      %add3A_2348 = arith.addi %mul3A_2346, %add3A_2347 : i32
      %add3A_2349 = vector.broadcast %add3A_2348 : i32 to vector<16xi32>
      %add3A_2350 = arith.addi %add3A_2349, %iota3A : vector<16xi32>
      %jit3A_2351 = arith.constant 1073741824 : i32
      %broadcast_in_dim3A_2352 = vector.broadcast %jit3A_2351 : i32 to vector<16xi32>
      %select_n3A_2353 = arith.select %eq3A_2344, %add3A_2350, %broadcast_in_dim3A_2352 : vector<16xi1>, vector<16xi32>
      %min3A_2354 = arith.minsi %min3A_2339, %select_n3A_2353 : vector<16xi32>
      %reduce_min3A_2355 = arith.constant true
      %reduce_min3A_2356 = vector.broadcast %reduce_min3A_2355 : i1 to vector<16xi1>
      %reduce_min3A_2357 = arith.constant -2147483648 : i32
      %reduce_min3A_2358 = vector.broadcast %reduce_min3A_2357 : i32 to vector<16xi32>
      %reduce_min3A_2359 = arith.xori %min3A_2354, %reduce_min3A_2358 : vector<16xi32>
      %reduce_min3A_2360 = tpu.scan <min>, %reduce_min3A_2359 masked %reduce_min3A_2356 : vector<16xi32>, vector<16xi1> -> vector<16xi32>
      %reduce_min3A_2361 = arith.xori %reduce_min3A_2360, %reduce_min3A_2358 : vector<16xi32>
      %reduce_min3A_2362 = vector.extract %reduce_min3A_2361[15] : i32 from vector<16xi32>
      %broadcast_in_dim3A_2363 = vector.broadcast %scan3A_2112 : i32 to vector<16xi32>
      %broadcast_in_dim3A_2364 = vector.broadcast %reduce_max3A_2122 : f32 to vector<16xf32>
      tpu.vector_store_idx %arg11[%broadcast_in_dim3A_2363], %broadcast_in_dim3A_2364 masked %eq3A_2 : memref<112xf32, #tpu.memory_space<vmem>>[vector<16xi32>], vector<16xf32>, vector<16xi1>
      %broadcast_in_dim3A_2365 = vector.broadcast %reduce_min3A_2362 : i32 to vector<16xi32>
      tpu.vector_store_idx %arg12[%broadcast_in_dim3A_2363], %broadcast_in_dim3A_2365 masked %eq3A_2 : memref<112xi32, #tpu.memory_space<vmem>>[vector<16xi32>], vector<16xi32>, vector<16xi1>
      %shift_right_arithmetic3A_2366 = arith.constant 7 : i32
      %shift_right_arithmetic3A_2367 = arith.shrsi %reduce_min3A_2362, %shift_right_arithmetic3A_2366 : i32
      %and3A_2368 = arith.constant 127 : i32
      %and3A_2369 = arith.andi %reduce_min3A_2362, %and3A_2368 : i32
      %jit3A_2370 = arith.constant 16 : i32
      %eq3A_2371 = arith.constant 0 : i32
      %eq3A_2372 = arith.cmpi eq, %jit3A_2370, %eq3A_2371 : i32
      %jit3A_2373 = arith.constant 1 : i32
      %select_n3A_2374 = arith.select %eq3A_2372, %jit3A_2373, %jit3A_2370 : i32
      %rem3A_2375 = arith.remsi %and3A_2369, %select_n3A_2374 : i32
      %ne3A_2376 = arith.constant 0 : i32
      %ne3A_2377 = arith.cmpi ne, %rem3A_2375, %ne3A_2376 : i32
      %lt3A_2378 = arith.constant 0 : i32
      %lt3A_2379 = arith.cmpi slt, %rem3A_2375, %lt3A_2378 : i32
      %lt3A_2380 = arith.constant 0 : i32
      %lt3A_2381 = arith.cmpi slt, %select_n3A_2374, %lt3A_2380 : i32
      %ne3A_2382 = arith.xori %lt3A_2379, %lt3A_2381 : i1
      %and3A_2383 = arith.andi %ne3A_2382, %ne3A_2377 : i1
      %add3A_2384 = arith.addi %rem3A_2375, %select_n3A_2374 : i32
      %select_n3A_2385 = arith.select %and3A_2383, %add3A_2384, %rem3A_2375 : i32
      %sub3A_2386 = arith.subi %and3A_2369, %select_n3A_2385 : i32
      %min3A_2387 = arith.constant 75 : i32
      %min3A_2388 = arith.minsi %sub3A_2386, %min3A_2387 : i32
      %get3A_2389 = arith.index_cast %shift_right_arithmetic3A_2367 : i32 to index
      %get3A_2390 = arith.index_cast %min3A_2388 : i32 to index
      %get3A_2391 = tpu.vector_load %arg8[%get3A_2389, %get3A_2390] {strides = array<i32>} : memref<900x91xf32, #tpu.memory_space<vmem>>, vector<16xf32>,
      %sub3A_2392 = arith.subi %and3A_2369, %min3A_2388 : i32
      %eq3A_2393 = vector.broadcast %sub3A_2392 : i32 to vector<16xi32>
      %eq3A_2394 = arith.cmpi eq, %iota3A, %eq3A_2393 : vector<16xi32>
      %jit3A_2395 = arith.constant 0xFF800000 : f32
      %broadcast_in_dim3A_2396 = vector.broadcast %jit3A_2395 : f32 to vector<16xf32>
      %select_n3A_2397 = arith.select %eq3A_2394, %broadcast_in_dim3A_2396, %get3A_2391 : vector<16xi1>, vector<16xf32>
      %swap3A_2398 = arith.index_cast %shift_right_arithmetic3A_2367 : i32 to index
      %swap3A_2399 = arith.index_cast %min3A_2388 : i32 to index
      %swap3A_2400 = tpu.vector_load %arg8[%swap3A_2398, %swap3A_2399] {strides = array<i32>} : memref<900x91xf32, #tpu.memory_space<vmem>>, vector<16xf32>,
      tpu.vector_store %arg8[%swap3A_2398, %swap3A_2399], %select_n3A_2397 {strides = array<i32>} : memref<900x91xf32, #tpu.memory_space<vmem>>, vector<16xf32>,
      %broadcast_in_dim3A_2401 = arith.constant 0xFF800000 : f32
      %broadcast_in_dim3A_2402 = vector.broadcast %broadcast_in_dim3A_2401 : f32 to vector<16xf32>
      %mul3A_2403 = arith.constant 2 : i32
      %mul3A_2404 = arith.muli %mul3A_2403, %reduce_min3A_2164 : i32
      %add3A_2405 = arith.constant 0 : i32
      %add3A_2406 = arith.addi %mul3A_2404, %add3A_2405 : i32
      %get3A_2407 = arith.index_cast %add3A_2406 : i32 to index
      %get3A_2408 = arith.constant 0 : index
      %get3A_2409 = tpu.vector_load %arg8[%get3A_2407, %get3A_2408] {strides = array<i32>} : memref<900x91xf32, #tpu.memory_space<vmem>>, vector<16xf32>,
      %max3A_2410 = arith.maximumf %broadcast_in_dim3A_2402, %get3A_2409 : vector<16xf32>
      %mul3A_2411 = arith.constant 2 : i32
      %mul3A_2412 = arith.muli %mul3A_2411, %reduce_min3A_2164 : i32
      %add3A_2413 = arith.constant 0 : i32
      %add3A_2414 = arith.addi %mul3A_2412, %add3A_2413 : i32
      %get3A_2415 = arith.index_cast %add3A_2414 : i32 to index
      %get3A_2416 = arith.constant 16 : index
      %get3A_2417 = tpu.vector_load %arg8[%get3A_2415, %get3A_2416] {strides = array<i32>} : memref<900x91xf32, #tpu.memory_space<vmem>>, vector<16xf32>,
      %max3A_2418 = arith.maximumf %max3A_2410, %get3A_2417 : vector<16xf32>
      %mul3A_2419 = arith.constant 2 : i32
      %mul3A_2420 = arith.muli %mul3A_2419, %reduce_min3A_2164 : i32
      %add3A_2421 = arith.constant 0 : i32
      %add3A_2422 = arith.addi %mul3A_2420, %add3A_2421 : i32
      %get3A_2423 = arith.index_cast %add3A_2422 : i32 to index
      %get3A_2424 = arith.constant 32 : index
      %get3A_2425 = tpu.vector_load %arg8[%get3A_2423, %get3A_2424] {strides = array<i32>} : memref<900x91xf32, #tpu.memory_space<vmem>>, vector<16xf32>,
      %max3A_2426 = arith.maximumf %max3A_2418, %get3A_2425 : vector<16xf32>
      %mul3A_2427 = arith.constant 2 : i32
      %mul3A_2428 = arith.muli %mul3A_2427, %reduce_min3A_2164 : i32
      %add3A_2429 = arith.constant 0 : i32
      %add3A_2430 = arith.addi %mul3A_2428, %add3A_2429 : i32
      %get3A_2431 = arith.index_cast %add3A_2430 : i32 to index
      %get3A_2432 = arith.constant 48 : index
      %get3A_2433 = tpu.vector_load %arg8[%get3A_2431, %get3A_2432] {strides = array<i32>} : memref<900x91xf32, #tpu.memory_space<vmem>>, vector<16xf32>,
      %max3A_2434 = arith.maximumf %max3A_2426, %get3A_2433 : vector<16xf32>
      %mul3A_2435 = arith.constant 2 : i32
      %mul3A_2436 = arith.muli %mul3A_2435, %reduce_min3A_2164 : i32
      %add3A_2437 = arith.constant 0 : i32
      %add3A_2438 = arith.addi %mul3A_2436, %add3A_2437 : i32
      %get3A_2439 = arith.index_cast %add3A_2438 : i32 to index
      %get3A_2440 = arith.constant 64 : index
      %get3A_2441 = tpu.vector_load %arg8[%get3A_2439, %get3A_2440] {strides = array<i32>} : memref<900x91xf32, #tpu.memory_space<vmem>>, vector<16xf32>,
      %max3A_2442 = arith.maximumf %max3A_2434, %get3A_2441 : vector<16xf32>
      %mul3A_2443 = arith.constant 2 : i32
      %mul3A_2444 = arith.muli %mul3A_2443, %reduce_min3A_2164 : i32
      %add3A_2445 = arith.constant 0 : i32
      %add3A_2446 = arith.addi %mul3A_2444, %add3A_2445 : i32
      %get3A_2447 = arith.index_cast %add3A_2446 : i32 to index
      %get3A_2448 = arith.constant 75 : index
      %get3A_2449 = tpu.vector_load %arg8[%get3A_2447, %get3A_2448] {strides = array<i32>} : memref<900x91xf32, #tpu.memory_space<vmem>>, vector<16xf32>,
      %max3A_2450 = arith.maximumf %max3A_2442, %get3A_2449 : vector<16xf32>
      %mul3A_2451 = arith.constant 2 : i32
      %mul3A_2452 = arith.muli %mul3A_2451, %reduce_min3A_2164 : i32
      %add3A_2453 = arith.constant 1 : i32
      %add3A_2454 = arith.addi %mul3A_2452, %add3A_2453 : i32
      %get3A_2455 = arith.index_cast %add3A_2454 : i32 to index
      %get3A_2456 = arith.constant 0 : index
      %get3A_2457 = tpu.vector_load %arg8[%get3A_2455, %get3A_2456] {strides = array<i32>} : memref<900x91xf32, #tpu.memory_space<vmem>>, vector<16xf32>,
      %max3A_2458 = arith.maximumf %max3A_2450, %get3A_2457 : vector<16xf32>
      %mul3A_2459 = arith.constant 2 : i32
      %mul3A_2460 = arith.muli %mul3A_2459, %reduce_min3A_2164 : i32
      %add3A_2461 = arith.constant 1 : i32
      %add3A_2462 = arith.addi %mul3A_2460, %add3A_2461 : i32
      %get3A_2463 = arith.index_cast %add3A_2462 : i32 to index
      %get3A_2464 = arith.constant 16 : index
      %get3A_2465 = tpu.vector_load %arg8[%get3A_2463, %get3A_2464] {strides = array<i32>} : memref<900x91xf32, #tpu.memory_space<vmem>>, vector<16xf32>,
      %max3A_2466 = arith.maximumf %max3A_2458, %get3A_2465 : vector<16xf32>
      %mul3A_2467 = arith.constant 2 : i32
      %mul3A_2468 = arith.muli %mul3A_2467, %reduce_min3A_2164 : i32
      %add3A_2469 = arith.constant 1 : i32
      %add3A_2470 = arith.addi %mul3A_2468, %add3A_2469 : i32
      %get3A_2471 = arith.index_cast %add3A_2470 : i32 to index
      %get3A_2472 = arith.constant 32 : index
      %get3A_2473 = tpu.vector_load %arg8[%get3A_2471, %get3A_2472] {strides = array<i32>} : memref<900x91xf32, #tpu.memory_space<vmem>>, vector<16xf32>,
      %max3A_2474 = arith.maximumf %max3A_2466, %get3A_2473 : vector<16xf32>
      %mul3A_2475 = arith.constant 2 : i32
      %mul3A_2476 = arith.muli %mul3A_2475, %reduce_min3A_2164 : i32
      %add3A_2477 = arith.constant 1 : i32
      %add3A_2478 = arith.addi %mul3A_2476, %add3A_2477 : i32
      %get3A_2479 = arith.index_cast %add3A_2478 : i32 to index
      %get3A_2480 = arith.constant 48 : index
      %get3A_2481 = tpu.vector_load %arg8[%get3A_2479, %get3A_2480] {strides = array<i32>} : memref<900x91xf32, #tpu.memory_space<vmem>>, vector<16xf32>,
      %max3A_2482 = arith.maximumf %max3A_2474, %get3A_2481 : vector<16xf32>
      %mul3A_2483 = arith.constant 2 : i32
      %mul3A_2484 = arith.muli %mul3A_2483, %reduce_min3A_2164 : i32
      %add3A_2485 = arith.constant 1 : i32
      %add3A_2486 = arith.addi %mul3A_2484, %add3A_2485 : i32
      %get3A_2487 = arith.index_cast %add3A_2486 : i32 to index
      %get3A_2488 = arith.constant 64 : index
      %get3A_2489 = tpu.vector_load %arg8[%get3A_2487, %get3A_2488] {strides = array<i32>} : memref<900x91xf32, #tpu.memory_space<vmem>>, vector<16xf32>,
      %max3A_2490 = arith.maximumf %max3A_2482, %get3A_2489 : vector<16xf32>
      %mul3A_2491 = arith.constant 2 : i32
      %mul3A_2492 = arith.muli %mul3A_2491, %reduce_min3A_2164 : i32
      %add3A_2493 = arith.constant 1 : i32
      %add3A_2494 = arith.addi %mul3A_2492, %add3A_2493 : i32
      %get3A_2495 = arith.index_cast %add3A_2494 : i32 to index
      %get3A_2496 = arith.constant 75 : index
      %get3A_2497 = tpu.vector_load %arg8[%get3A_2495, %get3A_2496] {strides = array<i32>} : memref<900x91xf32, #tpu.memory_space<vmem>>, vector<16xf32>,
      %max3A_2498 = arith.maximumf %max3A_2490, %get3A_2497 : vector<16xf32>
      %broadcast_in_dim3A_2499 = vector.broadcast %reduce_min3A_2164 : i32 to vector<16xi32>
      %reduce_max3A_2500 = arith.constant true
      %reduce_max3A_2501 = vector.broadcast %reduce_max3A_2500 : i1 to vector<16xi1>
      %reduce_max3A_2502 = tpu.scan <max>, %max3A_2498 masked %reduce_max3A_2501 : vector<16xf32>, vector<16xi1> -> vector<16xf32>
      %reduce_max3A_2503 = vector.extract %reduce_max3A_2502[15] : f32 from vector<16xf32>
      %broadcast_in_dim3A_2504 = vector.broadcast %reduce_max3A_2503 : f32 to vector<16xf32>
      tpu.vector_store_idx %arg9[%broadcast_in_dim3A_2499], %broadcast_in_dim3A_2504 masked %eq3A_2 : memref<464xf32, #tpu.memory_space<vmem>>[vector<16xi32>], vector<16xf32>, vector<16xi1>
      %shift_right_arithmetic3A_2505 = arith.constant 4 : i32
      %shift_right_arithmetic3A_2506 = arith.shrsi %reduce_min3A_2164, %shift_right_arithmetic3A_2505 : i32
      %mul3A_2507 = arith.constant 16 : i32
      %mul3A_2508 = arith.muli %shift_right_arithmetic3A_2506, %mul3A_2507 : i32
      %get3A_2509 = arith.index_cast %mul3A_2508 : i32 to index
      %get3A_2510 = tpu.vector_load %arg9[%get3A_2509] {strides = array<i32>} : memref<464xf32, #tpu.memory_space<vmem>>, vector<16xf32>,
      %reduce_max3A_2511 = arith.constant true
      %reduce_max3A_2512 = vector.broadcast %reduce_max3A_2511 : i1 to vector<16xi1>
      %reduce_max3A_2513 = tpu.scan <max>, %get3A_2510 masked %reduce_max3A_2512 : vector<16xf32>, vector<16xi1> -> vector<16xf32>
      %reduce_max3A_2514 = vector.extract %reduce_max3A_2513[15] : f32 from vector<16xf32>
      %broadcast_in_dim3A_2515 = vector.broadcast %shift_right_arithmetic3A_2506 : i32 to vector<16xi32>
      %broadcast_in_dim3A_2516 = vector.broadcast %reduce_max3A_2514 : f32 to vector<16xf32>
      tpu.vector_store_idx %arg10[%broadcast_in_dim3A_2515], %broadcast_in_dim3A_2516 masked %eq3A_2 : memref<32xf32, #tpu.memory_space<vmem>>[vector<16xi32>], vector<16xf32>, vector<16xi1>
      %scan3A_2517 = arith.constant 0 : i32
      scf.yield %scan3A_2517 : i32
    }
    %scan3A_1343 = arith.constant 100 : i32
    %jit3A_1344 = arith.constant 8 : i32
    %div3A_1345 = arith.divsi %add3A_1050, %jit3A_1344 : i32
    %sign3A_1346 = arith.constant 0 : i32
    %sign3A_1347 = arith.cmpi sgt, %add3A_1050, %sign3A_1346 : i32
    %sign3A_1348 = arith.extui %sign3A_1347 : i1 to i32
    %sign3A_1349 = arith.constant 0 : i32
    %sign3A_1350 = arith.cmpi slt, %add3A_1050, %sign3A_1349 : i32
    %sign3A_1351 = arith.extui %sign3A_1350 : i1 to i32
    %sign3A_1352 = arith.subi %sign3A_1348, %sign3A_1351 : i32
    %sign3A_1353 = arith.constant 0 : i32
    %sign3A_1354 = arith.cmpi sgt, %jit3A_1344, %sign3A_1353 : i32
    %sign3A_1355 = arith.extui %sign3A_1354 : i1 to i32
    %sign3A_1356 = arith.constant 0 : i32
    %sign3A_1357 = arith.cmpi slt, %jit3A_1344, %sign3A_1356 : i32
    %sign3A_1358 = arith.extui %sign3A_1357 : i1 to i32
    %sign3A_1359 = arith.subi %sign3A_1355, %sign3A_1358 : i32
    %ne3A_1360 = arith.cmpi ne, %sign3A_1352, %sign3A_1359 : i32
    %rem3A_1361 = arith.remsi %add3A_1050, %jit3A_1344 : i32
    %ne3A_1362 = arith.constant 0 : i32
    %ne3A_1363 = arith.cmpi ne, %rem3A_1361, %ne3A_1362 : i32
    %and3A_1364 = arith.andi %ne3A_1360, %ne3A_1363 : i1
    %sub3A_1365 = arith.constant 1 : i32
    %sub3A_1366 = arith.subi %div3A_1345, %sub3A_1365 : i32
    %select_n3A_1367 = arith.select %and3A_1364, %sub3A_1366, %div3A_1345 : i32
    %mul3A_1368 = arith.constant 16 : i32
    %mul3A_1369 = arith.muli %select_n3A_1367, %mul3A_1368 : i32
    %get3A_1370 = arith.index_cast %mul3A_1369 : i32 to index
    %get3A_1371 = tpu.vector_load %arg17[%get3A_1370] {strides = array<i32>} : memref<128xi32, #tpu.memory_space<vmem>>, vector<16xi32>,
    %mul3A_1372 = arith.constant 2 : i32
    %mul3A_1373 = arith.muli %add3A_1050, %mul3A_1372 : i32
    %sub3A_1374 = arith.subi %mul3A_1373, %mul3A_1369 : i32
    %eq3A_1375 = vector.broadcast %sub3A_1374 : i32 to vector<16xi32>
    %eq3A_1376 = arith.cmpi eq, %iota3A, %eq3A_1375 : vector<16xi32>
    %jit3A_1377 = arith.constant -1 : i32
    %broadcast_in_dim3A_1378 = vector.broadcast %jit3A_1377 : i32 to vector<16xi32>
    %select_n3A_1379 = arith.select %eq3A_1376, %get3A_1371, %broadcast_in_dim3A_1378 : vector<16xi1>, vector<16xi32>
    %reduce_max3A_1380 = arith.constant true
    %reduce_max3A_1381 = vector.broadcast %reduce_max3A_1380 : i1 to vector<16xi1>
    %reduce_max3A_1382 = arith.constant -2147483648 : i32
    %reduce_max3A_1383 = vector.broadcast %reduce_max3A_1382 : i32 to vector<16xi32>
    %reduce_max3A_1384 = arith.xori %select_n3A_1379, %reduce_max3A_1383 : vector<16xi32>
    %reduce_max3A_1385 = tpu.scan <max>, %reduce_max3A_1384 masked %reduce_max3A_1381 : vector<16xi32>, vector<16xi1> -> vector<16xi32>
    %reduce_max3A_1386 = arith.xori %reduce_max3A_1385, %reduce_max3A_1383 : vector<16xi32>
    %reduce_max3A_1387 = vector.extract %reduce_max3A_1386[15] : i32 from vector<16xi32>
    %convert_element_type3A_1388 = arith.sitofp %reduce_max3A_1387 : i32 to f32
    %add3A_1389 = arith.constant 1 : i32
    %add3A_1390 = arith.addi %sub3A_1374, %add3A_1389 : i32
    %eq3A_1391 = vector.broadcast %add3A_1390 : i32 to vector<16xi32>
    %eq3A_1392 = arith.cmpi eq, %iota3A, %eq3A_1391 : vector<16xi32>
    %jit3A_1393 = arith.constant -1 : i32
    %broadcast_in_dim3A_1394 = vector.broadcast %jit3A_1393 : i32 to vector<16xi32>
    %select_n3A_1395 = arith.select %eq3A_1392, %get3A_1371, %broadcast_in_dim3A_1394 : vector<16xi1>, vector<16xi32>
    %reduce_max3A_1396 = arith.constant true
    %reduce_max3A_1397 = vector.broadcast %reduce_max3A_1396 : i1 to vector<16xi1>
    %reduce_max3A_1398 = arith.constant -2147483648 : i32
    %reduce_max3A_1399 = vector.broadcast %reduce_max3A_1398 : i32 to vector<16xi32>
    %reduce_max3A_1400 = arith.xori %select_n3A_1395, %reduce_max3A_1399 : vector<16xi32>
    %reduce_max3A_1401 = tpu.scan <max>, %reduce_max3A_1400 masked %reduce_max3A_1397 : vector<16xi32>, vector<16xi1> -> vector<16xi32>
    %reduce_max3A_1402 = arith.xori %reduce_max3A_1401, %reduce_max3A_1399 : vector<16xi32>
    %reduce_max3A_1403 = vector.extract %reduce_max3A_1402[15] : i32 from vector<16xi32>
    %convert_element_type3A_1404 = arith.sitofp %reduce_max3A_1403 : i32 to f32
    %get3A_1405 = arith.constant 0 : index
    %get3A_1406 = tpu.vector_load %arg11[%get3A_1405] {strides = array<i32>} : memref<112xf32, #tpu.memory_space<vmem>>, vector<16xf32>,
    %neg3A_1407 = arith.constant 0.000000e+00 : f32
    %neg3A_1408 = vector.broadcast %neg3A_1407 : f32 to vector<16xf32>
    %neg3A_1409 = arith.subf %neg3A_1408, %get3A_1406 : vector<16xf32>
    %exp3A_1410 = math.exp %neg3A_1409 : vector<16xf32>
    %add3A_1411 = arith.constant 1.000000e+00 : f32
    %add3A_1412 = vector.broadcast %add3A_1411 : f32 to vector<16xf32>
    %add3A_1413 = arith.addf %add3A_1412, %exp3A_1410 : vector<16xf32>
    %div3A_1414 = arith.constant 1.000000e+00 : f32
    %div3A_1415 = vector.broadcast %div3A_1414 : f32 to vector<16xf32>
    %div3A_1416 = arith.divf %div3A_1415, %add3A_1413 : vector<16xf32>
    %swap3A_1417 = arith.constant 0 : i32
    %swap3A_1418 = arith.index_cast %swap3A_1417 : i32 to index
    %swap3A_1419 = arith.constant 0 : index
    %swap3A_1420 = tpu.vector_load %arg13[%swap3A_1418, %swap3A_1419] {strides = array<i32>} : memref<8x128xf32, #tpu.memory_space<vmem>>, vector<16xf32>,
    tpu.vector_store %arg13[%swap3A_1418, %swap3A_1419], %div3A_1416 {strides = array<i32>} : memref<8x128xf32, #tpu.memory_space<vmem>>, vector<16xf32>,
    %get3A_1421 = arith.constant 0 : index
    %get3A_1422 = tpu.vector_load %arg12[%get3A_1421] {strides = array<i32>} : memref<112xi32, #tpu.memory_space<vmem>>, vector<16xi32>,
    %and3A_1423 = arith.constant 127 : i32
    %and3A_1424 = vector.broadcast %and3A_1423 : i32 to vector<16xi32>
    %and3A_1425 = arith.andi %get3A_1422, %and3A_1424 : vector<16xi32>
    %swap3A_1426 = arith.constant 0 : i32
    %swap3A_1427 = arith.index_cast %swap3A_1426 : i32 to index
    %swap3A_1428 = arith.constant 0 : index
    %swap3A_1429 = tpu.vector_load %arg14[%swap3A_1427, %swap3A_1428] {strides = array<i32>} : memref<8x128xi32, #tpu.memory_space<vmem>>, vector<16xi32>,
    tpu.vector_store %arg14[%swap3A_1427, %swap3A_1428], %and3A_1425 {strides = array<i32>} : memref<8x128xi32, #tpu.memory_space<vmem>>, vector<16xi32>,
    %shift_right_arithmetic3A_1430 = arith.constant 7 : i32
    %shift_right_arithmetic3A_1431 = vector.broadcast %shift_right_arithmetic3A_1430 : i32 to vector<16xi32>
    %shift_right_arithmetic3A_1432 = arith.shrsi %get3A_1422, %shift_right_arithmetic3A_1431 : vector<16xi32>
    %jit3A_1433 = arith.constant 0 : i32
    %jit3A_1434 = arith.constant 899 : i32
    %max3A_1435 = vector.broadcast %jit3A_1433 : i32 to vector<16xi32>
    %max3A_1436 = arith.maxsi %max3A_1435, %shift_right_arithmetic3A_1432 : vector<16xi32>
    %min3A_1437 = vector.broadcast %jit3A_1434 : i32 to vector<16xi32>
    %min3A_1438 = arith.minsi %min3A_1437, %max3A_1436 : vector<16xi32>
    %mul3A_1439 = arith.constant 4 : i32
    %mul3A_1440 = vector.broadcast %mul3A_1439 : i32 to vector<16xi32>
    %mul3A_1441 = arith.muli %min3A_1438, %mul3A_1440 : vector<16xi32>
    %shift_right_arithmetic3A_1442 = arith.constant 7 : i32
    %shift_right_arithmetic3A_1443 = vector.broadcast %shift_right_arithmetic3A_1442 : i32 to vector<16xi32>
    %shift_right_arithmetic3A_1444 = arith.shrsi %mul3A_1441, %shift_right_arithmetic3A_1443 : vector<16xi32>
    %and3A_1445 = arith.constant 127 : i32
    %and3A_1446 = vector.broadcast %and3A_1445 : i32 to vector<16xi32>
    %and3A_1447 = arith.andi %mul3A_1441, %and3A_1446 : vector<16xi32>
    %gather3A_1448 = tpu.vector_load_idx %arg15[%shift_right_arithmetic3A_1444, %and3A_1447] : memref<32x128xf32, #tpu.memory_space<vmem>>[vector<16xi32>, vector<16xi32>], vector<16xf32>,
    %add3A_1449 = arith.constant 1 : i32
    %add3A_1450 = vector.broadcast %add3A_1449 : i32 to vector<16xi32>
    %add3A_1451 = arith.addi %and3A_1447, %add3A_1450 : vector<16xi32>
    %gather3A_1452 = tpu.vector_load_idx %arg15[%shift_right_arithmetic3A_1444, %add3A_1451] : memref<32x128xf32, #tpu.memory_space<vmem>>[vector<16xi32>, vector<16xi32>], vector<16xf32>,
    %add3A_1453 = arith.constant 2 : i32
    %add3A_1454 = vector.broadcast %add3A_1453 : i32 to vector<16xi32>
    %add3A_1455 = arith.addi %and3A_1447, %add3A_1454 : vector<16xi32>
    %gather3A_1456 = tpu.vector_load_idx %arg15[%shift_right_arithmetic3A_1444, %add3A_1455] : memref<32x128xf32, #tpu.memory_space<vmem>>[vector<16xi32>, vector<16xi32>], vector<16xf32>,
    %add3A_1457 = arith.constant 3 : i32
    %add3A_1458 = vector.broadcast %add3A_1457 : i32 to vector<16xi32>
    %add3A_1459 = arith.addi %and3A_1447, %add3A_1458 : vector<16xi32>
    %gather3A_1460 = tpu.vector_load_idx %arg15[%shift_right_arithmetic3A_1444, %add3A_1459] : memref<32x128xf32, #tpu.memory_space<vmem>>[vector<16xi32>, vector<16xi32>], vector<16xf32>,
    %add3A_1461 = arith.constant 0 : i32
    %add3A_1462 = vector.broadcast %add3A_1461 : i32 to vector<16xi32>
    %add3A_1463 = arith.addi %add3A_1462, %iota3A : vector<16xi32>
    %mul3A_1464 = arith.constant 4 : i32
    %mul3A_1465 = vector.broadcast %mul3A_1464 : i32 to vector<16xi32>
    %mul3A_1466 = arith.muli %add3A_1463, %mul3A_1465 : vector<16xi32>
    %shift_right_arithmetic3A_1467 = arith.constant 7 : i32
    %shift_right_arithmetic3A_1468 = vector.broadcast %shift_right_arithmetic3A_1467 : i32 to vector<16xi32>
    %shift_right_arithmetic3A_1469 = arith.shrsi %mul3A_1466, %shift_right_arithmetic3A_1468 : vector<16xi32>
    %and3A_1470 = arith.constant 127 : i32
    %and3A_1471 = vector.broadcast %and3A_1470 : i32 to vector<16xi32>
    %and3A_1472 = arith.andi %mul3A_1466, %and3A_1471 : vector<16xi32>
    %mul3A_1473 = arith.constant 5.000000e-01 : f32
    %mul3A_1474 = vector.broadcast %mul3A_1473 : f32 to vector<16xf32>
    %mul3A_1475 = arith.mulf %mul3A_1474, %gather3A_1456 : vector<16xf32>
    %sub3A_1476 = arith.subf %gather3A_1448, %mul3A_1475 : vector<16xf32>
    %mul3A_1477 = vector.broadcast %convert_element_type3A_1404 : f32 to vector<16xf32>
    %mul3A_1478 = arith.mulf %sub3A_1476, %mul3A_1477 : vector<16xf32>
    tpu.vector_store_idx %arg16[%shift_right_arithmetic3A_1469, %and3A_1472], %mul3A_1478 : memref<8x128xf32, #tpu.memory_space<vmem>>[vector<16xi32>, vector<16xi32>], vector<16xf32>,
    %add3A_1479 = arith.constant 1 : i32
    %add3A_1480 = vector.broadcast %add3A_1479 : i32 to vector<16xi32>
    %add3A_1481 = arith.addi %and3A_1472, %add3A_1480 : vector<16xi32>
    %mul3A_1482 = arith.constant 5.000000e-01 : f32
    %mul3A_1483 = vector.broadcast %mul3A_1482 : f32 to vector<16xf32>
    %mul3A_1484 = arith.mulf %mul3A_1483, %gather3A_1460 : vector<16xf32>
    %sub3A_1485 = arith.subf %gather3A_1452, %mul3A_1484 : vector<16xf32>
    %mul3A_1486 = vector.broadcast %convert_element_type3A_1388 : f32 to vector<16xf32>
    %mul3A_1487 = arith.mulf %sub3A_1485, %mul3A_1486 : vector<16xf32>
    tpu.vector_store_idx %arg16[%shift_right_arithmetic3A_1469, %add3A_1481], %mul3A_1487 : memref<8x128xf32, #tpu.memory_space<vmem>>[vector<16xi32>, vector<16xi32>], vector<16xf32>,
    %add3A_1488 = arith.constant 2 : i32
    %add3A_1489 = vector.broadcast %add3A_1488 : i32 to vector<16xi32>
    %add3A_1490 = arith.addi %and3A_1472, %add3A_1489 : vector<16xi32>
    %mul3A_1491 = arith.constant 5.000000e-01 : f32
    %mul3A_1492 = vector.broadcast %mul3A_1491 : f32 to vector<16xf32>
    %mul3A_1493 = arith.mulf %mul3A_1492, %gather3A_1456 : vector<16xf32>
    %add3A_1494 = arith.addf %gather3A_1448, %mul3A_1493 : vector<16xf32>
    %mul3A_1495 = vector.broadcast %convert_element_type3A_1404 : f32 to vector<16xf32>
    %mul3A_1496 = arith.mulf %add3A_1494, %mul3A_1495 : vector<16xf32>
    tpu.vector_store_idx %arg16[%shift_right_arithmetic3A_1469, %add3A_1490], %mul3A_1496 : memref<8x128xf32, #tpu.memory_space<vmem>>[vector<16xi32>, vector<16xi32>], vector<16xf32>,
    %add3A_1497 = arith.constant 3 : i32
    %add3A_1498 = vector.broadcast %add3A_1497 : i32 to vector<16xi32>
    %add3A_1499 = arith.addi %and3A_1472, %add3A_1498 : vector<16xi32>
    %mul3A_1500 = arith.constant 5.000000e-01 : f32
    %mul3A_1501 = vector.broadcast %mul3A_1500 : f32 to vector<16xf32>
    %mul3A_1502 = arith.mulf %mul3A_1501, %gather3A_1460 : vector<16xf32>
    %add3A_1503 = arith.addf %gather3A_1452, %mul3A_1502 : vector<16xf32>
    %mul3A_1504 = vector.broadcast %convert_element_type3A_1388 : f32 to vector<16xf32>
    %mul3A_1505 = arith.mulf %add3A_1503, %mul3A_1504 : vector<16xf32>
    tpu.vector_store_idx %arg16[%shift_right_arithmetic3A_1469, %add3A_1499], %mul3A_1505 : memref<8x128xf32, #tpu.memory_space<vmem>>[vector<16xi32>, vector<16xi32>], vector<16xf32>,
    %get3A_1506 = arith.constant 16 : index
    %get3A_1507 = tpu.vector_load %arg11[%get3A_1506] {strides = array<i32>} : memref<112xf32, #tpu.memory_space<vmem>>, vector<16xf32>,
    %neg3A_1508 = arith.constant 0.000000e+00 : f32
    %neg3A_1509 = vector.broadcast %neg3A_1508 : f32 to vector<16xf32>
    %neg3A_1510 = arith.subf %neg3A_1509, %get3A_1507 : vector<16xf32>
    %exp3A_1511 = math.exp %neg3A_1510 : vector<16xf32>
    %add3A_1512 = arith.constant 1.000000e+00 : f32
    %add3A_1513 = vector.broadcast %add3A_1512 : f32 to vector<16xf32>
    %add3A_1514 = arith.addf %add3A_1513, %exp3A_1511 : vector<16xf32>
    %div3A_1515 = arith.constant 1.000000e+00 : f32
    %div3A_1516 = vector.broadcast %div3A_1515 : f32 to vector<16xf32>
    %div3A_1517 = arith.divf %div3A_1516, %add3A_1514 : vector<16xf32>
    %swap3A_1518 = arith.constant 0 : i32
    %swap3A_1519 = arith.index_cast %swap3A_1518 : i32 to index
    %swap3A_1520 = arith.constant 16 : index
    %swap3A_1521 = tpu.vector_load %arg13[%swap3A_1519, %swap3A_1520] {strides = array<i32>} : memref<8x128xf32, #tpu.memory_space<vmem>>, vector<16xf32>,
    tpu.vector_store %arg13[%swap3A_1519, %swap3A_1520], %div3A_1517 {strides = array<i32>} : memref<8x128xf32, #tpu.memory_space<vmem>>, vector<16xf32>,
    %get3A_1522 = arith.constant 16 : index
    %get3A_1523 = tpu.vector_load %arg12[%get3A_1522] {strides = array<i32>} : memref<112xi32, #tpu.memory_space<vmem>>, vector<16xi32>,
    %and3A_1524 = arith.constant 127 : i32
    %and3A_1525 = vector.broadcast %and3A_1524 : i32 to vector<16xi32>
    %and3A_1526 = arith.andi %get3A_1523, %and3A_1525 : vector<16xi32>
    %swap3A_1527 = arith.constant 0 : i32
    %swap3A_1528 = arith.index_cast %swap3A_1527 : i32 to index
    %swap3A_1529 = arith.constant 16 : index
    %swap3A_1530 = tpu.vector_load %arg14[%swap3A_1528, %swap3A_1529] {strides = array<i32>} : memref<8x128xi32, #tpu.memory_space<vmem>>, vector<16xi32>,
    tpu.vector_store %arg14[%swap3A_1528, %swap3A_1529], %and3A_1526 {strides = array<i32>} : memref<8x128xi32, #tpu.memory_space<vmem>>, vector<16xi32>,
    %shift_right_arithmetic3A_1531 = arith.constant 7 : i32
    %shift_right_arithmetic3A_1532 = vector.broadcast %shift_right_arithmetic3A_1531 : i32 to vector<16xi32>
    %shift_right_arithmetic3A_1533 = arith.shrsi %get3A_1523, %shift_right_arithmetic3A_1532 : vector<16xi32>
    %jit3A_1534 = arith.constant 0 : i32
    %jit3A_1535 = arith.constant 899 : i32
    %max3A_1536 = vector.broadcast %jit3A_1534 : i32 to vector<16xi32>
    %max3A_1537 = arith.maxsi %max3A_1536, %shift_right_arithmetic3A_1533 : vector<16xi32>
    %min3A_1538 = vector.broadcast %jit3A_1535 : i32 to vector<16xi32>
    %min3A_1539 = arith.minsi %min3A_1538, %max3A_1537 : vector<16xi32>
    %mul3A_1540 = arith.constant 4 : i32
    %mul3A_1541 = vector.broadcast %mul3A_1540 : i32 to vector<16xi32>
    %mul3A_1542 = arith.muli %min3A_1539, %mul3A_1541 : vector<16xi32>
    %shift_right_arithmetic3A_1543 = arith.constant 7 : i32
    %shift_right_arithmetic3A_1544 = vector.broadcast %shift_right_arithmetic3A_1543 : i32 to vector<16xi32>
    %shift_right_arithmetic3A_1545 = arith.shrsi %mul3A_1542, %shift_right_arithmetic3A_1544 : vector<16xi32>
    %and3A_1546 = arith.constant 127 : i32
    %and3A_1547 = vector.broadcast %and3A_1546 : i32 to vector<16xi32>
    %and3A_1548 = arith.andi %mul3A_1542, %and3A_1547 : vector<16xi32>
    %gather3A_1549 = tpu.vector_load_idx %arg15[%shift_right_arithmetic3A_1545, %and3A_1548] : memref<32x128xf32, #tpu.memory_space<vmem>>[vector<16xi32>, vector<16xi32>], vector<16xf32>,
    %add3A_1550 = arith.constant 1 : i32
    %add3A_1551 = vector.broadcast %add3A_1550 : i32 to vector<16xi32>
    %add3A_1552 = arith.addi %and3A_1548, %add3A_1551 : vector<16xi32>
    %gather3A_1553 = tpu.vector_load_idx %arg15[%shift_right_arithmetic3A_1545, %add3A_1552] : memref<32x128xf32, #tpu.memory_space<vmem>>[vector<16xi32>, vector<16xi32>], vector<16xf32>,
    %add3A_1554 = arith.constant 2 : i32
    %add3A_1555 = vector.broadcast %add3A_1554 : i32 to vector<16xi32>
    %add3A_1556 = arith.addi %and3A_1548, %add3A_1555 : vector<16xi32>
    %gather3A_1557 = tpu.vector_load_idx %arg15[%shift_right_arithmetic3A_1545, %add3A_1556] : memref<32x128xf32, #tpu.memory_space<vmem>>[vector<16xi32>, vector<16xi32>], vector<16xf32>,
    %add3A_1558 = arith.constant 3 : i32
    %add3A_1559 = vector.broadcast %add3A_1558 : i32 to vector<16xi32>
    %add3A_1560 = arith.addi %and3A_1548, %add3A_1559 : vector<16xi32>
    %gather3A_1561 = tpu.vector_load_idx %arg15[%shift_right_arithmetic3A_1545, %add3A_1560] : memref<32x128xf32, #tpu.memory_space<vmem>>[vector<16xi32>, vector<16xi32>], vector<16xf32>,
    %add3A_1562 = arith.constant 16 : i32
    %add3A_1563 = vector.broadcast %add3A_1562 : i32 to vector<16xi32>
    %add3A_1564 = arith.addi %add3A_1563, %iota3A : vector<16xi32>
    %mul3A_1565 = arith.constant 4 : i32
    %mul3A_1566 = vector.broadcast %mul3A_1565 : i32 to vector<16xi32>
    %mul3A_1567 = arith.muli %add3A_1564, %mul3A_1566 : vector<16xi32>
    %shift_right_arithmetic3A_1568 = arith.constant 7 : i32
    %shift_right_arithmetic3A_1569 = vector.broadcast %shift_right_arithmetic3A_1568 : i32 to vector<16xi32>
    %shift_right_arithmetic3A_1570 = arith.shrsi %mul3A_1567, %shift_right_arithmetic3A_1569 : vector<16xi32>
    %and3A_1571 = arith.constant 127 : i32
    %and3A_1572 = vector.broadcast %and3A_1571 : i32 to vector<16xi32>
    %and3A_1573 = arith.andi %mul3A_1567, %and3A_1572 : vector<16xi32>
    %mul3A_1574 = arith.constant 5.000000e-01 : f32
    %mul3A_1575 = vector.broadcast %mul3A_1574 : f32 to vector<16xf32>
    %mul3A_1576 = arith.mulf %mul3A_1575, %gather3A_1557 : vector<16xf32>
    %sub3A_1577 = arith.subf %gather3A_1549, %mul3A_1576 : vector<16xf32>
    %mul3A_1578 = vector.broadcast %convert_element_type3A_1404 : f32 to vector<16xf32>
    %mul3A_1579 = arith.mulf %sub3A_1577, %mul3A_1578 : vector<16xf32>
    tpu.vector_store_idx %arg16[%shift_right_arithmetic3A_1570, %and3A_1573], %mul3A_1579 : memref<8x128xf32, #tpu.memory_space<vmem>>[vector<16xi32>, vector<16xi32>], vector<16xf32>,
    %add3A_1580 = arith.constant 1 : i32
    %add3A_1581 = vector.broadcast %add3A_1580 : i32 to vector<16xi32>
    %add3A_1582 = arith.addi %and3A_1573, %add3A_1581 : vector<16xi32>
    %mul3A_1583 = arith.constant 5.000000e-01 : f32
    %mul3A_1584 = vector.broadcast %mul3A_1583 : f32 to vector<16xf32>
    %mul3A_1585 = arith.mulf %mul3A_1584, %gather3A_1561 : vector<16xf32>
    %sub3A_1586 = arith.subf %gather3A_1553, %mul3A_1585 : vector<16xf32>
    %mul3A_1587 = vector.broadcast %convert_element_type3A_1388 : f32 to vector<16xf32>
    %mul3A_1588 = arith.mulf %sub3A_1586, %mul3A_1587 : vector<16xf32>
    tpu.vector_store_idx %arg16[%shift_right_arithmetic3A_1570, %add3A_1582], %mul3A_1588 : memref<8x128xf32, #tpu.memory_space<vmem>>[vector<16xi32>, vector<16xi32>], vector<16xf32>,
    %add3A_1589 = arith.constant 2 : i32
    %add3A_1590 = vector.broadcast %add3A_1589 : i32 to vector<16xi32>
    %add3A_1591 = arith.addi %and3A_1573, %add3A_1590 : vector<16xi32>
    %mul3A_1592 = arith.constant 5.000000e-01 : f32
    %mul3A_1593 = vector.broadcast %mul3A_1592 : f32 to vector<16xf32>
    %mul3A_1594 = arith.mulf %mul3A_1593, %gather3A_1557 : vector<16xf32>
    %add3A_1595 = arith.addf %gather3A_1549, %mul3A_1594 : vector<16xf32>
    %mul3A_1596 = vector.broadcast %convert_element_type3A_1404 : f32 to vector<16xf32>
    %mul3A_1597 = arith.mulf %add3A_1595, %mul3A_1596 : vector<16xf32>
    tpu.vector_store_idx %arg16[%shift_right_arithmetic3A_1570, %add3A_1591], %mul3A_1597 : memref<8x128xf32, #tpu.memory_space<vmem>>[vector<16xi32>, vector<16xi32>], vector<16xf32>,
    %add3A_1598 = arith.constant 3 : i32
    %add3A_1599 = vector.broadcast %add3A_1598 : i32 to vector<16xi32>
    %add3A_1600 = arith.addi %and3A_1573, %add3A_1599 : vector<16xi32>
    %mul3A_1601 = arith.constant 5.000000e-01 : f32
    %mul3A_1602 = vector.broadcast %mul3A_1601 : f32 to vector<16xf32>
    %mul3A_1603 = arith.mulf %mul3A_1602, %gather3A_1561 : vector<16xf32>
    %add3A_1604 = arith.addf %gather3A_1553, %mul3A_1603 : vector<16xf32>
    %mul3A_1605 = vector.broadcast %convert_element_type3A_1388 : f32 to vector<16xf32>
    %mul3A_1606 = arith.mulf %add3A_1604, %mul3A_1605 : vector<16xf32>
    tpu.vector_store_idx %arg16[%shift_right_arithmetic3A_1570, %add3A_1600], %mul3A_1606 : memref<8x128xf32, #tpu.memory_space<vmem>>[vector<16xi32>, vector<16xi32>], vector<16xf32>,
    %get3A_1607 = arith.constant 32 : index
    %get3A_1608 = tpu.vector_load %arg11[%get3A_1607] {strides = array<i32>} : memref<112xf32, #tpu.memory_space<vmem>>, vector<16xf32>,
    %neg3A_1609 = arith.constant 0.000000e+00 : f32
    %neg3A_1610 = vector.broadcast %neg3A_1609 : f32 to vector<16xf32>
    %neg3A_1611 = arith.subf %neg3A_1610, %get3A_1608 : vector<16xf32>
    %exp3A_1612 = math.exp %neg3A_1611 : vector<16xf32>
    %add3A_1613 = arith.constant 1.000000e+00 : f32
    %add3A_1614 = vector.broadcast %add3A_1613 : f32 to vector<16xf32>
    %add3A_1615 = arith.addf %add3A_1614, %exp3A_1612 : vector<16xf32>
    %div3A_1616 = arith.constant 1.000000e+00 : f32
    %div3A_1617 = vector.broadcast %div3A_1616 : f32 to vector<16xf32>
    %div3A_1618 = arith.divf %div3A_1617, %add3A_1615 : vector<16xf32>
    %swap3A_1619 = arith.constant 0 : i32
    %swap3A_1620 = arith.index_cast %swap3A_1619 : i32 to index
    %swap3A_1621 = arith.constant 32 : index
    %swap3A_1622 = tpu.vector_load %arg13[%swap3A_1620, %swap3A_1621] {strides = array<i32>} : memref<8x128xf32, #tpu.memory_space<vmem>>, vector<16xf32>,
    tpu.vector_store %arg13[%swap3A_1620, %swap3A_1621], %div3A_1618 {strides = array<i32>} : memref<8x128xf32, #tpu.memory_space<vmem>>, vector<16xf32>,
    %get3A_1623 = arith.constant 32 : index
    %get3A_1624 = tpu.vector_load %arg12[%get3A_1623] {strides = array<i32>} : memref<112xi32, #tpu.memory_space<vmem>>, vector<16xi32>,
    %and3A_1625 = arith.constant 127 : i32
    %and3A_1626 = vector.broadcast %and3A_1625 : i32 to vector<16xi32>
    %and3A_1627 = arith.andi %get3A_1624, %and3A_1626 : vector<16xi32>
    %swap3A_1628 = arith.constant 0 : i32
    %swap3A_1629 = arith.index_cast %swap3A_1628 : i32 to index
    %swap3A_1630 = arith.constant 32 : index
    %swap3A_1631 = tpu.vector_load %arg14[%swap3A_1629, %swap3A_1630] {strides = array<i32>} : memref<8x128xi32, #tpu.memory_space<vmem>>, vector<16xi32>,
    tpu.vector_store %arg14[%swap3A_1629, %swap3A_1630], %and3A_1627 {strides = array<i32>} : memref<8x128xi32, #tpu.memory_space<vmem>>, vector<16xi32>,
    %shift_right_arithmetic3A_1632 = arith.constant 7 : i32
    %shift_right_arithmetic3A_1633 = vector.broadcast %shift_right_arithmetic3A_1632 : i32 to vector<16xi32>
    %shift_right_arithmetic3A_1634 = arith.shrsi %get3A_1624, %shift_right_arithmetic3A_1633 : vector<16xi32>
    %jit3A_1635 = arith.constant 0 : i32
    %jit3A_1636 = arith.constant 899 : i32
    %max3A_1637 = vector.broadcast %jit3A_1635 : i32 to vector<16xi32>
    %max3A_1638 = arith.maxsi %max3A_1637, %shift_right_arithmetic3A_1634 : vector<16xi32>
    %min3A_1639 = vector.broadcast %jit3A_1636 : i32 to vector<16xi32>
    %min3A_1640 = arith.minsi %min3A_1639, %max3A_1638 : vector<16xi32>
    %mul3A_1641 = arith.constant 4 : i32
    %mul3A_1642 = vector.broadcast %mul3A_1641 : i32 to vector<16xi32>
    %mul3A_1643 = arith.muli %min3A_1640, %mul3A_1642 : vector<16xi32>
    %shift_right_arithmetic3A_1644 = arith.constant 7 : i32
    %shift_right_arithmetic3A_1645 = vector.broadcast %shift_right_arithmetic3A_1644 : i32 to vector<16xi32>
    %shift_right_arithmetic3A_1646 = arith.shrsi %mul3A_1643, %shift_right_arithmetic3A_1645 : vector<16xi32>
    %and3A_1647 = arith.constant 127 : i32
    %and3A_1648 = vector.broadcast %and3A_1647 : i32 to vector<16xi32>
    %and3A_1649 = arith.andi %mul3A_1643, %and3A_1648 : vector<16xi32>
    %gather3A_1650 = tpu.vector_load_idx %arg15[%shift_right_arithmetic3A_1646, %and3A_1649] : memref<32x128xf32, #tpu.memory_space<vmem>>[vector<16xi32>, vector<16xi32>], vector<16xf32>,
    %add3A_1651 = arith.constant 1 : i32
    %add3A_1652 = vector.broadcast %add3A_1651 : i32 to vector<16xi32>
    %add3A_1653 = arith.addi %and3A_1649, %add3A_1652 : vector<16xi32>
    %gather3A_1654 = tpu.vector_load_idx %arg15[%shift_right_arithmetic3A_1646, %add3A_1653] : memref<32x128xf32, #tpu.memory_space<vmem>>[vector<16xi32>, vector<16xi32>], vector<16xf32>,
    %add3A_1655 = arith.constant 2 : i32
    %add3A_1656 = vector.broadcast %add3A_1655 : i32 to vector<16xi32>
    %add3A_1657 = arith.addi %and3A_1649, %add3A_1656 : vector<16xi32>
    %gather3A_1658 = tpu.vector_load_idx %arg15[%shift_right_arithmetic3A_1646, %add3A_1657] : memref<32x128xf32, #tpu.memory_space<vmem>>[vector<16xi32>, vector<16xi32>], vector<16xf32>,
    %add3A_1659 = arith.constant 3 : i32
    %add3A_1660 = vector.broadcast %add3A_1659 : i32 to vector<16xi32>
    %add3A_1661 = arith.addi %and3A_1649, %add3A_1660 : vector<16xi32>
    %gather3A_1662 = tpu.vector_load_idx %arg15[%shift_right_arithmetic3A_1646, %add3A_1661] : memref<32x128xf32, #tpu.memory_space<vmem>>[vector<16xi32>, vector<16xi32>], vector<16xf32>,
    %add3A_1663 = arith.constant 32 : i32
    %add3A_1664 = vector.broadcast %add3A_1663 : i32 to vector<16xi32>
    %add3A_1665 = arith.addi %add3A_1664, %iota3A : vector<16xi32>
    %mul3A_1666 = arith.constant 4 : i32
    %mul3A_1667 = vector.broadcast %mul3A_1666 : i32 to vector<16xi32>
    %mul3A_1668 = arith.muli %add3A_1665, %mul3A_1667 : vector<16xi32>
    %shift_right_arithmetic3A_1669 = arith.constant 7 : i32
    %shift_right_arithmetic3A_1670 = vector.broadcast %shift_right_arithmetic3A_1669 : i32 to vector<16xi32>
    %shift_right_arithmetic3A_1671 = arith.shrsi %mul3A_1668, %shift_right_arithmetic3A_1670 : vector<16xi32>
    %and3A_1672 = arith.constant 127 : i32
    %and3A_1673 = vector.broadcast %and3A_1672 : i32 to vector<16xi32>
    %and3A_1674 = arith.andi %mul3A_1668, %and3A_1673 : vector<16xi32>
    %mul3A_1675 = arith.constant 5.000000e-01 : f32
    %mul3A_1676 = vector.broadcast %mul3A_1675 : f32 to vector<16xf32>
    %mul3A_1677 = arith.mulf %mul3A_1676, %gather3A_1658 : vector<16xf32>
    %sub3A_1678 = arith.subf %gather3A_1650, %mul3A_1677 : vector<16xf32>
    %mul3A_1679 = vector.broadcast %convert_element_type3A_1404 : f32 to vector<16xf32>
    %mul3A_1680 = arith.mulf %sub3A_1678, %mul3A_1679 : vector<16xf32>
    tpu.vector_store_idx %arg16[%shift_right_arithmetic3A_1671, %and3A_1674], %mul3A_1680 : memref<8x128xf32, #tpu.memory_space<vmem>>[vector<16xi32>, vector<16xi32>], vector<16xf32>,
    %add3A_1681 = arith.constant 1 : i32
    %add3A_1682 = vector.broadcast %add3A_1681 : i32 to vector<16xi32>
    %add3A_1683 = arith.addi %and3A_1674, %add3A_1682 : vector<16xi32>
    %mul3A_1684 = arith.constant 5.000000e-01 : f32
    %mul3A_1685 = vector.broadcast %mul3A_1684 : f32 to vector<16xf32>
    %mul3A_1686 = arith.mulf %mul3A_1685, %gather3A_1662 : vector<16xf32>
    %sub3A_1687 = arith.subf %gather3A_1654, %mul3A_1686 : vector<16xf32>
    %mul3A_1688 = vector.broadcast %convert_element_type3A_1388 : f32 to vector<16xf32>
    %mul3A_1689 = arith.mulf %sub3A_1687, %mul3A_1688 : vector<16xf32>
    tpu.vector_store_idx %arg16[%shift_right_arithmetic3A_1671, %add3A_1683], %mul3A_1689 : memref<8x128xf32, #tpu.memory_space<vmem>>[vector<16xi32>, vector<16xi32>], vector<16xf32>,
    %add3A_1690 = arith.constant 2 : i32
    %add3A_1691 = vector.broadcast %add3A_1690 : i32 to vector<16xi32>
    %add3A_1692 = arith.addi %and3A_1674, %add3A_1691 : vector<16xi32>
    %mul3A_1693 = arith.constant 5.000000e-01 : f32
    %mul3A_1694 = vector.broadcast %mul3A_1693 : f32 to vector<16xf32>
    %mul3A_1695 = arith.mulf %mul3A_1694, %gather3A_1658 : vector<16xf32>
    %add3A_1696 = arith.addf %gather3A_1650, %mul3A_1695 : vector<16xf32>
    %mul3A_1697 = vector.broadcast %convert_element_type3A_1404 : f32 to vector<16xf32>
    %mul3A_1698 = arith.mulf %add3A_1696, %mul3A_1697 : vector<16xf32>
    tpu.vector_store_idx %arg16[%shift_right_arithmetic3A_1671, %add3A_1692], %mul3A_1698 : memref<8x128xf32, #tpu.memory_space<vmem>>[vector<16xi32>, vector<16xi32>], vector<16xf32>,
    %add3A_1699 = arith.constant 3 : i32
    %add3A_1700 = vector.broadcast %add3A_1699 : i32 to vector<16xi32>
    %add3A_1701 = arith.addi %and3A_1674, %add3A_1700 : vector<16xi32>
    %mul3A_1702 = arith.constant 5.000000e-01 : f32
    %mul3A_1703 = vector.broadcast %mul3A_1702 : f32 to vector<16xf32>
    %mul3A_1704 = arith.mulf %mul3A_1703, %gather3A_1662 : vector<16xf32>
    %add3A_1705 = arith.addf %gather3A_1654, %mul3A_1704 : vector<16xf32>
    %mul3A_1706 = vector.broadcast %convert_element_type3A_1388 : f32 to vector<16xf32>
    %mul3A_1707 = arith.mulf %add3A_1705, %mul3A_1706 : vector<16xf32>
    tpu.vector_store_idx %arg16[%shift_right_arithmetic3A_1671, %add3A_1701], %mul3A_1707 : memref<8x128xf32, #tpu.memory_space<vmem>>[vector<16xi32>, vector<16xi32>], vector<16xf32>,
    %get3A_1708 = arith.constant 48 : index
    %get3A_1709 = tpu.vector_load %arg11[%get3A_1708] {strides = array<i32>} : memref<112xf32, #tpu.memory_space<vmem>>, vector<16xf32>,
    %neg3A_1710 = arith.constant 0.000000e+00 : f32
    %neg3A_1711 = vector.broadcast %neg3A_1710 : f32 to vector<16xf32>
    %neg3A_1712 = arith.subf %neg3A_1711, %get3A_1709 : vector<16xf32>
    %exp3A_1713 = math.exp %neg3A_1712 : vector<16xf32>
    %add3A_1714 = arith.constant 1.000000e+00 : f32
    %add3A_1715 = vector.broadcast %add3A_1714 : f32 to vector<16xf32>
    %add3A_1716 = arith.addf %add3A_1715, %exp3A_1713 : vector<16xf32>
    %div3A_1717 = arith.constant 1.000000e+00 : f32
    %div3A_1718 = vector.broadcast %div3A_1717 : f32 to vector<16xf32>
    %div3A_1719 = arith.divf %div3A_1718, %add3A_1716 : vector<16xf32>
    %swap3A_1720 = arith.constant 0 : i32
    %swap3A_1721 = arith.index_cast %swap3A_1720 : i32 to index
    %swap3A_1722 = arith.constant 48 : index
    %swap3A_1723 = tpu.vector_load %arg13[%swap3A_1721, %swap3A_1722] {strides = array<i32>} : memref<8x128xf32, #tpu.memory_space<vmem>>, vector<16xf32>,
    tpu.vector_store %arg13[%swap3A_1721, %swap3A_1722], %div3A_1719 {strides = array<i32>} : memref<8x128xf32, #tpu.memory_space<vmem>>, vector<16xf32>,
    %get3A_1724 = arith.constant 48 : index
    %get3A_1725 = tpu.vector_load %arg12[%get3A_1724] {strides = array<i32>} : memref<112xi32, #tpu.memory_space<vmem>>, vector<16xi32>,
    %and3A_1726 = arith.constant 127 : i32
    %and3A_1727 = vector.broadcast %and3A_1726 : i32 to vector<16xi32>
    %and3A_1728 = arith.andi %get3A_1725, %and3A_1727 : vector<16xi32>
    %swap3A_1729 = arith.constant 0 : i32
    %swap3A_1730 = arith.index_cast %swap3A_1729 : i32 to index
    %swap3A_1731 = arith.constant 48 : index
    %swap3A_1732 = tpu.vector_load %arg14[%swap3A_1730, %swap3A_1731] {strides = array<i32>} : memref<8x128xi32, #tpu.memory_space<vmem>>, vector<16xi32>,
    tpu.vector_store %arg14[%swap3A_1730, %swap3A_1731], %and3A_1728 {strides = array<i32>} : memref<8x128xi32, #tpu.memory_space<vmem>>, vector<16xi32>,
    %shift_right_arithmetic3A_1733 = arith.constant 7 : i32
    %shift_right_arithmetic3A_1734 = vector.broadcast %shift_right_arithmetic3A_1733 : i32 to vector<16xi32>
    %shift_right_arithmetic3A_1735 = arith.shrsi %get3A_1725, %shift_right_arithmetic3A_1734 : vector<16xi32>
    %jit3A_1736 = arith.constant 0 : i32
    %jit3A_1737 = arith.constant 899 : i32
    %max3A_1738 = vector.broadcast %jit3A_1736 : i32 to vector<16xi32>
    %max3A_1739 = arith.maxsi %max3A_1738, %shift_right_arithmetic3A_1735 : vector<16xi32>
    %min3A_1740 = vector.broadcast %jit3A_1737 : i32 to vector<16xi32>
    %min3A_1741 = arith.minsi %min3A_1740, %max3A_1739 : vector<16xi32>
    %mul3A_1742 = arith.constant 4 : i32
    %mul3A_1743 = vector.broadcast %mul3A_1742 : i32 to vector<16xi32>
    %mul3A_1744 = arith.muli %min3A_1741, %mul3A_1743 : vector<16xi32>
    %shift_right_arithmetic3A_1745 = arith.constant 7 : i32
    %shift_right_arithmetic3A_1746 = vector.broadcast %shift_right_arithmetic3A_1745 : i32 to vector<16xi32>
    %shift_right_arithmetic3A_1747 = arith.shrsi %mul3A_1744, %shift_right_arithmetic3A_1746 : vector<16xi32>
    %and3A_1748 = arith.constant 127 : i32
    %and3A_1749 = vector.broadcast %and3A_1748 : i32 to vector<16xi32>
    %and3A_1750 = arith.andi %mul3A_1744, %and3A_1749 : vector<16xi32>
    %gather3A_1751 = tpu.vector_load_idx %arg15[%shift_right_arithmetic3A_1747, %and3A_1750] : memref<32x128xf32, #tpu.memory_space<vmem>>[vector<16xi32>, vector<16xi32>], vector<16xf32>,
    %add3A_1752 = arith.constant 1 : i32
    %add3A_1753 = vector.broadcast %add3A_1752 : i32 to vector<16xi32>
    %add3A_1754 = arith.addi %and3A_1750, %add3A_1753 : vector<16xi32>
    %gather3A_1755 = tpu.vector_load_idx %arg15[%shift_right_arithmetic3A_1747, %add3A_1754] : memref<32x128xf32, #tpu.memory_space<vmem>>[vector<16xi32>, vector<16xi32>], vector<16xf32>,
    %add3A_1756 = arith.constant 2 : i32
    %add3A_1757 = vector.broadcast %add3A_1756 : i32 to vector<16xi32>
    %add3A_1758 = arith.addi %and3A_1750, %add3A_1757 : vector<16xi32>
    %gather3A_1759 = tpu.vector_load_idx %arg15[%shift_right_arithmetic3A_1747, %add3A_1758] : memref<32x128xf32, #tpu.memory_space<vmem>>[vector<16xi32>, vector<16xi32>], vector<16xf32>,
    %add3A_1760 = arith.constant 3 : i32
    %add3A_1761 = vector.broadcast %add3A_1760 : i32 to vector<16xi32>
    %add3A_1762 = arith.addi %and3A_1750, %add3A_1761 : vector<16xi32>
    %gather3A_1763 = tpu.vector_load_idx %arg15[%shift_right_arithmetic3A_1747, %add3A_1762] : memref<32x128xf32, #tpu.memory_space<vmem>>[vector<16xi32>, vector<16xi32>], vector<16xf32>,
    %add3A_1764 = arith.constant 48 : i32
    %add3A_1765 = vector.broadcast %add3A_1764 : i32 to vector<16xi32>
    %add3A_1766 = arith.addi %add3A_1765, %iota3A : vector<16xi32>
    %mul3A_1767 = arith.constant 4 : i32
    %mul3A_1768 = vector.broadcast %mul3A_1767 : i32 to vector<16xi32>
    %mul3A_1769 = arith.muli %add3A_1766, %mul3A_1768 : vector<16xi32>
    %shift_right_arithmetic3A_1770 = arith.constant 7 : i32
    %shift_right_arithmetic3A_1771 = vector.broadcast %shift_right_arithmetic3A_1770 : i32 to vector<16xi32>
    %shift_right_arithmetic3A_1772 = arith.shrsi %mul3A_1769, %shift_right_arithmetic3A_1771 : vector<16xi32>
    %and3A_1773 = arith.constant 127 : i32
    %and3A_1774 = vector.broadcast %and3A_1773 : i32 to vector<16xi32>
    %and3A_1775 = arith.andi %mul3A_1769, %and3A_1774 : vector<16xi32>
    %mul3A_1776 = arith.constant 5.000000e-01 : f32
    %mul3A_1777 = vector.broadcast %mul3A_1776 : f32 to vector<16xf32>
    %mul3A_1778 = arith.mulf %mul3A_1777, %gather3A_1759 : vector<16xf32>
    %sub3A_1779 = arith.subf %gather3A_1751, %mul3A_1778 : vector<16xf32>
    %mul3A_1780 = vector.broadcast %convert_element_type3A_1404 : f32 to vector<16xf32>
    %mul3A_1781 = arith.mulf %sub3A_1779, %mul3A_1780 : vector<16xf32>
    tpu.vector_store_idx %arg16[%shift_right_arithmetic3A_1772, %and3A_1775], %mul3A_1781 : memref<8x128xf32, #tpu.memory_space<vmem>>[vector<16xi32>, vector<16xi32>], vector<16xf32>,
    %add3A_1782 = arith.constant 1 : i32
    %add3A_1783 = vector.broadcast %add3A_1782 : i32 to vector<16xi32>
    %add3A_1784 = arith.addi %and3A_1775, %add3A_1783 : vector<16xi32>
    %mul3A_1785 = arith.constant 5.000000e-01 : f32
    %mul3A_1786 = vector.broadcast %mul3A_1785 : f32 to vector<16xf32>
    %mul3A_1787 = arith.mulf %mul3A_1786, %gather3A_1763 : vector<16xf32>
    %sub3A_1788 = arith.subf %gather3A_1755, %mul3A_1787 : vector<16xf32>
    %mul3A_1789 = vector.broadcast %convert_element_type3A_1388 : f32 to vector<16xf32>
    %mul3A_1790 = arith.mulf %sub3A_1788, %mul3A_1789 : vector<16xf32>
    tpu.vector_store_idx %arg16[%shift_right_arithmetic3A_1772, %add3A_1784], %mul3A_1790 : memref<8x128xf32, #tpu.memory_space<vmem>>[vector<16xi32>, vector<16xi32>], vector<16xf32>,
    %add3A_1791 = arith.constant 2 : i32
    %add3A_1792 = vector.broadcast %add3A_1791 : i32 to vector<16xi32>
    %add3A_1793 = arith.addi %and3A_1775, %add3A_1792 : vector<16xi32>
    %mul3A_1794 = arith.constant 5.000000e-01 : f32
    %mul3A_1795 = vector.broadcast %mul3A_1794 : f32 to vector<16xf32>
    %mul3A_1796 = arith.mulf %mul3A_1795, %gather3A_1759 : vector<16xf32>
    %add3A_1797 = arith.addf %gather3A_1751, %mul3A_1796 : vector<16xf32>
    %mul3A_1798 = vector.broadcast %convert_element_type3A_1404 : f32 to vector<16xf32>
    %mul3A_1799 = arith.mulf %add3A_1797, %mul3A_1798 : vector<16xf32>
    tpu.vector_store_idx %arg16[%shift_right_arithmetic3A_1772, %add3A_1793], %mul3A_1799 : memref<8x128xf32, #tpu.memory_space<vmem>>[vector<16xi32>, vector<16xi32>], vector<16xf32>,
    %add3A_1800 = arith.constant 3 : i32
    %add3A_1801 = vector.broadcast %add3A_1800 : i32 to vector<16xi32>
    %add3A_1802 = arith.addi %and3A_1775, %add3A_1801 : vector<16xi32>
    %mul3A_1803 = arith.constant 5.000000e-01 : f32
    %mul3A_1804 = vector.broadcast %mul3A_1803 : f32 to vector<16xf32>
    %mul3A_1805 = arith.mulf %mul3A_1804, %gather3A_1763 : vector<16xf32>
    %add3A_1806 = arith.addf %gather3A_1755, %mul3A_1805 : vector<16xf32>
    %mul3A_1807 = vector.broadcast %convert_element_type3A_1388 : f32 to vector<16xf32>
    %mul3A_1808 = arith.mulf %add3A_1806, %mul3A_1807 : vector<16xf32>
    tpu.vector_store_idx %arg16[%shift_right_arithmetic3A_1772, %add3A_1802], %mul3A_1808 : memref<8x128xf32, #tpu.memory_space<vmem>>[vector<16xi32>, vector<16xi32>], vector<16xf32>,
    %get3A_1809 = arith.constant 64 : index
    %get3A_1810 = tpu.vector_load %arg11[%get3A_1809] {strides = array<i32>} : memref<112xf32, #tpu.memory_space<vmem>>, vector<16xf32>,
    %neg3A_1811 = arith.constant 0.000000e+00 : f32
    %neg3A_1812 = vector.broadcast %neg3A_1811 : f32 to vector<16xf32>
    %neg3A_1813 = arith.subf %neg3A_1812, %get3A_1810 : vector<16xf32>
    %exp3A_1814 = math.exp %neg3A_1813 : vector<16xf32>
    %add3A_1815 = arith.constant 1.000000e+00 : f32
    %add3A_1816 = vector.broadcast %add3A_1815 : f32 to vector<16xf32>
    %add3A_1817 = arith.addf %add3A_1816, %exp3A_1814 : vector<16xf32>
    %div3A_1818 = arith.constant 1.000000e+00 : f32
    %div3A_1819 = vector.broadcast %div3A_1818 : f32 to vector<16xf32>
    %div3A_1820 = arith.divf %div3A_1819, %add3A_1817 : vector<16xf32>
    %swap3A_1821 = arith.constant 0 : i32
    %swap3A_1822 = arith.index_cast %swap3A_1821 : i32 to index
    %swap3A_1823 = arith.constant 64 : index
    %swap3A_1824 = tpu.vector_load %arg13[%swap3A_1822, %swap3A_1823] {strides = array<i32>} : memref<8x128xf32, #tpu.memory_space<vmem>>, vector<16xf32>,
    tpu.vector_store %arg13[%swap3A_1822, %swap3A_1823], %div3A_1820 {strides = array<i32>} : memref<8x128xf32, #tpu.memory_space<vmem>>, vector<16xf32>,
    %get3A_1825 = arith.constant 64 : index
    %get3A_1826 = tpu.vector_load %arg12[%get3A_1825] {strides = array<i32>} : memref<112xi32, #tpu.memory_space<vmem>>, vector<16xi32>,
    %and3A_1827 = arith.constant 127 : i32
    %and3A_1828 = vector.broadcast %and3A_1827 : i32 to vector<16xi32>
    %and3A_1829 = arith.andi %get3A_1826, %and3A_1828 : vector<16xi32>
    %swap3A_1830 = arith.constant 0 : i32
    %swap3A_1831 = arith.index_cast %swap3A_1830 : i32 to index
    %swap3A_1832 = arith.constant 64 : index
    %swap3A_1833 = tpu.vector_load %arg14[%swap3A_1831, %swap3A_1832] {strides = array<i32>} : memref<8x128xi32, #tpu.memory_space<vmem>>, vector<16xi32>,
    tpu.vector_store %arg14[%swap3A_1831, %swap3A_1832], %and3A_1829 {strides = array<i32>} : memref<8x128xi32, #tpu.memory_space<vmem>>, vector<16xi32>,
    %shift_right_arithmetic3A_1834 = arith.constant 7 : i32
    %shift_right_arithmetic3A_1835 = vector.broadcast %shift_right_arithmetic3A_1834 : i32 to vector<16xi32>
    %shift_right_arithmetic3A_1836 = arith.shrsi %get3A_1826, %shift_right_arithmetic3A_1835 : vector<16xi32>
    %jit3A_1837 = arith.constant 0 : i32
    %jit3A_1838 = arith.constant 899 : i32
    %max3A_1839 = vector.broadcast %jit3A_1837 : i32 to vector<16xi32>
    %max3A_1840 = arith.maxsi %max3A_1839, %shift_right_arithmetic3A_1836 : vector<16xi32>
    %min3A_1841 = vector.broadcast %jit3A_1838 : i32 to vector<16xi32>
    %min3A_1842 = arith.minsi %min3A_1841, %max3A_1840 : vector<16xi32>
    %mul3A_1843 = arith.constant 4 : i32
    %mul3A_1844 = vector.broadcast %mul3A_1843 : i32 to vector<16xi32>
    %mul3A_1845 = arith.muli %min3A_1842, %mul3A_1844 : vector<16xi32>
    %shift_right_arithmetic3A_1846 = arith.constant 7 : i32
    %shift_right_arithmetic3A_1847 = vector.broadcast %shift_right_arithmetic3A_1846 : i32 to vector<16xi32>
    %shift_right_arithmetic3A_1848 = arith.shrsi %mul3A_1845, %shift_right_arithmetic3A_1847 : vector<16xi32>
    %and3A_1849 = arith.constant 127 : i32
    %and3A_1850 = vector.broadcast %and3A_1849 : i32 to vector<16xi32>
    %and3A_1851 = arith.andi %mul3A_1845, %and3A_1850 : vector<16xi32>
    %gather3A_1852 = tpu.vector_load_idx %arg15[%shift_right_arithmetic3A_1848, %and3A_1851] : memref<32x128xf32, #tpu.memory_space<vmem>>[vector<16xi32>, vector<16xi32>], vector<16xf32>,
    %add3A_1853 = arith.constant 1 : i32
    %add3A_1854 = vector.broadcast %add3A_1853 : i32 to vector<16xi32>
    %add3A_1855 = arith.addi %and3A_1851, %add3A_1854 : vector<16xi32>
    %gather3A_1856 = tpu.vector_load_idx %arg15[%shift_right_arithmetic3A_1848, %add3A_1855] : memref<32x128xf32, #tpu.memory_space<vmem>>[vector<16xi32>, vector<16xi32>], vector<16xf32>,
    %add3A_1857 = arith.constant 2 : i32
    %add3A_1858 = vector.broadcast %add3A_1857 : i32 to vector<16xi32>
    %add3A_1859 = arith.addi %and3A_1851, %add3A_1858 : vector<16xi32>
    %gather3A_1860 = tpu.vector_load_idx %arg15[%shift_right_arithmetic3A_1848, %add3A_1859] : memref<32x128xf32, #tpu.memory_space<vmem>>[vector<16xi32>, vector<16xi32>], vector<16xf32>,
    %add3A_1861 = arith.constant 3 : i32
    %add3A_1862 = vector.broadcast %add3A_1861 : i32 to vector<16xi32>
    %add3A_1863 = arith.addi %and3A_1851, %add3A_1862 : vector<16xi32>
    %gather3A_1864 = tpu.vector_load_idx %arg15[%shift_right_arithmetic3A_1848, %add3A_1863] : memref<32x128xf32, #tpu.memory_space<vmem>>[vector<16xi32>, vector<16xi32>], vector<16xf32>,
    %add3A_1865 = arith.constant 64 : i32
    %add3A_1866 = vector.broadcast %add3A_1865 : i32 to vector<16xi32>
    %add3A_1867 = arith.addi %add3A_1866, %iota3A : vector<16xi32>
    %mul3A_1868 = arith.constant 4 : i32
    %mul3A_1869 = vector.broadcast %mul3A_1868 : i32 to vector<16xi32>
    %mul3A_1870 = arith.muli %add3A_1867, %mul3A_1869 : vector<16xi32>
    %shift_right_arithmetic3A_1871 = arith.constant 7 : i32
    %shift_right_arithmetic3A_1872 = vector.broadcast %shift_right_arithmetic3A_1871 : i32 to vector<16xi32>
    %shift_right_arithmetic3A_1873 = arith.shrsi %mul3A_1870, %shift_right_arithmetic3A_1872 : vector<16xi32>
    %and3A_1874 = arith.constant 127 : i32
    %and3A_1875 = vector.broadcast %and3A_1874 : i32 to vector<16xi32>
    %and3A_1876 = arith.andi %mul3A_1870, %and3A_1875 : vector<16xi32>
    %mul3A_1877 = arith.constant 5.000000e-01 : f32
    %mul3A_1878 = vector.broadcast %mul3A_1877 : f32 to vector<16xf32>
    %mul3A_1879 = arith.mulf %mul3A_1878, %gather3A_1860 : vector<16xf32>
    %sub3A_1880 = arith.subf %gather3A_1852, %mul3A_1879 : vector<16xf32>
    %mul3A_1881 = vector.broadcast %convert_element_type3A_1404 : f32 to vector<16xf32>
    %mul3A_1882 = arith.mulf %sub3A_1880, %mul3A_1881 : vector<16xf32>
    tpu.vector_store_idx %arg16[%shift_right_arithmetic3A_1873, %and3A_1876], %mul3A_1882 : memref<8x128xf32, #tpu.memory_space<vmem>>[vector<16xi32>, vector<16xi32>], vector<16xf32>,
    %add3A_1883 = arith.constant 1 : i32
    %add3A_1884 = vector.broadcast %add3A_1883 : i32 to vector<16xi32>
    %add3A_1885 = arith.addi %and3A_1876, %add3A_1884 : vector<16xi32>
    %mul3A_1886 = arith.constant 5.000000e-01 : f32
    %mul3A_1887 = vector.broadcast %mul3A_1886 : f32 to vector<16xf32>
    %mul3A_1888 = arith.mulf %mul3A_1887, %gather3A_1864 : vector<16xf32>
    %sub3A_1889 = arith.subf %gather3A_1856, %mul3A_1888 : vector<16xf32>
    %mul3A_1890 = vector.broadcast %convert_element_type3A_1388 : f32 to vector<16xf32>
    %mul3A_1891 = arith.mulf %sub3A_1889, %mul3A_1890 : vector<16xf32>
    tpu.vector_store_idx %arg16[%shift_right_arithmetic3A_1873, %add3A_1885], %mul3A_1891 : memref<8x128xf32, #tpu.memory_space<vmem>>[vector<16xi32>, vector<16xi32>], vector<16xf32>,
    %add3A_1892 = arith.constant 2 : i32
    %add3A_1893 = vector.broadcast %add3A_1892 : i32 to vector<16xi32>
    %add3A_1894 = arith.addi %and3A_1876, %add3A_1893 : vector<16xi32>
    %mul3A_1895 = arith.constant 5.000000e-01 : f32
    %mul3A_1896 = vector.broadcast %mul3A_1895 : f32 to vector<16xf32>
    %mul3A_1897 = arith.mulf %mul3A_1896, %gather3A_1860 : vector<16xf32>
    %add3A_1898 = arith.addf %gather3A_1852, %mul3A_1897 : vector<16xf32>
    %mul3A_1899 = vector.broadcast %convert_element_type3A_1404 : f32 to vector<16xf32>
    %mul3A_1900 = arith.mulf %add3A_1898, %mul3A_1899 : vector<16xf32>
    tpu.vector_store_idx %arg16[%shift_right_arithmetic3A_1873, %add3A_1894], %mul3A_1900 : memref<8x128xf32, #tpu.memory_space<vmem>>[vector<16xi32>, vector<16xi32>], vector<16xf32>,
    %add3A_1901 = arith.constant 3 : i32
    %add3A_1902 = vector.broadcast %add3A_1901 : i32 to vector<16xi32>
    %add3A_1903 = arith.addi %and3A_1876, %add3A_1902 : vector<16xi32>
    %mul3A_1904 = arith.constant 5.000000e-01 : f32
    %mul3A_1905 = vector.broadcast %mul3A_1904 : f32 to vector<16xf32>
    %mul3A_1906 = arith.mulf %mul3A_1905, %gather3A_1864 : vector<16xf32>
    %add3A_1907 = arith.addf %gather3A_1856, %mul3A_1906 : vector<16xf32>
    %mul3A_1908 = vector.broadcast %convert_element_type3A_1388 : f32 to vector<16xf32>
    %mul3A_1909 = arith.mulf %add3A_1907, %mul3A_1908 : vector<16xf32>
    tpu.vector_store_idx %arg16[%shift_right_arithmetic3A_1873, %add3A_1903], %mul3A_1909 : memref<8x128xf32, #tpu.memory_space<vmem>>[vector<16xi32>, vector<16xi32>], vector<16xf32>,
    %get3A_1910 = arith.constant 80 : index
    %get3A_1911 = tpu.vector_load %arg11[%get3A_1910] {strides = array<i32>} : memref<112xf32, #tpu.memory_space<vmem>>, vector<16xf32>,
    %neg3A_1912 = arith.constant 0.000000e+00 : f32
    %neg3A_1913 = vector.broadcast %neg3A_1912 : f32 to vector<16xf32>
    %neg3A_1914 = arith.subf %neg3A_1913, %get3A_1911 : vector<16xf32>
    %exp3A_1915 = math.exp %neg3A_1914 : vector<16xf32>
    %add3A_1916 = arith.constant 1.000000e+00 : f32
    %add3A_1917 = vector.broadcast %add3A_1916 : f32 to vector<16xf32>
    %add3A_1918 = arith.addf %add3A_1917, %exp3A_1915 : vector<16xf32>
    %div3A_1919 = arith.constant 1.000000e+00 : f32
    %div3A_1920 = vector.broadcast %div3A_1919 : f32 to vector<16xf32>
    %div3A_1921 = arith.divf %div3A_1920, %add3A_1918 : vector<16xf32>
    %swap3A_1922 = arith.constant 0 : i32
    %swap3A_1923 = arith.index_cast %swap3A_1922 : i32 to index
    %swap3A_1924 = arith.constant 80 : index
    %swap3A_1925 = tpu.vector_load %arg13[%swap3A_1923, %swap3A_1924] {strides = array<i32>} : memref<8x128xf32, #tpu.memory_space<vmem>>, vector<16xf32>,
    tpu.vector_store %arg13[%swap3A_1923, %swap3A_1924], %div3A_1921 {strides = array<i32>} : memref<8x128xf32, #tpu.memory_space<vmem>>, vector<16xf32>,
    %get3A_1926 = arith.constant 80 : index
    %get3A_1927 = tpu.vector_load %arg12[%get3A_1926] {strides = array<i32>} : memref<112xi32, #tpu.memory_space<vmem>>, vector<16xi32>,
    %and3A_1928 = arith.constant 127 : i32
    %and3A_1929 = vector.broadcast %and3A_1928 : i32 to vector<16xi32>
    %and3A_1930 = arith.andi %get3A_1927, %and3A_1929 : vector<16xi32>
    %swap3A_1931 = arith.constant 0 : i32
    %swap3A_1932 = arith.index_cast %swap3A_1931 : i32 to index
    %swap3A_1933 = arith.constant 80 : index
    %swap3A_1934 = tpu.vector_load %arg14[%swap3A_1932, %swap3A_1933] {strides = array<i32>} : memref<8x128xi32, #tpu.memory_space<vmem>>, vector<16xi32>,
    tpu.vector_store %arg14[%swap3A_1932, %swap3A_1933], %and3A_1930 {strides = array<i32>} : memref<8x128xi32, #tpu.memory_space<vmem>>, vector<16xi32>,
    %shift_right_arithmetic3A_1935 = arith.constant 7 : i32
    %shift_right_arithmetic3A_1936 = vector.broadcast %shift_right_arithmetic3A_1935 : i32 to vector<16xi32>
    %shift_right_arithmetic3A_1937 = arith.shrsi %get3A_1927, %shift_right_arithmetic3A_1936 : vector<16xi32>
    %jit3A_1938 = arith.constant 0 : i32
    %jit3A_1939 = arith.constant 899 : i32
    %max3A_1940 = vector.broadcast %jit3A_1938 : i32 to vector<16xi32>
    %max3A_1941 = arith.maxsi %max3A_1940, %shift_right_arithmetic3A_1937 : vector<16xi32>
    %min3A_1942 = vector.broadcast %jit3A_1939 : i32 to vector<16xi32>
    %min3A_1943 = arith.minsi %min3A_1942, %max3A_1941 : vector<16xi32>
    %mul3A_1944 = arith.constant 4 : i32
    %mul3A_1945 = vector.broadcast %mul3A_1944 : i32 to vector<16xi32>
    %mul3A_1946 = arith.muli %min3A_1943, %mul3A_1945 : vector<16xi32>
    %shift_right_arithmetic3A_1947 = arith.constant 7 : i32
    %shift_right_arithmetic3A_1948 = vector.broadcast %shift_right_arithmetic3A_1947 : i32 to vector<16xi32>
    %shift_right_arithmetic3A_1949 = arith.shrsi %mul3A_1946, %shift_right_arithmetic3A_1948 : vector<16xi32>
    %and3A_1950 = arith.constant 127 : i32
    %and3A_1951 = vector.broadcast %and3A_1950 : i32 to vector<16xi32>
    %and3A_1952 = arith.andi %mul3A_1946, %and3A_1951 : vector<16xi32>
    %gather3A_1953 = tpu.vector_load_idx %arg15[%shift_right_arithmetic3A_1949, %and3A_1952] : memref<32x128xf32, #tpu.memory_space<vmem>>[vector<16xi32>, vector<16xi32>], vector<16xf32>,
    %add3A_1954 = arith.constant 1 : i32
    %add3A_1955 = vector.broadcast %add3A_1954 : i32 to vector<16xi32>
    %add3A_1956 = arith.addi %and3A_1952, %add3A_1955 : vector<16xi32>
    %gather3A_1957 = tpu.vector_load_idx %arg15[%shift_right_arithmetic3A_1949, %add3A_1956] : memref<32x128xf32, #tpu.memory_space<vmem>>[vector<16xi32>, vector<16xi32>], vector<16xf32>,
    %add3A_1958 = arith.constant 2 : i32
    %add3A_1959 = vector.broadcast %add3A_1958 : i32 to vector<16xi32>
    %add3A_1960 = arith.addi %and3A_1952, %add3A_1959 : vector<16xi32>
    %gather3A_1961 = tpu.vector_load_idx %arg15[%shift_right_arithmetic3A_1949, %add3A_1960] : memref<32x128xf32, #tpu.memory_space<vmem>>[vector<16xi32>, vector<16xi32>], vector<16xf32>,
    %add3A_1962 = arith.constant 3 : i32
    %add3A_1963 = vector.broadcast %add3A_1962 : i32 to vector<16xi32>
    %add3A_1964 = arith.addi %and3A_1952, %add3A_1963 : vector<16xi32>
    %gather3A_1965 = tpu.vector_load_idx %arg15[%shift_right_arithmetic3A_1949, %add3A_1964] : memref<32x128xf32, #tpu.memory_space<vmem>>[vector<16xi32>, vector<16xi32>], vector<16xf32>,
    %add3A_1966 = arith.constant 80 : i32
    %add3A_1967 = vector.broadcast %add3A_1966 : i32 to vector<16xi32>
    %add3A_1968 = arith.addi %add3A_1967, %iota3A : vector<16xi32>
    %mul3A_1969 = arith.constant 4 : i32
    %mul3A_1970 = vector.broadcast %mul3A_1969 : i32 to vector<16xi32>
    %mul3A_1971 = arith.muli %add3A_1968, %mul3A_1970 : vector<16xi32>
    %shift_right_arithmetic3A_1972 = arith.constant 7 : i32
    %shift_right_arithmetic3A_1973 = vector.broadcast %shift_right_arithmetic3A_1972 : i32 to vector<16xi32>
    %shift_right_arithmetic3A_1974 = arith.shrsi %mul3A_1971, %shift_right_arithmetic3A_1973 : vector<16xi32>
    %and3A_1975 = arith.constant 127 : i32
    %and3A_1976 = vector.broadcast %and3A_1975 : i32 to vector<16xi32>
    %and3A_1977 = arith.andi %mul3A_1971, %and3A_1976 : vector<16xi32>
    %mul3A_1978 = arith.constant 5.000000e-01 : f32
    %mul3A_1979 = vector.broadcast %mul3A_1978 : f32 to vector<16xf32>
    %mul3A_1980 = arith.mulf %mul3A_1979, %gather3A_1961 : vector<16xf32>
    %sub3A_1981 = arith.subf %gather3A_1953, %mul3A_1980 : vector<16xf32>
    %mul3A_1982 = vector.broadcast %convert_element_type3A_1404 : f32 to vector<16xf32>
    %mul3A_1983 = arith.mulf %sub3A_1981, %mul3A_1982 : vector<16xf32>
    tpu.vector_store_idx %arg16[%shift_right_arithmetic3A_1974, %and3A_1977], %mul3A_1983 : memref<8x128xf32, #tpu.memory_space<vmem>>[vector<16xi32>, vector<16xi32>], vector<16xf32>,
    %add3A_1984 = arith.constant 1 : i32
    %add3A_1985 = vector.broadcast %add3A_1984 : i32 to vector<16xi32>
    %add3A_1986 = arith.addi %and3A_1977, %add3A_1985 : vector<16xi32>
    %mul3A_1987 = arith.constant 5.000000e-01 : f32
    %mul3A_1988 = vector.broadcast %mul3A_1987 : f32 to vector<16xf32>
    %mul3A_1989 = arith.mulf %mul3A_1988, %gather3A_1965 : vector<16xf32>
    %sub3A_1990 = arith.subf %gather3A_1957, %mul3A_1989 : vector<16xf32>
    %mul3A_1991 = vector.broadcast %convert_element_type3A_1388 : f32 to vector<16xf32>
    %mul3A_1992 = arith.mulf %sub3A_1990, %mul3A_1991 : vector<16xf32>
    tpu.vector_store_idx %arg16[%shift_right_arithmetic3A_1974, %add3A_1986], %mul3A_1992 : memref<8x128xf32, #tpu.memory_space<vmem>>[vector<16xi32>, vector<16xi32>], vector<16xf32>,
    %add3A_1993 = arith.constant 2 : i32
    %add3A_1994 = vector.broadcast %add3A_1993 : i32 to vector<16xi32>
    %add3A_1995 = arith.addi %and3A_1977, %add3A_1994 : vector<16xi32>
    %mul3A_1996 = arith.constant 5.000000e-01 : f32
    %mul3A_1997 = vector.broadcast %mul3A_1996 : f32 to vector<16xf32>
    %mul3A_1998 = arith.mulf %mul3A_1997, %gather3A_1961 : vector<16xf32>
    %add3A_1999 = arith.addf %gather3A_1953, %mul3A_1998 : vector<16xf32>
    %mul3A_2000 = vector.broadcast %convert_element_type3A_1404 : f32 to vector<16xf32>
    %mul3A_2001 = arith.mulf %add3A_1999, %mul3A_2000 : vector<16xf32>
    tpu.vector_store_idx %arg16[%shift_right_arithmetic3A_1974, %add3A_1995], %mul3A_2001 : memref<8x128xf32, #tpu.memory_space<vmem>>[vector<16xi32>, vector<16xi32>], vector<16xf32>,
    %add3A_2002 = arith.constant 3 : i32
    %add3A_2003 = vector.broadcast %add3A_2002 : i32 to vector<16xi32>
    %add3A_2004 = arith.addi %and3A_1977, %add3A_2003 : vector<16xi32>
    %mul3A_2005 = arith.constant 5.000000e-01 : f32
    %mul3A_2006 = vector.broadcast %mul3A_2005 : f32 to vector<16xf32>
    %mul3A_2007 = arith.mulf %mul3A_2006, %gather3A_1965 : vector<16xf32>
    %add3A_2008 = arith.addf %gather3A_1957, %mul3A_2007 : vector<16xf32>
    %mul3A_2009 = vector.broadcast %convert_element_type3A_1388 : f32 to vector<16xf32>
    %mul3A_2010 = arith.mulf %add3A_2008, %mul3A_2009 : vector<16xf32>
    tpu.vector_store_idx %arg16[%shift_right_arithmetic3A_1974, %add3A_2004], %mul3A_2010 : memref<8x128xf32, #tpu.memory_space<vmem>>[vector<16xi32>, vector<16xi32>], vector<16xf32>,
    %get3A_2011 = arith.constant 96 : index
    %get3A_2012 = tpu.vector_load %arg11[%get3A_2011] {strides = array<i32>} : memref<112xf32, #tpu.memory_space<vmem>>, vector<16xf32>,
    %neg3A_2013 = arith.constant 0.000000e+00 : f32
    %neg3A_2014 = vector.broadcast %neg3A_2013 : f32 to vector<16xf32>
    %neg3A_2015 = arith.subf %neg3A_2014, %get3A_2012 : vector<16xf32>
    %exp3A_2016 = math.exp %neg3A_2015 : vector<16xf32>
    %add3A_2017 = arith.constant 1.000000e+00 : f32
    %add3A_2018 = vector.broadcast %add3A_2017 : f32 to vector<16xf32>
    %add3A_2019 = arith.addf %add3A_2018, %exp3A_2016 : vector<16xf32>
    %div3A_2020 = arith.constant 1.000000e+00 : f32
    %div3A_2021 = vector.broadcast %div3A_2020 : f32 to vector<16xf32>
    %div3A_2022 = arith.divf %div3A_2021, %add3A_2019 : vector<16xf32>
    %swap3A_2023 = arith.constant 0 : i32
    %swap3A_2024 = arith.index_cast %swap3A_2023 : i32 to index
    %swap3A_2025 = arith.constant 96 : index
    %swap3A_2026 = tpu.vector_load %arg13[%swap3A_2024, %swap3A_2025] {strides = array<i32>} : memref<8x128xf32, #tpu.memory_space<vmem>>, vector<16xf32>,
    tpu.vector_store %arg13[%swap3A_2024, %swap3A_2025], %div3A_2022 {strides = array<i32>} : memref<8x128xf32, #tpu.memory_space<vmem>>, vector<16xf32>,
    %get3A_2027 = arith.constant 96 : index
    %get3A_2028 = tpu.vector_load %arg12[%get3A_2027] {strides = array<i32>} : memref<112xi32, #tpu.memory_space<vmem>>, vector<16xi32>,
    %and3A_2029 = arith.constant 127 : i32
    %and3A_2030 = vector.broadcast %and3A_2029 : i32 to vector<16xi32>
    %and3A_2031 = arith.andi %get3A_2028, %and3A_2030 : vector<16xi32>
    %swap3A_2032 = arith.constant 0 : i32
    %swap3A_2033 = arith.index_cast %swap3A_2032 : i32 to index
    %swap3A_2034 = arith.constant 96 : index
    %swap3A_2035 = tpu.vector_load %arg14[%swap3A_2033, %swap3A_2034] {strides = array<i32>} : memref<8x128xi32, #tpu.memory_space<vmem>>, vector<16xi32>,
    tpu.vector_store %arg14[%swap3A_2033, %swap3A_2034], %and3A_2031 {strides = array<i32>} : memref<8x128xi32, #tpu.memory_space<vmem>>, vector<16xi32>,
    %shift_right_arithmetic3A_2036 = arith.constant 7 : i32
    %shift_right_arithmetic3A_2037 = vector.broadcast %shift_right_arithmetic3A_2036 : i32 to vector<16xi32>
    %shift_right_arithmetic3A_2038 = arith.shrsi %get3A_2028, %shift_right_arithmetic3A_2037 : vector<16xi32>
    %jit3A_2039 = arith.constant 0 : i32
    %jit3A_2040 = arith.constant 899 : i32
    %max3A_2041 = vector.broadcast %jit3A_2039 : i32 to vector<16xi32>
    %max3A_2042 = arith.maxsi %max3A_2041, %shift_right_arithmetic3A_2038 : vector<16xi32>
    %min3A_2043 = vector.broadcast %jit3A_2040 : i32 to vector<16xi32>
    %min3A_2044 = arith.minsi %min3A_2043, %max3A_2042 : vector<16xi32>
    %mul3A_2045 = arith.constant 4 : i32
    %mul3A_2046 = vector.broadcast %mul3A_2045 : i32 to vector<16xi32>
    %mul3A_2047 = arith.muli %min3A_2044, %mul3A_2046 : vector<16xi32>
    %shift_right_arithmetic3A_2048 = arith.constant 7 : i32
    %shift_right_arithmetic3A_2049 = vector.broadcast %shift_right_arithmetic3A_2048 : i32 to vector<16xi32>
    %shift_right_arithmetic3A_2050 = arith.shrsi %mul3A_2047, %shift_right_arithmetic3A_2049 : vector<16xi32>
    %and3A_2051 = arith.constant 127 : i32
    %and3A_2052 = vector.broadcast %and3A_2051 : i32 to vector<16xi32>
    %and3A_2053 = arith.andi %mul3A_2047, %and3A_2052 : vector<16xi32>
    %gather3A_2054 = tpu.vector_load_idx %arg15[%shift_right_arithmetic3A_2050, %and3A_2053] : memref<32x128xf32, #tpu.memory_space<vmem>>[vector<16xi32>, vector<16xi32>], vector<16xf32>,
    %add3A_2055 = arith.constant 1 : i32
    %add3A_2056 = vector.broadcast %add3A_2055 : i32 to vector<16xi32>
    %add3A_2057 = arith.addi %and3A_2053, %add3A_2056 : vector<16xi32>
    %gather3A_2058 = tpu.vector_load_idx %arg15[%shift_right_arithmetic3A_2050, %add3A_2057] : memref<32x128xf32, #tpu.memory_space<vmem>>[vector<16xi32>, vector<16xi32>], vector<16xf32>,
    %add3A_2059 = arith.constant 2 : i32
    %add3A_2060 = vector.broadcast %add3A_2059 : i32 to vector<16xi32>
    %add3A_2061 = arith.addi %and3A_2053, %add3A_2060 : vector<16xi32>
    %gather3A_2062 = tpu.vector_load_idx %arg15[%shift_right_arithmetic3A_2050, %add3A_2061] : memref<32x128xf32, #tpu.memory_space<vmem>>[vector<16xi32>, vector<16xi32>], vector<16xf32>,
    %add3A_2063 = arith.constant 3 : i32
    %add3A_2064 = vector.broadcast %add3A_2063 : i32 to vector<16xi32>
    %add3A_2065 = arith.addi %and3A_2053, %add3A_2064 : vector<16xi32>
    %gather3A_2066 = tpu.vector_load_idx %arg15[%shift_right_arithmetic3A_2050, %add3A_2065] : memref<32x128xf32, #tpu.memory_space<vmem>>[vector<16xi32>, vector<16xi32>], vector<16xf32>,
    %add3A_2067 = arith.constant 96 : i32
    %add3A_2068 = vector.broadcast %add3A_2067 : i32 to vector<16xi32>
    %add3A_2069 = arith.addi %add3A_2068, %iota3A : vector<16xi32>
    %mul3A_2070 = arith.constant 4 : i32
    %mul3A_2071 = vector.broadcast %mul3A_2070 : i32 to vector<16xi32>
    %mul3A_2072 = arith.muli %add3A_2069, %mul3A_2071 : vector<16xi32>
    %shift_right_arithmetic3A_2073 = arith.constant 7 : i32
    %shift_right_arithmetic3A_2074 = vector.broadcast %shift_right_arithmetic3A_2073 : i32 to vector<16xi32>
    %shift_right_arithmetic3A_2075 = arith.shrsi %mul3A_2072, %shift_right_arithmetic3A_2074 : vector<16xi32>
    %and3A_2076 = arith.constant 127 : i32
    %and3A_2077 = vector.broadcast %and3A_2076 : i32 to vector<16xi32>
    %and3A_2078 = arith.andi %mul3A_2072, %and3A_2077 : vector<16xi32>
    %mul3A_2079 = arith.constant 5.000000e-01 : f32
    %mul3A_2080 = vector.broadcast %mul3A_2079 : f32 to vector<16xf32>
    %mul3A_2081 = arith.mulf %mul3A_2080, %gather3A_2062 : vector<16xf32>
    %sub3A_2082 = arith.subf %gather3A_2054, %mul3A_2081 : vector<16xf32>
    %mul3A_2083 = vector.broadcast %convert_element_type3A_1404 : f32 to vector<16xf32>
    %mul3A_2084 = arith.mulf %sub3A_2082, %mul3A_2083 : vector<16xf32>
    tpu.vector_store_idx %arg16[%shift_right_arithmetic3A_2075, %and3A_2078], %mul3A_2084 : memref<8x128xf32, #tpu.memory_space<vmem>>[vector<16xi32>, vector<16xi32>], vector<16xf32>,
    %add3A_2085 = arith.constant 1 : i32
    %add3A_2086 = vector.broadcast %add3A_2085 : i32 to vector<16xi32>
    %add3A_2087 = arith.addi %and3A_2078, %add3A_2086 : vector<16xi32>
    %mul3A_2088 = arith.constant 5.000000e-01 : f32
    %mul3A_2089 = vector.broadcast %mul3A_2088 : f32 to vector<16xf32>
    %mul3A_2090 = arith.mulf %mul3A_2089, %gather3A_2066 : vector<16xf32>
    %sub3A_2091 = arith.subf %gather3A_2058, %mul3A_2090 : vector<16xf32>
    %mul3A_2092 = vector.broadcast %convert_element_type3A_1388 : f32 to vector<16xf32>
    %mul3A_2093 = arith.mulf %sub3A_2091, %mul3A_2092 : vector<16xf32>
    tpu.vector_store_idx %arg16[%shift_right_arithmetic3A_2075, %add3A_2087], %mul3A_2093 : memref<8x128xf32, #tpu.memory_space<vmem>>[vector<16xi32>, vector<16xi32>], vector<16xf32>,
    %add3A_2094 = arith.constant 2 : i32
    %add3A_2095 = vector.broadcast %add3A_2094 : i32 to vector<16xi32>
    %add3A_2096 = arith.addi %and3A_2078, %add3A_2095 : vector<16xi32>
    %mul3A_2097 = arith.constant 5.000000e-01 : f32
    %mul3A_2098 = vector.broadcast %mul3A_2097 : f32 to vector<16xf32>
    %mul3A_2099 = arith.mulf %mul3A_2098, %gather3A_2062 : vector<16xf32>
    %add3A_2100 = arith.addf %gather3A_2054, %mul3A_2099 : vector<16xf32>
    %mul3A_2101 = vector.broadcast %convert_element_type3A_1404 : f32 to vector<16xf32>
    %mul3A_2102 = arith.mulf %add3A_2100, %mul3A_2101 : vector<16xf32>
    tpu.vector_store_idx %arg16[%shift_right_arithmetic3A_2075, %add3A_2096], %mul3A_2102 : memref<8x128xf32, #tpu.memory_space<vmem>>[vector<16xi32>, vector<16xi32>], vector<16xf32>,
    %add3A_2103 = arith.constant 3 : i32
    %add3A_2104 = vector.broadcast %add3A_2103 : i32 to vector<16xi32>
    %add3A_2105 = arith.addi %and3A_2078, %add3A_2104 : vector<16xi32>
    %mul3A_2106 = arith.constant 5.000000e-01 : f32
    %mul3A_2107 = vector.broadcast %mul3A_2106 : f32 to vector<16xf32>
    %mul3A_2108 = arith.mulf %mul3A_2107, %gather3A_2066 : vector<16xf32>
    %add3A_2109 = arith.addf %gather3A_2058, %mul3A_2108 : vector<16xf32>
    %mul3A_2110 = vector.broadcast %convert_element_type3A_1388 : f32 to vector<16xf32>
    %mul3A_2111 = arith.mulf %add3A_2109, %mul3A_2110 : vector<16xf32>
    tpu.vector_store_idx %arg16[%shift_right_arithmetic3A_2075, %add3A_2105], %mul3A_2111 : memref<8x128xf32, #tpu.memory_space<vmem>>[vector<16xi32>, vector<16xi32>], vector<16xf32>,
    "tpu.region"() ({
      %run_scoped3A = tpu.sem_alloc : memref<!tpu.dma_semaphore, #tpu.memory_space<semaphore_mem>>
      %dma_start3A = arith.constant 0 : i32
      %dma_start3A_2112 = arith.constant 0 : i32
      %dma_start3A_2113 = tpu.memref_slice %arg5[%add3A_1050, %dma_start3A, %dma_start3A_2112] : memref<64x8x128xf32, #tpu.memory_space<hbm>> -> memref<1x8x128xf32, #tpu.memory_space<hbm>>
      %dma_start3A_2114 = tpu.memref_squeeze %dma_start3A_2113 : memref<1x8x128xf32, #tpu.memory_space<hbm>> -> memref<8x128xf32, #tpu.memory_space<hbm>>
      %dma_start3A_2115 = arith.constant 0 : i32
      %dma_start3A_2116 = arith.constant 0 : i32
      %dma_start3A_2117 = tpu.memref_slice %arg5[%add3A_1050, %dma_start3A_2115, %dma_start3A_2116] : memref<64x8x128xf32, #tpu.memory_space<hbm>> -> memref<1x8x128xf32, #tpu.memory_space<hbm>>
      %dma_start3A_2118 = tpu.memref_squeeze %dma_start3A_2117 : memref<1x8x128xf32, #tpu.memory_space<hbm>> -> memref<8x128xf32, #tpu.memory_space<hbm>>
      tpu.enqueue_dma source(%arg13 : memref<8x128xf32, #tpu.memory_space<vmem>>) target(%dma_start3A_2118 : memref<8x128xf32, #tpu.memory_space<hbm>>) target_semaphore(%run_scoped3A : memref<!tpu.dma_semaphore, #tpu.memory_space<semaphore_mem>>)
      %dma_wait3A = arith.constant 0 : i32
      %dma_wait3A_2119 = arith.constant 0 : i32
      %dma_wait3A_2120 = tpu.memref_slice %arg5[%add3A_1050, %dma_wait3A, %dma_wait3A_2119] : memref<64x8x128xf32, #tpu.memory_space<hbm>> -> memref<1x8x128xf32, #tpu.memory_space<hbm>>
      %dma_wait3A_2121 = tpu.memref_squeeze %dma_wait3A_2120 : memref<1x8x128xf32, #tpu.memory_space<hbm>> -> memref<8x128xf32, #tpu.memory_space<hbm>>
      %dma_wait3A_2122 = arith.constant 0 : i32
      %dma_wait3A_2123 = arith.constant 0 : i32
      %dma_wait3A_2124 = tpu.memref_slice %arg5[%add3A_1050, %dma_wait3A_2122, %dma_wait3A_2123] : memref<64x8x128xf32, #tpu.memory_space<hbm>> -> memref<1x8x128xf32, #tpu.memory_space<hbm>>
      %dma_wait3A_2125 = tpu.memref_squeeze %dma_wait3A_2124 : memref<1x8x128xf32, #tpu.memory_space<hbm>> -> memref<8x128xf32, #tpu.memory_space<hbm>>
      tpu.wait_dma2 semaphore(%run_scoped3A : memref<!tpu.dma_semaphore, #tpu.memory_space<semaphore_mem>>) src(%arg13 : memref<8x128xf32, #tpu.memory_space<vmem>>) dst(%dma_wait3A_2125 : memref<8x128xf32, #tpu.memory_space<hbm>>)
      tpu.yield
    }) : () -> ()
    "tpu.region"() ({
      %run_scoped3A = tpu.sem_alloc : memref<!tpu.dma_semaphore, #tpu.memory_space<semaphore_mem>>
      %dma_start3A = arith.constant 0 : i32
      %dma_start3A_2112 = arith.constant 0 : i32
      %dma_start3A_2113 = tpu.memref_slice %arg6[%add3A_1050, %dma_start3A, %dma_start3A_2112] : memref<64x8x128xi32, #tpu.memory_space<hbm>> -> memref<1x8x128xi32, #tpu.memory_space<hbm>>
      %dma_start3A_2114 = tpu.memref_squeeze %dma_start3A_2113 : memref<1x8x128xi32, #tpu.memory_space<hbm>> -> memref<8x128xi32, #tpu.memory_space<hbm>>
      %dma_start3A_2115 = arith.constant 0 : i32
      %dma_start3A_2116 = arith.constant 0 : i32
      %dma_start3A_2117 = tpu.memref_slice %arg6[%add3A_1050, %dma_start3A_2115, %dma_start3A_2116] : memref<64x8x128xi32, #tpu.memory_space<hbm>> -> memref<1x8x128xi32, #tpu.memory_space<hbm>>
      %dma_start3A_2118 = tpu.memref_squeeze %dma_start3A_2117 : memref<1x8x128xi32, #tpu.memory_space<hbm>> -> memref<8x128xi32, #tpu.memory_space<hbm>>
      tpu.enqueue_dma source(%arg14 : memref<8x128xi32, #tpu.memory_space<vmem>>) target(%dma_start3A_2118 : memref<8x128xi32, #tpu.memory_space<hbm>>) target_semaphore(%run_scoped3A : memref<!tpu.dma_semaphore, #tpu.memory_space<semaphore_mem>>)
      %dma_wait3A = arith.constant 0 : i32
      %dma_wait3A_2119 = arith.constant 0 : i32
      %dma_wait3A_2120 = tpu.memref_slice %arg6[%add3A_1050, %dma_wait3A, %dma_wait3A_2119] : memref<64x8x128xi32, #tpu.memory_space<hbm>> -> memref<1x8x128xi32, #tpu.memory_space<hbm>>
      %dma_wait3A_2121 = tpu.memref_squeeze %dma_wait3A_2120 : memref<1x8x128xi32, #tpu.memory_space<hbm>> -> memref<8x128xi32, #tpu.memory_space<hbm>>
      %dma_wait3A_2122 = arith.constant 0 : i32
      %dma_wait3A_2123 = arith.constant 0 : i32
      %dma_wait3A_2124 = tpu.memref_slice %arg6[%add3A_1050, %dma_wait3A_2122, %dma_wait3A_2123] : memref<64x8x128xi32, #tpu.memory_space<hbm>> -> memref<1x8x128xi32, #tpu.memory_space<hbm>>
      %dma_wait3A_2125 = tpu.memref_squeeze %dma_wait3A_2124 : memref<1x8x128xi32, #tpu.memory_space<hbm>> -> memref<8x128xi32, #tpu.memory_space<hbm>>
      tpu.wait_dma2 semaphore(%run_scoped3A : memref<!tpu.dma_semaphore, #tpu.memory_space<semaphore_mem>>) src(%arg14 : memref<8x128xi32, #tpu.memory_space<vmem>>) dst(%dma_wait3A_2125 : memref<8x128xi32, #tpu.memory_space<hbm>>)
      tpu.yield
    }) : () -> ()
    "tpu.region"() ({
      %run_scoped3A = tpu.sem_alloc : memref<!tpu.dma_semaphore, #tpu.memory_space<semaphore_mem>>
      %dma_start3A = arith.constant 0 : i32
      %dma_start3A_2112 = arith.constant 0 : i32
      %dma_start3A_2113 = tpu.memref_slice %arg7[%add3A_1050, %dma_start3A, %dma_start3A_2112] : memref<64x8x128xf32, #tpu.memory_space<hbm>> -> memref<1x8x128xf32, #tpu.memory_space<hbm>>
      %dma_start3A_2114 = tpu.memref_squeeze %dma_start3A_2113 : memref<1x8x128xf32, #tpu.memory_space<hbm>> -> memref<8x128xf32, #tpu.memory_space<hbm>>
      %dma_start3A_2115 = arith.constant 0 : i32
      %dma_start3A_2116 = arith.constant 0 : i32
      %dma_start3A_2117 = tpu.memref_slice %arg7[%add3A_1050, %dma_start3A_2115, %dma_start3A_2116] : memref<64x8x128xf32, #tpu.memory_space<hbm>> -> memref<1x8x128xf32, #tpu.memory_space<hbm>>
      %dma_start3A_2118 = tpu.memref_squeeze %dma_start3A_2117 : memref<1x8x128xf32, #tpu.memory_space<hbm>> -> memref<8x128xf32, #tpu.memory_space<hbm>>
      tpu.enqueue_dma source(%arg16 : memref<8x128xf32, #tpu.memory_space<vmem>>) target(%dma_start3A_2118 : memref<8x128xf32, #tpu.memory_space<hbm>>) target_semaphore(%run_scoped3A : memref<!tpu.dma_semaphore, #tpu.memory_space<semaphore_mem>>)
      %dma_wait3A = arith.constant 0 : i32
      %dma_wait3A_2119 = arith.constant 0 : i32
      %dma_wait3A_2120 = tpu.memref_slice %arg7[%add3A_1050, %dma_wait3A, %dma_wait3A_2119] : memref<64x8x128xf32, #tpu.memory_space<hbm>> -> memref<1x8x128xf32, #tpu.memory_space<hbm>>
      %dma_wait3A_2121 = tpu.memref_squeeze %dma_wait3A_2120 : memref<1x8x128xf32, #tpu.memory_space<hbm>> -> memref<8x128xf32, #tpu.memory_space<hbm>>
      %dma_wait3A_2122 = arith.constant 0 : i32
      %dma_wait3A_2123 = arith.constant 0 : i32
      %dma_wait3A_2124 = tpu.memref_slice %arg7[%add3A_1050, %dma_wait3A_2122, %dma_wait3A_2123] : memref<64x8x128xf32, #tpu.memory_space<hbm>> -> memref<1x8x128xf32, #tpu.memory_space<hbm>>
      %dma_wait3A_2125 = tpu.memref_squeeze %dma_wait3A_2124 : memref<1x8x128xf32, #tpu.memory_space<hbm>> -> memref<8x128xf32, #tpu.memory_space<hbm>>
      tpu.wait_dma2 semaphore(%run_scoped3A : memref<!tpu.dma_semaphore, #tpu.memory_space<semaphore_mem>>) src(%arg16 : memref<8x128xf32, #tpu.memory_space<vmem>>) dst(%dma_wait3A_2125 : memref<8x128xf32, #tpu.memory_space<hbm>>)
      tpu.yield
    }) : () -> ()
    return
  }
}

</mosaic_0001>

<sc_bundles>
// kernel: kernel.3.cloned.1.call-start
scs
__scs_entry_jumppad:
0x0: {  	(pc) =	sbr.rel $0x88, $3  }
0x1: {  	(tag) =	ssettag $0x0;
	lr =	simm.s32 $0x1  }
0x2: {  	[smem:$0x3F9E] =	sst lr;
	_ =	strace $0xD0000000  }
0x3: {  	_ = 	snop  }
0x4: {  	_ = 	snop  }
0x5: {  	_ = 	snop  }
0x6: {  	_ = 	snop  }
0x7: {  	_ = 	snop  }
__scs_overlays_trampoline_lowered:
0x8: {  	[smem:$0x3FAD] =	sst s0  }
0x9: {  	[smem:$0x3FAE] =	sst s1  }
0xa: {  	[smem:$0x3FAF] =	sst s2  }
0xb: {  	[smem:$0x3FB0] =	sst s3  }
0xc: {  	[smem:$0x3FB1] =	sst s4  }
0xd: {  	[smem:$0x3FB2] =	sst s5  }
0xe: {  	[smem:$0x3FB3] =	sst s6  }
0xf: {  	[smem:$0x3FB4] =	sst s7  }
0x10: {  	[smem:$0x3FB5] =	sst s8  }
0x11: {  	[smem:$0x3FB6] =	sst s9;
	s0 =	simm.s32 @!p0 $0x0  }
0x12: {  	s1 =	sld [smem:$0x3F9C];
	s0 =	simm.s32 @p0 $0x1  }
0x13: {  	[smem:$0x3FB7] =	sst s0;
	s0 =	simm.s32 @!p1 $0x0  }
0x14: {  	s2 =	sld [smem:$0x3F9B];
	s0 =	simm.s32 @p1 $0x1  }
0x15: {  	[smem:$0x3FB8] =	sst s0;
	s0 =	simm.s32 @!p2 $0x0  }
0x16: {  	s3 =	sld [smem:$0x3FDB];
	s0 =	simm.s32 @p2 $0x1  }
0x17: {  	s4 =	simm.s32 $0x1BF5;
	[smem:$0x3FBA] =	sst s0  }
0x18: {  	s0 =	sld [smem:$0x3F9D];
	_ =	swait.ge [sflag:s4], $0x0  }
0x19: {  	s7 =	sld [smem:$0x3F9E]  }
0x1a: {  	s8 =	sadd.s32 $0xFFFFE003, lr  }
0x1b: {  	s9 =	sadd.s32 $0xFFFFFEF7, lr;
	s5 =	simm.s32 $0xFFFFFFFF;
	p2 =	slt.u32 s8, $0xFFFFF086  }
0x1c: {  	p1 =	slt.u32 s9, $0xF7A;
	s5 =	simm.s32 @!p2 $0x0  }
0x1d: {  	s5 =	simm.s32 @p1 $0x1;
	p0 =	seq.s32 s7, s2  }
0x1e: {  	s7 =	smul.u32 @!p0 $0xF7A, s2;
	p2 =	seq.s32 @!p0 s5, $0x0  }
0x1f: {  	s9 =	smul.u32 $0xF7A, s1;
	s8 =	simm.s32 @!p0 $0x1BF5;
	p2 =	por !p2, p0  }
0x20: {  	[sflag:s8] =	ssyncset.s32 @!p0 $0xFFFFF086;
	s6 =	sadd.s32 @!p0 s3, s7;
	s7 =	simm.s32 @!p0 $0x108  }
0x21: {  	s3 =	sadd.s32 s3, s9;
	s6 =	sadd.s32 @!p0 $0x88, s6;
	s7 =	simm.s32 @p2 $0x1082  }
0x22: {  	[simem:s7], [sflag:s8] =	dma.local @!p0 [hbm:s6], $0xF7A  }
0x23: {  	s9 =	sor.u32 $0xD0000000, s2;
	s6 =	simm.s32 $0x108;
	_ =	swait.ge @!p0 [sflag:s8], $0x0  }
0x24: {  	s3 =	sadd.s32 $0x88, s3;
	s6 =	simm.s32 @!p1 $0x1082;
	[sflag:s4] =	ssyncset.s32 $0xFFFFF086  }
0x25: {  	[simem:s6], [sflag:s4] =	dma.local [hbm:s3], $0xF7A  }
0x26: {  	[smem:$0x3F9E] =	sst s1;
	(tag) =	ssettag s2;
	_ =	strace s9  }
0x27: {  	s1 =	sld [smem:$0x3FAE]  }
0x28: {  	s2 =	sld [smem:$0x3FAF]  }
0x29: {  	s4 =	sld [smem:$0x3FB1]  }
0x2a: {  	p0 =	seq.s32 s5, $0x0;
	s5 =	sld [smem:$0x3FB2]  }
0x2b: {  	s6 =	sld [smem:$0x3FB3]  }
0x2c: {  	s7 =	sld [smem:$0x3FB4]  }
0x2d: {  	s3 =	simm.s32 $0x108;
	s8 =	sld [smem:$0x3FB5]  }
0x2e: {  	s3 =	simm.s32 @!p0 $0x1082;
	s9 =	sld [smem:$0x3FB6]  }
0x2f: {  	lr =	sadd.s32 s0, s3;
	s0 =	sld [smem:$0x3FAD]  }
0x30: {  	s3 =	sld [smem:$0x3FB0]  }
0x31: {  	[smem:$0x3FB9] =	sst s10  }
0x32: {  	s10 =	sld [smem:$0x3FB7];
	_ =	sdelay $0x3  }
0x33: {  	p0 =	seq.s32 s10, $0x1;
	s10 =	sld [smem:$0x3FB9];
	_ =	sdelay $0x3  }
0x34: {  	[smem:$0x3FB9] =	sst s10  }
0x35: {  	s10 =	sld [smem:$0x3FB8];
	_ =	sdelay $0x3  }
0x36: {  	p1 =	seq.s32 s10, $0x1;
	s10 =	sld [smem:$0x3FB9];
	_ =	sdelay $0x3  }
0x37: {  	[smem:$0x3FB9] =	sst s10  }
0x38: {  	s10 =	sld [smem:$0x3FBA]  }
0x39: {  	_ = 	snop;
	(pc) =	sbr.ind lr, $3  }
0x3a: {  	_ = 	snop  }
0x3b: {  	_ = 	snop  }
0x3c: {  	p2 =	seq.s32 s10, $0x1;
	s10 =	sld [smem:$0x3FB9]  }
0x3d: {  	_ =	shalt  }
0x3e: {  	_ =	shalt  }
0x3f: {  	_ =	shalt  }
0x40: {  	_ =	shalt  }
0x41: {  	_ =	shalt  }
0x42: {  	_ =	shalt  }
0x43: {  	_ =	shalt  }
0x44: {  	_ =	shalt  }
0x45: {  	_ =	shalt  }
0x46: {  	_ =	shalt  }
0x47: {  	_ =	shalt  }
0x48: {  	_ =	shalt  }
0x49: {  	_ =	shalt  }
0x4a: {  	_ =	shalt  }
0x4b: {  	_ =	shalt  }
0x4c: {  	_ =	shalt  }
0x4d: {  	_ =	shalt  }
0x4e: {  	_ =	shalt  }
0x4f: {  	_ =	shalt  }
0x50: {  	_ =	shalt  }
0x51: {  	_ =	shalt  }
0x52: {  	_ =	shalt  }
0x53: {  	_ =	shalt  }
0x54: {  	_ =	shalt  }
0x55: {  	_ =	shalt  }
0x56: {  	_ =	shalt  }
0x57: {  	_ =	shalt  }
0x58: {  	_ =	shalt  }
0x59: {  	_ =	shalt  }
0x5a: {  	_ =	shalt  }
0x5b: {  	_ =	shalt  }
0x5c: {  	_ =	shalt  }
0x5d: {  	_ =	shalt  }
0x5e: {  	_ =	shalt  }
0x5f: {  	_ =	shalt  }
0x60: {  	_ =	shalt  }
0x61: {  	_ =	shalt  }
0x62: {  	_ =	shalt  }
0x63: {  	_ =	shalt  }
0x64: {  	_ =	shalt  }
0x65: {  	_ =	shalt  }
0x66: {  	_ =	shalt  }
0x67: {  	_ =	shalt  }
0x68: {  	_ =	shalt  }
0x69: {  	_ =	shalt  }
0x6a: {  	_ =	shalt  }
0x6b: {  	_ =	shalt  }
0x6c: {  	_ =	shalt  }
0x6d: {  	_ =	shalt  }
0x6e: {  	_ =	shalt  }
0x6f: {  	_ =	shalt  }
0x70: {  	_ =	shalt  }
0x71: {  	_ =	shalt  }
0x72: {  	_ =	shalt  }
0x73: {  	_ =	shalt  }
0x74: {  	_ =	shalt  }
0x75: {  	_ =	shalt  }
0x76: {  	_ =	shalt  }
0x77: {  	_ =	shalt  }
0x78: {  	_ =	shalt  }
0x79: {  	_ =	shalt  }
0x7a: {  	_ =	shalt  }
0x7b: {  	_ =	shalt  }
0x7c: {  	_ =	shalt  }
0x7d: {  	_ =	shalt  }
0x7e: {  	_ =	shalt  }
0x7f: {  	_ =	shalt  }
0x80: {  	_ =	shalt  }
0x81: {  	_ =	shalt  }
0x82: {  	_ =	shalt  }
0x83: {  	_ =	shalt  }
0x84: {  	_ =	shalt  }
0x85: {  	_ =	shalt  }
0x86: {  	_ =	shalt  }
0x87: {  	_ =	shalt  }
.Lfunc_end0:
.L_simem_size_0:
called_computation_lowered:
.L_overlay_start_0:
0x88: {  	s2 =	sld [smem:$0x3FD9]  }
0x89: {  	s3 =	sld [smem:$0x3FFE];
	_ =	sdelay $0x1  }
0x8a: {  	s1 =	srdreg.scid  }
0x8b: {  	s0 =	sand.u32 $0x1, s1  }
0x8c: {  	s14 =	sshll.u32 s0, $0xA;
	s2 =	sadd.s32 s3, s2  }
0x8d: {  	s2 =	sadd.s32 s2, s14  }
0x8e: {  	[smem:$0x3FC5] =	sst s2  }
0x8f: {  	_ = 	snop  }
0x90: {  	s2 =	sld [smem:$0x3FD0];
	_ =	sdelay $0x2  }
0x91: {  	s15 =	simm.s32 $0xA;
	s4 =	simm.s32 $0x10  }
0x92: {  	[smem:s4], [sflag:s15] =	dma.local [hbm:s2], $0x1  }
0x93: {  	_ =	swait.eq [sflag:s15], $0x1  }
0x94: {  	[sflag:s15] =	ssyncset.done $0x0  }
0x95: {  	[sflag:s15] =	ssyncadd.s32 $0xFFFFFFFF  }
0x96: {  	s16 =	sld [smem:$0x11];
	(tm) =	ssettm $0x1  }
0x97: {  	s17 =	sld [smem:$0x3FFB];
	_ =	sdelay $0x3  }
0x98: {  	_ =	strace s17  }
0x99: {  	s3 =	sld [smem:$0x3FFC];
	_ =	sdelay $0x3  }
0x9a: {  	_ =	strace s3  }
0x9b: {  	s3 =	sld [smem:$0x3FFD];
	_ =	sdelay $0x3  }
0x9c: {  	_ =	strace s3  }
0x9d: {  	_ =	strace $0x8FFFFFFF  }
0x9e: {  	s18 =	sld [smem:$0x3FDB];
	_ =	sdelay $0x1  }
0x9f: {  	s19 =	simm.s32 $_scs_section_size  }
0xa0: {  	s5 =	simm.s32 $_size__tile_overlayer_lowered;
	s6 =	simm.s32 $_tile_overlayer_lowered  }
0xa1: {  	s22 =	simm.s32 $0x1BFF;
	s21 =	sshll.u32 s6, $0x1;
	s3 =	sadd.s32 s19, s18  }
0xa2: {  	s7 =	simm.s32 $0x0;
	s20 =	sshll.u32 s5, $0x1;
	s5 =	sadd.s32 s21, s3  }
0xa3: {  	[timem:s7], [sflag:s22] =	dma.local [hbm:s5], s20  }
0xa4: {  	_ =	swait.ge [sflag:s22], s20  }
0xa5: {  	s4 =	ssub.s32 $0x0, s20;
	[sflag:s22] =	ssyncset.done $0x0  }
0xa6: {  	[sflag:s22] =	ssyncadd.s32 s4;
	_ =	sdelay $0x1  }
0xa7: {  	s23 =	simm.s32 $0x1B8B  }
0xa8: {  	_ =	swait.ge [sflag:s23], $0x1  }
0xa9: {  	[sflag:s23] =	ssyncset.done $0x0  }
0xaa: {  	s25 =	simm.s32 $0x1B8E;
	s24 =	sld [smem:$0x3FFE];
	[sflag:s23] =	ssyncadd.s32 $0xFFFFFFFF  }
0xab: {  	s26 =	simm.s32 $execute0_lowered;
	[smem:$0x3FD2] =	sst s25  }
0xac: {  	s5 =	sshll.u32 s26, $0x1;
	_ =	strace $0x80000046;
	[dreg:$0x1] =	wrdreg $0xFFFFFFFF  }
0xad: {  	s28 =	simm.s32 $_size_execute0_lowered;
	s3 =	sadd.s32 s3, s5;
	[dreg:$0x0] =	wrdreg $0x0  }
0xae: {  	s5 =	sshll.u32 s28, $0x1;
	[dreg:$0x2] =	wrdreg s3  }
0xaf: {  	[dreg:$0x3] =	wrdreg s5  }
0xb0: {  	[dreg:$0x4] =	wrdreg $0xC0  }
0xb1: {  	_ =	task [dreg:s7], $0x5FFFF  }
0xb2: {  	[dreg:$0x1] =	wrdreg $0xFFFFFFFF  }
0xb3: {  	[dreg:$0x0] =	wrdreg $0x60  }
0xb4: {  	[dreg:$0x2] =	wrdreg s24  }
0xb5: {  	[dreg:$0x3] =	wrdreg s16  }
0xb6: {  	[dreg:$0x4] =	wrdreg $0x9  }
0xb7: {  	_ =	task.clear_ibuf [dreg:s7], $0x5FFFF;
	_ =	strace $0x90000046  }
0xb8: {  	s29 =	simm.s32 $0x9;
	_ =	strace $0x80000048  }
0xb9: {  	_ =	swait.ge [sflag:s29], $0x1  }
0xba: {  	[sflag:s29] =	ssyncadd.s32 $0xFFFFFFFF  }
0xbb: {  	_ =	strace $0x90000048  }
0xbc: {  	_ =	sfence  }
0xbd: {  	s30 =	sld [smem:$0x0];
	_ =	sdelay $0x2  }
0xbe: {  	s31 =	sshll.u32 s1, $0xD;
	s1 =	sshrl.u32 s1, $0x2  }
0xbf: {  	s3 =	sand.u32 $0x4000, s31;
	s1 =	sadd.s32 s1, s30  }
0xc0: {  	s0 =	sor.u32 s3, s0;
	s1 =	sshll.u32 s1, $0x11  }
0xc1: {  	s0 =	sor.u32 s1, s0  }
0xc2: {  	s0 =	sadd.s32 $0x8F2B, s0  }
0xc3: {  	[sflag:s0] =	ssyncadd.remote.s32 $0x1  }
0xc4: {  	_ =	sfence.sel $0xFFFF  }
0xc5: {  	[dreg:$0x0] =	wrdreg $0xFFFFFFFF;
	(pc) =	sbr.abs _section_cstart, $3  }
0xc6: {  	[dreg:$0x1] =	wrdreg $0xFFFFFFFF  }
0xc7: {  	_ =	task.clear_ibuf [dreg:s7], $0x2FFFF;
	_ =	strace $0x9FFFFFFF  }
0xc8: {  	(tm) =	ssettm $0x7FFFFFFF  }
0xc9: {  	_ =	shalt  }
tec
execute0_lowered:
.L_overlay_start_1:
0x0: {  	(tag) =	ssettag $0x1  }
0x1: {  	s0 =	rddreg [dreg:$0x0]  }
0x2: {  	s1 =	srdreg.scid;
	s2 =	stileid.u32;
	s3 =	simm.s32 $0x0  }
0x3: {  	s17 =	simm.s32 $0x1;
	s18 =	simm.s32 $0x1CF80;
	s19 =	simm.s32 $0x1C400  }
0x4: {  	s1 =	sand.u32 $0x1, s1;
	s2 =	sshll.u32 s2, $0x1;
	[smem:$0x7FF] =	sst s3  }
0x5: {  	s21 =	sadd.s32 $0x8800, s0;
	s11 =	sadd.s32 $0x800, s0;
	s22 =	sadd.s32 $0xEA800, s0  }
0x6: {  	s13 =	sadd.s32 $0xEC800, s0;
	s0 =	sadd.s32 $0xEE800, s0;
	s2 =	sor.u32 s1, s2  }
0x7: {  	_ =	strace $0x80000047;
	s1 =	ssub.s32 $0x2, s1;
	s5 =	sshll.u32 s2, $0x2  }
0x8: {  	s6 =	sshllo.u32 s2, $0x1;
	s23 =	sshrl.u32 s1, $0x1;
	s9 =	smul.u32 $0x7100, s2  }
0x9: {  	s25 =	sshll.u32 s2, $0xA;
	s2 =	sshll.u32 s2, $0x8;
	s4 =	sand.u32 $0x70, s5  }
0xa: {  	vm0 =	vmmov $0x3;
	s5 =	sand.u32 $0xC, s5;
	s7 =	sshll.u32 s6, $0x1;
	s1 =	ssub.s32 s1, s23  }
0xb: {  	v4 =	vimm.f32 $-Inf;
	v12 =	vimm.s32 $0x0;
	v13 =	vimm.s32 $0x8;
	s26 =	sadd.s32 s22, s2;
	s28 =	smul.u32 $0x3880, s6;
	s29 =	sadd.s32 s13, s2  }
0xc: {  	v14 =	vimm.s32 $0x9;
	v15 =	vimm.s32 $0xA;
	v16 =	vimm.s32 $0xB;
	s2 =	sadd.s32 s0, s2;
	s30 =	sshll.u32 s6, $0x9;
	s31 =	sshll.u32 s6, $0x7  }
0xd: {  	v17 =	vimm.s32 $0xC;
	v18 =	vimm.s32 $0xD;
	v19 =	vimm.s32 $0xE;
	s23 =	simm.s32 $0x1DF80;
	s8 =	sor.u32 $0x1, s5;
	[dreg:$0x5] =	wrdreg s26  }
0xe: {  	v20 =	vimm.s32 $0xF;
	v21 =	vimm.s32 $0x10;
	v22 =	vimm.s32 $0x11;
	s7 =	ssub.s32 s7, s4;
	s24 =	sadd.s32 s21, s9;
	[dreg:$0x6] =	wrdreg s29  }
0xf: {  	v23 =	vimm.s32 $0x12;
	v24 =	vimm.s32 $0x13;
	v0 =	vmov s5;
	[dreg:$0x7] =	wrdreg s2;
	s2 =	sadd.s32 s11, s30;
	s5 =	sadd.s32 s22, s31  }
0x10: {  	v25 =	vimm.s32 $0x14;
	v26 =	vimm.s32 $0x15;
	v27 =	vimm.s32 $0x16;
	s13 =	sadd.s32 s13, s31;
	s14 =	sadd.s32 s0, s31;
	[dreg:$0x3] =	wrdreg s24  }
0x11: {  	v28 =	vimm.s32 $0x17;
	v29 =	vimm.s32 $0x18;
	v30 =	vimm.s32 $0x19;
	s15 =	smax.u32 s1, $0x1;
	s22 =	simm.s32 $0x1C700;
	[dreg:$0x9] =	wrdreg s2  }
0x12: {  	v31 =	vimm.s32 $0x1A;
	v33 =	vlaneseq.u32;
	s20 =	sor.u32 $0x1, s7;
	v2 =	vmov s7;
	s7 =	sadd.s32 s11, s25;
	[dreg:$0xa] =	wrdreg s5  }
0x13: {  	v32 =	vimm.s32 $0x1B;
	v34 =	vimm.s32 $0x1C;
	v35 =	vor.u32 $0x80000010, v33;
	s26 =	simm.s32 $0x0;
	[dreg:$0x4] =	wrdreg s7;
	s7 =	sadd.s32 s21, s28  }
0x14: {  	v36 =	vor.u32 $0x80000000, v33;
	v1 =	vmov s8;
	v3 =	vmov s20;
	s20 =	simm.s32 $0x1C600;
	s21 =	simm.s32 $0x1C680;
	[dreg:$0x8] =	wrdreg s7  }
.LBB2_1:
0x15: {  	s0 =	rddreg [dreg:$0x1];
	s1 =	simm.s32 $0x1E380  }
0x16: {  	[tilespmem:s1], [sflag:$0x1] =	stream.linear.gather [hbm4b:s0+s3], $0x80, $0x38;
	[tilespmem:$0x1E400] =	vst v63  }
0x17: {  	_ =	swait.ge [sflag:s17], $0x80  }
0x18: {  	[sflag:s17] =	ssyncset.done $0x0  }
0x19: {  	s30 =	rddreg [dreg:$0x3];
	[sflag:s17] =	ssyncadd.s32 $0xFFFFFF80  }
0x1a: {  	[tilespmem:s3], [sflag:$0x1] =	stream.linear.gather [hbm4b:s30+s3], $0x1C200, $0x38;
	[tilespmem:$0x1E400] =	vst v63  }
0x1b: {  	_ =	swait.ge [sflag:s17], $0x1C200  }
0x1c: {  	[sflag:s17] =	ssyncset.done $0x0  }
0x1d: {  	s31 =	rddreg [dreg:$0x4];
	[sflag:s17] =	ssyncadd.s32 $0xFFFE3E00  }
0x1e: {  	[tilespmem:s18], [sflag:$0x1] =	stream.linear.gather [hbm4b:s31+s3], $0x1000, $0x38;
	[tilespmem:$0x1E400] =	vst v63  }
0x1f: {  	_ =	swait.ge [sflag:s17], $0x1000  }
0x20: {  	[sflag:s17] =	ssyncset.done $0x0  }
0x21: {  	s1 =	simm.s32 $0x80;
	[sflag:s17] =	ssyncadd.s32 $0xFFFFF000  }
0x22: {  	v5 =	vld [tilespmem:s1+$0xFFFFFF90]  }
0x23: {  	s2 =	simm.s32 $0x1;
	s0 =	simm.s32 $0x0;
	v6 =	vld [tilespmem:s1+$0xFFFFFF80]  }
.LBB2_2:
0x24: {  	p0 =	sne.s32 s2, $0x1C1;
	v7 =	vld [tilespmem:s1+$0xFFFFFFA0]  }
0x25: {  	v37 =	vld [tilespmem:s1+$0xFFFFFFB0]  }
0x26: {  	v38 =	vld [tilespmem:s1+$0xFFFFFFC0]  }
0x27: {  	v39 =	vld [tilespmem:s1+$0xFFFFFFCB]  }
0x28: {  	v5 =	vmax.f32 v6, v5;
	v6 =	vld [tilespmem:s1+$0x0]  }
0x29: {  	v5 =	vmax.f32 v5, v7;
	v7 =	vld [tilespmem:s1+$0x10]  }
0x2a: {  	v5 =	vmax.f32 v5, v37;
	v37 =	vld [tilespmem:s1+$0x20]  }
0x2b: {  	v5 =	vmax.f32 v5, v38;
	v38 =	vld [tilespmem:s1+$0x30]  }
0x2c: {  	v5 =	vmax.f32 v5, v39;
	v39 =	vld [tilespmem:s1+$0x40]  }
0x2d: {  	v5 =	vmax.f32 v5, v6;
	v6 =	vld [tilespmem:s1+$0x4B]  }
0x2e: {  	v5 =	vmax.f32 v5, v7  }
0x2f: {  	v5 =	vmax.f32 v5, v37  }
0x30: {  	v5 =	vmax.f32 v5, v38  }
0x31: {  	v5 =	vmax.f32 v5, v39  }
0x32: {  	v5 =	vmax.f32 v5, v6  }
0x33: {  	(xrf0) =	vmax.scan.msk.f32 $0xffff, v5;
	_ =	sdelay $0x3  }
0x34: {  	v5 =	vmov s0;
	s0 =	smov.u32 s2;
	_ =	sdelay $0x1  }
0x35: {  	v6, _, _ =	vpop (xrf0)  }
.Ltmp0:
0x36: {  	v6 =	vbroadcast v6, $0xF;
	(pc) =	sbr.rel @p0 .LBB2_2-.Ltmp0, $4  }
0x37: {  	_ = 	snop  }
0x38: {  	s1 =	sadd.s32 $0x100, s1;
	[tilespmem:v5+s19+$0x0] =	vst.idx.msk $0x1, v6  }
0x39: {  	v5 =	vld [tilespmem:s1+$0xFFFFFF90]  }
0x3a: {  	s2 =	sadd.s32 $0x1, s2;
	v6 =	vld [tilespmem:s1+$0xFFFFFF80]  }
0x3b: {  	v7 =	vld [tilespmem:s1+$0xFFFFFFA0]  }
0x3c: {  	v37 =	vld [tilespmem:s1+$0xFFFFFFB0]  }
0x3d: {  	v38 =	vld [tilespmem:s1+$0xFFFFFFC0]  }
0x3e: {  	v39 =	vld [tilespmem:s1+$0xFFFFFFCB]  }
0x3f: {  	v5 =	vmax.f32 v6, v5;
	v6 =	vld [tilespmem:s1+$0x0]  }
0x40: {  	v5 =	vmax.f32 v5, v7;
	v7 =	vld [tilespmem:s1+$0x10]  }
0x41: {  	v60 =	vld [tilespmem:s1+$0x20];
	v5 =	vmax.f32 v5, v37  }
0x42: {  	v61 =	vld [tilespmem:s1+$0x30];
	v5 =	vmax.f32 v5, v38  }
0x43: {  	v62 =	vld [tilespmem:s1+$0x40];
	v5 =	vmax.f32 v5, v39  }
0x44: {  	v5 =	vmax.f32 v5, v6;
	v6 =	vld [tilespmem:s1+$0x4B]  }
0x45: {  	v5 =	vmax.f32 v5, v7  }
0x46: {  	v5 =	vmax.f32 v5, v60  }
0x47: {  	v5 =	vmax.f32 v5, v61  }
0x48: {  	v5 =	vmax.f32 v5, v62  }
0x49: {  	v5 =	vmax.f32 v5, v6  }
0x4a: {  	(xrf0) =	vmax.scan.msk.f32 $0xffff, v5;
	_ =	sdelay $0x3  }
0x4b: {  	v5 =	vmov s0;
	_ =	sdelay $0x1  }
0x4c: {  	v6, _, _ =	vpop (xrf0)  }
0x4d: {  	v6 =	vbroadcast v6, $0xF;
	_ =	sdelay $0x1  }
0x4e: {  	[tilespmem:v5+s19+$0x0] =	vst.idx.msk $0x1, v6  }
0x4f: {  	v5 =	vld [tilespmem:$0x1C400];
	_ =	sdelay $0x2  }
0x50: {  	v6 =	vld [tilespmem:$0x1C5C0];
	_ =	sdelay $0x1  }
0x51: {  	(xrf0) =	vmax.scan.msk.f32 $0xffff, v5;
	_ =	sdelay $0x2  }
0x52: {  	v5 =	vnsel vm0, $0xFF800000, v6;
	_ =	sdelay $0x2  }
0x53: {  	[tilespmem:$0x1C5C0] =	vst v5;
	v5, _, _ =	vpop (xrf0)  }
0x54: {  	[tilespmem:$0x1C600] =	vst v4;
	v5 =	vbroadcast v5, $0xF  }
0x55: {  	[tilespmem:$0x1C610] =	vst v4  }
0x56: {  	[tilespmem:v12+s20+$0x0] =	vst.idx.msk $0x1, v5  }
0x57: {  	v5 =	vld [tilespmem:$0x1C410];
	_ =	sdelay $0x4  }
0x58: {  	(xrf0) =	vmax.scan.msk.f32 $0xffff, v5;
	_ =	sdelay $0x3  }
0x59: {  	v6 =	vimm.s32 $0x1;
	_ =	sdelay $0x1  }
0x5a: {  	v5, _, _ =	vpop (xrf0)  }
0x5b: {  	v5 =	vbroadcast v5, $0xF;
	_ =	sdelay $0x1  }
0x5c: {  	[tilespmem:v6+s20+$0x0] =	vst.idx.msk $0x1, v5  }
0x5d: {  	v5 =	vld [tilespmem:$0x1C420];
	_ =	sdelay $0x4  }
0x5e: {  	(xrf0) =	vmax.scan.msk.f32 $0xffff, v5;
	_ =	sdelay $0x3  }
0x5f: {  	v6 =	vimm.s32 $0x2;
	_ =	sdelay $0x1  }
0x60: {  	v5, _, _ =	vpop (xrf0)  }
0x61: {  	v5 =	vbroadcast v5, $0xF;
	_ =	sdelay $0x1  }
0x62: {  	[tilespmem:v6+s20+$0x0] =	vst.idx.msk $0x1, v5  }
0x63: {  	v5 =	vld [tilespmem:$0x1C430];
	_ =	sdelay $0x4  }
0x64: {  	(xrf0) =	vmax.scan.msk.f32 $0xffff, v5;
	_ =	sdelay $0x3  }
0x65: {  	v6 =	vimm.s32 $0x3;
	_ =	sdelay $0x1  }
0x66: {  	v5, _, _ =	vpop (xrf0)  }
0x67: {  	v5 =	vbroadcast v5, $0xF;
	_ =	sdelay $0x1  }
0x68: {  	[tilespmem:v6+s20+$0x0] =	vst.idx.msk $0x1, v5  }
0x69: {  	v5 =	vld [tilespmem:$0x1C440];
	_ =	sdelay $0x4  }
0x6a: {  	(xrf0) =	vmax.scan.msk.f32 $0xffff, v5;
	_ =	sdelay $0x3  }
0x6b: {  	v6 =	vimm.s32 $0x4;
	_ =	sdelay $0x1  }
0x6c: {  	v5, _, _ =	vpop (xrf0)  }
0x6d: {  	v5 =	vbroadcast v5, $0xF;
	_ =	sdelay $0x1  }
0x6e: {  	[tilespmem:v6+s20+$0x0] =	vst.idx.msk $0x1, v5  }
0x6f: {  	v5 =	vld [tilespmem:$0x1C450];
	_ =	sdelay $0x4  }
0x70: {  	(xrf0) =	vmax.scan.msk.f32 $0xffff, v5;
	_ =	sdelay $0x3  }
0x71: {  	v6 =	vimm.s32 $0x5;
	_ =	sdelay $0x1  }
0x72: {  	v5, _, _ =	vpop (xrf0)  }
0x73: {  	v5 =	vbroadcast v5, $0xF;
	_ =	sdelay $0x1  }
0x74: {  	[tilespmem:v6+s20+$0x0] =	vst.idx.msk $0x1, v5  }
0x75: {  	v5 =	vld [tilespmem:$0x1C460];
	_ =	sdelay $0x4  }
0x76: {  	(xrf0) =	vmax.scan.msk.f32 $0xffff, v5;
	_ =	sdelay $0x3  }
0x77: {  	v6 =	vimm.s32 $0x6;
	_ =	sdelay $0x1  }
0x78: {  	v5, _, _ =	vpop (xrf0)  }
0x79: {  	v5 =	vbroadcast v5, $0xF;
	_ =	sdelay $0x1  }
0x7a: {  	[tilespmem:v6+s20+$0x0] =	vst.idx.msk $0x1, v5  }
0x7b: {  	v5 =	vld [tilespmem:$0x1C470];
	_ =	sdelay $0x4  }
0x7c: {  	(xrf0) =	vmax.scan.msk.f32 $0xffff, v5;
	_ =	sdelay $0x3  }
0x7d: {  	v6 =	vimm.s32 $0x7;
	_ =	sdelay $0x1  }
0x7e: {  	v5, _, _ =	vpop (xrf0)  }
0x7f: {  	v5 =	vbroadcast v5, $0xF;
	_ =	sdelay $0x1  }
0x80: {  	[tilespmem:v6+s20+$0x0] =	vst.idx.msk $0x1, v5  }
0x81: {  	v5 =	vld [tilespmem:$0x1C480];
	_ =	sdelay $0x4  }
0x82: {  	(xrf0) =	vmax.scan.msk.f32 $0xffff, v5;
	_ =	sdelay $0x5  }
0x83: {  	v5, _, _ =	vpop (xrf0)  }
0x84: {  	v5 =	vbroadcast v5, $0xF;
	_ =	sdelay $0x1  }
0x85: {  	[tilespmem:v13+s20+$0x0] =	vst.idx.msk $0x1, v5  }
0x86: {  	v5 =	vld [tilespmem:$0x1C490];
	_ =	sdelay $0x4  }
0x87: {  	(xrf0) =	vmax.scan.msk.f32 $0xffff, v5;
	_ =	sdelay $0x5  }
0x88: {  	v5, _, _ =	vpop (xrf0)  }
0x89: {  	v5 =	vbroadcast v5, $0xF;
	_ =	sdelay $0x1  }
0x8a: {  	[tilespmem:v14+s20+$0x0] =	vst.idx.msk $0x1, v5  }
0x8b: {  	v5 =	vld [tilespmem:$0x1C4A0];
	_ =	sdelay $0x4  }
0x8c: {  	(xrf0) =	vmax.scan.msk.f32 $0xffff, v5;
	_ =	sdelay $0x5  }
0x8d: {  	v5, _, _ =	vpop (xrf0)  }
0x8e: {  	v5 =	vbroadcast v5, $0xF;
	_ =	sdelay $0x1  }
0x8f: {  	[tilespmem:v15+s20+$0x0] =	vst.idx.msk $0x1, v5  }
0x90: {  	v5 =	vld [tilespmem:$0x1C4B0];
	_ =	sdelay $0x4  }
0x91: {  	(xrf0) =	vmax.scan.msk.f32 $0xffff, v5;
	_ =	sdelay $0x5  }
0x92: {  	v5, _, _ =	vpop (xrf0)  }
0x93: {  	v5 =	vbroadcast v5, $0xF;
	_ =	sdelay $0x1  }
0x94: {  	[tilespmem:v16+s20+$0x0] =	vst.idx.msk $0x1, v5  }
0x95: {  	v5 =	vld [tilespmem:$0x1C4C0];
	_ =	sdelay $0x4  }
0x96: {  	(xrf0) =	vmax.scan.msk.f32 $0xffff, v5;
	_ =	sdelay $0x5  }
0x97: {  	v5, _, _ =	vpop (xrf0)  }
0x98: {  	v5 =	vbroadcast v5, $0xF;
	_ =	sdelay $0x1  }
0x99: {  	[tilespmem:v17+s20+$0x0] =	vst.idx.msk $0x1, v5  }
0x9a: {  	v5 =	vld [tilespmem:$0x1C4D0];
	_ =	sdelay $0x4  }
0x9b: {  	(xrf0) =	vmax.scan.msk.f32 $0xffff, v5;
	_ =	sdelay $0x5  }
0x9c: {  	v5, _, _ =	vpop (xrf0)  }
0x9d: {  	v5 =	vbroadcast v5, $0xF;
	_ =	sdelay $0x1  }
0x9e: {  	[tilespmem:v18+s20+$0x0] =	vst.idx.msk $0x1, v5  }
0x9f: {  	v5 =	vld [tilespmem:$0x1C4E0];
	_ =	sdelay $0x4  }
0xa0: {  	(xrf0) =	vmax.scan.msk.f32 $0xffff, v5;
	_ =	sdelay $0x5  }
0xa1: {  	v5, _, _ =	vpop (xrf0)  }
0xa2: {  	v5 =	vbroadcast v5, $0xF;
	_ =	sdelay $0x1  }
0xa3: {  	[tilespmem:v19+s20+$0x0] =	vst.idx.msk $0x1, v5  }
0xa4: {  	v5 =	vld [tilespmem:$0x1C4F0];
	_ =	sdelay $0x4  }
0xa5: {  	(xrf0) =	vmax.scan.msk.f32 $0xffff, v5;
	_ =	sdelay $0x5  }
0xa6: {  	v5, _, _ =	vpop (xrf0)  }
0xa7: {  	v5 =	vbroadcast v5, $0xF;
	_ =	sdelay $0x1  }
0xa8: {  	[tilespmem:v20+s20+$0x0] =	vst.idx.msk $0x1, v5  }
0xa9: {  	v5 =	vld [tilespmem:$0x1C500];
	_ =	sdelay $0x4  }
0xaa: {  	(xrf0) =	vmax.scan.msk.f32 $0xffff, v5;
	_ =	sdelay $0x5  }
0xab: {  	v5, _, _ =	vpop (xrf0)  }
0xac: {  	v5 =	vbroadcast v5, $0xF;
	_ =	sdelay $0x1  }
0xad: {  	[tilespmem:v21+s20+$0x0] =	vst.idx.msk $0x1, v5  }
0xae: {  	v5 =	vld [tilespmem:$0x1C510];
	_ =	sdelay $0x4  }
0xaf: {  	(xrf0) =	vmax.scan.msk.f32 $0xffff, v5;
	_ =	sdelay $0x5  }
0xb0: {  	v5, _, _ =	vpop (xrf0)  }
0xb1: {  	v5 =	vbroadcast v5, $0xF;
	_ =	sdelay $0x1  }
0xb2: {  	[tilespmem:v22+s20+$0x0] =	vst.idx.msk $0x1, v5  }
0xb3: {  	v5 =	vld [tilespmem:$0x1C520];
	_ =	sdelay $0x4  }
0xb4: {  	(xrf0) =	vmax.scan.msk.f32 $0xffff, v5;
	_ =	sdelay $0x5  }
0xb5: {  	v5, _, _ =	vpop (xrf0)  }
0xb6: {  	v5 =	vbroadcast v5, $0xF;
	_ =	sdelay $0x1  }
0xb7: {  	[tilespmem:v23+s20+$0x0] =	vst.idx.msk $0x1, v5  }
0xb8: {  	v5 =	vld [tilespmem:$0x1C530];
	_ =	sdelay $0x4  }
0xb9: {  	(xrf0) =	vmax.scan.msk.f32 $0xffff, v5;
	_ =	sdelay $0x5  }
0xba: {  	v5, _, _ =	vpop (xrf0)  }
0xbb: {  	v5 =	vbroadcast v5, $0xF;
	_ =	sdelay $0x1  }
0xbc: {  	[tilespmem:v24+s20+$0x0] =	vst.idx.msk $0x1, v5  }
0xbd: {  	v5 =	vld [tilespmem:$0x1C540];
	_ =	sdelay $0x4  }
0xbe: {  	(xrf0) =	vmax.scan.msk.f32 $0xffff, v5;
	_ =	sdelay $0x5  }
0xbf: {  	v5, _, _ =	vpop (xrf0)  }
0xc0: {  	v5 =	vbroadcast v5, $0xF;
	_ =	sdelay $0x1  }
0xc1: {  	[tilespmem:v25+s20+$0x0] =	vst.idx.msk $0x1, v5  }
0xc2: {  	v5 =	vld [tilespmem:$0x1C550];
	_ =	sdelay $0x4  }
0xc3: {  	(xrf0) =	vmax.scan.msk.f32 $0xffff, v5;
	_ =	sdelay $0x5  }
0xc4: {  	v5, _, _ =	vpop (xrf0)  }
0xc5: {  	v5 =	vbroadcast v5, $0xF;
	_ =	sdelay $0x1  }
0xc6: {  	[tilespmem:v26+s20+$0x0] =	vst.idx.msk $0x1, v5  }
0xc7: {  	v5 =	vld [tilespmem:$0x1C560];
	_ =	sdelay $0x4  }
0xc8: {  	(xrf0) =	vmax.scan.msk.f32 $0xffff, v5;
	_ =	sdelay $0x5  }
0xc9: {  	v5, _, _ =	vpop (xrf0)  }
0xca: {  	v5 =	vbroadcast v5, $0xF;
	_ =	sdelay $0x1  }
0xcb: {  	[tilespmem:v27+s20+$0x0] =	vst.idx.msk $0x1, v5  }
0xcc: {  	v5 =	vld [tilespmem:$0x1C570];
	_ =	sdelay $0x4  }
0xcd: {  	(xrf0) =	vmax.scan.msk.f32 $0xffff, v5;
	_ =	sdelay $0x5  }
0xce: {  	v5, _, _ =	vpop (xrf0)  }
0xcf: {  	v5 =	vbroadcast v5, $0xF;
	_ =	sdelay $0x1  }
0xd0: {  	[tilespmem:v28+s20+$0x0] =	vst.idx.msk $0x1, v5  }
0xd1: {  	v5 =	vld [tilespmem:$0x1C580];
	_ =	sdelay $0x4  }
0xd2: {  	(xrf0) =	vmax.scan.msk.f32 $0xffff, v5;
	_ =	sdelay $0x5  }
0xd3: {  	v5, _, _ =	vpop (xrf0)  }
0xd4: {  	v5 =	vbroadcast v5, $0xF;
	_ =	sdelay $0x1  }
0xd5: {  	[tilespmem:v29+s20+$0x0] =	vst.idx.msk $0x1, v5  }
0xd6: {  	v5 =	vld [tilespmem:$0x1C590];
	_ =	sdelay $0x4  }
0xd7: {  	(xrf0) =	vmax.scan.msk.f32 $0xffff, v5;
	_ =	sdelay $0x5  }
0xd8: {  	v5, _, _ =	vpop (xrf0)  }
0xd9: {  	v5 =	vbroadcast v5, $0xF;
	_ =	sdelay $0x1  }
0xda: {  	[tilespmem:v30+s20+$0x0] =	vst.idx.msk $0x1, v5  }
0xdb: {  	v5 =	vld [tilespmem:$0x1C5A0];
	_ =	sdelay $0x4  }
0xdc: {  	(xrf0) =	vmax.scan.msk.f32 $0xffff, v5;
	_ =	sdelay $0x5  }
0xdd: {  	v5, _, _ =	vpop (xrf0)  }
0xde: {  	v5 =	vbroadcast v5, $0xF;
	_ =	sdelay $0x1  }
0xdf: {  	[tilespmem:v31+s20+$0x0] =	vst.idx.msk $0x1, v5  }
0xe0: {  	v5 =	vld [tilespmem:$0x1C5B0];
	_ =	sdelay $0x4  }
0xe1: {  	(xrf0) =	vmax.scan.msk.f32 $0xffff, v5;
	_ =	sdelay $0x5  }
0xe2: {  	v5, _, _ =	vpop (xrf0)  }
0xe3: {  	v5 =	vbroadcast v5, $0xF;
	_ =	sdelay $0x1  }
0xe4: {  	[tilespmem:v32+s20+$0x0] =	vst.idx.msk $0x1, v5  }
0xe5: {  	v5 =	vld [tilespmem:$0x1C5C0];
	_ =	sdelay $0x4  }
0xe6: {  	(xrf0) =	vmax.scan.msk.f32 $0xffff, v5;
	_ =	sdelay $0x5  }
0xe7: {  	v5, _, _ =	vpop (xrf0)  }
0xe8: {  	v5 =	vbroadcast v5, $0xF;
	_ =	sdelay $0x1  }
0xe9: {  	[tilespmem:v34+s20+$0x0] =	vst.idx.msk $0x1, v5  }
0xea: {  	v5 =	vld [tilespmem:$0x1C600]  }
0xeb: {  	v6 =	vld [tilespmem:$0x1C610];
	_ =	sdelay $0x4  }
0xec: {  	v7 =	vmax.f32 v5, v6  }
0xed: {  	(xrf0) =	vmax.scan.msk.f32 $0xffff, v7;
	_ =	sdelay $0x5  }
0xee: {  	v7, _, _ =	vpop (xrf0)  }
0xef: {  	v7 =	vbroadcast v7, $0xF;
	_ =	sdelay $0x1  }
0xf0: {  	vm1 =	veq.f32 v6, v7  }
0xf1: {  	vm2 =	veq.f32 v5, v7;
	v5 =	vnsel vm1, $0xC0000000, v35  }
0xf2: {  	v5 =	vsel vm2, v36, v5  }
0xf3: {  	(xrf0) =	vmin.scan.msk.u32 $0xffff, v5;
	_ =	sdelay $0x5  }
0xf4: {  	v5, _, _ =	vpop (xrf0)  }
0xf5: {  	(v2sf) =	vpush v5, $0xF;
	_ =	sdelay $0xe  }
0xf6: {  	s29 =	spop (v2sf)  }
0xf7: {  	s0 =	sshll.u32 s29, $0x4  }
0xf8: {  	v5 =	vld [tilespmem:s0+$0x1C400];
	_ =	sdelay $0x4  }
0xf9: {  	vm1 =	veq.f32 v5, v7;
	v5 =	vxor.u32 s0, v36  }
0xfa: {  	v5 =	vnsel vm1, $0xC0000000, v5  }
0xfb: {  	(xrf0) =	vmin.scan.msk.u32 $0xffff, v5;
	_ =	sdelay $0x5  }
0xfc: {  	v5, _, _ =	vpop (xrf0)  }
0xfd: {  	(v2sf) =	vpush v5, $0xF;
	_ =	sdelay $0xe  }
0xfe: {  	s0 =	spop (v2sf)  }
0xff: {  	s30 =	sshll.u32 s0, $0x8  }
0x100: {  	v5 =	vld [tilespmem:s30+$0x0];
	_ =	sdelay $0x1  }
0x101: {  	v6 =	vld [tilespmem:s30+$0x20]  }
0x102: {  	v63 =	vor.u32 s30, v33;
	v9 =	vld [tilespmem:s30+$0x10]  }
0x103: {  	vm1 =	vlt.s32 v63, $0x40000000  }
0x104: {  	s2 =	sor.u32 $0x10, s30;
	v37 =	vnsel vm1, $0x40000000, v63;
	vm1 =	veq.f32 v5, v7;
	v5 =	vld [tilespmem:s30+$0x30]  }
0x105: {  	v10 =	vor.u32 s2, v33;
	v37 =	vnsel vm1, $0x40000000, v37  }
0x106: {  	s31 =	sor.u32 $0x20, s30;
	vm2 =	veq.f32 v6, v7;
	v6 =	vld [tilespmem:s30+$0x40];
	vm1 =	vlt.s32 v37, v10  }
0x107: {  	v42 =	vor.u32 s31, v33;
	vm3 =	veq.f32 v9, v7;
	v11 =	vsel vm1, v37, v10  }
0x108: {  	s5 =	sor.u32 $0x30, s30;
	v44 =	vld [tilespmem:s30+$0x4B];
	v43 =	vnsel vm2, $0x40000000, v42;
	v37 =	vsel vm3, v11, v37  }
0x109: {  	vm1 =	vlt.s32 v37, v43;
	vm2 =	veq.f32 v5, v7;
	v5 =	vor.u32 s5, v33  }
0x10a: {  	s6 =	sor.u32 $0x40, s30;
	v45 =	vld [tilespmem:s30+$0x80];
	v37 =	vsel vm1, v37, v43;
	v5 =	vnsel vm2, $0x40000000, v5  }
0x10b: {  	vm2 =	veq.f32 v6, v7;
	v6 =	vor.u32 s6, v33;
	vm1 =	vlt.s32 v37, v5  }
0x10c: {  	s7 =	sor.u32 $0x4B, s30;
	v46 =	vld [tilespmem:s30+$0x90];
	v6 =	vnsel vm2, $0x40000000, v6;
	v5 =	vsel vm1, v37, v5  }
0x10d: {  	v47 =	vadd.s32 s7, v33;
	vm2 =	veq.f32 v44, v7;
	vm1 =	vlt.s32 v5, v6  }
0x10e: {  	s8 =	sor.u32 $0x80, s30;
	v48 =	vld [tilespmem:s30+$0xA0];
	v5 =	vsel vm1, v5, v6;
	v6 =	vnsel vm2, $0x40000000, v47  }
0x10f: {  	v49 =	vor.u32 s8, v33;
	vm2 =	veq.f32 v45, v7;
	vm1 =	vlt.s32 v5, v6  }
0x110: {  	s9 =	sor.u32 $0x90, s30;
	v50 =	vld [tilespmem:s30+$0xB0];
	v5 =	vsel vm1, v5, v6;
	v6 =	vnsel vm2, $0x40000000, v49  }
0x111: {  	v51 =	vor.u32 s9, v33;
	vm2 =	veq.f32 v46, v7;
	vm1 =	vlt.s32 v5, v6  }
0x112: {  	s10 =	sor.u32 $0xA0, s30;
	v52 =	vld [tilespmem:s30+$0xC0];
	v5 =	vsel vm1, v5, v6;
	v6 =	vnsel vm2, $0x40000000, v51  }
0x113: {  	v53 =	vor.u32 s10, v33;
	vm2 =	veq.f32 v48, v7;
	vm1 =	vlt.s32 v5, v6  }
0x114: {  	s11 =	sor.u32 $0xB0, s30;
	v54 =	vld [tilespmem:s30+$0xCB];
	v5 =	vsel vm1, v5, v6;
	v6 =	vnsel vm2, $0x40000000, v53  }
0x115: {  	v55 =	vor.u32 s11, v33;
	vm2 =	veq.f32 v50, v7;
	vm1 =	vlt.s32 v5, v6  }
0x116: {  	s12 =	sor.u32 $0xC0, s30;
	v5 =	vsel vm1, v5, v6;
	v6 =	vnsel vm2, $0x40000000, v55  }
0x117: {  	v56 =	vor.u32 s12, v33;
	vm2 =	veq.f32 v52, v7;
	vm1 =	vlt.s32 v5, v6  }
0x118: {  	s16 =	sor.u32 $0xCB, s30;
	v5 =	vsel vm1, v5, v6;
	v6 =	vnsel vm2, $0x40000000, v56  }
0x119: {  	v57 =	vadd.s32 s16, v33;
	vm2 =	veq.f32 v54, v7;
	vm1 =	vlt.s32 v5, v6  }
0x11a: {  	v5 =	vsel vm1, v5, v6;
	v6 =	vnsel vm2, $0x40000000, v57  }
0x11b: {  	vm1 =	vlt.s32 v5, v6  }
0x11c: {  	v5 =	vsel vm1, v5, v6  }
0x11d: {  	v5 =	vxor.u32 $0x80000000, v5  }
0x11e: {  	(xrf0) =	vmin.scan.msk.u32 $0xffff, v5;
	_ =	sdelay $0x5  }
0x11f: {  	v5, _, _ =	vpop (xrf0)  }
0x120: {  	(v2sf) =	vpush v5, $0xF;
	_ =	sdelay $0xa  }
0x121: {  	s24 =	simm.s32 $0x0  }
0x122: {  	v5 =	vmov s24;
	_ =	sdelay $0x2  }
0x123: {  	s25 =	spop (v2sf)  }
0x124: {  	s5 =	sxor.u32 $0x80000000, s25;
	s6 =	sand.u32 $0x70, s25  }
0x125: {  	[tilespmem:v5+s21+$0x0] =	vst.idx.msk $0x1, v7;
	v6 =	vmov s5;
	s5 =	sand.u32 $0xFFFFFF80, s5;
	s6 =	smin.u32 s6, $0x4B  }
0x126: {  	[tilespmem:v5+s22+$0x0] =	vst.idx.msk $0x1, v6;
	s5 =	sor.u32 s6, s5  }
0x127: {  	v5 =	vld [tilespmem:s5+$0x0]  }
0x128: {  	s2 =	sand.u32 $0x7F, s25  }
0x129: {  	s2 =	ssub.s32 s2, s6  }
0x12a: {  	v6 =	vmov s2  }
0x12b: {  	vm1 =	veq.s32 v6, v33  }
0x12c: {  	v5 =	vsel vm1, $0xFF800000, v5  }
0x12d: {  	[tilespmem:s5+$0x0] =	vst v5  }
0x12e: {  	v5 =	vld [tilespmem:s30+$0x0]  }
0x12f: {  	v6 =	vld [tilespmem:s30+$0x10]  }
0x130: {  	v7 =	vld [tilespmem:s30+$0x20]  }
0x131: {  	v58 =	vld [tilespmem:s30+$0x30]  }
0x132: {  	v59 =	vld [tilespmem:s30+$0x40]  }
0x133: {  	v60 =	vld [tilespmem:s30+$0x4B]  }
0x134: {  	v40 =	vld [tilespmem:s30+$0x80];
	v5 =	vmax.f32 v5, v6  }
0x135: {  	v6 =	vld [tilespmem:s30+$0x90];
	v5 =	vmax.f32 v5, v7  }
0x136: {  	v7 =	vld [tilespmem:s30+$0xA0];
	v5 =	vmax.f32 v5, v58  }
0x137: {  	v61 =	vld [tilespmem:s30+$0xB0];
	v5 =	vmax.f32 v5, v59  }
0x138: {  	v62 =	vld [tilespmem:s30+$0xC0];
	v5 =	vmax.f32 v5, v60  }
0x139: {  	v63 =	vld [tilespmem:s30+$0xCB];
	v5 =	vmax.f32 v5, v40  }
0x13a: {  	v5 =	vmax.f32 v5, v6  }
0x13b: {  	v5 =	vmax.f32 v5, v7  }
0x13c: {  	v5 =	vmax.f32 v5, v61  }
0x13d: {  	v5 =	vmax.f32 v5, v62  }
0x13e: {  	v5 =	vmax.f32 v5, v63  }
0x13f: {  	(xrf0) =	vmax.scan.msk.f32 $0xffff, v5;
	_ =	sdelay $0x2  }
0x140: {  	s29 =	sxor.u32 $0x80000000, s0  }
0x141: {  	v5 =	vmov s29;
	_ =	sdelay $0x1  }
0x142: {  	v6, _, _ =	vpop (xrf0)  }
0x143: {  	v6 =	vbroadcast v6, $0xF  }
0x144: {  	s0 =	sand.u32 $0x70, s0;
	s30 =	sand.u32 $0xFFFFFF80, s29  }
0x145: {  	s0 =	sor.u32 s0, s30;
	[tilespmem:v5+s19+$0x0] =	vst.idx.msk $0x1, v6  }
0x146: {  	v5 =	vld [tilespmem:s0+$0x1C400];
	_ =	sdelay $0x4  }
0x147: {  	(xrf0) =	vmax.scan.msk.f32 $0xffff, v5;
	_ =	sdelay $0x2  }
0x148: {  	s31 =	sshra.s32 s29, $0x4  }
0x149: {  	v5 =	vmov s31;
	_ =	sdelay $0x1  }
0x14a: {  	s28 =	simm.s32 $0x1;
	v6, _, _ =	vpop (xrf0)  }
.LBB2_4:
0x14b: {  	p0 =	sne.s32 s28, $0x63;
	v6 =	vbroadcast v6, $0xF;
	s29 =	smov.u32 s28;
	s28 =	sadd.s32 $0x1, s28  }
0x14c: {  	_ = 	snop  }
0x14d: {  	[tilespmem:v5+s20+$0x0] =	vst.idx.msk $0x1, v6  }
0x14e: {  	v6 =	vld [tilespmem:$0x1C600]  }
0x14f: {  	v7 =	vld [tilespmem:$0x1C610];
	_ =	sdelay $0x4  }
0x150: {  	v5 =	vmax.f32 v6, v7  }
0x151: {  	(xrf0) =	vmax.scan.msk.f32 $0xffff, v5;
	_ =	sdelay $0x5  }
0x152: {  	v5, _, _ =	vpop (xrf0)  }
0x153: {  	v5 =	vbroadcast v5, $0xF;
	_ =	sdelay $0x1  }
0x154: {  	vm1 =	veq.f32 v7, v5  }
0x155: {  	vm2 =	veq.f32 v6, v5;
	v6 =	vnsel vm1, $0xC0000000, v35  }
0x156: {  	v6 =	vsel vm2, v36, v6  }
0x157: {  	(xrf0) =	vmin.scan.msk.u32 $0xffff, v6;
	_ =	sdelay $0x5  }
0x158: {  	v6, _, _ =	vpop (xrf0)  }
0x159: {  	(v2sf) =	vpush v6, $0xF;
	_ =	sdelay $0xe  }
0x15a: {  	s0 =	spop (v2sf)  }
0x15b: {  	s0 =	sshll.u32 s0, $0x4  }
0x15c: {  	v6 =	vld [tilespmem:s0+$0x1C400];
	_ =	sdelay $0x4  }
0x15d: {  	vm1 =	veq.f32 v6, v5;
	v6 =	vxor.u32 s0, v36  }
0x15e: {  	v6 =	vnsel vm1, $0xC0000000, v6  }
0x15f: {  	(xrf0) =	vmin.scan.msk.u32 $0xffff, v6;
	_ =	sdelay $0x5  }
0x160: {  	v6, _, _ =	vpop (xrf0)  }
0x161: {  	(v2sf) =	vpush v6, $0xF;
	_ =	sdelay $0xe  }
0x162: {  	s30 =	spop (v2sf)  }
0x163: {  	s31 =	sxor.u32 $0x80000000, s30;
	s2 =	sshll.u32 s30, $0x8  }
0x164: {  	v6 =	vld [tilespmem:s2+$0x0];
	v7 =	vor.u32 s2, v33;
	s9 =	sor.u32 $0x10, s2;
	s24 =	sor.u32 $0x20, s2;
	s10 =	sor.u32 $0x30, s2  }
0x165: {  	s25 =	sor.u32 $0x40, s2;
	s11 =	sor.u32 $0x4B, s2;
	s12 =	sor.u32 $0x80, s2;
	vm1 =	vlt.s32 v7, $0x40000000  }
0x166: {  	s8 =	sor.u32 $0x90, s2;
	s7 =	sor.u32 $0xA0, s2;
	s6 =	sor.u32 $0xB0, s2;
	v7 =	vnsel vm1, $0x40000000, v7;
	v37 =	vld [tilespmem:s2+$0x20]  }
0x167: {  	s5 =	sor.u32 $0xC0, s2;
	s16 =	sor.u32 $0xCB, s2;
	s0 =	sand.u32 $0xFFFFFF80, s31;
	v38 =	vld [tilespmem:s2+$0x10]  }
0x168: {  	s1 =	sshra.s32 s31, $0x4  }
0x169: {  	vm1 =	veq.f32 v6, v5;
	v6 =	vld [tilespmem:s2+$0x30]  }
0x16a: {  	v39 =	vor.u32 s9, v33;
	v7 =	vnsel vm1, $0x40000000, v7  }
0x16b: {  	vm1 =	vlt.s32 v7, v39;
	vm2 =	veq.f32 v37, v5;
	v37 =	vld [tilespmem:s2+$0x40]  }
0x16c: {  	vm3 =	veq.f32 v38, v5;
	v38 =	vsel vm1, v7, v39;
	v39 =	vor.u32 s24, v33  }
0x16d: {  	v7 =	vsel vm3, v38, v7;
	v38 =	vnsel vm2, $0x40000000, v39;
	v39 =	vld [tilespmem:s2+$0x4B]  }
0x16e: {  	vm1 =	vlt.s32 v7, v38;
	vm2 =	veq.f32 v6, v5;
	v6 =	vor.u32 s10, v33  }
0x16f: {  	v7 =	vsel vm1, v7, v38;
	v6 =	vnsel vm2, $0x40000000, v6;
	v38 =	vld [tilespmem:s2+$0x80]  }
0x170: {  	vm1 =	vlt.s32 v7, v6;
	vm2 =	veq.f32 v37, v5;
	v37 =	vor.u32 s25, v33  }
0x171: {  	v6 =	vsel vm1, v7, v6;
	v7 =	vnsel vm2, $0x40000000, v37;
	v37 =	vld [tilespmem:s2+$0x90]  }
0x172: {  	vm1 =	vlt.s32 v6, v7;
	vm2 =	veq.f32 v39, v5;
	v39 =	vadd.s32 s11, v33  }
0x173: {  	v6 =	vsel vm1, v6, v7;
	v7 =	vnsel vm2, $0x40000000, v39;
	v39 =	vld [tilespmem:s2+$0xA0]  }
0x174: {  	vm1 =	vlt.s32 v6, v7;
	vm2 =	veq.f32 v38, v5;
	v38 =	vor.u32 s12, v33  }
0x175: {  	v6 =	vsel vm1, v6, v7;
	v7 =	vnsel vm2, $0x40000000, v38;
	v38 =	vld [tilespmem:s2+$0xB0]  }
0x176: {  	vm1 =	vlt.s32 v6, v7;
	vm2 =	veq.f32 v37, v5;
	v37 =	vor.u32 s8, v33  }
0x177: {  	v6 =	vsel vm1, v6, v7;
	v7 =	vnsel vm2, $0x40000000, v37;
	v37 =	vld [tilespmem:s2+$0xC0]  }
0x178: {  	vm1 =	vlt.s32 v6, v7;
	vm2 =	veq.f32 v39, v5;
	v39 =	vor.u32 s7, v33  }
0x179: {  	v6 =	vsel vm1, v6, v7;
	v7 =	vnsel vm2, $0x40000000, v39;
	v39 =	vld [tilespmem:s2+$0xCB]  }
0x17a: {  	vm1 =	vlt.s32 v6, v7;
	vm2 =	veq.f32 v38, v5;
	v38 =	vor.u32 s6, v33  }
0x17b: {  	v6 =	vsel vm1, v6, v7;
	v7 =	vnsel vm2, $0x40000000, v38  }
0x17c: {  	vm1 =	vlt.s32 v6, v7;
	vm2 =	veq.f32 v37, v5;
	v37 =	vor.u32 s5, v33  }
0x17d: {  	v6 =	vsel vm1, v6, v7;
	v7 =	vnsel vm2, $0x40000000, v37  }
0x17e: {  	v37 =	vadd.s32 s16, v33;
	vm1 =	vlt.s32 v6, v7;
	vm2 =	veq.f32 v39, v5  }
0x17f: {  	v6 =	vsel vm1, v6, v7;
	v7 =	vnsel vm2, $0x40000000, v37  }
0x180: {  	vm1 =	vlt.s32 v6, v7  }
0x181: {  	v6 =	vsel vm1, v6, v7  }
0x182: {  	v6 =	vxor.u32 $0x80000000, v6  }
0x183: {  	(xrf0) =	vmin.scan.msk.u32 $0xffff, v6;
	_ =	sdelay $0x5  }
0x184: {  	v6, _, _ =	vpop (xrf0)  }
0x185: {  	(v2sf) =	vpush v6, $0xF;
	_ =	sdelay $0xb  }
0x186: {  	v6 =	vmov s29;
	_ =	sdelay $0x2  }
0x187: {  	s5 =	spop (v2sf)  }
0x188: {  	s6 =	sxor.u32 $0x80000000, s5;
	s7 =	sand.u32 $0x70, s5  }
0x189: {  	s5 =	sand.u32 $0x7F, s5;
	[tilespmem:v6+s21+$0x0] =	vst.idx.msk $0x1, v5;
	v5 =	vmov s6;
	s6 =	sand.u32 $0xFFFFFF80, s6;
	s7 =	smin.u32 s7, $0x4B  }
0x18a: {  	[tilespmem:v6+s22+$0x0] =	vst.idx.msk $0x1, v5;
	s6 =	sor.u32 s7, s6;
	s5 =	ssub.s32 s5, s7  }
0x18b: {  	v5 =	vld [tilespmem:s6+$0x0];
	v6 =	vmov s5;
	_ =	sdelay $0x3  }
0x18c: {  	vm1 =	veq.s32 v6, v33  }
0x18d: {  	v5 =	vsel vm1, $0xFF800000, v5  }
0x18e: {  	[tilespmem:s6+$0x0] =	vst v5  }
0x18f: {  	v5 =	vld [tilespmem:s2+$0x20]  }
0x190: {  	v6 =	vld [tilespmem:s2+$0x0]  }
0x191: {  	v7 =	vld [tilespmem:s2+$0x10]  }
0x192: {  	v37 =	vld [tilespmem:s2+$0x30]  }
0x193: {  	v38 =	vld [tilespmem:s2+$0x40]  }
0x194: {  	v39 =	vld [tilespmem:s2+$0x4B]  }
0x195: {  	v40 =	vld [tilespmem:s2+$0x80]  }
0x196: {  	v6 =	vmax.f32 v6, v7;
	v7 =	vld [tilespmem:s2+$0x90]  }
0x197: {  	v5 =	vmax.f32 v6, v5;
	v6 =	vld [tilespmem:s2+$0xA0]  }
0x198: {  	v5 =	vmax.f32 v5, v37;
	v37 =	vld [tilespmem:s2+$0xB0]  }
0x199: {  	v5 =	vmax.f32 v5, v38;
	v38 =	vld [tilespmem:s2+$0xC0]  }
0x19a: {  	v5 =	vmax.f32 v5, v39;
	v39 =	vld [tilespmem:s2+$0xCB]  }
0x19b: {  	v5 =	vmax.f32 v5, v40  }
0x19c: {  	v5 =	vmax.f32 v5, v7  }
0x19d: {  	v5 =	vmax.f32 v5, v6  }
0x19e: {  	v5 =	vmax.f32 v5, v37  }
0x19f: {  	v5 =	vmax.f32 v5, v38  }
0x1a0: {  	v5 =	vmax.f32 v5, v39  }
0x1a1: {  	(xrf0) =	vmax.scan.msk.f32 $0xffff, v5;
	_ =	sdelay $0x2  }
0x1a2: {  	v5 =	vmov s31;
	_ =	sdelay $0x2  }
0x1a3: {  	v6, _, _ =	vpop (xrf0)  }
0x1a4: {  	s2 =	sand.u32 $0x70, s30;
	v6 =	vbroadcast v6, $0xF  }
0x1a5: {  	s0 =	sor.u32 s2, s0  }
0x1a6: {  	[tilespmem:v5+s19+$0x0] =	vst.idx.msk $0x1, v6  }
0x1a7: {  	v5 =	vld [tilespmem:s0+$0x1C400];
	_ =	sdelay $0x4  }
0x1a8: {  	(xrf0) =	vmax.scan.msk.f32 $0xffff, v5;
	_ =	sdelay $0x1  }
.Ltmp1:
0x1a9: {  	(pc) =	sbr.rel @p0 .LBB2_4-.Ltmp1, $2  }
0x1aa: {  	v5 =	vmov s1;
	_ =	sdelay $0x2  }
0x1ab: {  	v6, _, _ =	vpop (xrf0)  }
0x1ac: {  	_ =	sdelay $0x1  }
0x1ad: {  	v6 =	vbroadcast v6, $0xF;
	_ =	sdelay $0x1  }
0x1ae: {  	[tilespmem:v5+s20+$0x0] =	vst.idx.msk $0x1, v6  }
0x1af: {  	v5 =	vld [tilespmem:$0x1C680];
	_ =	sdelay $0x4  }
0x1b0: {  	v5 =	vsub.f32 $0.0e+00, v5;
	_ =	sdelay $0x1  }
0x1b1: {  	v5 =	vmul.f32 $1.442695020e+00, v5;
	_ =	sdelay $0x1  }
0x1b2: {  	v6 =	vld [tilespmem:s4+$0x1E380];
	(erf) = vpow2.f32 v5;
	_ =	sdelay $0x4  }
0x1b3: {  	vm1 =	veq.s32 v0, v33;
	vm2 =	veq.s32 v1, v33;
	v5 =	vxor.u32 $0x80000000, v6  }
0x1b4: {  	v6 =	vnsel vm1, $0x7FFFFFFF, v5;
	v5 =	vnsel vm2, $0x7FFFFFFF, v5  }
0x1b5: {  	(xrf0) =	vmax.scan.msk.u32 $0xffff, v6  }
0x1b6: {  	(xrf0) =	vmax.scan.msk.u32 $0xffff, v5  }
0x1b7: {  	v5 =	vpop (erf)  }
0x1b8: {  	v6 =	vld [tilespmem:$0x1C700];
	v5 =	vadd.f32 $1.000000000e+00, v5;
	_ =	sdelay $0x2  }
0x1b9: {  	v7, _, _ =	vpop (xrf0)  }
0x1ba: {  	(v2sf) =	vpush v7, $0xF;
	(erf) = vrcp.f32 v5;
	v5, _, _ =	vpop (xrf0)  }
0x1bb: {  	(v2sf) =	vpush v5, $0xF;
	v5 =	vshra.s32 v6, $0x7  }
0x1bc: {  	vm1 =	vgt.s32 v5, $0x0  }
0x1bd: {  	v5 =	vnsel vm1, $0x0, v5  }
0x1be: {  	v5 =	vmin.u32 v5, $0x383  }
0x1bf: {  	v5 =	vshll.u32 v5, $0x2  }
0x1c0: {  	v7 =	vor.u32 $0x2, v5  }
0x1c1: {  	v37 =	vor.u32 $0x3, v5  }
0x1c2: {  	v6 =	vand.u32 $0x7F, v6  }
0x1c3: {  	[tilespmem:$0x1CB80] =	vst v6;
	v48 =	vor.u32 $0x1, v5;
	v38 =	vpop (erf)  }
0x1c4: {  	[tilespmem:$0x1C780] =	vst v38  }
0x1c5: {  	v6 =	vld.idx.msk [tilespmem:v7+s18+$0x0], $0xffff  }
0x1c6: {  	v7 =	vld.idx.msk [tilespmem:v37+s18+$0x0], $0xffff  }
0x1c7: {  	v5 =	vld.idx.msk [tilespmem:v5+s18+$0x0], $0xffff  }
0x1c8: {  	v41 =	vld.idx.msk [tilespmem:v48+s18+$0x0], $0xffff  }
0x1c9: {  	s0 =	spop (v2sf)  }
0x1ca: {  	v37 =	vmul.u32 $0x4, v33;
	s1 =	spop (v2sf);
	v6 =	vmul.f32 $5.000000000e-01, v6  }
0x1cb: {  	v7 =	vmul.f32 $5.000000000e-01, v7;
	s1 =	sxor.u32 $0x80000000, s1  }
0x1cc: {  	s0 =	sxor.u32 $0x80000000, s0;
	v38 =	vor.u32 $0x1, v37;
	s28 =	scvt.s32.f32 s1;
	v40 =	vsub.f32 v5, v6  }
0x1cd: {  	s29 =	scvt.s32.f32 s0;
	v39 =	vor.u32 $0x2, v37;
	v42 =	vsub.f32 v41, v7  }
0x1ce: {  	v5 =	vadd.f32 v6, v5;
	v43 =	vmul.f32 s28, v40;
	v40 =	vor.u32 $0x3, v37  }
0x1cf: {  	v7 =	vadd.f32 v7, v41;
	v6 =	vmul.f32 s29, v42  }
0x1d0: {  	v5 =	vmul.f32 s28, v5;
	[tilespmem:v37+s23+$0x0] =	vst.idx.msk $0xffff, v43  }
0x1d1: {  	[tilespmem:v38+s23+$0x0] =	vst.idx.msk $0xffff, v6;
	v6 =	vmul.f32 s29, v7  }
0x1d2: {  	[tilespmem:v39+s23+$0x0] =	vst.idx.msk $0xffff, v5  }
0x1d3: {  	[tilespmem:v40+s23+$0x0] =	vst.idx.msk $0xffff, v6  }
0x1d4: {  	v5 =	vld [tilespmem:$0x1C690];
	_ =	sdelay $0x4  }
0x1d5: {  	v5 =	vsub.f32 $0.0e+00, v5;
	_ =	sdelay $0x1  }
0x1d6: {  	v5 =	vmul.f32 $1.442695020e+00, v5;
	_ =	sdelay $0x1  }
0x1d7: {  	(erf) = vpow2.f32 v5;
	_ =	sdelay $0x7  }
0x1d8: {  	v6 =	vld [tilespmem:$0x1C710]  }
0x1d9: {  	v5 =	vpop (erf)  }
0x1da: {  	v5 =	vadd.f32 $1.000000000e+00, v5;
	_ =	sdelay $0x1  }
0x1db: {  	(erf) = vrcp.f32 v5  }
0x1dc: {  	v5 =	vshra.s32 v6, $0x7  }
0x1dd: {  	vm1 =	vgt.s32 v5, $0x0  }
0x1de: {  	v5 =	vnsel vm1, $0x0, v5  }
0x1df: {  	v5 =	vmin.u32 v5, $0x383  }
0x1e0: {  	v5 =	vshll.u32 v5, $0x2  }
0x1e1: {  	v7 =	vor.u32 $0x2, v5  }
0x1e2: {  	v49 =	vor.u32 $0x3, v5  }
0x1e3: {  	v6 =	vand.u32 $0x7F, v6  }
0x1e4: {  	[tilespmem:$0x1CB90] =	vst v6;
	v51 =	vor.u32 $0x1, v5;
	v50 =	vpop (erf)  }
0x1e5: {  	[tilespmem:$0x1C790] =	vst v50  }
0x1e6: {  	v6 =	vld.idx.msk [tilespmem:v7+s18+$0x0], $0xffff  }
0x1e7: {  	v7 =	vld.idx.msk [tilespmem:v49+s18+$0x0], $0xffff  }
0x1e8: {  	v5 =	vld.idx.msk [tilespmem:v5+s18+$0x0], $0xffff  }
0x1e9: {  	v45 =	vld.idx.msk [tilespmem:v51+s18+$0x0], $0xffff;
	_ =	sdelay $0x1  }
0x1ea: {  	v6 =	vmul.f32 $5.000000000e-01, v6  }
0x1eb: {  	v41 =	vor.u32 $0x40, v37;
	v7 =	vmul.f32 $5.000000000e-01, v7  }
0x1ec: {  	v42 =	vor.u32 $0x41, v37;
	v44 =	vsub.f32 v5, v6  }
0x1ed: {  	v43 =	vor.u32 $0x42, v37;
	v46 =	vsub.f32 v45, v7  }
0x1ee: {  	v5 =	vadd.f32 v6, v5;
	v47 =	vmul.f32 s28, v44;
	v44 =	vor.u32 $0x43, v37  }
0x1ef: {  	v7 =	vadd.f32 v7, v45;
	v6 =	vmul.f32 s29, v46  }
0x1f0: {  	v5 =	vmul.f32 s28, v5;
	[tilespmem:v41+s23+$0x0] =	vst.idx.msk $0xffff, v47  }
0x1f1: {  	[tilespmem:v42+s23+$0x0] =	vst.idx.msk $0xffff, v6;
	v6 =	vmul.f32 s29, v7  }
0x1f2: {  	[tilespmem:v43+s23+$0x0] =	vst.idx.msk $0xffff, v5  }
0x1f3: {  	[tilespmem:v44+s23+$0x0] =	vst.idx.msk $0xffff, v6  }
0x1f4: {  	v5 =	vld [tilespmem:$0x1C6A0];
	_ =	sdelay $0x4  }
0x1f5: {  	v5 =	vsub.f32 $0.0e+00, v5;
	_ =	sdelay $0x1  }
0x1f6: {  	v5 =	vmul.f32 $1.442695020e+00, v5;
	_ =	sdelay $0x1  }
0x1f7: {  	(erf) = vpow2.f32 v5;
	_ =	sdelay $0x7  }
0x1f8: {  	v6 =	vld [tilespmem:$0x1C720]  }
0x1f9: {  	v5 =	vpop (erf)  }
0x1fa: {  	v5 =	vadd.f32 $1.000000000e+00, v5;
	_ =	sdelay $0x1  }
0x1fb: {  	(erf) = vrcp.f32 v5  }
0x1fc: {  	v5 =	vshra.s32 v6, $0x7  }
0x1fd: {  	vm1 =	vgt.s32 v5, $0x0  }
0x1fe: {  	v5 =	vnsel vm1, $0x0, v5  }
0x1ff: {  	v5 =	vmin.u32 v5, $0x383  }
0x200: {  	v5 =	vshll.u32 v5, $0x2  }
0x201: {  	v7 =	vor.u32 $0x2, v5  }
0x202: {  	v52 =	vor.u32 $0x3, v5  }
0x203: {  	v6 =	vand.u32 $0x7F, v6  }
0x204: {  	[tilespmem:$0x1CBA0] =	vst v6;
	v54 =	vor.u32 $0x1, v5;
	v53 =	vpop (erf)  }
0x205: {  	[tilespmem:$0x1C7A0] =	vst v53  }
0x206: {  	v6 =	vld.idx.msk [tilespmem:v7+s18+$0x0], $0xffff  }
0x207: {  	v7 =	vld.idx.msk [tilespmem:v52+s18+$0x0], $0xffff  }
0x208: {  	v5 =	vld.idx.msk [tilespmem:v5+s18+$0x0], $0xffff  }
0x209: {  	v49 =	vld.idx.msk [tilespmem:v54+s18+$0x0], $0xffff;
	_ =	sdelay $0x1  }
0x20a: {  	v6 =	vmul.f32 $5.000000000e-01, v6  }
0x20b: {  	v45 =	vor.u32 $0x80, v37;
	v7 =	vmul.f32 $5.000000000e-01, v7  }
0x20c: {  	v46 =	vor.u32 $0x81, v37;
	v48 =	vsub.f32 v5, v6  }
0x20d: {  	v47 =	vor.u32 $0x82, v37;
	v50 =	vsub.f32 v49, v7  }
0x20e: {  	v5 =	vadd.f32 v6, v5;
	v51 =	vmul.f32 s28, v48;
	v48 =	vor.u32 $0x83, v37  }
0x20f: {  	v7 =	vadd.f32 v7, v49;
	v6 =	vmul.f32 s29, v50  }
0x210: {  	v5 =	vmul.f32 s28, v5;
	[tilespmem:v45+s23+$0x0] =	vst.idx.msk $0xffff, v51  }
0x211: {  	[tilespmem:v46+s23+$0x0] =	vst.idx.msk $0xffff, v6;
	v6 =	vmul.f32 s29, v7  }
0x212: {  	[tilespmem:v47+s23+$0x0] =	vst.idx.msk $0xffff, v5  }
0x213: {  	[tilespmem:v48+s23+$0x0] =	vst.idx.msk $0xffff, v6  }
0x214: {  	v5 =	vld [tilespmem:$0x1C6B0];
	_ =	sdelay $0x4  }
0x215: {  	v5 =	vsub.f32 $0.0e+00, v5;
	_ =	sdelay $0x1  }
0x216: {  	v5 =	vmul.f32 $1.442695020e+00, v5;
	_ =	sdelay $0x1  }
0x217: {  	(erf) = vpow2.f32 v5;
	_ =	sdelay $0x7  }
0x218: {  	v6 =	vld [tilespmem:$0x1C730]  }
0x219: {  	v5 =	vpop (erf)  }
0x21a: {  	v5 =	vadd.f32 $1.000000000e+00, v5;
	_ =	sdelay $0x1  }
0x21b: {  	(erf) = vrcp.f32 v5  }
0x21c: {  	v5 =	vshra.s32 v6, $0x7  }
0x21d: {  	vm1 =	vgt.s32 v5, $0x0  }
0x21e: {  	v5 =	vnsel vm1, $0x0, v5  }
0x21f: {  	v5 =	vmin.u32 v5, $0x383  }
0x220: {  	v5 =	vshll.u32 v5, $0x2  }
0x221: {  	v7 =	vor.u32 $0x2, v5  }
0x222: {  	v55 =	vor.u32 $0x3, v5  }
0x223: {  	v6 =	vand.u32 $0x7F, v6  }
0x224: {  	[tilespmem:$0x1CBB0] =	vst v6;
	v57 =	vor.u32 $0x1, v5;
	v56 =	vpop (erf)  }
0x225: {  	[tilespmem:$0x1C7B0] =	vst v56  }
0x226: {  	v6 =	vld.idx.msk [tilespmem:v7+s18+$0x0], $0xffff  }
0x227: {  	v7 =	vld.idx.msk [tilespmem:v55+s18+$0x0], $0xffff  }
0x228: {  	v5 =	vld.idx.msk [tilespmem:v5+s18+$0x0], $0xffff  }
0x229: {  	v53 =	vld.idx.msk [tilespmem:v57+s18+$0x0], $0xffff;
	_ =	sdelay $0x1  }
0x22a: {  	v6 =	vmul.f32 $5.000000000e-01, v6  }
0x22b: {  	v49 =	vor.u32 $0xC0, v37;
	v7 =	vmul.f32 $5.000000000e-01, v7  }
0x22c: {  	v50 =	vor.u32 $0xC1, v37;
	v52 =	vsub.f32 v5, v6  }
0x22d: {  	v51 =	vor.u32 $0xC2, v37;
	v54 =	vsub.f32 v53, v7  }
0x22e: {  	v5 =	vadd.f32 v6, v5;
	v55 =	vmul.f32 s28, v52;
	v52 =	vor.u32 $0xC3, v37  }
0x22f: {  	v7 =	vadd.f32 v7, v53;
	v6 =	vmul.f32 s29, v54  }
0x230: {  	v5 =	vmul.f32 s28, v5;
	[tilespmem:v49+s23+$0x0] =	vst.idx.msk $0xffff, v55  }
0x231: {  	[tilespmem:v50+s23+$0x0] =	vst.idx.msk $0xffff, v6;
	v6 =	vmul.f32 s29, v7  }
0x232: {  	[tilespmem:v51+s23+$0x0] =	vst.idx.msk $0xffff, v5  }
0x233: {  	[tilespmem:v52+s23+$0x0] =	vst.idx.msk $0xffff, v6  }
0x234: {  	v5 =	vld [tilespmem:$0x1C6C0];
	_ =	sdelay $0x4  }
0x235: {  	v5 =	vsub.f32 $0.0e+00, v5;
	_ =	sdelay $0x1  }
0x236: {  	v5 =	vmul.f32 $1.442695020e+00, v5;
	_ =	sdelay $0x1  }
0x237: {  	(erf) = vpow2.f32 v5;
	_ =	sdelay $0x7  }
0x238: {  	v6 =	vld [tilespmem:$0x1C740]  }
0x239: {  	v5 =	vpop (erf)  }
0x23a: {  	v5 =	vadd.f32 $1.000000000e+00, v5;
	_ =	sdelay $0x1  }
0x23b: {  	(erf) = vrcp.f32 v5  }
0x23c: {  	v5 =	vshra.s32 v6, $0x7  }
0x23d: {  	vm1 =	vgt.s32 v5, $0x0  }
0x23e: {  	v5 =	vnsel vm1, $0x0, v5  }
0x23f: {  	v5 =	vmin.u32 v5, $0x383  }
0x240: {  	v5 =	vshll.u32 v5, $0x2  }
0x241: {  	v7 =	vor.u32 $0x2, v5  }
0x242: {  	v58 =	vor.u32 $0x3, v5  }
0x243: {  	v6 =	vand.u32 $0x7F, v6  }
0x244: {  	[tilespmem:$0x1CBC0] =	vst v6;
	v60 =	vor.u32 $0x1, v5;
	v59 =	vpop (erf)  }
0x245: {  	[tilespmem:$0x1C7C0] =	vst v59  }
0x246: {  	v6 =	vld.idx.msk [tilespmem:v7+s18+$0x0], $0xffff  }
0x247: {  	v7 =	vld.idx.msk [tilespmem:v58+s18+$0x0], $0xffff  }
0x248: {  	v5 =	vld.idx.msk [tilespmem:v5+s18+$0x0], $0xffff  }
0x249: {  	v57 =	vld.idx.msk [tilespmem:v60+s18+$0x0], $0xffff;
	_ =	sdelay $0x1  }
0x24a: {  	v6 =	vmul.f32 $5.000000000e-01, v6  }
0x24b: {  	v53 =	vor.u32 $0x100, v37;
	v7 =	vmul.f32 $5.000000000e-01, v7  }
0x24c: {  	v54 =	vor.u32 $0x101, v37;
	v56 =	vsub.f32 v5, v6  }
0x24d: {  	v55 =	vor.u32 $0x102, v37;
	v58 =	vsub.f32 v57, v7  }
0x24e: {  	v5 =	vadd.f32 v6, v5;
	v59 =	vmul.f32 s28, v56;
	v56 =	vor.u32 $0x103, v37  }
0x24f: {  	v7 =	vadd.f32 v7, v57;
	v6 =	vmul.f32 s29, v58  }
0x250: {  	v5 =	vmul.f32 s28, v5;
	[tilespmem:v53+s23+$0x0] =	vst.idx.msk $0xffff, v59  }
0x251: {  	[tilespmem:v54+s23+$0x0] =	vst.idx.msk $0xffff, v6;
	v6 =	vmul.f32 s29, v7  }
0x252: {  	[tilespmem:v55+s23+$0x0] =	vst.idx.msk $0xffff, v5  }
0x253: {  	[tilespmem:v56+s23+$0x0] =	vst.idx.msk $0xffff, v6  }
0x254: {  	v5 =	vld [tilespmem:$0x1C6D0];
	_ =	sdelay $0x4  }
0x255: {  	v5 =	vsub.f32 $0.0e+00, v5;
	_ =	sdelay $0x1  }
0x256: {  	v5 =	vmul.f32 $1.442695020e+00, v5;
	_ =	sdelay $0x1  }
0x257: {  	(erf) = vpow2.f32 v5;
	_ =	sdelay $0x7  }
0x258: {  	v6 =	vld [tilespmem:$0x1C750]  }
0x259: {  	v5 =	vpop (erf)  }
0x25a: {  	v5 =	vadd.f32 $1.000000000e+00, v5;
	_ =	sdelay $0x1  }
0x25b: {  	(erf) = vrcp.f32 v5  }
0x25c: {  	v5 =	vshra.s32 v6, $0x7  }
0x25d: {  	vm1 =	vgt.s32 v5, $0x0  }
0x25e: {  	v5 =	vnsel vm1, $0x0, v5  }
0x25f: {  	v5 =	vmin.u32 v5, $0x383  }
0x260: {  	v5 =	vshll.u32 v5, $0x2  }
0x261: {  	v7 =	vor.u32 $0x2, v5  }
0x262: {  	v61 =	vor.u32 $0x3, v5  }
0x263: {  	v6 =	vand.u32 $0x7F, v6  }
0x264: {  	[tilespmem:$0x1CBD0] =	vst v6;
	v63 =	vor.u32 $0x1, v5;
	v62 =	vpop (erf)  }
0x265: {  	[tilespmem:$0x1C7D0] =	vst v62  }
0x266: {  	v6 =	vld.idx.msk [tilespmem:v7+s18+$0x0], $0xffff  }
0x267: {  	v7 =	vld.idx.msk [tilespmem:v61+s18+$0x0], $0xffff  }
0x268: {  	v5 =	vld.idx.msk [tilespmem:v5+s18+$0x0], $0xffff  }
0x269: {  	v61 =	vld.idx.msk [tilespmem:v63+s18+$0x0], $0xffff;
	_ =	sdelay $0x1  }
0x26a: {  	v6 =	vmul.f32 $5.000000000e-01, v6  }
0x26b: {  	v57 =	vor.u32 $0x140, v37;
	v7 =	vmul.f32 $5.000000000e-01, v7  }
0x26c: {  	v58 =	vor.u32 $0x141, v37;
	v60 =	vsub.f32 v5, v6  }
0x26d: {  	v59 =	vor.u32 $0x142, v37;
	v62 =	vsub.f32 v61, v7  }
0x26e: {  	v5 =	vadd.f32 v6, v5;
	v63 =	vmul.f32 s28, v60;
	v60 =	vor.u32 $0x143, v37  }
0x26f: {  	v7 =	vadd.f32 v7, v61;
	v6 =	vmul.f32 s29, v62  }
0x270: {  	v5 =	vmul.f32 s28, v5;
	[tilespmem:v57+s23+$0x0] =	vst.idx.msk $0xffff, v63  }
0x271: {  	[tilespmem:v58+s23+$0x0] =	vst.idx.msk $0xffff, v6;
	v6 =	vmul.f32 s29, v7  }
0x272: {  	[tilespmem:v59+s23+$0x0] =	vst.idx.msk $0xffff, v5  }
0x273: {  	[tilespmem:v60+s23+$0x0] =	vst.idx.msk $0xffff, v6  }
0x274: {  	v5 =	vld [tilespmem:$0x1C6E0];
	_ =	sdelay $0x4  }
0x275: {  	v5 =	vsub.f32 $0.0e+00, v5;
	_ =	sdelay $0x1  }
0x276: {  	v5 =	vmul.f32 $1.442695020e+00, v5;
	_ =	sdelay $0x1  }
0x277: {  	(erf) = vpow2.f32 v5;
	_ =	sdelay $0x7  }
0x278: {  	v6 =	vld [tilespmem:$0x1C760]  }
0x279: {  	v5 =	vpop (erf)  }
0x27a: {  	v5 =	vadd.f32 $1.000000000e+00, v5;
	_ =	sdelay $0x1  }
0x27b: {  	(erf) = vrcp.f32 v5  }
0x27c: {  	v5 =	vshra.s32 v6, $0x7  }
0x27d: {  	vm1 =	vgt.s32 v5, $0x0  }
0x27e: {  	v5 =	vnsel vm1, $0x0, v5  }
0x27f: {  	v5 =	vmin.u32 v5, $0x383  }
0x280: {  	v5 =	vshll.u32 v5, $0x2  }
0x281: {  	v7 =	vor.u32 $0x2, v5  }
0x282: {  	v9 =	vor.u32 $0x3, v5  }
0x283: {  	v6 =	vand.u32 $0x7F, v6  }
0x284: {  	[tilespmem:$0x1CBE0] =	vst v6;
	v11 =	vor.u32 $0x1, v5;
	v10 =	vpop (erf)  }
0x285: {  	[tilespmem:$0x1C7E0] =	vst v10  }
0x286: {  	v6 =	vld.idx.msk [tilespmem:v7+s18+$0x0], $0xffff  }
0x287: {  	v7 =	vld.idx.msk [tilespmem:v9+s18+$0x0], $0xffff  }
0x288: {  	v5 =	vld.idx.msk [tilespmem:v5+s18+$0x0], $0xffff  }
0x289: {  	v8 =	vld.idx.msk [tilespmem:v11+s18+$0x0], $0xffff;
	_ =	sdelay $0x1  }
0x28a: {  	v6 =	vmul.f32 $5.000000000e-01, v6  }
0x28b: {  	v61 =	vor.u32 $0x180, v37;
	v7 =	vmul.f32 $5.000000000e-01, v7  }
0x28c: {  	v62 =	vor.u32 $0x181, v37;
	v9 =	vsub.f32 v5, v6  }
0x28d: {  	v63 =	vor.u32 $0x182, v37;
	v10 =	vsub.f32 v8, v7  }
0x28e: {  	v6 =	vadd.f32 v6, v5;
	v5 =	vor.u32 $0x183, v37;
	v9 =	vmul.f32 s28, v9  }
0x28f: {  	v7 =	vadd.f32 v7, v8;
	v8 =	vmul.f32 s29, v10  }
0x290: {  	v6 =	vmul.f32 s28, v6;
	[tilespmem:v61+s23+$0x0] =	vst.idx.msk $0xffff, v9  }
0x291: {  	v7 =	vmul.f32 s29, v7;
	[tilespmem:v62+s23+$0x0] =	vst.idx.msk $0xffff, v8  }
0x292: {  	[tilespmem:v63+s23+$0x0] =	vst.idx.msk $0xffff, v6  }
0x293: {  	s24 =	rddreg [dreg:$0x5];
	s2 =	simm.s32 $0x1C780;
	s0 =	simm.s32 $0x0;
	[tilespmem:v5+s23+$0x0] =	vst.idx.msk $0xffff, v7  }
0x294: {  	[hbm4b:s24+s0] =	stream.linear.scatter [tilespmem:s2], [sflag:$0x1], $0x400, $0x38;
	[tilespmem:$0x1E400] =	vst v63  }
0x295: {  	_ =	swait.ge [sflag:s17], $0x400  }
0x296: {  	[sflag:s17] =	ssyncset.done $0x0  }
0x297: {  	s28 =	simm.s32 $0x1CB80;
	s25 =	rddreg [dreg:$0x6];
	[sflag:s17] =	ssyncadd.s32 $0xFFFFFC00  }
0x298: {  	[hbm4b:s25+s0] =	stream.linear.scatter [tilespmem:s28], [sflag:$0x1], $0x400, $0x38;
	[tilespmem:$0x1E400] =	vst v63  }
0x299: {  	_ =	swait.ge [sflag:s17], $0x400  }
0x29a: {  	[sflag:s17] =	ssyncset.done $0x0  }
0x29b: {  	s29 =	rddreg [dreg:$0x7];
	[sflag:s17] =	ssyncadd.s32 $0xFFFFFC00  }
0x29c: {  	[hbm4b:s29+s0] =	stream.linear.scatter [tilespmem:s23], [sflag:$0x1], $0x400, $0x38;
	[tilespmem:$0x1E400] =	vst v63  }
0x29d: {  	_ =	swait.ge [sflag:s17], $0x400  }
0x29e: {  	[sflag:s17] =	ssyncset.done $0x0  }
0x29f: {  	s30 =	rddreg [dreg:$0x8];
	[sflag:s17] =	ssyncadd.s32 $0xFFFFFC00  }
0x2a0: {  	[tilespmem:s0], [sflag:$0x1] =	stream.linear.gather [hbm4b:s30+s0], $0x1C200, $0x38;
	[tilespmem:$0x1E400] =	vst v63  }
0x2a1: {  	_ =	swait.ge [sflag:s17], $0x1C200  }
0x2a2: {  	[sflag:s17] =	ssyncset.done $0x0  }
0x2a3: {  	s31 =	rddreg [dreg:$0x9];
	[sflag:s17] =	ssyncadd.s32 $0xFFFE3E00  }
0x2a4: {  	[tilespmem:s18], [sflag:$0x1] =	stream.linear.gather [hbm4b:s31+s0], $0x1000, $0x38;
	[tilespmem:$0x1E400] =	vst v63  }
0x2a5: {  	_ =	swait.ge [sflag:s17], $0x1000  }
0x2a6: {  	[sflag:s17] =	ssyncset.done $0x0  }
0x2a7: {  	s1 =	simm.s32 $0x80;
	[sflag:s17] =	ssyncadd.s32 $0xFFFFF000  }
0x2a8: {  	v6 =	vld [tilespmem:s1+$0xFFFFFF90]  }
0x2a9: {  	s2 =	simm.s32 $0x1;
	v7 =	vld [tilespmem:s1+$0xFFFFFF80]  }
.LBB2_6:
0x2aa: {  	p0 =	sne.s32 s2, $0x1C1;
	v8 =	vld [tilespmem:s1+$0xFFFFFFA0]  }
0x2ab: {  	v9 =	vld [tilespmem:s1+$0xFFFFFFB0]  }
0x2ac: {  	v10 =	vld [tilespmem:s1+$0xFFFFFFC0]  }
0x2ad: {  	v11 =	vld [tilespmem:s1+$0xFFFFFFCB]  }
0x2ae: {  	v6 =	vmax.f32 v7, v6;
	v7 =	vld [tilespmem:s1+$0x0]  }
0x2af: {  	v6 =	vmax.f32 v6, v8;
	v8 =	vld [tilespmem:s1+$0x10]  }
0x2b0: {  	v6 =	vmax.f32 v6, v9;
	v9 =	vld [tilespmem:s1+$0x20]  }
0x2b1: {  	v6 =	vmax.f32 v6, v10;
	v10 =	vld [tilespmem:s1+$0x30]  }
0x2b2: {  	v6 =	vmax.f32 v6, v11;
	v11 =	vld [tilespmem:s1+$0x40]  }
0x2b3: {  	v6 =	vmax.f32 v6, v7;
	v7 =	vld [tilespmem:s1+$0x4B]  }
0x2b4: {  	v6 =	vmax.f32 v6, v8  }
0x2b5: {  	v6 =	vmax.f32 v6, v9  }
0x2b6: {  	v6 =	vmax.f32 v6, v10  }
0x2b7: {  	v6 =	vmax.f32 v6, v11  }
0x2b8: {  	v6 =	vmax.f32 v6, v7  }
0x2b9: {  	(xrf0) =	vmax.scan.msk.f32 $0xffff, v6;
	_ =	sdelay $0x3  }
0x2ba: {  	v6 =	vmov s0;
	s0 =	smov.u32 s2;
	_ =	sdelay $0x1  }
0x2bb: {  	v7, _, _ =	vpop (xrf0)  }
.Ltmp2:
0x2bc: {  	v7 =	vbroadcast v7, $0xF;
	(pc) =	sbr.rel @p0 .LBB2_6-.Ltmp2, $4  }
0x2bd: {  	_ = 	snop  }
0x2be: {  	s1 =	sadd.s32 $0x100, s1;
	[tilespmem:v6+s19+$0x0] =	vst.idx.msk $0x1, v7  }
0x2bf: {  	v6 =	vld [tilespmem:s1+$0xFFFFFF90]  }
0x2c0: {  	s2 =	sadd.s32 $0x1, s2;
	v7 =	vld [tilespmem:s1+$0xFFFFFF80]  }
0x2c1: {  	v8 =	vld [tilespmem:s1+$0xFFFFFFA0]  }
0x2c2: {  	v9 =	vld [tilespmem:s1+$0xFFFFFFB0]  }
0x2c3: {  	v10 =	vld [tilespmem:s1+$0xFFFFFFC0]  }
0x2c4: {  	v11 =	vld [tilespmem:s1+$0xFFFFFFCB]  }
0x2c5: {  	v6 =	vmax.f32 v7, v6;
	v7 =	vld [tilespmem:s1+$0x0]  }
0x2c6: {  	v6 =	vmax.f32 v6, v8;
	v8 =	vld [tilespmem:s1+$0x10]  }
0x2c7: {  	v6 =	vmax.f32 v6, v9;
	v9 =	vld [tilespmem:s1+$0x20]  }
0x2c8: {  	v6 =	vmax.f32 v6, v10;
	v10 =	vld [tilespmem:s1+$0x30]  }
0x2c9: {  	v6 =	vmax.f32 v6, v11;
	v11 =	vld [tilespmem:s1+$0x40]  }
0x2ca: {  	v6 =	vmax.f32 v6, v7;
	v7 =	vld [tilespmem:s1+$0x4B]  }
0x2cb: {  	v6 =	vmax.f32 v6, v8  }
0x2cc: {  	v6 =	vmax.f32 v6, v9  }
0x2cd: {  	v6 =	vmax.f32 v6, v10  }
0x2ce: {  	v6 =	vmax.f32 v6, v11  }
0x2cf: {  	v6 =	vmax.f32 v6, v7  }
0x2d0: {  	(xrf0) =	vmax.scan.msk.f32 $0xffff, v6;
	_ =	sdelay $0x3  }
0x2d1: {  	v6 =	vmov s0;
	_ =	sdelay $0x1  }
0x2d2: {  	v7, _, _ =	vpop (xrf0)  }
0x2d3: {  	v7 =	vbroadcast v7, $0xF;
	_ =	sdelay $0x1  }
0x2d4: {  	[tilespmem:v6+s19+$0x0] =	vst.idx.msk $0x1, v7  }
0x2d5: {  	v6 =	vld [tilespmem:$0x1C400];
	_ =	sdelay $0x2  }
0x2d6: {  	v7 =	vld [tilespmem:$0x1C5C0];
	_ =	sdelay $0x1  }
0x2d7: {  	(xrf0) =	vmax.scan.msk.f32 $0xffff, v6;
	_ =	sdelay $0x2  }
0x2d8: {  	v6 =	vnsel vm0, $0xFF800000, v7;
	_ =	sdelay $0x2  }
0x2d9: {  	[tilespmem:$0x1C5C0] =	vst v6;
	v6, _, _ =	vpop (xrf0)  }
0x2da: {  	[tilespmem:$0x1C600] =	vst v4;
	v6 =	vbroadcast v6, $0xF  }
0x2db: {  	[tilespmem:$0x1C610] =	vst v4  }
0x2dc: {  	[tilespmem:v12+s20+$0x0] =	vst.idx.msk $0x1, v6  }
0x2dd: {  	v6 =	vld [tilespmem:$0x1C410];
	_ =	sdelay $0x4  }
0x2de: {  	(xrf0) =	vmax.scan.msk.f32 $0xffff, v6;
	_ =	sdelay $0x3  }
0x2df: {  	v7 =	vimm.s32 $0x1;
	_ =	sdelay $0x1  }
0x2e0: {  	v6, _, _ =	vpop (xrf0)  }
0x2e1: {  	v6 =	vbroadcast v6, $0xF;
	_ =	sdelay $0x1  }
0x2e2: {  	[tilespmem:v7+s20+$0x0] =	vst.idx.msk $0x1, v6  }
0x2e3: {  	v6 =	vld [tilespmem:$0x1C420];
	_ =	sdelay $0x4  }
0x2e4: {  	(xrf0) =	vmax.scan.msk.f32 $0xffff, v6;
	_ =	sdelay $0x3  }
0x2e5: {  	v7 =	vimm.s32 $0x2;
	_ =	sdelay $0x1  }
0x2e6: {  	v6, _, _ =	vpop (xrf0)  }
0x2e7: {  	v6 =	vbroadcast v6, $0xF;
	_ =	sdelay $0x1  }
0x2e8: {  	[tilespmem:v7+s20+$0x0] =	vst.idx.msk $0x1, v6  }
0x2e9: {  	v6 =	vld [tilespmem:$0x1C430];
	_ =	sdelay $0x4  }
0x2ea: {  	(xrf0) =	vmax.scan.msk.f32 $0xffff, v6;
	_ =	sdelay $0x3  }
0x2eb: {  	v7 =	vimm.s32 $0x3;
	_ =	sdelay $0x1  }
0x2ec: {  	v6, _, _ =	vpop (xrf0)  }
0x2ed: {  	v6 =	vbroadcast v6, $0xF;
	_ =	sdelay $0x1  }
0x2ee: {  	[tilespmem:v7+s20+$0x0] =	vst.idx.msk $0x1, v6  }
0x2ef: {  	v6 =	vld [tilespmem:$0x1C440];
	_ =	sdelay $0x4  }
0x2f0: {  	(xrf0) =	vmax.scan.msk.f32 $0xffff, v6;
	_ =	sdelay $0x3  }
0x2f1: {  	v7 =	vimm.s32 $0x4;
	_ =	sdelay $0x1  }
0x2f2: {  	v6, _, _ =	vpop (xrf0)  }
0x2f3: {  	v6 =	vbroadcast v6, $0xF;
	_ =	sdelay $0x1  }
0x2f4: {  	[tilespmem:v7+s20+$0x0] =	vst.idx.msk $0x1, v6  }
0x2f5: {  	v6 =	vld [tilespmem:$0x1C450];
	_ =	sdelay $0x4  }
0x2f6: {  	(xrf0) =	vmax.scan.msk.f32 $0xffff, v6;
	_ =	sdelay $0x3  }
0x2f7: {  	v7 =	vimm.s32 $0x5;
	_ =	sdelay $0x1  }
0x2f8: {  	v6, _, _ =	vpop (xrf0)  }
0x2f9: {  	v6 =	vbroadcast v6, $0xF;
	_ =	sdelay $0x1  }
0x2fa: {  	[tilespmem:v7+s20+$0x0] =	vst.idx.msk $0x1, v6  }
0x2fb: {  	v6 =	vld [tilespmem:$0x1C460];
	_ =	sdelay $0x4  }
0x2fc: {  	(xrf0) =	vmax.scan.msk.f32 $0xffff, v6;
	_ =	sdelay $0x3  }
0x2fd: {  	v7 =	vimm.s32 $0x6;
	_ =	sdelay $0x1  }
0x2fe: {  	v6, _, _ =	vpop (xrf0)  }
0x2ff: {  	v6 =	vbroadcast v6, $0xF;
	_ =	sdelay $0x1  }
0x300: {  	[tilespmem:v7+s20+$0x0] =	vst.idx.msk $0x1, v6  }
0x301: {  	v6 =	vld [tilespmem:$0x1C470];
	_ =	sdelay $0x4  }
0x302: {  	(xrf0) =	vmax.scan.msk.f32 $0xffff, v6;
	_ =	sdelay $0x3  }
0x303: {  	v7 =	vimm.s32 $0x7;
	_ =	sdelay $0x1  }
0x304: {  	v6, _, _ =	vpop (xrf0)  }
0x305: {  	v6 =	vbroadcast v6, $0xF;
	_ =	sdelay $0x1  }
0x306: {  	[tilespmem:v7+s20+$0x0] =	vst.idx.msk $0x1, v6  }
0x307: {  	v6 =	vld [tilespmem:$0x1C480];
	_ =	sdelay $0x4  }
0x308: {  	(xrf0) =	vmax.scan.msk.f32 $0xffff, v6;
	_ =	sdelay $0x5  }
0x309: {  	v6, _, _ =	vpop (xrf0)  }
0x30a: {  	v6 =	vbroadcast v6, $0xF;
	_ =	sdelay $0x1  }
0x30b: {  	[tilespmem:v13+s20+$0x0] =	vst.idx.msk $0x1, v6  }
0x30c: {  	v6 =	vld [tilespmem:$0x1C490];
	_ =	sdelay $0x4  }
0x30d: {  	(xrf0) =	vmax.scan.msk.f32 $0xffff, v6;
	_ =	sdelay $0x5  }
0x30e: {  	v6, _, _ =	vpop (xrf0)  }
0x30f: {  	v6 =	vbroadcast v6, $0xF;
	_ =	sdelay $0x1  }
0x310: {  	[tilespmem:v14+s20+$0x0] =	vst.idx.msk $0x1, v6  }
0x311: {  	v6 =	vld [tilespmem:$0x1C4A0];
	_ =	sdelay $0x4  }
0x312: {  	(xrf0) =	vmax.scan.msk.f32 $0xffff, v6;
	_ =	sdelay $0x5  }
0x313: {  	v6, _, _ =	vpop (xrf0)  }
0x314: {  	v6 =	vbroadcast v6, $0xF;
	_ =	sdelay $0x1  }
0x315: {  	[tilespmem:v15+s20+$0x0] =	vst.idx.msk $0x1, v6  }
0x316: {  	v6 =	vld [tilespmem:$0x1C4B0];
	_ =	sdelay $0x4  }
0x317: {  	(xrf0) =	vmax.scan.msk.f32 $0xffff, v6;
	_ =	sdelay $0x5  }
0x318: {  	v6, _, _ =	vpop (xrf0)  }
0x319: {  	v6 =	vbroadcast v6, $0xF;
	_ =	sdelay $0x1  }
0x31a: {  	[tilespmem:v16+s20+$0x0] =	vst.idx.msk $0x1, v6  }
0x31b: {  	v6 =	vld [tilespmem:$0x1C4C0];
	_ =	sdelay $0x4  }
0x31c: {  	(xrf0) =	vmax.scan.msk.f32 $0xffff, v6;
	_ =	sdelay $0x5  }
0x31d: {  	v6, _, _ =	vpop (xrf0)  }
0x31e: {  	v6 =	vbroadcast v6, $0xF;
	_ =	sdelay $0x1  }
0x31f: {  	[tilespmem:v17+s20+$0x0] =	vst.idx.msk $0x1, v6  }
0x320: {  	v6 =	vld [tilespmem:$0x1C4D0];
	_ =	sdelay $0x4  }
0x321: {  	(xrf0) =	vmax.scan.msk.f32 $0xffff, v6;
	_ =	sdelay $0x5  }
0x322: {  	v6, _, _ =	vpop (xrf0)  }
0x323: {  	v6 =	vbroadcast v6, $0xF;
	_ =	sdelay $0x1  }
0x324: {  	[tilespmem:v18+s20+$0x0] =	vst.idx.msk $0x1, v6  }
0x325: {  	v6 =	vld [tilespmem:$0x1C4E0];
	_ =	sdelay $0x4  }
0x326: {  	(xrf0) =	vmax.scan.msk.f32 $0xffff, v6;
	_ =	sdelay $0x5  }
0x327: {  	v6, _, _ =	vpop (xrf0)  }
0x328: {  	v6 =	vbroadcast v6, $0xF;
	_ =	sdelay $0x1  }
0x329: {  	[tilespmem:v19+s20+$0x0] =	vst.idx.msk $0x1, v6  }
0x32a: {  	v6 =	vld [tilespmem:$0x1C4F0];
	_ =	sdelay $0x4  }
0x32b: {  	(xrf0) =	vmax.scan.msk.f32 $0xffff, v6;
	_ =	sdelay $0x5  }
0x32c: {  	v6, _, _ =	vpop (xrf0)  }
0x32d: {  	v6 =	vbroadcast v6, $0xF;
	_ =	sdelay $0x1  }
0x32e: {  	[tilespmem:v20+s20+$0x0] =	vst.idx.msk $0x1, v6  }
0x32f: {  	v6 =	vld [tilespmem:$0x1C500];
	_ =	sdelay $0x4  }
0x330: {  	(xrf0) =	vmax.scan.msk.f32 $0xffff, v6;
	_ =	sdelay $0x5  }
0x331: {  	v6, _, _ =	vpop (xrf0)  }
0x332: {  	v6 =	vbroadcast v6, $0xF;
	_ =	sdelay $0x1  }
0x333: {  	[tilespmem:v21+s20+$0x0] =	vst.idx.msk $0x1, v6  }
0x334: {  	v6 =	vld [tilespmem:$0x1C510];
	_ =	sdelay $0x4  }
0x335: {  	(xrf0) =	vmax.scan.msk.f32 $0xffff, v6;
	_ =	sdelay $0x5  }
0x336: {  	v6, _, _ =	vpop (xrf0)  }
0x337: {  	v6 =	vbroadcast v6, $0xF;
	_ =	sdelay $0x1  }
0x338: {  	[tilespmem:v22+s20+$0x0] =	vst.idx.msk $0x1, v6  }
0x339: {  	v6 =	vld [tilespmem:$0x1C520];
	_ =	sdelay $0x4  }
0x33a: {  	(xrf0) =	vmax.scan.msk.f32 $0xffff, v6;
	_ =	sdelay $0x5  }
0x33b: {  	v6, _, _ =	vpop (xrf0)  }
0x33c: {  	v6 =	vbroadcast v6, $0xF;
	_ =	sdelay $0x1  }
0x33d: {  	[tilespmem:v23+s20+$0x0] =	vst.idx.msk $0x1, v6  }
0x33e: {  	v6 =	vld [tilespmem:$0x1C530];
	_ =	sdelay $0x4  }
0x33f: {  	(xrf0) =	vmax.scan.msk.f32 $0xffff, v6;
	_ =	sdelay $0x5  }
0x340: {  	v6, _, _ =	vpop (xrf0)  }
0x341: {  	v6 =	vbroadcast v6, $0xF;
	_ =	sdelay $0x1  }
0x342: {  	[tilespmem:v24+s20+$0x0] =	vst.idx.msk $0x1, v6  }
0x343: {  	v6 =	vld [tilespmem:$0x1C540];
	_ =	sdelay $0x4  }
0x344: {  	(xrf0) =	vmax.scan.msk.f32 $0xffff, v6;
	_ =	sdelay $0x5  }
0x345: {  	v6, _, _ =	vpop (xrf0)  }
0x346: {  	v6 =	vbroadcast v6, $0xF;
	_ =	sdelay $0x1  }
0x347: {  	[tilespmem:v25+s20+$0x0] =	vst.idx.msk $0x1, v6  }
0x348: {  	v6 =	vld [tilespmem:$0x1C550];
	_ =	sdelay $0x4  }
0x349: {  	(xrf0) =	vmax.scan.msk.f32 $0xffff, v6;
	_ =	sdelay $0x5  }
0x34a: {  	v6, _, _ =	vpop (xrf0)  }
0x34b: {  	v6 =	vbroadcast v6, $0xF;
	_ =	sdelay $0x1  }
0x34c: {  	[tilespmem:v26+s20+$0x0] =	vst.idx.msk $0x1, v6  }
0x34d: {  	v6 =	vld [tilespmem:$0x1C560];
	_ =	sdelay $0x4  }
0x34e: {  	(xrf0) =	vmax.scan.msk.f32 $0xffff, v6;
	_ =	sdelay $0x5  }
0x34f: {  	v6, _, _ =	vpop (xrf0)  }
0x350: {  	v6 =	vbroadcast v6, $0xF;
	_ =	sdelay $0x1  }
0x351: {  	[tilespmem:v27+s20+$0x0] =	vst.idx.msk $0x1, v6  }
0x352: {  	v6 =	vld [tilespmem:$0x1C570];
	_ =	sdelay $0x4  }
0x353: {  	(xrf0) =	vmax.scan.msk.f32 $0xffff, v6;
	_ =	sdelay $0x5  }
0x354: {  	v6, _, _ =	vpop (xrf0)  }
0x355: {  	v6 =	vbroadcast v6, $0xF;
	_ =	sdelay $0x1  }
0x356: {  	[tilespmem:v28+s20+$0x0] =	vst.idx.msk $0x1, v6  }
0x357: {  	v6 =	vld [tilespmem:$0x1C580];
	_ =	sdelay $0x4  }
0x358: {  	(xrf0) =	vmax.scan.msk.f32 $0xffff, v6;
	_ =	sdelay $0x5  }
0x359: {  	v6, _, _ =	vpop (xrf0)  }
0x35a: {  	v6 =	vbroadcast v6, $0xF;
	_ =	sdelay $0x1  }
0x35b: {  	[tilespmem:v29+s20+$0x0] =	vst.idx.msk $0x1, v6  }
0x35c: {  	v6 =	vld [tilespmem:$0x1C590];
	_ =	sdelay $0x4  }
0x35d: {  	(xrf0) =	vmax.scan.msk.f32 $0xffff, v6;
	_ =	sdelay $0x5  }
0x35e: {  	v6, _, _ =	vpop (xrf0)  }
0x35f: {  	v6 =	vbroadcast v6, $0xF;
	_ =	sdelay $0x1  }
0x360: {  	[tilespmem:v30+s20+$0x0] =	vst.idx.msk $0x1, v6  }
0x361: {  	v6 =	vld [tilespmem:$0x1C5A0];
	_ =	sdelay $0x4  }
0x362: {  	(xrf0) =	vmax.scan.msk.f32 $0xffff, v6;
	_ =	sdelay $0x5  }
0x363: {  	v6, _, _ =	vpop (xrf0)  }
0x364: {  	v6 =	vbroadcast v6, $0xF;
	_ =	sdelay $0x1  }
0x365: {  	[tilespmem:v31+s20+$0x0] =	vst.idx.msk $0x1, v6  }
0x366: {  	v6 =	vld [tilespmem:$0x1C5B0];
	_ =	sdelay $0x4  }
0x367: {  	(xrf0) =	vmax.scan.msk.f32 $0xffff, v6;
	_ =	sdelay $0x5  }
0x368: {  	v6, _, _ =	vpop (xrf0)  }
0x369: {  	v6 =	vbroadcast v6, $0xF;
	_ =	sdelay $0x1  }
0x36a: {  	[tilespmem:v32+s20+$0x0] =	vst.idx.msk $0x1, v6  }
0x36b: {  	v6 =	vld [tilespmem:$0x1C5C0];
	_ =	sdelay $0x4  }
0x36c: {  	(xrf0) =	vmax.scan.msk.f32 $0xffff, v6;
	_ =	sdelay $0x5  }
0x36d: {  	v6, _, _ =	vpop (xrf0)  }
0x36e: {  	v6 =	vbroadcast v6, $0xF;
	_ =	sdelay $0x1  }
0x36f: {  	[tilespmem:v34+s20+$0x0] =	vst.idx.msk $0x1, v6  }
0x370: {  	v6 =	vld [tilespmem:$0x1C600]  }
0x371: {  	v7 =	vld [tilespmem:$0x1C610];
	_ =	sdelay $0x4  }
0x372: {  	v8 =	vmax.f32 v6, v7  }
0x373: {  	(xrf0) =	vmax.scan.msk.f32 $0xffff, v8;
	_ =	sdelay $0x5  }
0x374: {  	v8, _, _ =	vpop (xrf0)  }
0x375: {  	v8 =	vbroadcast v8, $0xF;
	_ =	sdelay $0x1  }
0x376: {  	vm1 =	veq.f32 v7, v8  }
0x377: {  	vm2 =	veq.f32 v6, v8;
	v6 =	vnsel vm1, $0xC0000000, v35  }
0x378: {  	v6 =	vsel vm2, v36, v6  }
0x379: {  	(xrf0) =	vmin.scan.msk.u32 $0xffff, v6;
	_ =	sdelay $0x5  }
0x37a: {  	v6, _, _ =	vpop (xrf0)  }
0x37b: {  	(v2sf) =	vpush v6, $0xF;
	_ =	sdelay $0xe  }
0x37c: {  	s29 =	spop (v2sf)  }
0x37d: {  	s0 =	sshll.u32 s29, $0x4  }
0x37e: {  	v6 =	vld [tilespmem:s0+$0x1C400];
	_ =	sdelay $0x4  }
0x37f: {  	vm1 =	veq.f32 v6, v8;
	v6 =	vxor.u32 s0, v36  }
0x380: {  	v6 =	vnsel vm1, $0xC0000000, v6  }
0x381: {  	(xrf0) =	vmin.scan.msk.u32 $0xffff, v6;
	_ =	sdelay $0x5  }
0x382: {  	v6, _, _ =	vpop (xrf0)  }
0x383: {  	(v2sf) =	vpush v6, $0xF;
	_ =	sdelay $0xe  }
0x384: {  	s0 =	spop (v2sf)  }
0x385: {  	s30 =	sshll.u32 s0, $0x8  }
0x386: {  	v6 =	vld [tilespmem:s30+$0x0];
	_ =	sdelay $0x1  }
0x387: {  	v7 =	vld [tilespmem:s30+$0x20]  }
0x388: {  	v9 =	vor.u32 s30, v33;
	v10 =	vld [tilespmem:s30+$0x10]  }
0x389: {  	vm1 =	vlt.s32 v9, $0x40000000  }
0x38a: {  	s2 =	sor.u32 $0x10, s30;
	v9 =	vnsel vm1, $0x40000000, v9;
	vm1 =	veq.f32 v6, v8;
	v6 =	vld [tilespmem:s30+$0x30]  }
0x38b: {  	v11 =	vor.u32 s2, v33;
	v9 =	vnsel vm1, $0x40000000, v9  }
0x38c: {  	s31 =	sor.u32 $0x20, s30;
	vm2 =	veq.f32 v7, v8;
	v7 =	vld [tilespmem:s30+$0x40];
	vm1 =	vlt.s32 v9, v11  }
0x38d: {  	vm3 =	veq.f32 v10, v8;
	v10 =	vsel vm1, v9, v11;
	v11 =	vor.u32 s31, v33  }
0x38e: {  	s5 =	sor.u32 $0x30, s30;
	v9 =	vsel vm3, v10, v9;
	v10 =	vnsel vm2, $0x40000000, v11;
	v11 =	vld [tilespmem:s30+$0x4B]  }
0x38f: {  	vm1 =	vlt.s32 v9, v10;
	vm2 =	veq.f32 v6, v8;
	v6 =	vor.u32 s5, v33  }
0x390: {  	s6 =	sor.u32 $0x40, s30;
	v9 =	vsel vm1, v9, v10;
	v6 =	vnsel vm2, $0x40000000, v6;
	v10 =	vld [tilespmem:s30+$0x80]  }
0x391: {  	vm2 =	veq.f32 v7, v8;
	v7 =	vor.u32 s6, v33;
	vm1 =	vlt.s32 v9, v6  }
0x392: {  	s7 =	sor.u32 $0x4B, s30;
	v7 =	vnsel vm2, $0x40000000, v7;
	v6 =	vsel vm1, v9, v6;
	v9 =	vld [tilespmem:s30+$0x90]  }
0x393: {  	vm1 =	vlt.s32 v6, v7;
	vm2 =	veq.f32 v11, v8;
	v11 =	vadd.s32 s7, v33  }
0x394: {  	s8 =	sor.u32 $0x80, s30;
	v6 =	vsel vm1, v6, v7;
	v7 =	vnsel vm2, $0x40000000, v11;
	v11 =	vld [tilespmem:s30+$0xA0]  }
0x395: {  	vm1 =	vlt.s32 v6, v7;
	vm2 =	veq.f32 v10, v8;
	v10 =	vor.u32 s8, v33  }
0x396: {  	s9 =	sor.u32 $0x90, s30;
	v6 =	vsel vm1, v6, v7;
	v7 =	vnsel vm2, $0x40000000, v10;
	v10 =	vld [tilespmem:s30+$0xB0]  }
0x397: {  	vm1 =	vlt.s32 v6, v7;
	vm2 =	veq.f32 v9, v8;
	v9 =	vor.u32 s9, v33  }
0x398: {  	s10 =	sor.u32 $0xA0, s30;
	v6 =	vsel vm1, v6, v7;
	v7 =	vnsel vm2, $0x40000000, v9;
	v9 =	vld [tilespmem:s30+$0xC0]  }
0x399: {  	vm1 =	vlt.s32 v6, v7;
	vm2 =	veq.f32 v11, v8;
	v11 =	vor.u32 s10, v33  }
0x39a: {  	s11 =	sor.u32 $0xB0, s30;
	v6 =	vsel vm1, v6, v7;
	v7 =	vnsel vm2, $0x40000000, v11;
	v11 =	vld [tilespmem:s30+$0xCB]  }
0x39b: {  	vm1 =	vlt.s32 v6, v7;
	vm2 =	veq.f32 v10, v8;
	v10 =	vor.u32 s11, v33  }
0x39c: {  	s12 =	sor.u32 $0xC0, s30;
	v6 =	vsel vm1, v6, v7;
	v7 =	vnsel vm2, $0x40000000, v10  }
0x39d: {  	vm1 =	vlt.s32 v6, v7;
	vm2 =	veq.f32 v9, v8;
	v9 =	vor.u32 s12, v33  }
0x39e: {  	s16 =	sor.u32 $0xCB, s30;
	v6 =	vsel vm1, v6, v7;
	v7 =	vnsel vm2, $0x40000000, v9  }
0x39f: {  	v9 =	vadd.s32 s16, v33;
	vm1 =	vlt.s32 v6, v7;
	vm2 =	veq.f32 v11, v8  }
0x3a0: {  	v6 =	vsel vm1, v6, v7;
	v7 =	vnsel vm2, $0x40000000, v9  }
0x3a1: {  	vm1 =	vlt.s32 v6, v7  }
0x3a2: {  	v6 =	vsel vm1, v6, v7  }
0x3a3: {  	v6 =	vxor.u32 $0x80000000, v6  }
0x3a4: {  	(xrf0) =	vmin.scan.msk.u32 $0xffff, v6;
	_ =	sdelay $0x5  }
0x3a5: {  	v6, _, _ =	vpop (xrf0)  }
0x3a6: {  	(v2sf) =	vpush v6, $0xF;
	_ =	sdelay $0xa  }
0x3a7: {  	s24 =	simm.s32 $0x0  }
0x3a8: {  	v6 =	vmov s24;
	_ =	sdelay $0x2  }
0x3a9: {  	s25 =	spop (v2sf)  }
0x3aa: {  	s5 =	sxor.u32 $0x80000000, s25;
	s6 =	sand.u32 $0x70, s25  }
0x3ab: {  	[tilespmem:v6+s21+$0x0] =	vst.idx.msk $0x1, v8;
	v7 =	vmov s5;
	s5 =	sand.u32 $0xFFFFFF80, s5;
	s6 =	smin.u32 s6, $0x4B  }
0x3ac: {  	[tilespmem:v6+s22+$0x0] =	vst.idx.msk $0x1, v7;
	s5 =	sor.u32 s6, s5  }
0x3ad: {  	v6 =	vld [tilespmem:s5+$0x0]  }
0x3ae: {  	s2 =	sand.u32 $0x7F, s25  }
0x3af: {  	s2 =	ssub.s32 s2, s6  }
0x3b0: {  	v7 =	vmov s2  }
0x3b1: {  	vm1 =	veq.s32 v7, v33  }
0x3b2: {  	v6 =	vsel vm1, $0xFF800000, v6  }
0x3b3: {  	[tilespmem:s5+$0x0] =	vst v6  }
0x3b4: {  	v6 =	vld [tilespmem:s30+$0x0]  }
0x3b5: {  	v7 =	vld [tilespmem:s30+$0x10]  }
0x3b6: {  	v8 =	vld [tilespmem:s30+$0x20]  }
0x3b7: {  	v9 =	vld [tilespmem:s30+$0x30]  }
0x3b8: {  	v10 =	vld [tilespmem:s30+$0x40]  }
0x3b9: {  	v11 =	vld [tilespmem:s30+$0x4B]  }
0x3ba: {  	v12 =	vld [tilespmem:s30+$0x80];
	v6 =	vmax.f32 v6, v7  }
0x3bb: {  	v7 =	vld [tilespmem:s30+$0x90];
	v6 =	vmax.f32 v6, v8  }
0x3bc: {  	v8 =	vld [tilespmem:s30+$0xA0];
	v6 =	vmax.f32 v6, v9  }
0x3bd: {  	v9 =	vld [tilespmem:s30+$0xB0];
	v6 =	vmax.f32 v6, v10  }
0x3be: {  	v10 =	vld [tilespmem:s30+$0xC0];
	v6 =	vmax.f32 v6, v11  }
0x3bf: {  	v11 =	vld [tilespmem:s30+$0xCB];
	v6 =	vmax.f32 v6, v12  }
0x3c0: {  	v6 =	vmax.f32 v6, v7  }
0x3c1: {  	v6 =	vmax.f32 v6, v8  }
0x3c2: {  	v6 =	vmax.f32 v6, v9  }
0x3c3: {  	v6 =	vmax.f32 v6, v10  }
0x3c4: {  	v6 =	vmax.f32 v6, v11  }
0x3c5: {  	(xrf0) =	vmax.scan.msk.f32 $0xffff, v6;
	_ =	sdelay $0x2  }
0x3c6: {  	s29 =	sxor.u32 $0x80000000, s0  }
0x3c7: {  	v6 =	vmov s29;
	_ =	sdelay $0x1  }
0x3c8: {  	v7, _, _ =	vpop (xrf0)  }
0x3c9: {  	v7 =	vbroadcast v7, $0xF  }
0x3ca: {  	s0 =	sand.u32 $0x70, s0;
	s30 =	sand.u32 $0xFFFFFF80, s29  }
0x3cb: {  	s0 =	sor.u32 s0, s30;
	[tilespmem:v6+s19+$0x0] =	vst.idx.msk $0x1, v7  }
0x3cc: {  	v6 =	vld [tilespmem:s0+$0x1C400];
	_ =	sdelay $0x4  }
0x3cd: {  	(xrf0) =	vmax.scan.msk.f32 $0xffff, v6;
	_ =	sdelay $0x2  }
0x3ce: {  	s31 =	sshra.s32 s29, $0x4  }
0x3cf: {  	v6 =	vmov s31;
	_ =	sdelay $0x1  }
0x3d0: {  	s28 =	simm.s32 $0x1;
	v7, _, _ =	vpop (xrf0)  }
.LBB2_8:
0x3d1: {  	p0 =	sne.s32 s28, $0x63;
	v7 =	vbroadcast v7, $0xF;
	s29 =	smov.u32 s28;
	s28 =	sadd.s32 $0x1, s28  }
0x3d2: {  	_ = 	snop  }
0x3d3: {  	[tilespmem:v6+s20+$0x0] =	vst.idx.msk $0x1, v7  }
0x3d4: {  	v7 =	vld [tilespmem:$0x1C600]  }
0x3d5: {  	v8 =	vld [tilespmem:$0x1C610];
	_ =	sdelay $0x4  }
0x3d6: {  	v6 =	vmax.f32 v7, v8  }
0x3d7: {  	(xrf0) =	vmax.scan.msk.f32 $0xffff, v6;
	_ =	sdelay $0x5  }
0x3d8: {  	v6, _, _ =	vpop (xrf0)  }
0x3d9: {  	v6 =	vbroadcast v6, $0xF;
	_ =	sdelay $0x1  }
0x3da: {  	vm1 =	veq.f32 v8, v6  }
0x3db: {  	vm2 =	veq.f32 v7, v6;
	v7 =	vnsel vm1, $0xC0000000, v35  }
0x3dc: {  	v7 =	vsel vm2, v36, v7  }
0x3dd: {  	(xrf0) =	vmin.scan.msk.u32 $0xffff, v7;
	_ =	sdelay $0x5  }
0x3de: {  	v7, _, _ =	vpop (xrf0)  }
0x3df: {  	(v2sf) =	vpush v7, $0xF;
	_ =	sdelay $0xe  }
0x3e0: {  	s0 =	spop (v2sf)  }
0x3e1: {  	s0 =	sshll.u32 s0, $0x4  }
0x3e2: {  	v7 =	vld [tilespmem:s0+$0x1C400];
	_ =	sdelay $0x4  }
0x3e3: {  	vm1 =	veq.f32 v7, v6;
	v7 =	vxor.u32 s0, v36  }
0x3e4: {  	v7 =	vnsel vm1, $0xC0000000, v7  }
0x3e5: {  	(xrf0) =	vmin.scan.msk.u32 $0xffff, v7;
	_ =	sdelay $0x5  }
0x3e6: {  	v7, _, _ =	vpop (xrf0)  }
0x3e7: {  	(v2sf) =	vpush v7, $0xF;
	_ =	sdelay $0xe  }
0x3e8: {  	s30 =	spop (v2sf)  }
0x3e9: {  	s31 =	sxor.u32 $0x80000000, s30;
	s2 =	sshll.u32 s30, $0x8  }
0x3ea: {  	v7 =	vld [tilespmem:s2+$0x0];
	v8 =	vor.u32 s2, v33;
	s9 =	sor.u32 $0x10, s2;
	s10 =	sor.u32 $0x20, s2;
	s11 =	sor.u32 $0x30, s2  }
0x3eb: {  	s12 =	sor.u32 $0x40, s2;
	s24 =	sor.u32 $0x4B, s2;
	s25 =	sor.u32 $0x80, s2;
	vm1 =	vlt.s32 v8, $0x40000000  }
0x3ec: {  	s8 =	sor.u32 $0x90, s2;
	s7 =	sor.u32 $0xA0, s2;
	s6 =	sor.u32 $0xB0, s2;
	v8 =	vnsel vm1, $0x40000000, v8;
	v9 =	vld [tilespmem:s2+$0x20]  }
0x3ed: {  	s5 =	sor.u32 $0xC0, s2;
	s16 =	sor.u32 $0xCB, s2;
	s0 =	sand.u32 $0xFFFFFF80, s31;
	v10 =	vld [tilespmem:s2+$0x10]  }
0x3ee: {  	s1 =	sshra.s32 s31, $0x4  }
0x3ef: {  	vm1 =	veq.f32 v7, v6;
	v7 =	vld [tilespmem:s2+$0x30]  }
0x3f0: {  	v11 =	vor.u32 s9, v33;
	v8 =	vnsel vm1, $0x40000000, v8  }
0x3f1: {  	vm1 =	vlt.s32 v8, v11;
	vm2 =	veq.f32 v9, v6;
	v9 =	vld [tilespmem:s2+$0x40]  }
0x3f2: {  	vm3 =	veq.f32 v10, v6;
	v10 =	vsel vm1, v8, v11;
	v11 =	vor.u32 s10, v33  }
0x3f3: {  	v8 =	vsel vm3, v10, v8;
	v10 =	vnsel vm2, $0x40000000, v11;
	v11 =	vld [tilespmem:s2+$0x4B]  }
0x3f4: {  	vm1 =	vlt.s32 v8, v10;
	vm2 =	veq.f32 v7, v6;
	v7 =	vor.u32 s11, v33  }
0x3f5: {  	v8 =	vsel vm1, v8, v10;
	v7 =	vnsel vm2, $0x40000000, v7;
	v10 =	vld [tilespmem:s2+$0x80]  }
0x3f6: {  	vm1 =	vlt.s32 v8, v7;
	vm2 =	veq.f32 v9, v6;
	v9 =	vor.u32 s12, v33  }
0x3f7: {  	v7 =	vsel vm1, v8, v7;
	v8 =	vnsel vm2, $0x40000000, v9;
	v9 =	vld [tilespmem:s2+$0x90]  }
0x3f8: {  	vm1 =	vlt.s32 v7, v8;
	vm2 =	veq.f32 v11, v6;
	v11 =	vadd.s32 s24, v33  }
0x3f9: {  	v7 =	vsel vm1, v7, v8;
	v8 =	vnsel vm2, $0x40000000, v11;
	v11 =	vld [tilespmem:s2+$0xA0]  }
0x3fa: {  	vm1 =	vlt.s32 v7, v8;
	vm2 =	veq.f32 v10, v6;
	v10 =	vor.u32 s25, v33  }
0x3fb: {  	v7 =	vsel vm1, v7, v8;
	v8 =	vnsel vm2, $0x40000000, v10;
	v10 =	vld [tilespmem:s2+$0xB0]  }
0x3fc: {  	vm1 =	vlt.s32 v7, v8;
	vm2 =	veq.f32 v9, v6;
	v9 =	vor.u32 s8, v33  }
0x3fd: {  	v7 =	vsel vm1, v7, v8;
	v8 =	vnsel vm2, $0x40000000, v9;
	v9 =	vld [tilespmem:s2+$0xC0]  }
0x3fe: {  	vm1 =	vlt.s32 v7, v8;
	vm2 =	veq.f32 v11, v6;
	v11 =	vor.u32 s7, v33  }
0x3ff: {  	v7 =	vsel vm1, v7, v8;
	v8 =	vnsel vm2, $0x40000000, v11;
	v11 =	vld [tilespmem:s2+$0xCB]  }
0x400: {  	vm1 =	vlt.s32 v7, v8;
	vm2 =	veq.f32 v10, v6;
	v10 =	vor.u32 s6, v33  }
0x401: {  	v7 =	vsel vm1, v7, v8;
	v8 =	vnsel vm2, $0x40000000, v10  }
0x402: {  	vm1 =	vlt.s32 v7, v8;
	vm2 =	veq.f32 v9, v6;
	v9 =	vor.u32 s5, v33  }
0x403: {  	v7 =	vsel vm1, v7, v8;
	v8 =	vnsel vm2, $0x40000000, v9  }
0x404: {  	v9 =	vadd.s32 s16, v33;
	vm1 =	vlt.s32 v7, v8;
	vm2 =	veq.f32 v11, v6  }
0x405: {  	v7 =	vsel vm1, v7, v8;
	v8 =	vnsel vm2, $0x40000000, v9  }
0x406: {  	vm1 =	vlt.s32 v7, v8  }
0x407: {  	v7 =	vsel vm1, v7, v8  }
0x408: {  	v7 =	vxor.u32 $0x80000000, v7  }
0x409: {  	(xrf0) =	vmin.scan.msk.u32 $0xffff, v7;
	_ =	sdelay $0x5  }
0x40a: {  	v7, _, _ =	vpop (xrf0)  }
0x40b: {  	(v2sf) =	vpush v7, $0xF;
	_ =	sdelay $0xb  }
0x40c: {  	v7 =	vmov s29;
	_ =	sdelay $0x2  }
0x40d: {  	s5 =	spop (v2sf)  }
0x40e: {  	s6 =	sxor.u32 $0x80000000, s5;
	s7 =	sand.u32 $0x70, s5  }
0x40f: {  	s5 =	sand.u32 $0x7F, s5;
	[tilespmem:v7+s21+$0x0] =	vst.idx.msk $0x1, v6;
	v6 =	vmov s6;
	s6 =	sand.u32 $0xFFFFFF80, s6;
	s7 =	smin.u32 s7, $0x4B  }
0x410: {  	[tilespmem:v7+s22+$0x0] =	vst.idx.msk $0x1, v6;
	s6 =	sor.u32 s7, s6;
	s5 =	ssub.s32 s5, s7  }
0x411: {  	v6 =	vld [tilespmem:s6+$0x0];
	v7 =	vmov s5;
	_ =	sdelay $0x3  }
0x412: {  	vm1 =	veq.s32 v7, v33  }
0x413: {  	v6 =	vsel vm1, $0xFF800000, v6  }
0x414: {  	[tilespmem:s6+$0x0] =	vst v6  }
0x415: {  	v6 =	vld [tilespmem:s2+$0x20]  }
0x416: {  	v7 =	vld [tilespmem:s2+$0x0]  }
0x417: {  	v8 =	vld [tilespmem:s2+$0x10]  }
0x418: {  	v9 =	vld [tilespmem:s2+$0x30]  }
0x419: {  	v10 =	vld [tilespmem:s2+$0x40]  }
0x41a: {  	v11 =	vld [tilespmem:s2+$0x4B]  }
0x41b: {  	v12 =	vld [tilespmem:s2+$0x80]  }
0x41c: {  	v7 =	vmax.f32 v7, v8;
	v8 =	vld [tilespmem:s2+$0x90]  }
0x41d: {  	v6 =	vmax.f32 v7, v6;
	v7 =	vld [tilespmem:s2+$0xA0]  }
0x41e: {  	v6 =	vmax.f32 v6, v9;
	v9 =	vld [tilespmem:s2+$0xB0]  }
0x41f: {  	v6 =	vmax.f32 v6, v10;
	v10 =	vld [tilespmem:s2+$0xC0]  }
0x420: {  	v6 =	vmax.f32 v6, v11;
	v11 =	vld [tilespmem:s2+$0xCB]  }
0x421: {  	v6 =	vmax.f32 v6, v12  }
0x422: {  	v6 =	vmax.f32 v6, v8  }
0x423: {  	v6 =	vmax.f32 v6, v7  }
0x424: {  	v6 =	vmax.f32 v6, v9  }
0x425: {  	v6 =	vmax.f32 v6, v10  }
0x426: {  	v6 =	vmax.f32 v6, v11  }
0x427: {  	(xrf0) =	vmax.scan.msk.f32 $0xffff, v6;
	_ =	sdelay $0x2  }
0x428: {  	v6 =	vmov s31;
	_ =	sdelay $0x2  }
0x429: {  	v7, _, _ =	vpop (xrf0)  }
0x42a: {  	s2 =	sand.u32 $0x70, s30;
	v7 =	vbroadcast v7, $0xF  }
0x42b: {  	s0 =	sor.u32 s2, s0  }
0x42c: {  	[tilespmem:v6+s19+$0x0] =	vst.idx.msk $0x1, v7  }
0x42d: {  	v6 =	vld [tilespmem:s0+$0x1C400];
	_ =	sdelay $0x4  }
0x42e: {  	(xrf0) =	vmax.scan.msk.f32 $0xffff, v6;
	_ =	sdelay $0x1  }
.Ltmp3:
0x42f: {  	(pc) =	sbr.rel @p0 .LBB2_8-.Ltmp3, $2  }
0x430: {  	v6 =	vmov s1;
	_ =	sdelay $0x2  }
0x431: {  	v7, _, _ =	vpop (xrf0)  }
0x432: {  	_ =	sdelay $0x1  }
0x433: {  	v7 =	vbroadcast v7, $0xF;
	_ =	sdelay $0x1  }
0x434: {  	[tilespmem:v6+s20+$0x0] =	vst.idx.msk $0x1, v7  }
0x435: {  	v6 =	vld [tilespmem:$0x1C680];
	_ =	sdelay $0x4  }
0x436: {  	v6 =	vsub.f32 $0.0e+00, v6;
	_ =	sdelay $0x1  }
0x437: {  	v6 =	vmul.f32 $1.442695020e+00, v6;
	_ =	sdelay $0x1  }
0x438: {  	v7 =	vld [tilespmem:s4+$0x1E380];
	(erf) = vpow2.f32 v6;
	_ =	sdelay $0x4  }
0x439: {  	vm1 =	veq.s32 v2, v33;
	vm2 =	veq.s32 v3, v33;
	v6 =	vxor.u32 $0x80000000, v7  }
0x43a: {  	v7 =	vnsel vm1, $0x7FFFFFFF, v6;
	v6 =	vnsel vm2, $0x7FFFFFFF, v6  }
0x43b: {  	(xrf0) =	vmax.scan.msk.u32 $0xffff, v7  }
0x43c: {  	(xrf0) =	vmax.scan.msk.u32 $0xffff, v6  }
0x43d: {  	v6 =	vpop (erf)  }
0x43e: {  	v7 =	vld [tilespmem:$0x1C700];
	v6 =	vadd.f32 $1.000000000e+00, v6;
	_ =	sdelay $0x2  }
0x43f: {  	v8, _, _ =	vpop (xrf0);
	(erf) = vrcp.f32 v6  }
0x440: {  	(v2sf) =	vpush v8, $0xF;
	v6, _, _ =	vpop (xrf0)  }
0x441: {  	(v2sf) =	vpush v6, $0xF;
	v6 =	vshra.s32 v7, $0x7  }
0x442: {  	vm1 =	vgt.s32 v6, $0x0  }
0x443: {  	v6 =	vnsel vm1, $0x0, v6  }
0x444: {  	v6 =	vmin.u32 v6, $0x383  }
0x445: {  	v6 =	vshll.u32 v6, $0x2  }
0x446: {  	v8 =	vor.u32 $0x2, v6  }
0x447: {  	v9 =	vor.u32 $0x3, v6  }
0x448: {  	v10 =	vpop (erf)  }
0x449: {  	v7 =	vand.u32 $0x7F, v7;
	[tilespmem:$0x1C780] =	vst v10;
	v10 =	vor.u32 $0x1, v6  }
0x44a: {  	[tilespmem:$0x1CB80] =	vst v7  }
0x44b: {  	v7 =	vld.idx.msk [tilespmem:v8+s18+$0x0], $0xffff  }
0x44c: {  	v8 =	vld.idx.msk [tilespmem:v9+s18+$0x0], $0xffff  }
0x44d: {  	v6 =	vld.idx.msk [tilespmem:v6+s18+$0x0], $0xffff  }
0x44e: {  	v9 =	vld.idx.msk [tilespmem:v10+s18+$0x0], $0xffff  }
0x44f: {  	s0 =	spop (v2sf)  }
0x450: {  	s1 =	spop (v2sf);
	v7 =	vmul.f32 $5.000000000e-01, v7  }
0x451: {  	v8 =	vmul.f32 $5.000000000e-01, v8;
	s1 =	sxor.u32 $0x80000000, s1  }
0x452: {  	s0 =	sxor.u32 $0x80000000, s0;
	s29 =	scvt.s32.f32 s1;
	v10 =	vsub.f32 v6, v7  }
0x453: {  	s28 =	scvt.s32.f32 s0;
	v11 =	vsub.f32 v9, v8  }
0x454: {  	v6 =	vadd.f32 v7, v6;
	v7 =	vmul.f32 s29, v10  }
0x455: {  	v8 =	vadd.f32 v8, v9;
	v10 =	vmul.f32 s28, v11  }
0x456: {  	v6 =	vmul.f32 s29, v6;
	[tilespmem:v37+s23+$0x0] =	vst.idx.msk $0xffff, v7  }
0x457: {  	v7 =	vmul.f32 s28, v8;
	[tilespmem:v38+s23+$0x0] =	vst.idx.msk $0xffff, v10  }
0x458: {  	[tilespmem:v39+s23+$0x0] =	vst.idx.msk $0xffff, v6  }
0x459: {  	[tilespmem:v40+s23+$0x0] =	vst.idx.msk $0xffff, v7  }
0x45a: {  	v6 =	vld [tilespmem:$0x1C690];
	_ =	sdelay $0x4  }
0x45b: {  	v6 =	vsub.f32 $0.0e+00, v6;
	_ =	sdelay $0x1  }
0x45c: {  	v6 =	vmul.f32 $1.442695020e+00, v6;
	_ =	sdelay $0x1  }
0x45d: {  	(erf) = vpow2.f32 v6;
	_ =	sdelay $0x7  }
0x45e: {  	v7 =	vld [tilespmem:$0x1C710]  }
0x45f: {  	v6 =	vpop (erf)  }
0x460: {  	v6 =	vadd.f32 $1.000000000e+00, v6;
	_ =	sdelay $0x1  }
0x461: {  	(erf) = vrcp.f32 v6  }
0x462: {  	v6 =	vshra.s32 v7, $0x7  }
0x463: {  	vm1 =	vgt.s32 v6, $0x0  }
0x464: {  	v6 =	vnsel vm1, $0x0, v6  }
0x465: {  	v6 =	vmin.u32 v6, $0x383  }
0x466: {  	v6 =	vshll.u32 v6, $0x2  }
0x467: {  	v37 =	vor.u32 $0x2, v6  }
0x468: {  	v38 =	vor.u32 $0x3, v6  }
0x469: {  	v7 =	vand.u32 $0x7F, v7  }
0x46a: {  	[tilespmem:$0x1CB90] =	vst v7;
	v40 =	vor.u32 $0x1, v6;
	v39 =	vpop (erf)  }
0x46b: {  	[tilespmem:$0x1C790] =	vst v39  }
0x46c: {  	v7 =	vld.idx.msk [tilespmem:v37+s18+$0x0], $0xffff  }
0x46d: {  	v37 =	vld.idx.msk [tilespmem:v38+s18+$0x0], $0xffff  }
0x46e: {  	v6 =	vld.idx.msk [tilespmem:v6+s18+$0x0], $0xffff  }
0x46f: {  	v38 =	vld.idx.msk [tilespmem:v40+s18+$0x0], $0xffff;
	_ =	sdelay $0x1  }
0x470: {  	v7 =	vmul.f32 $5.000000000e-01, v7  }
0x471: {  	v8 =	vmul.f32 $5.000000000e-01, v37  }
0x472: {  	v39 =	vsub.f32 v6, v7  }
0x473: {  	v40 =	vsub.f32 v38, v8  }
0x474: {  	v6 =	vadd.f32 v7, v6;
	v10 =	vmul.f32 s29, v39  }
0x475: {  	v8 =	vadd.f32 v8, v38;
	v7 =	vmul.f32 s28, v40  }
0x476: {  	v6 =	vmul.f32 s29, v6;
	[tilespmem:v41+s23+$0x0] =	vst.idx.msk $0xffff, v10  }
0x477: {  	[tilespmem:v42+s23+$0x0] =	vst.idx.msk $0xffff, v7;
	v7 =	vmul.f32 s28, v8  }
0x478: {  	[tilespmem:v43+s23+$0x0] =	vst.idx.msk $0xffff, v6  }
0x479: {  	[tilespmem:v44+s23+$0x0] =	vst.idx.msk $0xffff, v7  }
0x47a: {  	v6 =	vld [tilespmem:$0x1C6A0];
	_ =	sdelay $0x4  }
0x47b: {  	v6 =	vsub.f32 $0.0e+00, v6;
	_ =	sdelay $0x1  }
0x47c: {  	v6 =	vmul.f32 $1.442695020e+00, v6;
	_ =	sdelay $0x1  }
0x47d: {  	(erf) = vpow2.f32 v6;
	_ =	sdelay $0x7  }
0x47e: {  	v7 =	vld [tilespmem:$0x1C720]  }
0x47f: {  	v6 =	vpop (erf)  }
0x480: {  	v6 =	vadd.f32 $1.000000000e+00, v6;
	_ =	sdelay $0x1  }
0x481: {  	(erf) = vrcp.f32 v6  }
0x482: {  	v6 =	vshra.s32 v7, $0x7  }
0x483: {  	vm1 =	vgt.s32 v6, $0x0  }
0x484: {  	v6 =	vnsel vm1, $0x0, v6  }
0x485: {  	v6 =	vmin.u32 v6, $0x383  }
0x486: {  	v6 =	vshll.u32 v6, $0x2  }
0x487: {  	v41 =	vor.u32 $0x2, v6  }
0x488: {  	v42 =	vor.u32 $0x3, v6  }
0x489: {  	v7 =	vand.u32 $0x7F, v7  }
0x48a: {  	[tilespmem:$0x1CBA0] =	vst v7;
	v44 =	vor.u32 $0x1, v6;
	v43 =	vpop (erf)  }
0x48b: {  	[tilespmem:$0x1C7A0] =	vst v43  }
0x48c: {  	v7 =	vld.idx.msk [tilespmem:v41+s18+$0x0], $0xffff  }
0x48d: {  	v37 =	vld.idx.msk [tilespmem:v42+s18+$0x0], $0xffff  }
0x48e: {  	v6 =	vld.idx.msk [tilespmem:v6+s18+$0x0], $0xffff  }
0x48f: {  	v38 =	vld.idx.msk [tilespmem:v44+s18+$0x0], $0xffff;
	_ =	sdelay $0x1  }
0x490: {  	v7 =	vmul.f32 $5.000000000e-01, v7  }
0x491: {  	v8 =	vmul.f32 $5.000000000e-01, v37  }
0x492: {  	v39 =	vsub.f32 v6, v7  }
0x493: {  	v40 =	vsub.f32 v38, v8  }
0x494: {  	v6 =	vadd.f32 v7, v6;
	v10 =	vmul.f32 s29, v39  }
0x495: {  	v8 =	vadd.f32 v8, v38;
	v7 =	vmul.f32 s28, v40  }
0x496: {  	v6 =	vmul.f32 s29, v6;
	[tilespmem:v45+s23+$0x0] =	vst.idx.msk $0xffff, v10  }
0x497: {  	[tilespmem:v46+s23+$0x0] =	vst.idx.msk $0xffff, v7;
	v7 =	vmul.f32 s28, v8  }
0x498: {  	[tilespmem:v47+s23+$0x0] =	vst.idx.msk $0xffff, v6  }
0x499: {  	[tilespmem:v48+s23+$0x0] =	vst.idx.msk $0xffff, v7  }
0x49a: {  	v6 =	vld [tilespmem:$0x1C6B0];
	_ =	sdelay $0x4  }
0x49b: {  	v6 =	vsub.f32 $0.0e+00, v6;
	_ =	sdelay $0x1  }
0x49c: {  	v6 =	vmul.f32 $1.442695020e+00, v6;
	_ =	sdelay $0x1  }
0x49d: {  	(erf) = vpow2.f32 v6;
	_ =	sdelay $0x7  }
0x49e: {  	v7 =	vld [tilespmem:$0x1C730]  }
0x49f: {  	v6 =	vpop (erf)  }
0x4a0: {  	v6 =	vadd.f32 $1.000000000e+00, v6;
	_ =	sdelay $0x1  }
0x4a1: {  	(erf) = vrcp.f32 v6  }
0x4a2: {  	v6 =	vshra.s32 v7, $0x7  }
0x4a3: {  	vm1 =	vgt.s32 v6, $0x0  }
0x4a4: {  	v6 =	vnsel vm1, $0x0, v6  }
0x4a5: {  	v6 =	vmin.u32 v6, $0x383  }
0x4a6: {  	v6 =	vshll.u32 v6, $0x2  }
0x4a7: {  	v41 =	vor.u32 $0x2, v6  }
0x4a8: {  	v42 =	vor.u32 $0x3, v6  }
0x4a9: {  	v7 =	vand.u32 $0x7F, v7  }
0x4aa: {  	[tilespmem:$0x1CBB0] =	vst v7;
	v44 =	vor.u32 $0x1, v6;
	v43 =	vpop (erf)  }
0x4ab: {  	[tilespmem:$0x1C7B0] =	vst v43  }
0x4ac: {  	v7 =	vld.idx.msk [tilespmem:v41+s18+$0x0], $0xffff  }
0x4ad: {  	v45 =	vld.idx.msk [tilespmem:v42+s18+$0x0], $0xffff  }
0x4ae: {  	v6 =	vld.idx.msk [tilespmem:v6+s18+$0x0], $0xffff  }
0x4af: {  	v46 =	vld.idx.msk [tilespmem:v44+s18+$0x0], $0xffff;
	_ =	sdelay $0x1  }
0x4b0: {  	v7 =	vmul.f32 $5.000000000e-01, v7  }
0x4b1: {  	v8 =	vmul.f32 $5.000000000e-01, v45  }
0x4b2: {  	v47 =	vsub.f32 v6, v7  }
0x4b3: {  	v48 =	vsub.f32 v46, v8  }
0x4b4: {  	v6 =	vadd.f32 v7, v6;
	v10 =	vmul.f32 s29, v47  }
0x4b5: {  	v8 =	vadd.f32 v8, v46;
	v7 =	vmul.f32 s28, v48  }
0x4b6: {  	v6 =	vmul.f32 s29, v6;
	[tilespmem:v49+s23+$0x0] =	vst.idx.msk $0xffff, v10  }
0x4b7: {  	[tilespmem:v50+s23+$0x0] =	vst.idx.msk $0xffff, v7;
	v7 =	vmul.f32 s28, v8  }
0x4b8: {  	[tilespmem:v51+s23+$0x0] =	vst.idx.msk $0xffff, v6  }
0x4b9: {  	[tilespmem:v52+s23+$0x0] =	vst.idx.msk $0xffff, v7  }
0x4ba: {  	v6 =	vld [tilespmem:$0x1C6C0];
	_ =	sdelay $0x4  }
0x4bb: {  	v6 =	vsub.f32 $0.0e+00, v6;
	_ =	sdelay $0x1  }
0x4bc: {  	v6 =	vmul.f32 $1.442695020e+00, v6;
	_ =	sdelay $0x1  }
0x4bd: {  	(erf) = vpow2.f32 v6;
	_ =	sdelay $0x7  }
0x4be: {  	v7 =	vld [tilespmem:$0x1C740]  }
0x4bf: {  	v6 =	vpop (erf)  }
0x4c0: {  	v6 =	vadd.f32 $1.000000000e+00, v6;
	_ =	sdelay $0x1  }
0x4c1: {  	(erf) = vrcp.f32 v6  }
0x4c2: {  	v6 =	vshra.s32 v7, $0x7  }
0x4c3: {  	vm1 =	vgt.s32 v6, $0x0  }
0x4c4: {  	v6 =	vnsel vm1, $0x0, v6  }
0x4c5: {  	v6 =	vmin.u32 v6, $0x383  }
0x4c6: {  	v6 =	vshll.u32 v6, $0x2  }
0x4c7: {  	v37 =	vor.u32 $0x2, v6  }
0x4c8: {  	v38 =	vor.u32 $0x3, v6  }
0x4c9: {  	v7 =	vand.u32 $0x7F, v7  }
0x4ca: {  	[tilespmem:$0x1CBC0] =	vst v7;
	v40 =	vor.u32 $0x1, v6;
	v39 =	vpop (erf)  }
0x4cb: {  	[tilespmem:$0x1C7C0] =	vst v39  }
0x4cc: {  	v7 =	vld.idx.msk [tilespmem:v37+s18+$0x0], $0xffff  }
0x4cd: {  	v41 =	vld.idx.msk [tilespmem:v38+s18+$0x0], $0xffff  }
0x4ce: {  	v6 =	vld.idx.msk [tilespmem:v6+s18+$0x0], $0xffff  }
0x4cf: {  	v42 =	vld.idx.msk [tilespmem:v40+s18+$0x0], $0xffff;
	_ =	sdelay $0x1  }
0x4d0: {  	v7 =	vmul.f32 $5.000000000e-01, v7  }
0x4d1: {  	v8 =	vmul.f32 $5.000000000e-01, v41  }
0x4d2: {  	v43 =	vsub.f32 v6, v7  }
0x4d3: {  	v44 =	vsub.f32 v42, v8  }
0x4d4: {  	v6 =	vadd.f32 v7, v6;
	v10 =	vmul.f32 s29, v43  }
0x4d5: {  	v8 =	vadd.f32 v8, v42;
	v7 =	vmul.f32 s28, v44  }
0x4d6: {  	v6 =	vmul.f32 s29, v6;
	[tilespmem:v53+s23+$0x0] =	vst.idx.msk $0xffff, v10  }
0x4d7: {  	[tilespmem:v54+s23+$0x0] =	vst.idx.msk $0xffff, v7;
	v7 =	vmul.f32 s28, v8  }
0x4d8: {  	[tilespmem:v55+s23+$0x0] =	vst.idx.msk $0xffff, v6  }
0x4d9: {  	[tilespmem:v56+s23+$0x0] =	vst.idx.msk $0xffff, v7  }
0x4da: {  	v6 =	vld [tilespmem:$0x1C6D0];
	_ =	sdelay $0x4  }
0x4db: {  	v6 =	vsub.f32 $0.0e+00, v6;
	_ =	sdelay $0x1  }
0x4dc: {  	v6 =	vmul.f32 $1.442695020e+00, v6;
	_ =	sdelay $0x1  }
0x4dd: {  	(erf) = vpow2.f32 v6;
	_ =	sdelay $0x7  }
0x4de: {  	v7 =	vld [tilespmem:$0x1C750]  }
0x4df: {  	v6 =	vpop (erf)  }
0x4e0: {  	v6 =	vadd.f32 $1.000000000e+00, v6;
	_ =	sdelay $0x1  }
0x4e1: {  	(erf) = vrcp.f32 v6  }
0x4e2: {  	v6 =	vshra.s32 v7, $0x7  }
0x4e3: {  	vm1 =	vgt.s32 v6, $0x0  }
0x4e4: {  	v6 =	vnsel vm1, $0x0, v6  }
0x4e5: {  	v6 =	vmin.u32 v6, $0x383  }
0x4e6: {  	v6 =	vshll.u32 v6, $0x2  }
0x4e7: {  	v45 =	vor.u32 $0x2, v6  }
0x4e8: {  	v46 =	vor.u32 $0x3, v6  }
0x4e9: {  	v7 =	vand.u32 $0x7F, v7  }
0x4ea: {  	[tilespmem:$0x1CBD0] =	vst v7;
	v48 =	vor.u32 $0x1, v6;
	v47 =	vpop (erf)  }
0x4eb: {  	[tilespmem:$0x1C7D0] =	vst v47  }
0x4ec: {  	v7 =	vld.idx.msk [tilespmem:v45+s18+$0x0], $0xffff  }
0x4ed: {  	v49 =	vld.idx.msk [tilespmem:v46+s18+$0x0], $0xffff  }
0x4ee: {  	v6 =	vld.idx.msk [tilespmem:v6+s18+$0x0], $0xffff  }
0x4ef: {  	v50 =	vld.idx.msk [tilespmem:v48+s18+$0x0], $0xffff;
	_ =	sdelay $0x1  }
0x4f0: {  	v7 =	vmul.f32 $5.000000000e-01, v7  }
0x4f1: {  	v8 =	vmul.f32 $5.000000000e-01, v49  }
0x4f2: {  	v51 =	vsub.f32 v6, v7  }
0x4f3: {  	v52 =	vsub.f32 v50, v8  }
0x4f4: {  	v6 =	vadd.f32 v7, v6;
	v10 =	vmul.f32 s29, v51  }
0x4f5: {  	v8 =	vadd.f32 v8, v50;
	v7 =	vmul.f32 s28, v52  }
0x4f6: {  	v6 =	vmul.f32 s29, v6;
	[tilespmem:v57+s23+$0x0] =	vst.idx.msk $0xffff, v10  }
0x4f7: {  	[tilespmem:v58+s23+$0x0] =	vst.idx.msk $0xffff, v7;
	v7 =	vmul.f32 s28, v8  }
0x4f8: {  	[tilespmem:v59+s23+$0x0] =	vst.idx.msk $0xffff, v6  }
0x4f9: {  	[tilespmem:v60+s23+$0x0] =	vst.idx.msk $0xffff, v7  }
0x4fa: {  	v6 =	vld [tilespmem:$0x1C6E0];
	_ =	sdelay $0x4  }
0x4fb: {  	v6 =	vsub.f32 $0.0e+00, v6;
	_ =	sdelay $0x1  }
0x4fc: {  	v6 =	vmul.f32 $1.442695020e+00, v6;
	_ =	sdelay $0x1  }
0x4fd: {  	(erf) = vpow2.f32 v6;
	_ =	sdelay $0x7  }
0x4fe: {  	v7 =	vld [tilespmem:$0x1C760]  }
0x4ff: {  	v6 =	vpop (erf)  }
0x500: {  	v6 =	vadd.f32 $1.000000000e+00, v6;
	_ =	sdelay $0x1  }
0x501: {  	(erf) = vrcp.f32 v6  }
0x502: {  	v6 =	vshra.s32 v7, $0x7  }
0x503: {  	vm1 =	vgt.s32 v6, $0x0  }
0x504: {  	v6 =	vnsel vm1, $0x0, v6  }
0x505: {  	v6 =	vmin.u32 v6, $0x383  }
0x506: {  	v6 =	vshll.u32 v6, $0x2  }
0x507: {  	v53 =	vor.u32 $0x2, v6  }
0x508: {  	v54 =	vor.u32 $0x3, v6  }
0x509: {  	v7 =	vand.u32 $0x7F, v7  }
0x50a: {  	[tilespmem:$0x1CBE0] =	vst v7;
	v56 =	vor.u32 $0x1, v6;
	v55 =	vpop (erf)  }
0x50b: {  	[tilespmem:$0x1C7E0] =	vst v55  }
0x50c: {  	v7 =	vld.idx.msk [tilespmem:v53+s18+$0x0], $0xffff  }
0x50d: {  	v57 =	vld.idx.msk [tilespmem:v54+s18+$0x0], $0xffff  }
0x50e: {  	v6 =	vld.idx.msk [tilespmem:v6+s18+$0x0], $0xffff  }
0x50f: {  	v58 =	vld.idx.msk [tilespmem:v56+s18+$0x0], $0xffff;
	_ =	sdelay $0x1  }
0x510: {  	v7 =	vmul.f32 $5.000000000e-01, v7  }
0x511: {  	v8 =	vmul.f32 $5.000000000e-01, v57  }
0x512: {  	v59 =	vsub.f32 v6, v7  }
0x513: {  	v60 =	vsub.f32 v58, v8  }
0x514: {  	v6 =	vadd.f32 v7, v6;
	v10 =	vmul.f32 s29, v59  }
0x515: {  	v8 =	vadd.f32 v8, v58;
	v7 =	vmul.f32 s28, v60  }
0x516: {  	v6 =	vmul.f32 s29, v6;
	[tilespmem:v61+s23+$0x0] =	vst.idx.msk $0xffff, v10  }
0x517: {  	[tilespmem:v62+s23+$0x0] =	vst.idx.msk $0xffff, v7;
	v7 =	vmul.f32 s28, v8  }
0x518: {  	[tilespmem:v63+s23+$0x0] =	vst.idx.msk $0xffff, v6  }
0x519: {  	s30 =	simm.s32 $0x1C780;
	s29 =	rddreg [dreg:$0xa];
	[tilespmem:v5+s23+$0x0] =	vst.idx.msk $0xffff, v7  }
0x51a: {  	[hbm4b:s29+s3] =	stream.linear.scatter [tilespmem:s30], [sflag:$0x1], $0x400, $0x38;
	[tilespmem:$0x1E400] =	vst v63  }
0x51b: {  	_ =	swait.ge [sflag:s17], $0x400  }
0x51c: {  	[sflag:s17] =	ssyncset.done $0x0  }
0x51d: {  	s31 =	simm.s32 $0x1CB80;
	[sflag:s17] =	ssyncadd.s32 $0xFFFFFC00  }
0x51e: {  	[hbm4b:s13+s3] =	stream.linear.scatter [tilespmem:s31], [sflag:$0x1], $0x400, $0x38;
	[tilespmem:$0x1E400] =	vst v63  }
0x51f: {  	s26 =	sadd.s32 $0x1, s26;
	_ =	swait.ge [sflag:s17], $0x400  }
0x520: {  	p0 =	sne.s32 s26, s15;
	[sflag:s17] =	ssyncset.done $0x0  }
.Ltmp4:
0x521: {  	[sflag:s17] =	ssyncadd.s32 $0xFFFFFC00;
	(pc) =	sbr.rel @p0 .LBB2_1-.Ltmp4, $4  }
0x522: {  	[hbm4b:s14+s3] =	stream.linear.scatter [tilespmem:s23], [sflag:$0x1], $0x400, $0x38;
	[tilespmem:$0x1E400] =	vst v63  }
0x523: {  	_ =	swait.ge [sflag:s17], $0x400  }
0x524: {  	[sflag:s17] =	ssyncset.done $0x0  }
0x525: {  	v12 =	vimm.s32 $0x0;
	[sflag:s17] =	ssyncadd.s32 $0xFFFFFC00  }
0x526: {  	_ =	sfence.sel $0x180000  }
0x527: {  	[bflag:$0x0] =	sbarrier.arrive $0xFFFF  }
0x528: {  	_ =	strace $0x90000047  }
0x529: {  	s0 =	stileid.u32;
	[bflag:$0x2] =	sbarrier.arrive $0xFFFF  }
0x52a: {  	p0 =	sne.s32 s0, $0x0;
	s0 =	rddreg [dreg:$0x2]  }
0x52b: {  	s0 =	sadd.s32 @!p0 $0x100000, s0  }
0x52c: {  	[sflag:s0] =	ssyncadd.tile.s32 @!p0 $0x1;
	_ =	shalt  }
.Lfunc_end2:
_tile_overlayer_lowered:
.L_overlay_start_2:
0x52d: {  	(tag) =	ssettag $0x2  }
0x52e: {  	s0 =	rddreg [dreg:$0x0];
	s2 =	stileid.u32  }
0x52f: {  	s1 =	rddreg [dreg:$0x1];
	p0 =	sne.s32 s2, $0x0  }
0x530: {  	s3 =	rddreg [dreg:$0x2];
	[bflag:$0x3] =	sbarrier.arrive $0xFFFF;
	s2 =	simm.s32 @!p0 $0x1C01  }
0x531: {  	[timem:s3], [sflag:s2] =	dma.local @!p0 [hbm:s0], s1  }
0x532: {  	s0 =	simm.s32 @!p0 $0x1  }
0x533: {  	_ =	swait.ge @!p0 [sflag:s0], s1  }
0x534: {  	s1 =	ssub.s32 @!p0 $0x0, s1;
	[sflag:s0] =	ssyncset.done @!p0 $0x0  }
0x535: {  	[sflag:s0] =	ssyncadd.s32 @!p0 s1  }
0x536: {  	[bflag:$0x3] =	sbarrier.arrive $0xFFFF  }
0x537: {  	_ =	shalt  }

</sc_bundles>
